<compile_context>
chip_gen: v7x
topology: tpu7x:2x2x1
jax: 0.10.2.dev20260603
libtpu: 0.0.44.dev20260713+nightly
codegen_flags: <defaults>
</compile_context>

<pallas_src>
import functools

import jax
import jax.numpy as jnp
from jax import lax
from jax.experimental import pallas as pl
from jax.experimental.pallas import tpu as pltpu
from jax.experimental.pallas import tpu_sc as plsc

AN = 5
D_MODEL = 64
NHEAD = 8
DPH = D_MODEL // NHEAD
DFF = 256
N = 10000
NB = 16
DA = D_MODEL * AN
DP = 384

CHUNKS = (3200, 3200, 3600)

NWORK = 32
WIN = 40

BA = 1000
BC = 400

_MASK_HI = -65536


def _to_bf16_bits(x):
    b = jax.lax.bitcast_convert_type(x, jnp.int32)
    return ((b + 0x7FFF + ((b >> 16) & 1)) >> 16) & 0xFFFF


def _proj_body(tgt_ref, wk_ref, wq_ref, kv_ref):
    t = tgt_ref[...]
    kf = jnp.dot(t, wk_ref[...], preferred_element_type=jnp.float32)
    vf = jnp.dot(t, wq_ref[...], preferred_element_type=jnp.float32)
    kv_ref[...] = (_to_bf16_bits(vf) << 16) | _to_bf16_bits(kf)


def _project(tgt, wkp, wqp):
    grid = (N // BA,)
    return pl.pallas_call(
        _proj_body,
        grid=grid,
        in_specs=[
            pl.BlockSpec((BA, DA), lambda i: (i, 0)),
            pl.BlockSpec((DA, DP), lambda i: (0, 0)),
            pl.BlockSpec((DA, DP), lambda i: (0, 0)),
        ],
        out_specs=pl.BlockSpec((BA, DP), lambda i: (i, 0)),
        out_shape=jax.ShapeDtypeStruct((N, DP), jnp.int32),
    )(tgt, wkp, wqp)


def _gather(kv, idx_t, pair0, nc):
    mesh = plsc.VectorSubcoreMesh(core_axis_name="c", subcore_axis_name="s")
    pairs_c = nc * NB
    per_w = pairs_c // NWORK
    nwin = -(-per_w // WIN)
    last_off = per_w - WIN

    @functools.partial(
        pl.kernel,
        out_type=jax.ShapeDtypeStruct((pairs_c, DP), jnp.int32),
        mesh=mesh,
        scratch_types=[
            pltpu.VMEM((per_w,), jnp.int32),
            pltpu.VMEM((WIN, DP), jnp.int32),
            pltpu.VMEM((WIN, DP), jnp.int32),
            pltpu.SemaphoreType.DMA,
            pltpu.SemaphoreType.DMA,
            pltpu.SemaphoreType.DMA,
            pltpu.SemaphoreType.DMA,
        ],
    )
    def k(kv_hbm, idx_hbm, g_hbm, idx_v, b0, b1, sg0, sg1, sw0, sw1):
        wid = lax.axis_index("s") * 2 + lax.axis_index("c")
        base = pl.multiple_of(wid * per_w, 8)
        pltpu.sync_copy(idx_hbm.at[pl.ds(pair0 + base, per_w)], idx_v)

        bufs = (b0, b1)
        gsem = (sg0, sg1)
        wsem = (sw0, sw1)

        def wait_gather(par):
            pltpu.make_async_copy(
                kv_hbm.at[pl.ds(0, WIN)], bufs[par], gsem[par]).wait()

        def wait_write(par):
            pltpu.make_async_copy(
                bufs[par], g_hbm.at[pl.ds(0, WIN)], wsem[par]).wait()

        pltpu.async_copy(kv_hbm.at[idx_v.at[pl.ds(0, WIN)]], b0, sg0)

        @pl.loop(0, nwin)
        def _(w):
            for par in (0, 1):
                oth = 1 - par

                @pl.when(lax.rem(w, 2) == par)
                def _(par=par, oth=oth):
                    @pl.when(w >= 1)
                    def _():
                        wait_write(oth)

                    @pl.when(w + 1 < nwin)
                    def _():
                        off_n = pl.multiple_of(
                            jnp.minimum(w * WIN + WIN, last_off), 8)
                        pltpu.async_copy(
                            kv_hbm.at[idx_v.at[pl.ds(off_n, WIN)]],
                            bufs[oth], gsem[oth])

                    wait_gather(par)
                    off = pl.multiple_of(jnp.minimum(w * WIN, last_off), 8)
                    pltpu.async_copy(
                        bufs[par], g_hbm.at[pl.ds(base + off, WIN)],
                        wsem[par])

        wait_write((nwin - 1) % 2)

    return k(kv, idx_t)


def _attn_body(tgt_ref, own_ref, g_ref, dist_ref, p_ref, h8_ref,
               h8t_ref, wo_ref, ma_ref, mb5_ref, w1_ref, b1_ref, w2_ref,
               b2_ref, g1_ref, be1_ref, g2p_ref, be2d_ref, out_ref):
    scale = 1.0 / (DPH ** 0.5)
    qv = jax.lax.bitcast_convert_type(own_ref[...] & _MASK_HI, jnp.float32)
    h8 = h8_ref[...]
    gs = [g_ref[n] for n in range(NB)]
    logits = []
    for n in range(NB):
        kf = jax.lax.bitcast_convert_type(gs[n] << 16, jnp.float32)
        dn = jnp.dot(qv * kf, h8, preferred_element_type=jnp.float32)
        logits.append((dn + dist_ref[n]) * scale)
    m = logits[0]
    for n in range(1, NB):
        m = jnp.maximum(m, logits[n])
    es = [jnp.exp(l - m) for l in logits]
    s = es[0]
    for n in range(1, NB):
        s = s + es[n]
    inv = 1.0 / s
    h8t = h8t_ref[...]
    acc = jnp.zeros((BC, DP), jnp.float32)
    for n in range(NB):
        w = es[n] * inv
        vf = jax.lax.bitcast_convert_type(gs[n] & _MASK_HI, jnp.float32)
        acc = acc + (jnp.dot(w, h8t, preferred_element_type=jnp.float32)
                     * vf)

    tp = jnp.dot(tgt_ref[...], p_ref[...], preferred_element_type=jnp.float32)
    x = tp + jnp.dot(acc, wo_ref[...], preferred_element_type=jnp.float32)
    mm5 = ma_ref[...]
    mb5 = mb5_ref[...]
    mb = jnp.dot(jnp.dot(x, mm5, preferred_element_type=jnp.float32), mb5,
                 preferred_element_type=jnp.float32)
    xc = x - mb
    vb = jnp.dot(jnp.dot(xc * xc, mm5, preferred_element_type=jnp.float32),
                 mb5, preferred_element_type=jnp.float32)
    xn = xc * lax.rsqrt(vb + 1e-5) * g1_ref[...] + be1_ref[...]
    h = jnp.maximum(
        jnp.dot(xn.astype(jnp.bfloat16), w1_ref[...],
                preferred_element_type=jnp.float32)
        + b1_ref[...], 0.0)
    x2 = xn + (jnp.dot(h.astype(jnp.bfloat16), w2_ref[...],
                       preferred_element_type=jnp.float32)
               + b2_ref[...])
    mb2 = jnp.dot(jnp.dot(x2, mm5, preferred_element_type=jnp.float32), mb5,
                  preferred_element_type=jnp.float32)
    xc2 = x2 - mb2
    vb2 = jnp.dot(jnp.dot(xc2 * xc2, mm5, preferred_element_type=jnp.float32),
                  mb5, preferred_element_type=jnp.float32)
    out_ref[...] = (jnp.dot(xc2 * lax.rsqrt(vb2 + 1e-5), g2p_ref[...],
                            preferred_element_type=jnp.float32)
                    + be2d_ref[...])


def _attn_tail(n0, nc, tgt, kvp, g3, dist_t, p_mat, h8, h8t, wo, mm5, mb5,
               w1k, b1k, w2k, b2k, g1t, be1t, g2p, be2d):
    grid = (nc // BC,)
    blk0 = n0 // BC
    full = lambda r, c: pl.BlockSpec((r, c), lambda i: (0, 0))
    return pl.pallas_call(
        _attn_body,
        grid=grid,
        in_specs=[
            pl.BlockSpec((BC, DA), lambda i: (blk0 + i, 0)),
            pl.BlockSpec((BC, DP), lambda i: (blk0 + i, 0)),
            pl.BlockSpec((NB, BC, DP), lambda i: (0, i, 0)),
            pl.BlockSpec((NB, BC, NHEAD),
                         lambda i: (0, blk0 + i, 0)),
            full(DA, DA),
            full(DP, NHEAD),
            full(NHEAD, DP),
            full(DP, DA),
            full(DA, AN),
            full(AN, DA),
            full(DA, AN * DFF),
            full(1, AN * DFF),
            full(AN * DFF, DA),
            full(1, DA),
            full(1, DA),
            full(1, DA),
            full(DA, DA),
            full(1, DA),
        ],
        out_specs=pl.BlockSpec((BC, DA), lambda i: (i, 0)),
        out_shape=jax.ShapeDtypeStruct((nc, DA), jnp.float32),
    )(tgt, kvp, g3, dist_t, p_mat, h8, h8t, wo, mm5, mb5, w1k, b1k, w2k,
      b2k, g1t, be1t, g2p, be2d)


def kernel(tgt, index_pair, cnt, sh, dist_atten, Wq, Wk, Wout, W1, b1, W2,
           b2, g1, be1, g2, be2):
    del cnt, sh
    f32 = jnp.float32
    eye5 = jnp.eye(AN, dtype=f32)

    def expand_in(w):
        m = w.T[:, None, None, :] * eye5[None, :, :, None]
        return m.reshape(DA, DA)

    pad = jnp.zeros((DA, DP - DA), f32)
    wkp = jnp.concatenate([expand_in(Wk), pad], axis=1)
    wqp = jnp.concatenate([expand_in(Wq), pad], axis=1)
    p_mat = expand_in(jnp.eye(D_MODEL, dtype=f32))
    wo = jnp.kron(eye5, Wout.T)
    wo384 = jnp.concatenate([wo, jnp.zeros((DP - DA, DA), f32)], axis=0)
    mm5 = jnp.kron(eye5, jnp.full((D_MODEL, 1), 1.0 / D_MODEL, f32))
    mb5 = jnp.kron(eye5, jnp.ones((1, D_MODEL), f32))
    w1k = jnp.kron(eye5, W1.T).astype(jnp.bfloat16)
    w2k = jnp.kron(eye5, W2.T).astype(jnp.bfloat16)
    b1k = jnp.tile(b1, AN)[None, :]
    b2k = jnp.tile(b2, AN)[None, :]
    g1t = jnp.tile(g1, AN)[None, :]
    be1t = jnp.tile(be1, AN)[None, :]
    g2t = jnp.tile(g2, AN)
    be2t = jnp.tile(be2, AN)
    dmaj = jnp.tile(jnp.arange(D_MODEL), AN)
    h8 = (dmaj[:, None] // DPH == jnp.arange(NHEAD)[None, :]).astype(f32)
    h8pad = jnp.concatenate([h8, jnp.zeros((DP - DA, NHEAD), f32)], axis=0)
    h8t = jnp.concatenate([h8.T, jnp.zeros((NHEAD, DP - DA), f32)], axis=1)
    g2p = g2t[:, None] * p_mat.T
    be2d = be2t[None, :] @ p_mat.T

    kvp = _project(tgt, wkp, wqp)
    idx32 = index_pair.astype(jnp.int32)
    idx_parts = []
    n0 = 0
    for nc in CHUNKS:
        idx_parts.append(
            jnp.transpose(idx32[n0:n0 + nc]).reshape(-1))
        n0 += nc
    idx_full = jnp.concatenate(idx_parts)
    dist_t = jnp.transpose(dist_atten, (1, 0, 2))
    outs = []
    n0 = 0
    for nc in CHUNKS:
        g3 = _gather(kvp, idx_full, n0 * NB, nc).reshape(NB, nc, DP)
        outs.append(_attn_tail(n0, nc, tgt, kvp, g3, dist_t, p_mat, h8pad,
                               h8t, wo384, mm5, mb5, w1k, b1k, w2k, b2k,
                               g1t, be1t, g2p, be2d))
        n0 += nc
    return jnp.concatenate(outs, axis=0)

# --- scband reference (transcript-rebuilt; emitter-appended) ---
"""Pipeline reference for scband-transformer-encoder-layer-equi-an-21603685499585 (READ-ONLY COPY).

The authoritative reference and input builder live on the scoring server;
editing this copy changes nothing except your own understanding.
"""

import jax, jax.numpy as jnp
import numpy as np

AN = 5
D_MODEL = 64
NHEAD = 8
DFF = 256
N = 10000
NB = 16


def _layernorm(x, g, b):
    m = jnp.mean(x, axis=-1, keepdims=True)
    v = jnp.var(x, axis=-1, keepdims=True)
    return (x - m) / jnp.sqrt(v + 1e-5) * g + b


def setup_inputs(seed: int = 0) -> dict:
    key = jax.random.key(seed)
    ks = jax.random.split(key, 16)
    s = 1.0 / np.sqrt(D_MODEL)
    sff = 1.0 / np.sqrt(DFF)
    return {
        "tgt": jax.random.normal(ks[0], (N, D_MODEL * AN), dtype=jnp.float32),
        "index_pair": jax.random.randint(ks[1], (N, NB), 0, N),
        "cnt": N,
        "sh": jax.random.normal(ks[2], (N, 3), dtype=jnp.float32),
        "dist_atten": jax.random.normal(ks[3], (N, NB, NHEAD), dtype=jnp.float32),
        "Wq": jax.random.uniform(ks[4], (D_MODEL, D_MODEL), minval=-s, maxval=s, dtype=jnp.float32),
        "Wk": jax.random.uniform(ks[5], (D_MODEL, D_MODEL), minval=-s, maxval=s, dtype=jnp.float32),
        "Wout": jax.random.uniform(ks[6], (D_MODEL, D_MODEL), minval=-s, maxval=s, dtype=jnp.float32),
        "W1": jax.random.uniform(ks[7], (DFF, D_MODEL), minval=-s, maxval=s, dtype=jnp.float32),
        "b1": jax.random.uniform(ks[8], (DFF,), minval=-s, maxval=s, dtype=jnp.float32),
        "W2": jax.random.uniform(ks[9], (D_MODEL, DFF), minval=-sff, maxval=sff, dtype=jnp.float32),
        "b2": jax.random.uniform(ks[10], (D_MODEL,), minval=-sff, maxval=sff, dtype=jnp.float32),
        "g1": jnp.ones((D_MODEL,), dtype=jnp.float32),
        "be1": jnp.zeros((D_MODEL,), dtype=jnp.float32),
        "g2": jnp.ones((D_MODEL,), dtype=jnp.float32),
        "be2": jnp.zeros((D_MODEL,), dtype=jnp.float32),
    }


def reference(tgt, index_pair, cnt, sh, dist_atten, Wq, Wk, Wout, W1, b1, W2, b2, g1, be1, g2, be2):
    an = AN
    d_model = D_MODEL
    nhead = NHEAD
    dph = d_model // nhead
    nb = index_pair.shape[1]
    t3 = tgt.reshape(-1, d_model, an)  # [N, d, an]
    tp = jnp.transpose(t3, (0, 2, 1))  # [N, an, d]
    query = jnp.transpose(tp @ Wq.T, (0, 2, 1))  # [N, d, an]
    key_ = jnp.transpose(tp @ Wk.T, (0, 2, 1))
    # NOTE: original module (faithfully) uses to_q for the value projection
    value = jnp.transpose(tp @ Wq.T, (0, 2, 1))
    # sa_attention_mapper_v3: gather neighbor features by index_pair
    key_g = key_.reshape(-1, d_model * an)[index_pair].reshape(-1, nb, d_model, an)
    val_g = value.reshape(-1, d_model * an)[index_pair].reshape(-1, nb, d_model, an)
    q4 = query.reshape(-1, nhead, dph, an)
    k5 = key_g.reshape(-1, nb, nhead, dph, an)
    dot = jnp.einsum('phdi,pnhdi->pnh', q4, k5)
    atten = (dot + dist_atten) / (dph ** 0.5)
    atten = jax.nn.softmax(atten, axis=1)
    v5 = val_g.reshape(-1, nb, nhead, dph, an)
    tgt2 = jnp.einsum('pnh,pnhci->phci', atten, v5).reshape(-1, d_model, an)
    tgt2 = jnp.transpose(jnp.transpose(tgt2, (0, 2, 1)) @ Wout.T, (0, 2, 1))
    x = t3 + tgt2  # [N, d, an]
    x = jnp.transpose(x, (0, 2, 1))  # [N, an, d]
    x = _layernorm(x, g1, be1)
    ff = jax.nn.relu(x @ W1.T + b1) @ W2.T + b2
    x = x + ff
    x = _layernorm(x, g2, be2)
    x = jnp.transpose(x, (0, 2, 1)).reshape(x.shape[0], -1)
    return x

if __name__ == "__main__":
    import jax
    _d = setup_inputs()
    print(jax.jit(kernel)(*tuple(_d.values())))

</pallas_src>

<mosaic_0001>
#map = affine_map<(d0, d1) -> (0, 0)>
#map1 = affine_map<(d0, d1) -> (0)>
module attributes {stable_mosaic.version = 14 : i64} {
  func.func @k(%arg0: i32, %arg1: i32, %arg2: memref<10000x384xi32, #tpu.memory_space<hbm>>, %arg3: memref<160000xi32, #tpu.memory_space<hbm>>, %arg4: memref<57600x384xi32, #tpu.memory_space<hbm>>, %arg5: memref<1800xi32, #tpu.memory_space<vmem>>, %arg6: memref<40x384xi32, #tpu.memory_space<vmem>>, %arg7: memref<40x384xi32, #tpu.memory_space<vmem>>, %arg8: memref<!tpu.dma_semaphore, #tpu.memory_space<semaphore_mem>>, %arg9: memref<!tpu.dma_semaphore, #tpu.memory_space<semaphore_mem>>, %arg10: memref<!tpu.dma_semaphore, #tpu.memory_space<semaphore_mem>>, %arg11: memref<!tpu.dma_semaphore, #tpu.memory_space<semaphore_mem>>) attributes {dimension_semantics = [#tpu.dimension_semantics<core_parallel>, #tpu.dimension_semantics<subcore_parallel>], iteration_bounds = array<i64: 2, 16>, scalar_prefetch = 0 : i64, scratch_operands = 7 : i64, tpu.core_type = #tpu.core_type<sc_vector_subcore>, window_params = [{transform_indices = #map}, {transform_indices = #map1}, {transform_indices = #map}]} {
    %mul3A = arith.constant 2 : i32
    %mul3A_0 = arith.muli %arg1, %mul3A : i32
    %add3A = arith.addi %mul3A_0, %arg0 : i32
    %mul3A_1 = arith.constant 1800 : i32
    %mul3A_2 = arith.muli %add3A, %mul3A_1 : i32
    %multiple_of3A = tpu.assume_multiple %mul3A_2, 8 : i32
    %add3A_3 = arith.constant 102400 : i32
    %add3A_4 = arith.addi %add3A_3, %multiple_of3A : i32
    "tpu.region"() ({
      %run_scoped3A = tpu.sem_alloc : memref<!tpu.dma_semaphore, #tpu.memory_space<semaphore_mem>>
      %dma_start3A_18 = tpu.memref_slice %arg3[%add3A_4] : memref<160000xi32, #tpu.memory_space<hbm>> -> memref<1800xi32, #tpu.memory_space<hbm>>
      %dma_start3A_19 = tpu.memref_slice %arg3[%add3A_4] : memref<160000xi32, #tpu.memory_space<hbm>> -> memref<1800xi32, #tpu.memory_space<hbm>>
      tpu.enqueue_dma source(%dma_start3A_19 : memref<1800xi32, #tpu.memory_space<hbm>>) target(%arg5 : memref<1800xi32, #tpu.memory_space<vmem>>) target_semaphore(%run_scoped3A : memref<!tpu.dma_semaphore, #tpu.memory_space<semaphore_mem>>)
      %dma_wait3A_20 = tpu.memref_slice %arg3[%add3A_4] : memref<160000xi32, #tpu.memory_space<hbm>> -> memref<1800xi32, #tpu.memory_space<hbm>>
      %dma_wait3A_21 = tpu.memref_slice %arg3[%add3A_4] : memref<160000xi32, #tpu.memory_space<hbm>> -> memref<1800xi32, #tpu.memory_space<hbm>>
      tpu.wait_dma2 semaphore(%run_scoped3A : memref<!tpu.dma_semaphore, #tpu.memory_space<semaphore_mem>>) src(%dma_wait3A_21 : memref<1800xi32, #tpu.memory_space<hbm>>) dst(%arg5 : memref<1800xi32, #tpu.memory_space<vmem>>)
      tpu.yield
    }) : () -> ()
    %dma_start3A = arith.constant 0 : i32
    %dma_start3A_5 = tpu.memref_slice %arg5[%dma_start3A] : memref<1800xi32, #tpu.memory_space<vmem>> -> memref<40xi32, #tpu.memory_space<vmem>>
    %dma_start3A_6 = arith.constant 0 : i32
    %dma_start3A_7 = arith.constant 0 : i32
    %dma_start3A_8 = tpu.memref_slice %arg2[%dma_start3A_6, %dma_start3A_7] : memref<10000x384xi32, #tpu.memory_space<hbm>> -> memref<10000x384xi32, #tpu.memory_space<hbm>>
    tpu.enqueue_indirect_dma source(%dma_start3A_8 : memref<10000x384xi32, #tpu.memory_space<hbm>>) target(%arg6 : memref<40x384xi32, #tpu.memory_space<vmem>>) offsets(%dma_start3A_5 : memref<40xi32, #tpu.memory_space<vmem>>) semaphore(%arg8 : memref<!tpu.dma_semaphore, #tpu.memory_space<semaphore_mem>>)
    %scan3A = arith.constant 0 : i32
    %scan3A_9 = arith.constant 45 : i32
    %scan3A_10 = arith.addi %scan3A, %scan3A_9 : i32
    %scan3A_11 = arith.constant 1 : i32
    scf.for %scan3A_18 = %scan3A to %scan3A_10 step %scan3A_11  : i32 {
      %mul3A_19 = arith.constant 1 : i32
      %mul3A_20 = arith.muli %scan3A_18, %mul3A_19 : i32
      %add3A_21 = arith.constant 0 : i32
      %add3A_22 = arith.addi %add3A_21, %mul3A_20 : i32
      %rem3A = arith.constant 2 : i32
      %rem3A_23 = arith.remsi %add3A_22, %rem3A : i32
      %eq3A = arith.constant 0 : i32
      %eq3A_24 = arith.cmpi eq, %rem3A_23, %eq3A : i32
      %convert_element_type3A = arith.extui %eq3A_24 : i1 to i32
      %cond3A = arith.constant 0 : i32
      %cond3A_25 = arith.cmpi ne, %convert_element_type3A, %cond3A : i32
      scf.if %cond3A_25 {
        %ge3A = arith.constant 1 : i32
        %ge3A_33 = arith.cmpi sge, %add3A_22, %ge3A : i32
        %convert_element_type3A_34 = arith.extui %ge3A_33 : i1 to i32
        %cond3A_35 = arith.constant 0 : i32
        %cond3A_36 = arith.cmpi ne, %convert_element_type3A_34, %cond3A_35 : i32
        scf.if %cond3A_36 {
          %dma_wait3A_58 = arith.constant 0 : i32
          %dma_wait3A_59 = arith.constant 0 : i32
          %dma_wait3A_60 = tpu.memref_slice %arg4[%dma_wait3A_58, %dma_wait3A_59] : memref<57600x384xi32, #tpu.memory_space<hbm>> -> memref<40x384xi32, #tpu.memory_space<hbm>>
          %dma_wait3A_61 = arith.constant 0 : i32
          %dma_wait3A_62 = arith.constant 0 : i32
          %dma_wait3A_63 = tpu.memref_slice %arg4[%dma_wait3A_61, %dma_wait3A_62] : memref<57600x384xi32, #tpu.memory_space<hbm>> -> memref<40x384xi32, #tpu.memory_space<hbm>>
          tpu.wait_dma2 semaphore(%arg11 : memref<!tpu.dma_semaphore, #tpu.memory_space<semaphore_mem>>) src(%arg7 : memref<40x384xi32, #tpu.memory_space<vmem>>) dst(%dma_wait3A_63 : memref<40x384xi32, #tpu.memory_space<hbm>>)
        } else {
        }
        %add3A_37 = arith.constant 1 : i32
        %add3A_38 = arith.addi %add3A_22, %add3A_37 : i32
        %lt3A = arith.constant 45 : i32
        %lt3A_39 = arith.cmpi slt, %add3A_38, %lt3A : i32
        %convert_element_type3A_40 = arith.extui %lt3A_39 : i1 to i32
        %cond3A_41 = arith.constant 0 : i32
        %cond3A_42 = arith.cmpi ne, %convert_element_type3A_40, %cond3A_41 : i32
        scf.if %cond3A_42 {
          %mul3A_58 = arith.constant 40 : i32
          %mul3A_59 = arith.muli %add3A_22, %mul3A_58 : i32
          %add3A_60 = arith.constant 40 : i32
          %add3A_61 = arith.addi %mul3A_59, %add3A_60 : i32
          %min3A_62 = arith.constant 1760 : i32
          %min3A_63 = arith.minsi %add3A_61, %min3A_62 : i32
          %multiple_of3A_64 = tpu.assume_multiple %min3A_63, 8 : i32
          %dma_start3A_65 = tpu.memref_slice %arg5[%multiple_of3A_64] : memref<1800xi32, #tpu.memory_space<vmem>> -> memref<40xi32, #tpu.memory_space<vmem>>
          %dma_start3A_66 = arith.constant 0 : i32
          %dma_start3A_67 = arith.constant 0 : i32
          %dma_start3A_68 = tpu.memref_slice %arg2[%dma_start3A_66, %dma_start3A_67] : memref<10000x384xi32, #tpu.memory_space<hbm>> -> memref<10000x384xi32, #tpu.memory_space<hbm>>
          tpu.enqueue_indirect_dma source(%dma_start3A_68 : memref<10000x384xi32, #tpu.memory_space<hbm>>) target(%arg7 : memref<40x384xi32, #tpu.memory_space<vmem>>) offsets(%dma_start3A_65 : memref<40xi32, #tpu.memory_space<vmem>>) semaphore(%arg9 : memref<!tpu.dma_semaphore, #tpu.memory_space<semaphore_mem>>)
        } else {
        }
        %dma_wait3A_43 = arith.constant 0 : i32
        %dma_wait3A_44 = arith.constant 0 : i32
        %dma_wait3A_45 = tpu.memref_slice %arg2[%dma_wait3A_43, %dma_wait3A_44] : memref<10000x384xi32, #tpu.memory_space<hbm>> -> memref<40x384xi32, #tpu.memory_space<hbm>>
        %dma_wait3A_46 = arith.constant 0 : i32
        %dma_wait3A_47 = arith.constant 0 : i32
        %dma_wait3A_48 = tpu.memref_slice %arg2[%dma_wait3A_46, %dma_wait3A_47] : memref<10000x384xi32, #tpu.memory_space<hbm>> -> memref<40x384xi32, #tpu.memory_space<hbm>>
        tpu.wait_dma2 semaphore(%arg8 : memref<!tpu.dma_semaphore, #tpu.memory_space<semaphore_mem>>) src(%dma_wait3A_48 : memref<40x384xi32, #tpu.memory_space<hbm>>) dst(%arg6 : memref<40x384xi32, #tpu.memory_space<vmem>>)
        %mul3A_49 = arith.constant 40 : i32
        %mul3A_50 = arith.muli %add3A_22, %mul3A_49 : i32
        %min3A = arith.constant 1760 : i32
        %min3A_51 = arith.minsi %mul3A_50, %min3A : i32
        %multiple_of3A_52 = tpu.assume_multiple %min3A_51, 8 : i32
        %add3A_53 = arith.addi %multiple_of3A, %multiple_of3A_52 : i32
        %dma_start3A_54 = arith.constant 0 : i32
        %dma_start3A_55 = tpu.memref_slice %arg4[%add3A_53, %dma_start3A_54] : memref<57600x384xi32, #tpu.memory_space<hbm>> -> memref<40x384xi32, #tpu.memory_space<hbm>>
        %dma_start3A_56 = arith.constant 0 : i32
        %dma_start3A_57 = tpu.memref_slice %arg4[%add3A_53, %dma_start3A_56] : memref<57600x384xi32, #tpu.memory_space<hbm>> -> memref<40x384xi32, #tpu.memory_space<hbm>>
        tpu.enqueue_dma source(%arg6 : memref<40x384xi32, #tpu.memory_space<vmem>>) target(%dma_start3A_57 : memref<40x384xi32, #tpu.memory_space<hbm>>) target_semaphore(%arg10 : memref<!tpu.dma_semaphore, #tpu.memory_space<semaphore_mem>>)
      } else {
      }
      %rem3A_26 = arith.constant 2 : i32
      %rem3A_27 = arith.remsi %add3A_22, %rem3A_26 : i32
      %eq3A_28 = arith.constant 1 : i32
      %eq3A_29 = arith.cmpi eq, %rem3A_27, %eq3A_28 : i32
      %convert_element_type3A_30 = arith.extui %eq3A_29 : i1 to i32
      %cond3A_31 = arith.constant 0 : i32
      %cond3A_32 = arith.cmpi ne, %convert_element_type3A_30, %cond3A_31 : i32
      scf.if %cond3A_32 {
        %ge3A = arith.constant 1 : i32
        %ge3A_33 = arith.cmpi sge, %add3A_22, %ge3A : i32
        %convert_element_type3A_34 = arith.extui %ge3A_33 : i1 to i32
        %cond3A_35 = arith.constant 0 : i32
        %cond3A_36 = arith.cmpi ne, %convert_element_type3A_34, %cond3A_35 : i32
        scf.if %cond3A_36 {
          %dma_wait3A_58 = arith.constant 0 : i32
          %dma_wait3A_59 = arith.constant 0 : i32
          %dma_wait3A_60 = tpu.memref_slice %arg4[%dma_wait3A_58, %dma_wait3A_59] : memref<57600x384xi32, #tpu.memory_space<hbm>> -> memref<40x384xi32, #tpu.memory_space<hbm>>
          %dma_wait3A_61 = arith.constant 0 : i32
          %dma_wait3A_62 = arith.constant 0 : i32
          %dma_wait3A_63 = tpu.memref_slice %arg4[%dma_wait3A_61, %dma_wait3A_62] : memref<57600x384xi32, #tpu.memory_space<hbm>> -> memref<40x384xi32, #tpu.memory_space<hbm>>
          tpu.wait_dma2 semaphore(%arg10 : memref<!tpu.dma_semaphore, #tpu.memory_space<semaphore_mem>>) src(%arg6 : memref<40x384xi32, #tpu.memory_space<vmem>>) dst(%dma_wait3A_63 : memref<40x384xi32, #tpu.memory_space<hbm>>)
        } else {
        }
        %add3A_37 = arith.constant 1 : i32
        %add3A_38 = arith.addi %add3A_22, %add3A_37 : i32
        %lt3A = arith.constant 45 : i32
        %lt3A_39 = arith.cmpi slt, %add3A_38, %lt3A : i32
        %convert_element_type3A_40 = arith.extui %lt3A_39 : i1 to i32
        %cond3A_41 = arith.constant 0 : i32
        %cond3A_42 = arith.cmpi ne, %convert_element_type3A_40, %cond3A_41 : i32
        scf.if %cond3A_42 {
          %mul3A_58 = arith.constant 40 : i32
          %mul3A_59 = arith.muli %add3A_22, %mul3A_58 : i32
          %add3A_60 = arith.constant 40 : i32
          %add3A_61 = arith.addi %mul3A_59, %add3A_60 : i32
          %min3A_62 = arith.constant 1760 : i32
          %min3A_63 = arith.minsi %add3A_61, %min3A_62 : i32
          %multiple_of3A_64 = tpu.assume_multiple %min3A_63, 8 : i32
          %dma_start3A_65 = tpu.memref_slice %arg5[%multiple_of3A_64] : memref<1800xi32, #tpu.memory_space<vmem>> -> memref<40xi32, #tpu.memory_space<vmem>>
          %dma_start3A_66 = arith.constant 0 : i32
          %dma_start3A_67 = arith.constant 0 : i32
          %dma_start3A_68 = tpu.memref_slice %arg2[%dma_start3A_66, %dma_start3A_67] : memref<10000x384xi32, #tpu.memory_space<hbm>> -> memref<10000x384xi32, #tpu.memory_space<hbm>>
          tpu.enqueue_indirect_dma source(%dma_start3A_68 : memref<10000x384xi32, #tpu.memory_space<hbm>>) target(%arg6 : memref<40x384xi32, #tpu.memory_space<vmem>>) offsets(%dma_start3A_65 : memref<40xi32, #tpu.memory_space<vmem>>) semaphore(%arg8 : memref<!tpu.dma_semaphore, #tpu.memory_space<semaphore_mem>>)
        } else {
        }
        %dma_wait3A_43 = arith.constant 0 : i32
        %dma_wait3A_44 = arith.constant 0 : i32
        %dma_wait3A_45 = tpu.memref_slice %arg2[%dma_wait3A_43, %dma_wait3A_44] : memref<10000x384xi32, #tpu.memory_space<hbm>> -> memref<40x384xi32, #tpu.memory_space<hbm>>
        %dma_wait3A_46 = arith.constant 0 : i32
        %dma_wait3A_47 = arith.constant 0 : i32
        %dma_wait3A_48 = tpu.memref_slice %arg2[%dma_wait3A_46, %dma_wait3A_47] : memref<10000x384xi32, #tpu.memory_space<hbm>> -> memref<40x384xi32, #tpu.memory_space<hbm>>
        tpu.wait_dma2 semaphore(%arg9 : memref<!tpu.dma_semaphore, #tpu.memory_space<semaphore_mem>>) src(%dma_wait3A_48 : memref<40x384xi32, #tpu.memory_space<hbm>>) dst(%arg7 : memref<40x384xi32, #tpu.memory_space<vmem>>)
        %mul3A_49 = arith.constant 40 : i32
        %mul3A_50 = arith.muli %add3A_22, %mul3A_49 : i32
        %min3A = arith.constant 1760 : i32
        %min3A_51 = arith.minsi %mul3A_50, %min3A : i32
        %multiple_of3A_52 = tpu.assume_multiple %min3A_51, 8 : i32
        %add3A_53 = arith.addi %multiple_of3A, %multiple_of3A_52 : i32
        %dma_start3A_54 = arith.constant 0 : i32
        %dma_start3A_55 = tpu.memref_slice %arg4[%add3A_53, %dma_start3A_54] : memref<57600x384xi32, #tpu.memory_space<hbm>> -> memref<40x384xi32, #tpu.memory_space<hbm>>
        %dma_start3A_56 = arith.constant 0 : i32
        %dma_start3A_57 = tpu.memref_slice %arg4[%add3A_53, %dma_start3A_56] : memref<57600x384xi32, #tpu.memory_space<hbm>> -> memref<40x384xi32, #tpu.memory_space<hbm>>
        tpu.enqueue_dma source(%arg7 : memref<40x384xi32, #tpu.memory_space<vmem>>) target(%dma_start3A_57 : memref<40x384xi32, #tpu.memory_space<hbm>>) target_semaphore(%arg11 : memref<!tpu.dma_semaphore, #tpu.memory_space<semaphore_mem>>)
      } else {
      }
    }
    %scan3A_12 = arith.constant 45 : i32
    %dma_wait3A = arith.constant 0 : i32
    %dma_wait3A_13 = arith.constant 0 : i32
    %dma_wait3A_14 = tpu.memref_slice %arg4[%dma_wait3A, %dma_wait3A_13] : memref<57600x384xi32, #tpu.memory_space<hbm>> -> memref<40x384xi32, #tpu.memory_space<hbm>>
    %dma_wait3A_15 = arith.constant 0 : i32
    %dma_wait3A_16 = arith.constant 0 : i32
    %dma_wait3A_17 = tpu.memref_slice %arg4[%dma_wait3A_15, %dma_wait3A_16] : memref<57600x384xi32, #tpu.memory_space<hbm>> -> memref<40x384xi32, #tpu.memory_space<hbm>>
    tpu.wait_dma2 semaphore(%arg10 : memref<!tpu.dma_semaphore, #tpu.memory_space<semaphore_mem>>) src(%arg6 : memref<40x384xi32, #tpu.memory_space<vmem>>) dst(%dma_wait3A_17 : memref<40x384xi32, #tpu.memory_space<hbm>>)
    return
  }
}

#map = affine_map<(d0, d1) -> (0, 0)>
#map1 = affine_map<(d0, d1) -> (0)>
module attributes {stable_mosaic.version = 14 : i64} {
  func.func @k(%arg0: i32, %arg1: i32, %arg2: memref<10000x384xi32, #tpu.memory_space<hbm>>, %arg3: memref<160000xi32, #tpu.memory_space<hbm>>, %arg4: memref<51200x384xi32, #tpu.memory_space<hbm>>, %arg5: memref<1600xi32, #tpu.memory_space<vmem>>, %arg6: memref<40x384xi32, #tpu.memory_space<vmem>>, %arg7: memref<40x384xi32, #tpu.memory_space<vmem>>, %arg8: memref<!tpu.dma_semaphore, #tpu.memory_space<semaphore_mem>>, %arg9: memref<!tpu.dma_semaphore, #tpu.memory_space<semaphore_mem>>, %arg10: memref<!tpu.dma_semaphore, #tpu.memory_space<semaphore_mem>>, %arg11: memref<!tpu.dma_semaphore, #tpu.memory_space<semaphore_mem>>) attributes {dimension_semantics = [#tpu.dimension_semantics<core_parallel>, #tpu.dimension_semantics<subcore_parallel>], iteration_bounds = array<i64: 2, 16>, scalar_prefetch = 0 : i64, scratch_operands = 7 : i64, tpu.core_type = #tpu.core_type<sc_vector_subcore>, window_params = [{transform_indices = #map}, {transform_indices = #map1}, {transform_indices = #map}]} {
    %mul3A = arith.constant 2 : i32
    %mul3A_0 = arith.muli %arg1, %mul3A : i32
    %add3A = arith.addi %mul3A_0, %arg0 : i32
    %mul3A_1 = arith.constant 1600 : i32
    %mul3A_2 = arith.muli %add3A, %mul3A_1 : i32
    %multiple_of3A = tpu.assume_multiple %mul3A_2, 8 : i32
    %add3A_3 = arith.constant 51200 : i32
    %add3A_4 = arith.addi %add3A_3, %multiple_of3A : i32
    "tpu.region"() ({
      %run_scoped3A = tpu.sem_alloc : memref<!tpu.dma_semaphore, #tpu.memory_space<semaphore_mem>>
      %dma_start3A_18 = tpu.memref_slice %arg3[%add3A_4] : memref<160000xi32, #tpu.memory_space<hbm>> -> memref<1600xi32, #tpu.memory_space<hbm>>
      %dma_start3A_19 = tpu.memref_slice %arg3[%add3A_4] : memref<160000xi32, #tpu.memory_space<hbm>> -> memref<1600xi32, #tpu.memory_space<hbm>>
      tpu.enqueue_dma source(%dma_start3A_19 : memref<1600xi32, #tpu.memory_space<hbm>>) target(%arg5 : memref<1600xi32, #tpu.memory_space<vmem>>) target_semaphore(%run_scoped3A : memref<!tpu.dma_semaphore, #tpu.memory_space<semaphore_mem>>)
      %dma_wait3A_20 = tpu.memref_slice %arg3[%add3A_4] : memref<160000xi32, #tpu.memory_space<hbm>> -> memref<1600xi32, #tpu.memory_space<hbm>>
      %dma_wait3A_21 = tpu.memref_slice %arg3[%add3A_4] : memref<160000xi32, #tpu.memory_space<hbm>> -> memref<1600xi32, #tpu.memory_space<hbm>>
      tpu.wait_dma2 semaphore(%run_scoped3A : memref<!tpu.dma_semaphore, #tpu.memory_space<semaphore_mem>>) src(%dma_wait3A_21 : memref<1600xi32, #tpu.memory_space<hbm>>) dst(%arg5 : memref<1600xi32, #tpu.memory_space<vmem>>)
      tpu.yield
    }) : () -> ()
    %dma_start3A = arith.constant 0 : i32
    %dma_start3A_5 = tpu.memref_slice %arg5[%dma_start3A] : memref<1600xi32, #tpu.memory_space<vmem>> -> memref<40xi32, #tpu.memory_space<vmem>>
    %dma_start3A_6 = arith.constant 0 : i32
    %dma_start3A_7 = arith.constant 0 : i32
    %dma_start3A_8 = tpu.memref_slice %arg2[%dma_start3A_6, %dma_start3A_7] : memref<10000x384xi32, #tpu.memory_space<hbm>> -> memref<10000x384xi32, #tpu.memory_space<hbm>>
    tpu.enqueue_indirect_dma source(%dma_start3A_8 : memref<10000x384xi32, #tpu.memory_space<hbm>>) target(%arg6 : memref<40x384xi32, #tpu.memory_space<vmem>>) offsets(%dma_start3A_5 : memref<40xi32, #tpu.memory_space<vmem>>) semaphore(%arg8 : memref<!tpu.dma_semaphore, #tpu.memory_space<semaphore_mem>>)
    %scan3A = arith.constant 0 : i32
    %scan3A_9 = arith.constant 40 : i32
    %scan3A_10 = arith.addi %scan3A, %scan3A_9 : i32
    %scan3A_11 = arith.constant 1 : i32
    scf.for %scan3A_18 = %scan3A to %scan3A_10 step %scan3A_11  : i32 {
      %mul3A_19 = arith.constant 1 : i32
      %mul3A_20 = arith.muli %scan3A_18, %mul3A_19 : i32
      %add3A_21 = arith.constant 0 : i32
      %add3A_22 = arith.addi %add3A_21, %mul3A_20 : i32
      %rem3A = arith.constant 2 : i32
      %rem3A_23 = arith.remsi %add3A_22, %rem3A : i32
      %eq3A = arith.constant 0 : i32
      %eq3A_24 = arith.cmpi eq, %rem3A_23, %eq3A : i32
      %convert_element_type3A = arith.extui %eq3A_24 : i1 to i32
      %cond3A = arith.constant 0 : i32
      %cond3A_25 = arith.cmpi ne, %convert_element_type3A, %cond3A : i32
      scf.if %cond3A_25 {
        %ge3A = arith.constant 1 : i32
        %ge3A_33 = arith.cmpi sge, %add3A_22, %ge3A : i32
        %convert_element_type3A_34 = arith.extui %ge3A_33 : i1 to i32
        %cond3A_35 = arith.constant 0 : i32
        %cond3A_36 = arith.cmpi ne, %convert_element_type3A_34, %cond3A_35 : i32
        scf.if %cond3A_36 {
          %dma_wait3A_58 = arith.constant 0 : i32
          %dma_wait3A_59 = arith.constant 0 : i32
          %dma_wait3A_60 = tpu.memref_slice %arg4[%dma_wait3A_58, %dma_wait3A_59] : memref<51200x384xi32, #tpu.memory_space<hbm>> -> memref<40x384xi32, #tpu.memory_space<hbm>>
          %dma_wait3A_61 = arith.constant 0 : i32
          %dma_wait3A_62 = arith.constant 0 : i32
          %dma_wait3A_63 = tpu.memref_slice %arg4[%dma_wait3A_61, %dma_wait3A_62] : memref<51200x384xi32, #tpu.memory_space<hbm>> -> memref<40x384xi32, #tpu.memory_space<hbm>>
          tpu.wait_dma2 semaphore(%arg11 : memref<!tpu.dma_semaphore, #tpu.memory_space<semaphore_mem>>) src(%arg7 : memref<40x384xi32, #tpu.memory_space<vmem>>) dst(%dma_wait3A_63 : memref<40x384xi32, #tpu.memory_space<hbm>>)
        } else {
        }
        %add3A_37 = arith.constant 1 : i32
        %add3A_38 = arith.addi %add3A_22, %add3A_37 : i32
        %lt3A = arith.constant 40 : i32
        %lt3A_39 = arith.cmpi slt, %add3A_38, %lt3A : i32
        %convert_element_type3A_40 = arith.extui %lt3A_39 : i1 to i32
        %cond3A_41 = arith.constant 0 : i32
        %cond3A_42 = arith.cmpi ne, %convert_element_type3A_40, %cond3A_41 : i32
        scf.if %cond3A_42 {
          %mul3A_58 = arith.constant 40 : i32
          %mul3A_59 = arith.muli %add3A_22, %mul3A_58 : i32
          %add3A_60 = arith.constant 40 : i32
          %add3A_61 = arith.addi %mul3A_59, %add3A_60 : i32
          %min3A_62 = arith.constant 1560 : i32
          %min3A_63 = arith.minsi %add3A_61, %min3A_62 : i32
          %multiple_of3A_64 = tpu.assume_multiple %min3A_63, 8 : i32
          %dma_start3A_65 = tpu.memref_slice %arg5[%multiple_of3A_64] : memref<1600xi32, #tpu.memory_space<vmem>> -> memref<40xi32, #tpu.memory_space<vmem>>
          %dma_start3A_66 = arith.constant 0 : i32
          %dma_start3A_67 = arith.constant 0 : i32
          %dma_start3A_68 = tpu.memref_slice %arg2[%dma_start3A_66, %dma_start3A_67] : memref<10000x384xi32, #tpu.memory_space<hbm>> -> memref<10000x384xi32, #tpu.memory_space<hbm>>
          tpu.enqueue_indirect_dma source(%dma_start3A_68 : memref<10000x384xi32, #tpu.memory_space<hbm>>) target(%arg7 : memref<40x384xi32, #tpu.memory_space<vmem>>) offsets(%dma_start3A_65 : memref<40xi32, #tpu.memory_space<vmem>>) semaphore(%arg9 : memref<!tpu.dma_semaphore, #tpu.memory_space<semaphore_mem>>)
        } else {
        }
        %dma_wait3A_43 = arith.constant 0 : i32
        %dma_wait3A_44 = arith.constant 0 : i32
        %dma_wait3A_45 = tpu.memref_slice %arg2[%dma_wait3A_43, %dma_wait3A_44] : memref<10000x384xi32, #tpu.memory_space<hbm>> -> memref<40x384xi32, #tpu.memory_space<hbm>>
        %dma_wait3A_46 = arith.constant 0 : i32
        %dma_wait3A_47 = arith.constant 0 : i32
        %dma_wait3A_48 = tpu.memref_slice %arg2[%dma_wait3A_46, %dma_wait3A_47] : memref<10000x384xi32, #tpu.memory_space<hbm>> -> memref<40x384xi32, #tpu.memory_space<hbm>>
        tpu.wait_dma2 semaphore(%arg8 : memref<!tpu.dma_semaphore, #tpu.memory_space<semaphore_mem>>) src(%dma_wait3A_48 : memref<40x384xi32, #tpu.memory_space<hbm>>) dst(%arg6 : memref<40x384xi32, #tpu.memory_space<vmem>>)
        %mul3A_49 = arith.constant 40 : i32
        %mul3A_50 = arith.muli %add3A_22, %mul3A_49 : i32
        %min3A = arith.constant 1560 : i32
        %min3A_51 = arith.minsi %mul3A_50, %min3A : i32
        %multiple_of3A_52 = tpu.assume_multiple %min3A_51, 8 : i32
        %add3A_53 = arith.addi %multiple_of3A, %multiple_of3A_52 : i32
        %dma_start3A_54 = arith.constant 0 : i32
        %dma_start3A_55 = tpu.memref_slice %arg4[%add3A_53, %dma_start3A_54] : memref<51200x384xi32, #tpu.memory_space<hbm>> -> memref<40x384xi32, #tpu.memory_space<hbm>>
        %dma_start3A_56 = arith.constant 0 : i32
        %dma_start3A_57 = tpu.memref_slice %arg4[%add3A_53, %dma_start3A_56] : memref<51200x384xi32, #tpu.memory_space<hbm>> -> memref<40x384xi32, #tpu.memory_space<hbm>>
        tpu.enqueue_dma source(%arg6 : memref<40x384xi32, #tpu.memory_space<vmem>>) target(%dma_start3A_57 : memref<40x384xi32, #tpu.memory_space<hbm>>) target_semaphore(%arg10 : memref<!tpu.dma_semaphore, #tpu.memory_space<semaphore_mem>>)
      } else {
      }
      %rem3A_26 = arith.constant 2 : i32
      %rem3A_27 = arith.remsi %add3A_22, %rem3A_26 : i32
      %eq3A_28 = arith.constant 1 : i32
      %eq3A_29 = arith.cmpi eq, %rem3A_27, %eq3A_28 : i32
      %convert_element_type3A_30 = arith.extui %eq3A_29 : i1 to i32
      %cond3A_31 = arith.constant 0 : i32
      %cond3A_32 = arith.cmpi ne, %convert_element_type3A_30, %cond3A_31 : i32
      scf.if %cond3A_32 {
        %ge3A = arith.constant 1 : i32
        %ge3A_33 = arith.cmpi sge, %add3A_22, %ge3A : i32
        %convert_element_type3A_34 = arith.extui %ge3A_33 : i1 to i32
        %cond3A_35 = arith.constant 0 : i32
        %cond3A_36 = arith.cmpi ne, %convert_element_type3A_34, %cond3A_35 : i32
        scf.if %cond3A_36 {
          %dma_wait3A_58 = arith.constant 0 : i32
          %dma_wait3A_59 = arith.constant 0 : i32
          %dma_wait3A_60 = tpu.memref_slice %arg4[%dma_wait3A_58, %dma_wait3A_59] : memref<51200x384xi32, #tpu.memory_space<hbm>> -> memref<40x384xi32, #tpu.memory_space<hbm>>
          %dma_wait3A_61 = arith.constant 0 : i32
          %dma_wait3A_62 = arith.constant 0 : i32
          %dma_wait3A_63 = tpu.memref_slice %arg4[%dma_wait3A_61, %dma_wait3A_62] : memref<51200x384xi32, #tpu.memory_space<hbm>> -> memref<40x384xi32, #tpu.memory_space<hbm>>
          tpu.wait_dma2 semaphore(%arg10 : memref<!tpu.dma_semaphore, #tpu.memory_space<semaphore_mem>>) src(%arg6 : memref<40x384xi32, #tpu.memory_space<vmem>>) dst(%dma_wait3A_63 : memref<40x384xi32, #tpu.memory_space<hbm>>)
        } else {
        }
        %add3A_37 = arith.constant 1 : i32
        %add3A_38 = arith.addi %add3A_22, %add3A_37 : i32
        %lt3A = arith.constant 40 : i32
        %lt3A_39 = arith.cmpi slt, %add3A_38, %lt3A : i32
        %convert_element_type3A_40 = arith.extui %lt3A_39 : i1 to i32
        %cond3A_41 = arith.constant 0 : i32
        %cond3A_42 = arith.cmpi ne, %convert_element_type3A_40, %cond3A_41 : i32
        scf.if %cond3A_42 {
          %mul3A_58 = arith.constant 40 : i32
          %mul3A_59 = arith.muli %add3A_22, %mul3A_58 : i32
          %add3A_60 = arith.constant 40 : i32
          %add3A_61 = arith.addi %mul3A_59, %add3A_60 : i32
          %min3A_62 = arith.constant 1560 : i32
          %min3A_63 = arith.minsi %add3A_61, %min3A_62 : i32
          %multiple_of3A_64 = tpu.assume_multiple %min3A_63, 8 : i32
          %dma_start3A_65 = tpu.memref_slice %arg5[%multiple_of3A_64] : memref<1600xi32, #tpu.memory_space<vmem>> -> memref<40xi32, #tpu.memory_space<vmem>>
          %dma_start3A_66 = arith.constant 0 : i32
          %dma_start3A_67 = arith.constant 0 : i32
          %dma_start3A_68 = tpu.memref_slice %arg2[%dma_start3A_66, %dma_start3A_67] : memref<10000x384xi32, #tpu.memory_space<hbm>> -> memref<10000x384xi32, #tpu.memory_space<hbm>>
          tpu.enqueue_indirect_dma source(%dma_start3A_68 : memref<10000x384xi32, #tpu.memory_space<hbm>>) target(%arg6 : memref<40x384xi32, #tpu.memory_space<vmem>>) offsets(%dma_start3A_65 : memref<40xi32, #tpu.memory_space<vmem>>) semaphore(%arg8 : memref<!tpu.dma_semaphore, #tpu.memory_space<semaphore_mem>>)
        } else {
        }
        %dma_wait3A_43 = arith.constant 0 : i32
        %dma_wait3A_44 = arith.constant 0 : i32
        %dma_wait3A_45 = tpu.memref_slice %arg2[%dma_wait3A_43, %dma_wait3A_44] : memref<10000x384xi32, #tpu.memory_space<hbm>> -> memref<40x384xi32, #tpu.memory_space<hbm>>
        %dma_wait3A_46 = arith.constant 0 : i32
        %dma_wait3A_47 = arith.constant 0 : i32
        %dma_wait3A_48 = tpu.memref_slice %arg2[%dma_wait3A_46, %dma_wait3A_47] : memref<10000x384xi32, #tpu.memory_space<hbm>> -> memref<40x384xi32, #tpu.memory_space<hbm>>
        tpu.wait_dma2 semaphore(%arg9 : memref<!tpu.dma_semaphore, #tpu.memory_space<semaphore_mem>>) src(%dma_wait3A_48 : memref<40x384xi32, #tpu.memory_space<hbm>>) dst(%arg7 : memref<40x384xi32, #tpu.memory_space<vmem>>)
        %mul3A_49 = arith.constant 40 : i32
        %mul3A_50 = arith.muli %add3A_22, %mul3A_49 : i32
        %min3A = arith.constant 1560 : i32
        %min3A_51 = arith.minsi %mul3A_50, %min3A : i32
        %multiple_of3A_52 = tpu.assume_multiple %min3A_51, 8 : i32
        %add3A_53 = arith.addi %multiple_of3A, %multiple_of3A_52 : i32
        %dma_start3A_54 = arith.constant 0 : i32
        %dma_start3A_55 = tpu.memref_slice %arg4[%add3A_53, %dma_start3A_54] : memref<51200x384xi32, #tpu.memory_space<hbm>> -> memref<40x384xi32, #tpu.memory_space<hbm>>
        %dma_start3A_56 = arith.constant 0 : i32
        %dma_start3A_57 = tpu.memref_slice %arg4[%add3A_53, %dma_start3A_56] : memref<51200x384xi32, #tpu.memory_space<hbm>> -> memref<40x384xi32, #tpu.memory_space<hbm>>
        tpu.enqueue_dma source(%arg7 : memref<40x384xi32, #tpu.memory_space<vmem>>) target(%dma_start3A_57 : memref<40x384xi32, #tpu.memory_space<hbm>>) target_semaphore(%arg11 : memref<!tpu.dma_semaphore, #tpu.memory_space<semaphore_mem>>)
      } else {
      }
    }
    %scan3A_12 = arith.constant 40 : i32
    %dma_wait3A = arith.constant 0 : i32
    %dma_wait3A_13 = arith.constant 0 : i32
    %dma_wait3A_14 = tpu.memref_slice %arg4[%dma_wait3A, %dma_wait3A_13] : memref<51200x384xi32, #tpu.memory_space<hbm>> -> memref<40x384xi32, #tpu.memory_space<hbm>>
    %dma_wait3A_15 = arith.constant 0 : i32
    %dma_wait3A_16 = arith.constant 0 : i32
    %dma_wait3A_17 = tpu.memref_slice %arg4[%dma_wait3A_15, %dma_wait3A_16] : memref<51200x384xi32, #tpu.memory_space<hbm>> -> memref<40x384xi32, #tpu.memory_space<hbm>>
    tpu.wait_dma2 semaphore(%arg11 : memref<!tpu.dma_semaphore, #tpu.memory_space<semaphore_mem>>) src(%arg7 : memref<40x384xi32, #tpu.memory_space<vmem>>) dst(%dma_wait3A_17 : memref<40x384xi32, #tpu.memory_space<hbm>>)
    return
  }
}

#map = affine_map<(d0, d1) -> (0, 0)>
#map1 = affine_map<(d0, d1) -> (0)>
module attributes {stable_mosaic.version = 14 : i64} {
  func.func @k(%arg0: i32, %arg1: i32, %arg2: memref<10000x384xi32, #tpu.memory_space<hbm>>, %arg3: memref<160000xi32, #tpu.memory_space<hbm>>, %arg4: memref<51200x384xi32, #tpu.memory_space<hbm>>, %arg5: memref<1600xi32, #tpu.memory_space<vmem>>, %arg6: memref<40x384xi32, #tpu.memory_space<vmem>>, %arg7: memref<40x384xi32, #tpu.memory_space<vmem>>, %arg8: memref<!tpu.dma_semaphore, #tpu.memory_space<semaphore_mem>>, %arg9: memref<!tpu.dma_semaphore, #tpu.memory_space<semaphore_mem>>, %arg10: memref<!tpu.dma_semaphore, #tpu.memory_space<semaphore_mem>>, %arg11: memref<!tpu.dma_semaphore, #tpu.memory_space<semaphore_mem>>) attributes {dimension_semantics = [#tpu.dimension_semantics<core_parallel>, #tpu.dimension_semantics<subcore_parallel>], iteration_bounds = array<i64: 2, 16>, scalar_prefetch = 0 : i64, scratch_operands = 7 : i64, tpu.core_type = #tpu.core_type<sc_vector_subcore>, window_params = [{transform_indices = #map}, {transform_indices = #map1}, {transform_indices = #map}]} {
    %mul3A = arith.constant 2 : i32
    %mul3A_0 = arith.muli %arg1, %mul3A : i32
    %add3A = arith.addi %mul3A_0, %arg0 : i32
    %mul3A_1 = arith.constant 1600 : i32
    %mul3A_2 = arith.muli %add3A, %mul3A_1 : i32
    %multiple_of3A = tpu.assume_multiple %mul3A_2, 8 : i32
    %add3A_3 = arith.constant 0 : i32
    %add3A_4 = arith.addi %add3A_3, %multiple_of3A : i32
    "tpu.region"() ({
      %run_scoped3A = tpu.sem_alloc : memref<!tpu.dma_semaphore, #tpu.memory_space<semaphore_mem>>
      %dma_start3A_18 = tpu.memref_slice %arg3[%add3A_4] : memref<160000xi32, #tpu.memory_space<hbm>> -> memref<1600xi32, #tpu.memory_space<hbm>>
      %dma_start3A_19 = tpu.memref_slice %arg3[%add3A_4] : memref<160000xi32, #tpu.memory_space<hbm>> -> memref<1600xi32, #tpu.memory_space<hbm>>
      tpu.enqueue_dma source(%dma_start3A_19 : memref<1600xi32, #tpu.memory_space<hbm>>) target(%arg5 : memref<1600xi32, #tpu.memory_space<vmem>>) target_semaphore(%run_scoped3A : memref<!tpu.dma_semaphore, #tpu.memory_space<semaphore_mem>>)
      %dma_wait3A_20 = tpu.memref_slice %arg3[%add3A_4] : memref<160000xi32, #tpu.memory_space<hbm>> -> memref<1600xi32, #tpu.memory_space<hbm>>
      %dma_wait3A_21 = tpu.memref_slice %arg3[%add3A_4] : memref<160000xi32, #tpu.memory_space<hbm>> -> memref<1600xi32, #tpu.memory_space<hbm>>
      tpu.wait_dma2 semaphore(%run_scoped3A : memref<!tpu.dma_semaphore, #tpu.memory_space<semaphore_mem>>) src(%dma_wait3A_21 : memref<1600xi32, #tpu.memory_space<hbm>>) dst(%arg5 : memref<1600xi32, #tpu.memory_space<vmem>>)
      tpu.yield
    }) : () -> ()
    %dma_start3A = arith.constant 0 : i32
    %dma_start3A_5 = tpu.memref_slice %arg5[%dma_start3A] : memref<1600xi32, #tpu.memory_space<vmem>> -> memref<40xi32, #tpu.memory_space<vmem>>
    %dma_start3A_6 = arith.constant 0 : i32
    %dma_start3A_7 = arith.constant 0 : i32
    %dma_start3A_8 = tpu.memref_slice %arg2[%dma_start3A_6, %dma_start3A_7] : memref<10000x384xi32, #tpu.memory_space<hbm>> -> memref<10000x384xi32, #tpu.memory_space<hbm>>
    tpu.enqueue_indirect_dma source(%dma_start3A_8 : memref<10000x384xi32, #tpu.memory_space<hbm>>) target(%arg6 : memref<40x384xi32, #tpu.memory_space<vmem>>) offsets(%dma_start3A_5 : memref<40xi32, #tpu.memory_space<vmem>>) semaphore(%arg8 : memref<!tpu.dma_semaphore, #tpu.memory_space<semaphore_mem>>)
    %scan3A = arith.constant 0 : i32
    %scan3A_9 = arith.constant 40 : i32
    %scan3A_10 = arith.addi %scan3A, %scan3A_9 : i32
    %scan3A_11 = arith.constant 1 : i32
    scf.for %scan3A_18 = %scan3A to %scan3A_10 step %scan3A_11  : i32 {
      %mul3A_19 = arith.constant 1 : i32
      %mul3A_20 = arith.muli %scan3A_18, %mul3A_19 : i32
      %add3A_21 = arith.constant 0 : i32
      %add3A_22 = arith.addi %add3A_21, %mul3A_20 : i32
      %rem3A = arith.constant 2 : i32
      %rem3A_23 = arith.remsi %add3A_22, %rem3A : i32
      %eq3A = arith.constant 0 : i32
      %eq3A_24 = arith.cmpi eq, %rem3A_23, %eq3A : i32
      %convert_element_type3A = arith.extui %eq3A_24 : i1 to i32
      %cond3A = arith.constant 0 : i32
      %cond3A_25 = arith.cmpi ne, %convert_element_type3A, %cond3A : i32
      scf.if %cond3A_25 {
        %ge3A = arith.constant 1 : i32
        %ge3A_33 = arith.cmpi sge, %add3A_22, %ge3A : i32
        %convert_element_type3A_34 = arith.extui %ge3A_33 : i1 to i32
        %cond3A_35 = arith.constant 0 : i32
        %cond3A_36 = arith.cmpi ne, %convert_element_type3A_34, %cond3A_35 : i32
        scf.if %cond3A_36 {
          %dma_wait3A_58 = arith.constant 0 : i32
          %dma_wait3A_59 = arith.constant 0 : i32
          %dma_wait3A_60 = tpu.memref_slice %arg4[%dma_wait3A_58, %dma_wait3A_59] : memref<51200x384xi32, #tpu.memory_space<hbm>> -> memref<40x384xi32, #tpu.memory_space<hbm>>
          %dma_wait3A_61 = arith.constant 0 : i32
          %dma_wait3A_62 = arith.constant 0 : i32
          %dma_wait3A_63 = tpu.memref_slice %arg4[%dma_wait3A_61, %dma_wait3A_62] : memref<51200x384xi32, #tpu.memory_space<hbm>> -> memref<40x384xi32, #tpu.memory_space<hbm>>
          tpu.wait_dma2 semaphore(%arg11 : memref<!tpu.dma_semaphore, #tpu.memory_space<semaphore_mem>>) src(%arg7 : memref<40x384xi32, #tpu.memory_space<vmem>>) dst(%dma_wait3A_63 : memref<40x384xi32, #tpu.memory_space<hbm>>)
        } else {
        }
        %add3A_37 = arith.constant 1 : i32
        %add3A_38 = arith.addi %add3A_22, %add3A_37 : i32
        %lt3A = arith.constant 40 : i32
        %lt3A_39 = arith.cmpi slt, %add3A_38, %lt3A : i32
        %convert_element_type3A_40 = arith.extui %lt3A_39 : i1 to i32
        %cond3A_41 = arith.constant 0 : i32
        %cond3A_42 = arith.cmpi ne, %convert_element_type3A_40, %cond3A_41 : i32
        scf.if %cond3A_42 {
          %mul3A_58 = arith.constant 40 : i32
          %mul3A_59 = arith.muli %add3A_22, %mul3A_58 : i32
          %add3A_60 = arith.constant 40 : i32
          %add3A_61 = arith.addi %mul3A_59, %add3A_60 : i32
          %min3A_62 = arith.constant 1560 : i32
          %min3A_63 = arith.minsi %add3A_61, %min3A_62 : i32
          %multiple_of3A_64 = tpu.assume_multiple %min3A_63, 8 : i32
          %dma_start3A_65 = tpu.memref_slice %arg5[%multiple_of3A_64] : memref<1600xi32, #tpu.memory_space<vmem>> -> memref<40xi32, #tpu.memory_space<vmem>>
          %dma_start3A_66 = arith.constant 0 : i32
          %dma_start3A_67 = arith.constant 0 : i32
          %dma_start3A_68 = tpu.memref_slice %arg2[%dma_start3A_66, %dma_start3A_67] : memref<10000x384xi32, #tpu.memory_space<hbm>> -> memref<10000x384xi32, #tpu.memory_space<hbm>>
          tpu.enqueue_indirect_dma source(%dma_start3A_68 : memref<10000x384xi32, #tpu.memory_space<hbm>>) target(%arg7 : memref<40x384xi32, #tpu.memory_space<vmem>>) offsets(%dma_start3A_65 : memref<40xi32, #tpu.memory_space<vmem>>) semaphore(%arg9 : memref<!tpu.dma_semaphore, #tpu.memory_space<semaphore_mem>>)
        } else {
        }
        %dma_wait3A_43 = arith.constant 0 : i32
        %dma_wait3A_44 = arith.constant 0 : i32
        %dma_wait3A_45 = tpu.memref_slice %arg2[%dma_wait3A_43, %dma_wait3A_44] : memref<10000x384xi32, #tpu.memory_space<hbm>> -> memref<40x384xi32, #tpu.memory_space<hbm>>
        %dma_wait3A_46 = arith.constant 0 : i32
        %dma_wait3A_47 = arith.constant 0 : i32
        %dma_wait3A_48 = tpu.memref_slice %arg2[%dma_wait3A_46, %dma_wait3A_47] : memref<10000x384xi32, #tpu.memory_space<hbm>> -> memref<40x384xi32, #tpu.memory_space<hbm>>
        tpu.wait_dma2 semaphore(%arg8 : memref<!tpu.dma_semaphore, #tpu.memory_space<semaphore_mem>>) src(%dma_wait3A_48 : memref<40x384xi32, #tpu.memory_space<hbm>>) dst(%arg6 : memref<40x384xi32, #tpu.memory_space<vmem>>)
        %mul3A_49 = arith.constant 40 : i32
        %mul3A_50 = arith.muli %add3A_22, %mul3A_49 : i32
        %min3A = arith.constant 1560 : i32
        %min3A_51 = arith.minsi %mul3A_50, %min3A : i32
        %multiple_of3A_52 = tpu.assume_multiple %min3A_51, 8 : i32
        %add3A_53 = arith.addi %multiple_of3A, %multiple_of3A_52 : i32
        %dma_start3A_54 = arith.constant 0 : i32
        %dma_start3A_55 = tpu.memref_slice %arg4[%add3A_53, %dma_start3A_54] : memref<51200x384xi32, #tpu.memory_space<hbm>> -> memref<40x384xi32, #tpu.memory_space<hbm>>
        %dma_start3A_56 = arith.constant 0 : i32
        %dma_start3A_57 = tpu.memref_slice %arg4[%add3A_53, %dma_start3A_56] : memref<51200x384xi32, #tpu.memory_space<hbm>> -> memref<40x384xi32, #tpu.memory_space<hbm>>
        tpu.enqueue_dma source(%arg6 : memref<40x384xi32, #tpu.memory_space<vmem>>) target(%dma_start3A_57 : memref<40x384xi32, #tpu.memory_space<hbm>>) target_semaphore(%arg10 : memref<!tpu.dma_semaphore, #tpu.memory_space<semaphore_mem>>)
      } else {
      }
      %rem3A_26 = arith.constant 2 : i32
      %rem3A_27 = arith.remsi %add3A_22, %rem3A_26 : i32
      %eq3A_28 = arith.constant 1 : i32
      %eq3A_29 = arith.cmpi eq, %rem3A_27, %eq3A_28 : i32
      %convert_element_type3A_30 = arith.extui %eq3A_29 : i1 to i32
      %cond3A_31 = arith.constant 0 : i32
      %cond3A_32 = arith.cmpi ne, %convert_element_type3A_30, %cond3A_31 : i32
      scf.if %cond3A_32 {
        %ge3A = arith.constant 1 : i32
        %ge3A_33 = arith.cmpi sge, %add3A_22, %ge3A : i32
        %convert_element_type3A_34 = arith.extui %ge3A_33 : i1 to i32
        %cond3A_35 = arith.constant 0 : i32
        %cond3A_36 = arith.cmpi ne, %convert_element_type3A_34, %cond3A_35 : i32
        scf.if %cond3A_36 {
          %dma_wait3A_58 = arith.constant 0 : i32
          %dma_wait3A_59 = arith.constant 0 : i32
          %dma_wait3A_60 = tpu.memref_slice %arg4[%dma_wait3A_58, %dma_wait3A_59] : memref<51200x384xi32, #tpu.memory_space<hbm>> -> memref<40x384xi32, #tpu.memory_space<hbm>>
          %dma_wait3A_61 = arith.constant 0 : i32
          %dma_wait3A_62 = arith.constant 0 : i32
          %dma_wait3A_63 = tpu.memref_slice %arg4[%dma_wait3A_61, %dma_wait3A_62] : memref<51200x384xi32, #tpu.memory_space<hbm>> -> memref<40x384xi32, #tpu.memory_space<hbm>>
          tpu.wait_dma2 semaphore(%arg10 : memref<!tpu.dma_semaphore, #tpu.memory_space<semaphore_mem>>) src(%arg6 : memref<40x384xi32, #tpu.memory_space<vmem>>) dst(%dma_wait3A_63 : memref<40x384xi32, #tpu.memory_space<hbm>>)
        } else {
        }
        %add3A_37 = arith.constant 1 : i32
        %add3A_38 = arith.addi %add3A_22, %add3A_37 : i32
        %lt3A = arith.constant 40 : i32
        %lt3A_39 = arith.cmpi slt, %add3A_38, %lt3A : i32
        %convert_element_type3A_40 = arith.extui %lt3A_39 : i1 to i32
        %cond3A_41 = arith.constant 0 : i32
        %cond3A_42 = arith.cmpi ne, %convert_element_type3A_40, %cond3A_41 : i32
        scf.if %cond3A_42 {
          %mul3A_58 = arith.constant 40 : i32
          %mul3A_59 = arith.muli %add3A_22, %mul3A_58 : i32
          %add3A_60 = arith.constant 40 : i32
          %add3A_61 = arith.addi %mul3A_59, %add3A_60 : i32
          %min3A_62 = arith.constant 1560 : i32
          %min3A_63 = arith.minsi %add3A_61, %min3A_62 : i32
          %multiple_of3A_64 = tpu.assume_multiple %min3A_63, 8 : i32
          %dma_start3A_65 = tpu.memref_slice %arg5[%multiple_of3A_64] : memref<1600xi32, #tpu.memory_space<vmem>> -> memref<40xi32, #tpu.memory_space<vmem>>
          %dma_start3A_66 = arith.constant 0 : i32
          %dma_start3A_67 = arith.constant 0 : i32
          %dma_start3A_68 = tpu.memref_slice %arg2[%dma_start3A_66, %dma_start3A_67] : memref<10000x384xi32, #tpu.memory_space<hbm>> -> memref<10000x384xi32, #tpu.memory_space<hbm>>
          tpu.enqueue_indirect_dma source(%dma_start3A_68 : memref<10000x384xi32, #tpu.memory_space<hbm>>) target(%arg6 : memref<40x384xi32, #tpu.memory_space<vmem>>) offsets(%dma_start3A_65 : memref<40xi32, #tpu.memory_space<vmem>>) semaphore(%arg8 : memref<!tpu.dma_semaphore, #tpu.memory_space<semaphore_mem>>)
        } else {
        }
        %dma_wait3A_43 = arith.constant 0 : i32
        %dma_wait3A_44 = arith.constant 0 : i32
        %dma_wait3A_45 = tpu.memref_slice %arg2[%dma_wait3A_43, %dma_wait3A_44] : memref<10000x384xi32, #tpu.memory_space<hbm>> -> memref<40x384xi32, #tpu.memory_space<hbm>>
        %dma_wait3A_46 = arith.constant 0 : i32
        %dma_wait3A_47 = arith.constant 0 : i32
        %dma_wait3A_48 = tpu.memref_slice %arg2[%dma_wait3A_46, %dma_wait3A_47] : memref<10000x384xi32, #tpu.memory_space<hbm>> -> memref<40x384xi32, #tpu.memory_space<hbm>>
        tpu.wait_dma2 semaphore(%arg9 : memref<!tpu.dma_semaphore, #tpu.memory_space<semaphore_mem>>) src(%dma_wait3A_48 : memref<40x384xi32, #tpu.memory_space<hbm>>) dst(%arg7 : memref<40x384xi32, #tpu.memory_space<vmem>>)
        %mul3A_49 = arith.constant 40 : i32
        %mul3A_50 = arith.muli %add3A_22, %mul3A_49 : i32
        %min3A = arith.constant 1560 : i32
        %min3A_51 = arith.minsi %mul3A_50, %min3A : i32
        %multiple_of3A_52 = tpu.assume_multiple %min3A_51, 8 : i32
        %add3A_53 = arith.addi %multiple_of3A, %multiple_of3A_52 : i32
        %dma_start3A_54 = arith.constant 0 : i32
        %dma_start3A_55 = tpu.memref_slice %arg4[%add3A_53, %dma_start3A_54] : memref<51200x384xi32, #tpu.memory_space<hbm>> -> memref<40x384xi32, #tpu.memory_space<hbm>>
        %dma_start3A_56 = arith.constant 0 : i32
        %dma_start3A_57 = tpu.memref_slice %arg4[%add3A_53, %dma_start3A_56] : memref<51200x384xi32, #tpu.memory_space<hbm>> -> memref<40x384xi32, #tpu.memory_space<hbm>>
        tpu.enqueue_dma source(%arg7 : memref<40x384xi32, #tpu.memory_space<vmem>>) target(%dma_start3A_57 : memref<40x384xi32, #tpu.memory_space<hbm>>) target_semaphore(%arg11 : memref<!tpu.dma_semaphore, #tpu.memory_space<semaphore_mem>>)
      } else {
      }
    }
    %scan3A_12 = arith.constant 40 : i32
    %dma_wait3A = arith.constant 0 : i32
    %dma_wait3A_13 = arith.constant 0 : i32
    %dma_wait3A_14 = tpu.memref_slice %arg4[%dma_wait3A, %dma_wait3A_13] : memref<51200x384xi32, #tpu.memory_space<hbm>> -> memref<40x384xi32, #tpu.memory_space<hbm>>
    %dma_wait3A_15 = arith.constant 0 : i32
    %dma_wait3A_16 = arith.constant 0 : i32
    %dma_wait3A_17 = tpu.memref_slice %arg4[%dma_wait3A_15, %dma_wait3A_16] : memref<51200x384xi32, #tpu.memory_space<hbm>> -> memref<40x384xi32, #tpu.memory_space<hbm>>
    tpu.wait_dma2 semaphore(%arg11 : memref<!tpu.dma_semaphore, #tpu.memory_space<semaphore_mem>>) src(%arg7 : memref<40x384xi32, #tpu.memory_space<vmem>>) dst(%dma_wait3A_17 : memref<40x384xi32, #tpu.memory_space<hbm>>)
    return
  }
}

module attributes {stable_mosaic.version = 14 : i64} {
  func.func @_proj_body(%arg0: i32, %arg1: memref<1000x320xf32, #tpu.memory_space<vmem>>, %arg2: memref<320x384xf32, #tpu.memory_space<vmem>>, %arg3: memref<320x384xf32, #tpu.memory_space<vmem>>, %arg4: memref<1000x384xi32, #tpu.memory_space<vmem>>) attributes {dimension_semantics = [#tpu.dimension_semantics<arbitrary>], iteration_bounds = array<i64: 10>, scalar_prefetch = 0 : i64, scratch_operands = 0 : i64, tpu.core_type = #tpu.core_type<tc>, window_params = [{transform_indices = @transform_0, window_bounds = array<i64: 1000, 320>}, {pipeline_mode = #tpu.pipeline_mode<synchronous>, transform_indices = @transform_1, window_bounds = array<i64: 320, 384>}, {pipeline_mode = #tpu.pipeline_mode<synchronous>, transform_indices = @transform_2, window_bounds = array<i64: 320, 384>}, {transform_indices = @transform_3, window_bounds = array<i64: 1000, 384>}]} {
    %get3A = arith.constant 0 : index
    %get3A_0 = arith.constant 0 : index
    %get3A_1 = vector.load %arg1[%get3A, %get3A_0] : memref<1000x320xf32, #tpu.memory_space<vmem>>, vector<1000x320xf32>
    %get3A_2 = arith.constant 0 : index
    %get3A_3 = arith.constant 0 : index
    %get3A_4 = vector.load %arg2[%get3A_2, %get3A_3] : memref<320x384xf32, #tpu.memory_space<vmem>>, vector<320x384xf32>
    %dot_general3A = arith.constant dense<0.000000e+00> : vector<1000x384xf32>
    %dot_general3A_5 = tpu.matmul %get3A_1, %get3A_4, %dot_general3A {dimension_numbers = #tpu.dot_dimension_numbers<[1], [0], [0], [1], [0, 0, 1, 1], [], []>, transpose_lhs_hint = false} : vector<1000x320xf32>, vector<320x384xf32>, vector<1000x384xf32> -> vector<1000x384xf32>
    %get3A_6 = arith.constant 0 : index
    %get3A_7 = arith.constant 0 : index
    %get3A_8 = vector.load %arg3[%get3A_6, %get3A_7] : memref<320x384xf32, #tpu.memory_space<vmem>>, vector<320x384xf32>
    %dot_general3A_9 = arith.constant dense<0.000000e+00> : vector<1000x384xf32>
    %dot_general3A_10 = tpu.matmul %get3A_1, %get3A_8, %dot_general3A_9 {dimension_numbers = #tpu.dot_dimension_numbers<[1], [0], [0], [1], [0, 0, 1, 1], [], []>, transpose_lhs_hint = false} : vector<1000x320xf32>, vector<320x384xf32>, vector<1000x384xf32> -> vector<1000x384xf32>
    %bitcast_convert_type3A = tpu.bitcast %dot_general3A_10 : vector<1000x384xf32> -> vector<1000x384xi32>
    %add3A = arith.constant 32767 : i32
    %add3A_11 = vector.broadcast %add3A : i32 to vector<1000x384xi32>
    %add3A_12 = arith.addi %bitcast_convert_type3A, %add3A_11 : vector<1000x384xi32>
    %shift_right_arithmetic3A = arith.constant 16 : i32
    %shift_right_arithmetic3A_13 = vector.broadcast %shift_right_arithmetic3A : i32 to vector<1000x384xi32>
    %shift_right_arithmetic3A_14 = arith.shrsi %bitcast_convert_type3A, %shift_right_arithmetic3A_13 : vector<1000x384xi32>
    %and3A = arith.constant 1 : i32
    %and3A_15 = vector.broadcast %and3A : i32 to vector<1000x384xi32>
    %and3A_16 = arith.andi %shift_right_arithmetic3A_14, %and3A_15 : vector<1000x384xi32>
    %add3A_17 = arith.addi %add3A_12, %and3A_16 : vector<1000x384xi32>
    %shift_right_arithmetic3A_18 = arith.constant 16 : i32
    %shift_right_arithmetic3A_19 = vector.broadcast %shift_right_arithmetic3A_18 : i32 to vector<1000x384xi32>
    %shift_right_arithmetic3A_20 = arith.shrsi %add3A_17, %shift_right_arithmetic3A_19 : vector<1000x384xi32>
    %and3A_21 = arith.constant 65535 : i32
    %and3A_22 = vector.broadcast %and3A_21 : i32 to vector<1000x384xi32>
    %and3A_23 = arith.andi %shift_right_arithmetic3A_20, %and3A_22 : vector<1000x384xi32>
    %shift_left3A = arith.constant 16 : i32
    %shift_left3A_24 = vector.broadcast %shift_left3A : i32 to vector<1000x384xi32>
    %shift_left3A_25 = arith.shli %and3A_23, %shift_left3A_24 : vector<1000x384xi32>
    %bitcast_convert_type3A_26 = tpu.bitcast %dot_general3A_5 : vector<1000x384xf32> -> vector<1000x384xi32>
    %add3A_27 = arith.constant 32767 : i32
    %add3A_28 = vector.broadcast %add3A_27 : i32 to vector<1000x384xi32>
    %add3A_29 = arith.addi %bitcast_convert_type3A_26, %add3A_28 : vector<1000x384xi32>
    %shift_right_arithmetic3A_30 = arith.constant 16 : i32
    %shift_right_arithmetic3A_31 = vector.broadcast %shift_right_arithmetic3A_30 : i32 to vector<1000x384xi32>
    %shift_right_arithmetic3A_32 = arith.shrsi %bitcast_convert_type3A_26, %shift_right_arithmetic3A_31 : vector<1000x384xi32>
    %and3A_33 = arith.constant 1 : i32
    %and3A_34 = vector.broadcast %and3A_33 : i32 to vector<1000x384xi32>
    %and3A_35 = arith.andi %shift_right_arithmetic3A_32, %and3A_34 : vector<1000x384xi32>
    %add3A_36 = arith.addi %add3A_29, %and3A_35 : vector<1000x384xi32>
    %shift_right_arithmetic3A_37 = arith.constant 16 : i32
    %shift_right_arithmetic3A_38 = vector.broadcast %shift_right_arithmetic3A_37 : i32 to vector<1000x384xi32>
    %shift_right_arithmetic3A_39 = arith.shrsi %add3A_36, %shift_right_arithmetic3A_38 : vector<1000x384xi32>
    %and3A_40 = arith.constant 65535 : i32
    %and3A_41 = vector.broadcast %and3A_40 : i32 to vector<1000x384xi32>
    %and3A_42 = arith.andi %shift_right_arithmetic3A_39, %and3A_41 : vector<1000x384xi32>
    %or3A = arith.ori %shift_left3A_25, %and3A_42 : vector<1000x384xi32>
    %swap3A = arith.constant 0 : index
    %swap3A_43 = arith.constant 0 : index
    %swap3A_44 = vector.load %arg4[%swap3A, %swap3A_43] : memref<1000x384xi32, #tpu.memory_space<vmem>>, vector<1000x384xi32>
    tpu.vector_store %arg4[%swap3A, %swap3A_43], %or3A {strides = array<i32>} : memref<1000x384xi32, #tpu.memory_space<vmem>>, vector<1000x384xi32>,
    return
  }
  func.func @transform_0(%arg0: i32) -> (i32, i32) {
    %c0_i32 = arith.constant 0 : i32
    %c0_i32_0 = arith.constant 0 : i32
    return %arg0, %c0_i32 : i32, i32
  }
  func.func @transform_1(%arg0: i32) -> (i32, i32) {
    %c0_i32 = arith.constant 0 : i32
    %c0_i32_0 = arith.constant 0 : i32
    %c0_i32_1 = arith.constant 0 : i32
    return %c0_i32, %c0_i32_0 : i32, i32
  }
  func.func @transform_2(%arg0: i32) -> (i32, i32) {
    %c0_i32 = arith.constant 0 : i32
    %c0_i32_0 = arith.constant 0 : i32
    %c0_i32_1 = arith.constant 0 : i32
    return %c0_i32, %c0_i32_0 : i32, i32
  }
  func.func @transform_3(%arg0: i32) -> (i32, i32) {
    %c0_i32 = arith.constant 0 : i32
    %c0_i32_0 = arith.constant 0 : i32
    return %arg0, %c0_i32 : i32, i32
  }
}

module attributes {stable_mosaic.version = 14 : i64} {
  func.func @_attn_body(%arg0: i32, %arg1: memref<400x320xf32, #tpu.memory_space<vmem>>, %arg2: memref<400x384xi32, #tpu.memory_space<vmem>>, %arg3: memref<16x400x384xi32, #tpu.memory_space<vmem>>, %arg4: memref<16x400x8xf32, #tpu.memory_space<vmem>>, %arg5: memref<320x320xf32, #tpu.memory_space<vmem>>, %arg6: memref<384x8xf32, #tpu.memory_space<vmem>>, %arg7: memref<8x384xf32, #tpu.memory_space<vmem>>, %arg8: memref<384x320xf32, #tpu.memory_space<vmem>>, %arg9: memref<320x5xf32, #tpu.memory_space<vmem>>, %arg10: memref<5x320xf32, #tpu.memory_space<vmem>>, %arg11: memref<320x1280xbf16, #tpu.memory_space<vmem>>, %arg12: memref<1x1280xf32, #tpu.memory_space<vmem>>, %arg13: memref<1280x320xbf16, #tpu.memory_space<vmem>>, %arg14: memref<1x320xf32, #tpu.memory_space<vmem>>, %arg15: memref<1x320xf32, #tpu.memory_space<vmem>>, %arg16: memref<1x320xf32, #tpu.memory_space<vmem>>, %arg17: memref<320x320xf32, #tpu.memory_space<vmem>>, %arg18: memref<1x320xf32, #tpu.memory_space<vmem>>, %arg19: memref<400x320xf32, #tpu.memory_space<vmem>>) attributes {dimension_semantics = [#tpu.dimension_semantics<arbitrary>], iteration_bounds = array<i64: 9>, scalar_prefetch = 0 : i64, scratch_operands = 0 : i64, tpu.core_type = #tpu.core_type<tc>, window_params = [{transform_indices = @transform_0, window_bounds = array<i64: 400, 320>}, {transform_indices = @transform_1, window_bounds = array<i64: 400, 384>}, {transform_indices = @transform_2, window_bounds = array<i64: 16, 400, 384>}, {transform_indices = @transform_3, window_bounds = array<i64: 16, 400, 8>}, {pipeline_mode = #tpu.pipeline_mode<synchronous>, transform_indices = @transform_4, window_bounds = array<i64: 320, 320>}, {pipeline_mode = #tpu.pipeline_mode<synchronous>, transform_indices = @transform_5, window_bounds = array<i64: 384, 8>}, {pipeline_mode = #tpu.pipeline_mode<synchronous>, transform_indices = @transform_6, window_bounds = array<i64: 8, 384>}, {pipeline_mode = #tpu.pipeline_mode<synchronous>, transform_indices = @transform_7, window_bounds = array<i64: 384, 320>}, {pipeline_mode = #tpu.pipeline_mode<synchronous>, transform_indices = @transform_8, window_bounds = array<i64: 320, 5>}, {pipeline_mode = #tpu.pipeline_mode<synchronous>, transform_indices = @transform_9, window_bounds = array<i64: 5, 320>}, {pipeline_mode = #tpu.pipeline_mode<synchronous>, transform_indices = @transform_10, window_bounds = array<i64: 320, 1280>}, {pipeline_mode = #tpu.pipeline_mode<synchronous>, transform_indices = @transform_11, window_bounds = array<i64: 1, 1280>}, {pipeline_mode = #tpu.pipeline_mode<synchronous>, transform_indices = @transform_12, window_bounds = array<i64: 1280, 320>}, {pipeline_mode = #tpu.pipeline_mode<synchronous>, transform_indices = @transform_13, window_bounds = array<i64: 1, 320>}, {pipeline_mode = #tpu.pipeline_mode<synchronous>, transform_indices = @transform_14, window_bounds = array<i64: 1, 320>}, {pipeline_mode = #tpu.pipeline_mode<synchronous>, transform_indices = @transform_15, window_bounds = array<i64: 1, 320>}, {pipeline_mode = #tpu.pipeline_mode<synchronous>, transform_indices = @transform_16, window_bounds = array<i64: 320, 320>}, {pipeline_mode = #tpu.pipeline_mode<synchronous>, transform_indices = @transform_17, window_bounds = array<i64: 1, 320>}, {transform_indices = @transform_18, window_bounds = array<i64: 400, 320>}]} {
    %get3A = arith.constant 0 : index
    %get3A_0 = arith.constant 0 : index
    %get3A_1 = vector.load %arg2[%get3A, %get3A_0] : memref<400x384xi32, #tpu.memory_space<vmem>>, vector<400x384xi32>
    %and3A = arith.constant -65536 : i32
    %and3A_2 = vector.broadcast %and3A : i32 to vector<400x384xi32>
    %and3A_3 = arith.andi %get3A_1, %and3A_2 : vector<400x384xi32>
    %bitcast_convert_type3A = tpu.bitcast %and3A_3 : vector<400x384xi32> -> vector<400x384xf32>
    %get3A_4 = arith.constant 0 : index
    %get3A_5 = arith.constant 0 : index
    %get3A_6 = vector.load %arg6[%get3A_4, %get3A_5] : memref<384x8xf32, #tpu.memory_space<vmem>>, vector<384x8xf32>
    %get3A_7 = arith.constant 0 : index
    %get3A_8 = arith.constant 0 : index
    %get3A_9 = arith.constant 0 : index
    %get3A_10 = vector.load %arg3[%get3A_7, %get3A_8, %get3A_9] : memref<16x400x384xi32, #tpu.memory_space<vmem>>, vector<1x400x384xi32>
    %get3A_11 = vector.shape_cast %get3A_10 : vector<1x400x384xi32> to vector<400x384xi32>
    %get3A_12 = arith.constant 1 : index
    %get3A_13 = arith.constant 0 : index
    %get3A_14 = arith.constant 0 : index
    %get3A_15 = vector.load %arg3[%get3A_12, %get3A_13, %get3A_14] : memref<16x400x384xi32, #tpu.memory_space<vmem>>, vector<1x400x384xi32>
    %get3A_16 = vector.shape_cast %get3A_15 : vector<1x400x384xi32> to vector<400x384xi32>
    %get3A_17 = arith.constant 2 : index
    %get3A_18 = arith.constant 0 : index
    %get3A_19 = arith.constant 0 : index
    %get3A_20 = vector.load %arg3[%get3A_17, %get3A_18, %get3A_19] : memref<16x400x384xi32, #tpu.memory_space<vmem>>, vector<1x400x384xi32>
    %get3A_21 = vector.shape_cast %get3A_20 : vector<1x400x384xi32> to vector<400x384xi32>
    %get3A_22 = arith.constant 3 : index
    %get3A_23 = arith.constant 0 : index
    %get3A_24 = arith.constant 0 : index
    %get3A_25 = vector.load %arg3[%get3A_22, %get3A_23, %get3A_24] : memref<16x400x384xi32, #tpu.memory_space<vmem>>, vector<1x400x384xi32>
    %get3A_26 = vector.shape_cast %get3A_25 : vector<1x400x384xi32> to vector<400x384xi32>
    %get3A_27 = arith.constant 4 : index
    %get3A_28 = arith.constant 0 : index
    %get3A_29 = arith.constant 0 : index
    %get3A_30 = vector.load %arg3[%get3A_27, %get3A_28, %get3A_29] : memref<16x400x384xi32, #tpu.memory_space<vmem>>, vector<1x400x384xi32>
    %get3A_31 = vector.shape_cast %get3A_30 : vector<1x400x384xi32> to vector<400x384xi32>
    %get3A_32 = arith.constant 5 : index
    %get3A_33 = arith.constant 0 : index
    %get3A_34 = arith.constant 0 : index
    %get3A_35 = vector.load %arg3[%get3A_32, %get3A_33, %get3A_34] : memref<16x400x384xi32, #tpu.memory_space<vmem>>, vector<1x400x384xi32>
    %get3A_36 = vector.shape_cast %get3A_35 : vector<1x400x384xi32> to vector<400x384xi32>
    %get3A_37 = arith.constant 6 : index
    %get3A_38 = arith.constant 0 : index
    %get3A_39 = arith.constant 0 : index
    %get3A_40 = vector.load %arg3[%get3A_37, %get3A_38, %get3A_39] : memref<16x400x384xi32, #tpu.memory_space<vmem>>, vector<1x400x384xi32>
    %get3A_41 = vector.shape_cast %get3A_40 : vector<1x400x384xi32> to vector<400x384xi32>
    %get3A_42 = arith.constant 7 : index
    %get3A_43 = arith.constant 0 : index
    %get3A_44 = arith.constant 0 : index
    %get3A_45 = vector.load %arg3[%get3A_42, %get3A_43, %get3A_44] : memref<16x400x384xi32, #tpu.memory_space<vmem>>, vector<1x400x384xi32>
    %get3A_46 = vector.shape_cast %get3A_45 : vector<1x400x384xi32> to vector<400x384xi32>
    %get3A_47 = arith.constant 8 : index
    %get3A_48 = arith.constant 0 : index
    %get3A_49 = arith.constant 0 : index
    %get3A_50 = vector.load %arg3[%get3A_47, %get3A_48, %get3A_49] : memref<16x400x384xi32, #tpu.memory_space<vmem>>, vector<1x400x384xi32>
    %get3A_51 = vector.shape_cast %get3A_50 : vector<1x400x384xi32> to vector<400x384xi32>
    %get3A_52 = arith.constant 9 : index
    %get3A_53 = arith.constant 0 : index
    %get3A_54 = arith.constant 0 : index
    %get3A_55 = vector.load %arg3[%get3A_52, %get3A_53, %get3A_54] : memref<16x400x384xi32, #tpu.memory_space<vmem>>, vector<1x400x384xi32>
    %get3A_56 = vector.shape_cast %get3A_55 : vector<1x400x384xi32> to vector<400x384xi32>
    %get3A_57 = arith.constant 10 : index
    %get3A_58 = arith.constant 0 : index
    %get3A_59 = arith.constant 0 : index
    %get3A_60 = vector.load %arg3[%get3A_57, %get3A_58, %get3A_59] : memref<16x400x384xi32, #tpu.memory_space<vmem>>, vector<1x400x384xi32>
    %get3A_61 = vector.shape_cast %get3A_60 : vector<1x400x384xi32> to vector<400x384xi32>
    %get3A_62 = arith.constant 11 : index
    %get3A_63 = arith.constant 0 : index
    %get3A_64 = arith.constant 0 : index
    %get3A_65 = vector.load %arg3[%get3A_62, %get3A_63, %get3A_64] : memref<16x400x384xi32, #tpu.memory_space<vmem>>, vector<1x400x384xi32>
    %get3A_66 = vector.shape_cast %get3A_65 : vector<1x400x384xi32> to vector<400x384xi32>
    %get3A_67 = arith.constant 12 : index
    %get3A_68 = arith.constant 0 : index
    %get3A_69 = arith.constant 0 : index
    %get3A_70 = vector.load %arg3[%get3A_67, %get3A_68, %get3A_69] : memref<16x400x384xi32, #tpu.memory_space<vmem>>, vector<1x400x384xi32>
    %get3A_71 = vector.shape_cast %get3A_70 : vector<1x400x384xi32> to vector<400x384xi32>
    %get3A_72 = arith.constant 13 : index
    %get3A_73 = arith.constant 0 : index
    %get3A_74 = arith.constant 0 : index
    %get3A_75 = vector.load %arg3[%get3A_72, %get3A_73, %get3A_74] : memref<16x400x384xi32, #tpu.memory_space<vmem>>, vector<1x400x384xi32>
    %get3A_76 = vector.shape_cast %get3A_75 : vector<1x400x384xi32> to vector<400x384xi32>
    %get3A_77 = arith.constant 14 : index
    %get3A_78 = arith.constant 0 : index
    %get3A_79 = arith.constant 0 : index
    %get3A_80 = vector.load %arg3[%get3A_77, %get3A_78, %get3A_79] : memref<16x400x384xi32, #tpu.memory_space<vmem>>, vector<1x400x384xi32>
    %get3A_81 = vector.shape_cast %get3A_80 : vector<1x400x384xi32> to vector<400x384xi32>
    %get3A_82 = arith.constant 15 : index
    %get3A_83 = arith.constant 0 : index
    %get3A_84 = arith.constant 0 : index
    %get3A_85 = vector.load %arg3[%get3A_82, %get3A_83, %get3A_84] : memref<16x400x384xi32, #tpu.memory_space<vmem>>, vector<1x400x384xi32>
    %get3A_86 = vector.shape_cast %get3A_85 : vector<1x400x384xi32> to vector<400x384xi32>
    %shift_left3A = arith.constant 16 : i32
    %shift_left3A_87 = vector.broadcast %shift_left3A : i32 to vector<400x384xi32>
    %shift_left3A_88 = arith.shli %get3A_11, %shift_left3A_87 : vector<400x384xi32>
    %bitcast_convert_type3A_89 = tpu.bitcast %shift_left3A_88 : vector<400x384xi32> -> vector<400x384xf32>
    %mul3A = arith.mulf %bitcast_convert_type3A, %bitcast_convert_type3A_89 : vector<400x384xf32>
    %dot_general3A = arith.constant dense<0.000000e+00> : vector<400x8xf32>
    %dot_general3A_90 = tpu.matmul %mul3A, %get3A_6, %dot_general3A {dimension_numbers = #tpu.dot_dimension_numbers<[1], [0], [0], [1], [0, 0, 1, 1], [], []>, transpose_lhs_hint = false} : vector<400x384xf32>, vector<384x8xf32>, vector<400x8xf32> -> vector<400x8xf32>
    %get3A_91 = arith.constant 0 : index
    %get3A_92 = arith.constant 0 : index
    %get3A_93 = arith.constant 0 : index
    %get3A_94 = vector.load %arg4[%get3A_91, %get3A_92, %get3A_93] : memref<16x400x8xf32, #tpu.memory_space<vmem>>, vector<1x400x8xf32>
    %get3A_95 = vector.shape_cast %get3A_94 : vector<1x400x8xf32> to vector<400x8xf32>
    %add3A = arith.addf %dot_general3A_90, %get3A_95 : vector<400x8xf32>
    %mul3A_96 = arith.constant 0.353553385 : f32
    %mul3A_97 = vector.broadcast %mul3A_96 : f32 to vector<400x8xf32>
    %mul3A_98 = arith.mulf %add3A, %mul3A_97 : vector<400x8xf32>
    %shift_left3A_99 = arith.constant 16 : i32
    %shift_left3A_100 = vector.broadcast %shift_left3A_99 : i32 to vector<400x384xi32>
    %shift_left3A_101 = arith.shli %get3A_16, %shift_left3A_100 : vector<400x384xi32>
    %bitcast_convert_type3A_102 = tpu.bitcast %shift_left3A_101 : vector<400x384xi32> -> vector<400x384xf32>
    %mul3A_103 = arith.mulf %bitcast_convert_type3A, %bitcast_convert_type3A_102 : vector<400x384xf32>
    %dot_general3A_104 = arith.constant dense<0.000000e+00> : vector<400x8xf32>
    %dot_general3A_105 = tpu.matmul %mul3A_103, %get3A_6, %dot_general3A_104 {dimension_numbers = #tpu.dot_dimension_numbers<[1], [0], [0], [1], [0, 0, 1, 1], [], []>, transpose_lhs_hint = false} : vector<400x384xf32>, vector<384x8xf32>, vector<400x8xf32> -> vector<400x8xf32>
    %get3A_106 = arith.constant 1 : index
    %get3A_107 = arith.constant 0 : index
    %get3A_108 = arith.constant 0 : index
    %get3A_109 = vector.load %arg4[%get3A_106, %get3A_107, %get3A_108] : memref<16x400x8xf32, #tpu.memory_space<vmem>>, vector<1x400x8xf32>
    %get3A_110 = vector.shape_cast %get3A_109 : vector<1x400x8xf32> to vector<400x8xf32>
    %add3A_111 = arith.addf %dot_general3A_105, %get3A_110 : vector<400x8xf32>
    %mul3A_112 = arith.constant 0.353553385 : f32
    %mul3A_113 = vector.broadcast %mul3A_112 : f32 to vector<400x8xf32>
    %mul3A_114 = arith.mulf %add3A_111, %mul3A_113 : vector<400x8xf32>
    %shift_left3A_115 = arith.constant 16 : i32
    %shift_left3A_116 = vector.broadcast %shift_left3A_115 : i32 to vector<400x384xi32>
    %shift_left3A_117 = arith.shli %get3A_21, %shift_left3A_116 : vector<400x384xi32>
    %bitcast_convert_type3A_118 = tpu.bitcast %shift_left3A_117 : vector<400x384xi32> -> vector<400x384xf32>
    %mul3A_119 = arith.mulf %bitcast_convert_type3A, %bitcast_convert_type3A_118 : vector<400x384xf32>
    %dot_general3A_120 = arith.constant dense<0.000000e+00> : vector<400x8xf32>
    %dot_general3A_121 = tpu.matmul %mul3A_119, %get3A_6, %dot_general3A_120 {dimension_numbers = #tpu.dot_dimension_numbers<[1], [0], [0], [1], [0, 0, 1, 1], [], []>, transpose_lhs_hint = false} : vector<400x384xf32>, vector<384x8xf32>, vector<400x8xf32> -> vector<400x8xf32>
    %get3A_122 = arith.constant 2 : index
    %get3A_123 = arith.constant 0 : index
    %get3A_124 = arith.constant 0 : index
    %get3A_125 = vector.load %arg4[%get3A_122, %get3A_123, %get3A_124] : memref<16x400x8xf32, #tpu.memory_space<vmem>>, vector<1x400x8xf32>
    %get3A_126 = vector.shape_cast %get3A_125 : vector<1x400x8xf32> to vector<400x8xf32>
    %add3A_127 = arith.addf %dot_general3A_121, %get3A_126 : vector<400x8xf32>
    %mul3A_128 = arith.constant 0.353553385 : f32
    %mul3A_129 = vector.broadcast %mul3A_128 : f32 to vector<400x8xf32>
    %mul3A_130 = arith.mulf %add3A_127, %mul3A_129 : vector<400x8xf32>
    %shift_left3A_131 = arith.constant 16 : i32
    %shift_left3A_132 = vector.broadcast %shift_left3A_131 : i32 to vector<400x384xi32>
    %shift_left3A_133 = arith.shli %get3A_26, %shift_left3A_132 : vector<400x384xi32>
    %bitcast_convert_type3A_134 = tpu.bitcast %shift_left3A_133 : vector<400x384xi32> -> vector<400x384xf32>
    %mul3A_135 = arith.mulf %bitcast_convert_type3A, %bitcast_convert_type3A_134 : vector<400x384xf32>
    %dot_general3A_136 = arith.constant dense<0.000000e+00> : vector<400x8xf32>
    %dot_general3A_137 = tpu.matmul %mul3A_135, %get3A_6, %dot_general3A_136 {dimension_numbers = #tpu.dot_dimension_numbers<[1], [0], [0], [1], [0, 0, 1, 1], [], []>, transpose_lhs_hint = false} : vector<400x384xf32>, vector<384x8xf32>, vector<400x8xf32> -> vector<400x8xf32>
    %get3A_138 = arith.constant 3 : index
    %get3A_139 = arith.constant 0 : index
    %get3A_140 = arith.constant 0 : index
    %get3A_141 = vector.load %arg4[%get3A_138, %get3A_139, %get3A_140] : memref<16x400x8xf32, #tpu.memory_space<vmem>>, vector<1x400x8xf32>
    %get3A_142 = vector.shape_cast %get3A_141 : vector<1x400x8xf32> to vector<400x8xf32>
    %add3A_143 = arith.addf %dot_general3A_137, %get3A_142 : vector<400x8xf32>
    %mul3A_144 = arith.constant 0.353553385 : f32
    %mul3A_145 = vector.broadcast %mul3A_144 : f32 to vector<400x8xf32>
    %mul3A_146 = arith.mulf %add3A_143, %mul3A_145 : vector<400x8xf32>
    %shift_left3A_147 = arith.constant 16 : i32
    %shift_left3A_148 = vector.broadcast %shift_left3A_147 : i32 to vector<400x384xi32>
    %shift_left3A_149 = arith.shli %get3A_31, %shift_left3A_148 : vector<400x384xi32>
    %bitcast_convert_type3A_150 = tpu.bitcast %shift_left3A_149 : vector<400x384xi32> -> vector<400x384xf32>
    %mul3A_151 = arith.mulf %bitcast_convert_type3A, %bitcast_convert_type3A_150 : vector<400x384xf32>
    %dot_general3A_152 = arith.constant dense<0.000000e+00> : vector<400x8xf32>
    %dot_general3A_153 = tpu.matmul %mul3A_151, %get3A_6, %dot_general3A_152 {dimension_numbers = #tpu.dot_dimension_numbers<[1], [0], [0], [1], [0, 0, 1, 1], [], []>, transpose_lhs_hint = false} : vector<400x384xf32>, vector<384x8xf32>, vector<400x8xf32> -> vector<400x8xf32>
    %get3A_154 = arith.constant 4 : index
    %get3A_155 = arith.constant 0 : index
    %get3A_156 = arith.constant 0 : index
    %get3A_157 = vector.load %arg4[%get3A_154, %get3A_155, %get3A_156] : memref<16x400x8xf32, #tpu.memory_space<vmem>>, vector<1x400x8xf32>
    %get3A_158 = vector.shape_cast %get3A_157 : vector<1x400x8xf32> to vector<400x8xf32>
    %add3A_159 = arith.addf %dot_general3A_153, %get3A_158 : vector<400x8xf32>
    %mul3A_160 = arith.constant 0.353553385 : f32
    %mul3A_161 = vector.broadcast %mul3A_160 : f32 to vector<400x8xf32>
    %mul3A_162 = arith.mulf %add3A_159, %mul3A_161 : vector<400x8xf32>
    %shift_left3A_163 = arith.constant 16 : i32
    %shift_left3A_164 = vector.broadcast %shift_left3A_163 : i32 to vector<400x384xi32>
    %shift_left3A_165 = arith.shli %get3A_36, %shift_left3A_164 : vector<400x384xi32>
    %bitcast_convert_type3A_166 = tpu.bitcast %shift_left3A_165 : vector<400x384xi32> -> vector<400x384xf32>
    %mul3A_167 = arith.mulf %bitcast_convert_type3A, %bitcast_convert_type3A_166 : vector<400x384xf32>
    %dot_general3A_168 = arith.constant dense<0.000000e+00> : vector<400x8xf32>
    %dot_general3A_169 = tpu.matmul %mul3A_167, %get3A_6, %dot_general3A_168 {dimension_numbers = #tpu.dot_dimension_numbers<[1], [0], [0], [1], [0, 0, 1, 1], [], []>, transpose_lhs_hint = false} : vector<400x384xf32>, vector<384x8xf32>, vector<400x8xf32> -> vector<400x8xf32>
    %get3A_170 = arith.constant 5 : index
    %get3A_171 = arith.constant 0 : index
    %get3A_172 = arith.constant 0 : index
    %get3A_173 = vector.load %arg4[%get3A_170, %get3A_171, %get3A_172] : memref<16x400x8xf32, #tpu.memory_space<vmem>>, vector<1x400x8xf32>
    %get3A_174 = vector.shape_cast %get3A_173 : vector<1x400x8xf32> to vector<400x8xf32>
    %add3A_175 = arith.addf %dot_general3A_169, %get3A_174 : vector<400x8xf32>
    %mul3A_176 = arith.constant 0.353553385 : f32
    %mul3A_177 = vector.broadcast %mul3A_176 : f32 to vector<400x8xf32>
    %mul3A_178 = arith.mulf %add3A_175, %mul3A_177 : vector<400x8xf32>
    %shift_left3A_179 = arith.constant 16 : i32
    %shift_left3A_180 = vector.broadcast %shift_left3A_179 : i32 to vector<400x384xi32>
    %shift_left3A_181 = arith.shli %get3A_41, %shift_left3A_180 : vector<400x384xi32>
    %bitcast_convert_type3A_182 = tpu.bitcast %shift_left3A_181 : vector<400x384xi32> -> vector<400x384xf32>
    %mul3A_183 = arith.mulf %bitcast_convert_type3A, %bitcast_convert_type3A_182 : vector<400x384xf32>
    %dot_general3A_184 = arith.constant dense<0.000000e+00> : vector<400x8xf32>
    %dot_general3A_185 = tpu.matmul %mul3A_183, %get3A_6, %dot_general3A_184 {dimension_numbers = #tpu.dot_dimension_numbers<[1], [0], [0], [1], [0, 0, 1, 1], [], []>, transpose_lhs_hint = false} : vector<400x384xf32>, vector<384x8xf32>, vector<400x8xf32> -> vector<400x8xf32>
    %get3A_186 = arith.constant 6 : index
    %get3A_187 = arith.constant 0 : index
    %get3A_188 = arith.constant 0 : index
    %get3A_189 = vector.load %arg4[%get3A_186, %get3A_187, %get3A_188] : memref<16x400x8xf32, #tpu.memory_space<vmem>>, vector<1x400x8xf32>
    %get3A_190 = vector.shape_cast %get3A_189 : vector<1x400x8xf32> to vector<400x8xf32>
    %add3A_191 = arith.addf %dot_general3A_185, %get3A_190 : vector<400x8xf32>
    %mul3A_192 = arith.constant 0.353553385 : f32
    %mul3A_193 = vector.broadcast %mul3A_192 : f32 to vector<400x8xf32>
    %mul3A_194 = arith.mulf %add3A_191, %mul3A_193 : vector<400x8xf32>
    %shift_left3A_195 = arith.constant 16 : i32
    %shift_left3A_196 = vector.broadcast %shift_left3A_195 : i32 to vector<400x384xi32>
    %shift_left3A_197 = arith.shli %get3A_46, %shift_left3A_196 : vector<400x384xi32>
    %bitcast_convert_type3A_198 = tpu.bitcast %shift_left3A_197 : vector<400x384xi32> -> vector<400x384xf32>
    %mul3A_199 = arith.mulf %bitcast_convert_type3A, %bitcast_convert_type3A_198 : vector<400x384xf32>
    %dot_general3A_200 = arith.constant dense<0.000000e+00> : vector<400x8xf32>
    %dot_general3A_201 = tpu.matmul %mul3A_199, %get3A_6, %dot_general3A_200 {dimension_numbers = #tpu.dot_dimension_numbers<[1], [0], [0], [1], [0, 0, 1, 1], [], []>, transpose_lhs_hint = false} : vector<400x384xf32>, vector<384x8xf32>, vector<400x8xf32> -> vector<400x8xf32>
    %get3A_202 = arith.constant 7 : index
    %get3A_203 = arith.constant 0 : index
    %get3A_204 = arith.constant 0 : index
    %get3A_205 = vector.load %arg4[%get3A_202, %get3A_203, %get3A_204] : memref<16x400x8xf32, #tpu.memory_space<vmem>>, vector<1x400x8xf32>
    %get3A_206 = vector.shape_cast %get3A_205 : vector<1x400x8xf32> to vector<400x8xf32>
    %add3A_207 = arith.addf %dot_general3A_201, %get3A_206 : vector<400x8xf32>
    %mul3A_208 = arith.constant 0.353553385 : f32
    %mul3A_209 = vector.broadcast %mul3A_208 : f32 to vector<400x8xf32>
    %mul3A_210 = arith.mulf %add3A_207, %mul3A_209 : vector<400x8xf32>
    %shift_left3A_211 = arith.constant 16 : i32
    %shift_left3A_212 = vector.broadcast %shift_left3A_211 : i32 to vector<400x384xi32>
    %shift_left3A_213 = arith.shli %get3A_51, %shift_left3A_212 : vector<400x384xi32>
    %bitcast_convert_type3A_214 = tpu.bitcast %shift_left3A_213 : vector<400x384xi32> -> vector<400x384xf32>
    %mul3A_215 = arith.mulf %bitcast_convert_type3A, %bitcast_convert_type3A_214 : vector<400x384xf32>
    %dot_general3A_216 = arith.constant dense<0.000000e+00> : vector<400x8xf32>
    %dot_general3A_217 = tpu.matmul %mul3A_215, %get3A_6, %dot_general3A_216 {dimension_numbers = #tpu.dot_dimension_numbers<[1], [0], [0], [1], [0, 0, 1, 1], [], []>, transpose_lhs_hint = false} : vector<400x384xf32>, vector<384x8xf32>, vector<400x8xf32> -> vector<400x8xf32>
    %get3A_218 = arith.constant 8 : index
    %get3A_219 = arith.constant 0 : index
    %get3A_220 = arith.constant 0 : index
    %get3A_221 = vector.load %arg4[%get3A_218, %get3A_219, %get3A_220] : memref<16x400x8xf32, #tpu.memory_space<vmem>>, vector<1x400x8xf32>
    %get3A_222 = vector.shape_cast %get3A_221 : vector<1x400x8xf32> to vector<400x8xf32>
    %add3A_223 = arith.addf %dot_general3A_217, %get3A_222 : vector<400x8xf32>
    %mul3A_224 = arith.constant 0.353553385 : f32
    %mul3A_225 = vector.broadcast %mul3A_224 : f32 to vector<400x8xf32>
    %mul3A_226 = arith.mulf %add3A_223, %mul3A_225 : vector<400x8xf32>
    %shift_left3A_227 = arith.constant 16 : i32
    %shift_left3A_228 = vector.broadcast %shift_left3A_227 : i32 to vector<400x384xi32>
    %shift_left3A_229 = arith.shli %get3A_56, %shift_left3A_228 : vector<400x384xi32>
    %bitcast_convert_type3A_230 = tpu.bitcast %shift_left3A_229 : vector<400x384xi32> -> vector<400x384xf32>
    %mul3A_231 = arith.mulf %bitcast_convert_type3A, %bitcast_convert_type3A_230 : vector<400x384xf32>
    %dot_general3A_232 = arith.constant dense<0.000000e+00> : vector<400x8xf32>
    %dot_general3A_233 = tpu.matmul %mul3A_231, %get3A_6, %dot_general3A_232 {dimension_numbers = #tpu.dot_dimension_numbers<[1], [0], [0], [1], [0, 0, 1, 1], [], []>, transpose_lhs_hint = false} : vector<400x384xf32>, vector<384x8xf32>, vector<400x8xf32> -> vector<400x8xf32>
    %get3A_234 = arith.constant 9 : index
    %get3A_235 = arith.constant 0 : index
    %get3A_236 = arith.constant 0 : index
    %get3A_237 = vector.load %arg4[%get3A_234, %get3A_235, %get3A_236] : memref<16x400x8xf32, #tpu.memory_space<vmem>>, vector<1x400x8xf32>
    %get3A_238 = vector.shape_cast %get3A_237 : vector<1x400x8xf32> to vector<400x8xf32>
    %add3A_239 = arith.addf %dot_general3A_233, %get3A_238 : vector<400x8xf32>
    %mul3A_240 = arith.constant 0.353553385 : f32
    %mul3A_241 = vector.broadcast %mul3A_240 : f32 to vector<400x8xf32>
    %mul3A_242 = arith.mulf %add3A_239, %mul3A_241 : vector<400x8xf32>
    %shift_left3A_243 = arith.constant 16 : i32
    %shift_left3A_244 = vector.broadcast %shift_left3A_243 : i32 to vector<400x384xi32>
    %shift_left3A_245 = arith.shli %get3A_61, %shift_left3A_244 : vector<400x384xi32>
    %bitcast_convert_type3A_246 = tpu.bitcast %shift_left3A_245 : vector<400x384xi32> -> vector<400x384xf32>
    %mul3A_247 = arith.mulf %bitcast_convert_type3A, %bitcast_convert_type3A_246 : vector<400x384xf32>
    %dot_general3A_248 = arith.constant dense<0.000000e+00> : vector<400x8xf32>
    %dot_general3A_249 = tpu.matmul %mul3A_247, %get3A_6, %dot_general3A_248 {dimension_numbers = #tpu.dot_dimension_numbers<[1], [0], [0], [1], [0, 0, 1, 1], [], []>, transpose_lhs_hint = false} : vector<400x384xf32>, vector<384x8xf32>, vector<400x8xf32> -> vector<400x8xf32>
    %get3A_250 = arith.constant 10 : index
    %get3A_251 = arith.constant 0 : index
    %get3A_252 = arith.constant 0 : index
    %get3A_253 = vector.load %arg4[%get3A_250, %get3A_251, %get3A_252] : memref<16x400x8xf32, #tpu.memory_space<vmem>>, vector<1x400x8xf32>
    %get3A_254 = vector.shape_cast %get3A_253 : vector<1x400x8xf32> to vector<400x8xf32>
    %add3A_255 = arith.addf %dot_general3A_249, %get3A_254 : vector<400x8xf32>
    %mul3A_256 = arith.constant 0.353553385 : f32
    %mul3A_257 = vector.broadcast %mul3A_256 : f32 to vector<400x8xf32>
    %mul3A_258 = arith.mulf %add3A_255, %mul3A_257 : vector<400x8xf32>
    %shift_left3A_259 = arith.constant 16 : i32
    %shift_left3A_260 = vector.broadcast %shift_left3A_259 : i32 to vector<400x384xi32>
    %shift_left3A_261 = arith.shli %get3A_66, %shift_left3A_260 : vector<400x384xi32>
    %bitcast_convert_type3A_262 = tpu.bitcast %shift_left3A_261 : vector<400x384xi32> -> vector<400x384xf32>
    %mul3A_263 = arith.mulf %bitcast_convert_type3A, %bitcast_convert_type3A_262 : vector<400x384xf32>
    %dot_general3A_264 = arith.constant dense<0.000000e+00> : vector<400x8xf32>
    %dot_general3A_265 = tpu.matmul %mul3A_263, %get3A_6, %dot_general3A_264 {dimension_numbers = #tpu.dot_dimension_numbers<[1], [0], [0], [1], [0, 0, 1, 1], [], []>, transpose_lhs_hint = false} : vector<400x384xf32>, vector<384x8xf32>, vector<400x8xf32> -> vector<400x8xf32>
    %get3A_266 = arith.constant 11 : index
    %get3A_267 = arith.constant 0 : index
    %get3A_268 = arith.constant 0 : index
    %get3A_269 = vector.load %arg4[%get3A_266, %get3A_267, %get3A_268] : memref<16x400x8xf32, #tpu.memory_space<vmem>>, vector<1x400x8xf32>
    %get3A_270 = vector.shape_cast %get3A_269 : vector<1x400x8xf32> to vector<400x8xf32>
    %add3A_271 = arith.addf %dot_general3A_265, %get3A_270 : vector<400x8xf32>
    %mul3A_272 = arith.constant 0.353553385 : f32
    %mul3A_273 = vector.broadcast %mul3A_272 : f32 to vector<400x8xf32>
    %mul3A_274 = arith.mulf %add3A_271, %mul3A_273 : vector<400x8xf32>
    %shift_left3A_275 = arith.constant 16 : i32
    %shift_left3A_276 = vector.broadcast %shift_left3A_275 : i32 to vector<400x384xi32>
    %shift_left3A_277 = arith.shli %get3A_71, %shift_left3A_276 : vector<400x384xi32>
    %bitcast_convert_type3A_278 = tpu.bitcast %shift_left3A_277 : vector<400x384xi32> -> vector<400x384xf32>
    %mul3A_279 = arith.mulf %bitcast_convert_type3A, %bitcast_convert_type3A_278 : vector<400x384xf32>
    %dot_general3A_280 = arith.constant dense<0.000000e+00> : vector<400x8xf32>
    %dot_general3A_281 = tpu.matmul %mul3A_279, %get3A_6, %dot_general3A_280 {dimension_numbers = #tpu.dot_dimension_numbers<[1], [0], [0], [1], [0, 0, 1, 1], [], []>, transpose_lhs_hint = false} : vector<400x384xf32>, vector<384x8xf32>, vector<400x8xf32> -> vector<400x8xf32>
    %get3A_282 = arith.constant 12 : index
    %get3A_283 = arith.constant 0 : index
    %get3A_284 = arith.constant 0 : index
    %get3A_285 = vector.load %arg4[%get3A_282, %get3A_283, %get3A_284] : memref<16x400x8xf32, #tpu.memory_space<vmem>>, vector<1x400x8xf32>
    %get3A_286 = vector.shape_cast %get3A_285 : vector<1x400x8xf32> to vector<400x8xf32>
    %add3A_287 = arith.addf %dot_general3A_281, %get3A_286 : vector<400x8xf32>
    %mul3A_288 = arith.constant 0.353553385 : f32
    %mul3A_289 = vector.broadcast %mul3A_288 : f32 to vector<400x8xf32>
    %mul3A_290 = arith.mulf %add3A_287, %mul3A_289 : vector<400x8xf32>
    %shift_left3A_291 = arith.constant 16 : i32
    %shift_left3A_292 = vector.broadcast %shift_left3A_291 : i32 to vector<400x384xi32>
    %shift_left3A_293 = arith.shli %get3A_76, %shift_left3A_292 : vector<400x384xi32>
    %bitcast_convert_type3A_294 = tpu.bitcast %shift_left3A_293 : vector<400x384xi32> -> vector<400x384xf32>
    %mul3A_295 = arith.mulf %bitcast_convert_type3A, %bitcast_convert_type3A_294 : vector<400x384xf32>
    %dot_general3A_296 = arith.constant dense<0.000000e+00> : vector<400x8xf32>
    %dot_general3A_297 = tpu.matmul %mul3A_295, %get3A_6, %dot_general3A_296 {dimension_numbers = #tpu.dot_dimension_numbers<[1], [0], [0], [1], [0, 0, 1, 1], [], []>, transpose_lhs_hint = false} : vector<400x384xf32>, vector<384x8xf32>, vector<400x8xf32> -> vector<400x8xf32>
    %get3A_298 = arith.constant 13 : index
    %get3A_299 = arith.constant 0 : index
    %get3A_300 = arith.constant 0 : index
    %get3A_301 = vector.load %arg4[%get3A_298, %get3A_299, %get3A_300] : memref<16x400x8xf32, #tpu.memory_space<vmem>>, vector<1x400x8xf32>
    %get3A_302 = vector.shape_cast %get3A_301 : vector<1x400x8xf32> to vector<400x8xf32>
    %add3A_303 = arith.addf %dot_general3A_297, %get3A_302 : vector<400x8xf32>
    %mul3A_304 = arith.constant 0.353553385 : f32
    %mul3A_305 = vector.broadcast %mul3A_304 : f32 to vector<400x8xf32>
    %mul3A_306 = arith.mulf %add3A_303, %mul3A_305 : vector<400x8xf32>
    %shift_left3A_307 = arith.constant 16 : i32
    %shift_left3A_308 = vector.broadcast %shift_left3A_307 : i32 to vector<400x384xi32>
    %shift_left3A_309 = arith.shli %get3A_81, %shift_left3A_308 : vector<400x384xi32>
    %bitcast_convert_type3A_310 = tpu.bitcast %shift_left3A_309 : vector<400x384xi32> -> vector<400x384xf32>
    %mul3A_311 = arith.mulf %bitcast_convert_type3A, %bitcast_convert_type3A_310 : vector<400x384xf32>
    %dot_general3A_312 = arith.constant dense<0.000000e+00> : vector<400x8xf32>
    %dot_general3A_313 = tpu.matmul %mul3A_311, %get3A_6, %dot_general3A_312 {dimension_numbers = #tpu.dot_dimension_numbers<[1], [0], [0], [1], [0, 0, 1, 1], [], []>, transpose_lhs_hint = false} : vector<400x384xf32>, vector<384x8xf32>, vector<400x8xf32> -> vector<400x8xf32>
    %get3A_314 = arith.constant 14 : index
    %get3A_315 = arith.constant 0 : index
    %get3A_316 = arith.constant 0 : index
    %get3A_317 = vector.load %arg4[%get3A_314, %get3A_315, %get3A_316] : memref<16x400x8xf32, #tpu.memory_space<vmem>>, vector<1x400x8xf32>
    %get3A_318 = vector.shape_cast %get3A_317 : vector<1x400x8xf32> to vector<400x8xf32>
    %add3A_319 = arith.addf %dot_general3A_313, %get3A_318 : vector<400x8xf32>
    %mul3A_320 = arith.constant 0.353553385 : f32
    %mul3A_321 = vector.broadcast %mul3A_320 : f32 to vector<400x8xf32>
    %mul3A_322 = arith.mulf %add3A_319, %mul3A_321 : vector<400x8xf32>
    %shift_left3A_323 = arith.constant 16 : i32
    %shift_left3A_324 = vector.broadcast %shift_left3A_323 : i32 to vector<400x384xi32>
    %shift_left3A_325 = arith.shli %get3A_86, %shift_left3A_324 : vector<400x384xi32>
    %bitcast_convert_type3A_326 = tpu.bitcast %shift_left3A_325 : vector<400x384xi32> -> vector<400x384xf32>
    %mul3A_327 = arith.mulf %bitcast_convert_type3A, %bitcast_convert_type3A_326 : vector<400x384xf32>
    %dot_general3A_328 = arith.constant dense<0.000000e+00> : vector<400x8xf32>
    %dot_general3A_329 = tpu.matmul %mul3A_327, %get3A_6, %dot_general3A_328 {dimension_numbers = #tpu.dot_dimension_numbers<[1], [0], [0], [1], [0, 0, 1, 1], [], []>, transpose_lhs_hint = false} : vector<400x384xf32>, vector<384x8xf32>, vector<400x8xf32> -> vector<400x8xf32>
    %get3A_330 = arith.constant 15 : index
    %get3A_331 = arith.constant 0 : index
    %get3A_332 = arith.constant 0 : index
    %get3A_333 = vector.load %arg4[%get3A_330, %get3A_331, %get3A_332] : memref<16x400x8xf32, #tpu.memory_space<vmem>>, vector<1x400x8xf32>
    %get3A_334 = vector.shape_cast %get3A_333 : vector<1x400x8xf32> to vector<400x8xf32>
    %add3A_335 = arith.addf %dot_general3A_329, %get3A_334 : vector<400x8xf32>
    %mul3A_336 = arith.constant 0.353553385 : f32
    %mul3A_337 = vector.broadcast %mul3A_336 : f32 to vector<400x8xf32>
    %mul3A_338 = arith.mulf %add3A_335, %mul3A_337 : vector<400x8xf32>
    %max3A = arith.maximumf %mul3A_98, %mul3A_114 : vector<400x8xf32>
    %max3A_339 = arith.maximumf %max3A, %mul3A_130 : vector<400x8xf32>
    %max3A_340 = arith.maximumf %max3A_339, %mul3A_146 : vector<400x8xf32>
    %max3A_341 = arith.maximumf %max3A_340, %mul3A_162 : vector<400x8xf32>
    %max3A_342 = arith.maximumf %max3A_341, %mul3A_178 : vector<400x8xf32>
    %max3A_343 = arith.maximumf %max3A_342, %mul3A_194 : vector<400x8xf32>
    %max3A_344 = arith.maximumf %max3A_343, %mul3A_210 : vector<400x8xf32>
    %max3A_345 = arith.maximumf %max3A_344, %mul3A_226 : vector<400x8xf32>
    %max3A_346 = arith.maximumf %max3A_345, %mul3A_242 : vector<400x8xf32>
    %max3A_347 = arith.maximumf %max3A_346, %mul3A_258 : vector<400x8xf32>
    %max3A_348 = arith.maximumf %max3A_347, %mul3A_274 : vector<400x8xf32>
    %max3A_349 = arith.maximumf %max3A_348, %mul3A_290 : vector<400x8xf32>
    %max3A_350 = arith.maximumf %max3A_349, %mul3A_306 : vector<400x8xf32>
    %max3A_351 = arith.maximumf %max3A_350, %mul3A_322 : vector<400x8xf32>
    %max3A_352 = arith.maximumf %max3A_351, %mul3A_338 : vector<400x8xf32>
    %sub3A = arith.subf %mul3A_98, %max3A_352 : vector<400x8xf32>
    %exp3A = math.exp %sub3A : vector<400x8xf32>
    %sub3A_353 = arith.subf %mul3A_114, %max3A_352 : vector<400x8xf32>
    %exp3A_354 = math.exp %sub3A_353 : vector<400x8xf32>
    %sub3A_355 = arith.subf %mul3A_130, %max3A_352 : vector<400x8xf32>
    %exp3A_356 = math.exp %sub3A_355 : vector<400x8xf32>
    %sub3A_357 = arith.subf %mul3A_146, %max3A_352 : vector<400x8xf32>
    %exp3A_358 = math.exp %sub3A_357 : vector<400x8xf32>
    %sub3A_359 = arith.subf %mul3A_162, %max3A_352 : vector<400x8xf32>
    %exp3A_360 = math.exp %sub3A_359 : vector<400x8xf32>
    %sub3A_361 = arith.subf %mul3A_178, %max3A_352 : vector<400x8xf32>
    %exp3A_362 = math.exp %sub3A_361 : vector<400x8xf32>
    %sub3A_363 = arith.subf %mul3A_194, %max3A_352 : vector<400x8xf32>
    %exp3A_364 = math.exp %sub3A_363 : vector<400x8xf32>
    %sub3A_365 = arith.subf %mul3A_210, %max3A_352 : vector<400x8xf32>
    %exp3A_366 = math.exp %sub3A_365 : vector<400x8xf32>
    %sub3A_367 = arith.subf %mul3A_226, %max3A_352 : vector<400x8xf32>
    %exp3A_368 = math.exp %sub3A_367 : vector<400x8xf32>
    %sub3A_369 = arith.subf %mul3A_242, %max3A_352 : vector<400x8xf32>
    %exp3A_370 = math.exp %sub3A_369 : vector<400x8xf32>
    %sub3A_371 = arith.subf %mul3A_258, %max3A_352 : vector<400x8xf32>
    %exp3A_372 = math.exp %sub3A_371 : vector<400x8xf32>
    %sub3A_373 = arith.subf %mul3A_274, %max3A_352 : vector<400x8xf32>
    %exp3A_374 = math.exp %sub3A_373 : vector<400x8xf32>
    %sub3A_375 = arith.subf %mul3A_290, %max3A_352 : vector<400x8xf32>
    %exp3A_376 = math.exp %sub3A_375 : vector<400x8xf32>
    %sub3A_377 = arith.subf %mul3A_306, %max3A_352 : vector<400x8xf32>
    %exp3A_378 = math.exp %sub3A_377 : vector<400x8xf32>
    %sub3A_379 = arith.subf %mul3A_322, %max3A_352 : vector<400x8xf32>
    %exp3A_380 = math.exp %sub3A_379 : vector<400x8xf32>
    %sub3A_381 = arith.subf %mul3A_338, %max3A_352 : vector<400x8xf32>
    %exp3A_382 = math.exp %sub3A_381 : vector<400x8xf32>
    %add3A_383 = arith.addf %exp3A, %exp3A_354 : vector<400x8xf32>
    %add3A_384 = arith.addf %add3A_383, %exp3A_356 : vector<400x8xf32>
    %add3A_385 = arith.addf %add3A_384, %exp3A_358 : vector<400x8xf32>
    %add3A_386 = arith.addf %add3A_385, %exp3A_360 : vector<400x8xf32>
    %add3A_387 = arith.addf %add3A_386, %exp3A_362 : vector<400x8xf32>
    %add3A_388 = arith.addf %add3A_387, %exp3A_364 : vector<400x8xf32>
    %add3A_389 = arith.addf %add3A_388, %exp3A_366 : vector<400x8xf32>
    %add3A_390 = arith.addf %add3A_389, %exp3A_368 : vector<400x8xf32>
    %add3A_391 = arith.addf %add3A_390, %exp3A_370 : vector<400x8xf32>
    %add3A_392 = arith.addf %add3A_391, %exp3A_372 : vector<400x8xf32>
    %add3A_393 = arith.addf %add3A_392, %exp3A_374 : vector<400x8xf32>
    %add3A_394 = arith.addf %add3A_393, %exp3A_376 : vector<400x8xf32>
    %add3A_395 = arith.addf %add3A_394, %exp3A_378 : vector<400x8xf32>
    %add3A_396 = arith.addf %add3A_395, %exp3A_380 : vector<400x8xf32>
    %add3A_397 = arith.addf %add3A_396, %exp3A_382 : vector<400x8xf32>
    %div3A = arith.constant 1.000000e+00 : f32
    %div3A_398 = vector.broadcast %div3A : f32 to vector<400x8xf32>
    %div3A_399 = arith.divf %div3A_398, %add3A_397 : vector<400x8xf32>
    %get3A_400 = arith.constant 0 : index
    %get3A_401 = arith.constant 0 : index
    %get3A_402 = vector.load %arg7[%get3A_400, %get3A_401] : memref<8x384xf32, #tpu.memory_space<vmem>>, vector<8x384xf32>
    %broadcast_in_dim3A = arith.constant 0.000000e+00 : f32
    %broadcast_in_dim3A_403 = vector.broadcast %broadcast_in_dim3A : f32 to vector<400x384xf32>
    %mul3A_404 = arith.mulf %exp3A, %div3A_399 : vector<400x8xf32>
    %and3A_405 = arith.constant -65536 : i32
    %and3A_406 = vector.broadcast %and3A_405 : i32 to vector<400x384xi32>
    %and3A_407 = arith.andi %get3A_11, %and3A_406 : vector<400x384xi32>
    %bitcast_convert_type3A_408 = tpu.bitcast %and3A_407 : vector<400x384xi32> -> vector<400x384xf32>
    %dot_general3A_409 = arith.constant dense<0.000000e+00> : vector<400x384xf32>
    %dot_general3A_410 = tpu.matmul %mul3A_404, %get3A_402, %dot_general3A_409 {dimension_numbers = #tpu.dot_dimension_numbers<[1], [0], [0], [1], [0, 0, 1, 1], [], []>, transpose_lhs_hint = false} : vector<400x8xf32>, vector<8x384xf32>, vector<400x384xf32> -> vector<400x384xf32>
    %mul3A_411 = arith.mulf %dot_general3A_410, %bitcast_convert_type3A_408 : vector<400x384xf32>
    %add3A_412 = arith.addf %broadcast_in_dim3A_403, %mul3A_411 : vector<400x384xf32>
    %mul3A_413 = arith.mulf %exp3A_354, %div3A_399 : vector<400x8xf32>
    %and3A_414 = arith.constant -65536 : i32
    %and3A_415 = vector.broadcast %and3A_414 : i32 to vector<400x384xi32>
    %and3A_416 = arith.andi %get3A_16, %and3A_415 : vector<400x384xi32>
    %bitcast_convert_type3A_417 = tpu.bitcast %and3A_416 : vector<400x384xi32> -> vector<400x384xf32>
    %dot_general3A_418 = arith.constant dense<0.000000e+00> : vector<400x384xf32>
    %dot_general3A_419 = tpu.matmul %mul3A_413, %get3A_402, %dot_general3A_418 {dimension_numbers = #tpu.dot_dimension_numbers<[1], [0], [0], [1], [0, 0, 1, 1], [], []>, transpose_lhs_hint = false} : vector<400x8xf32>, vector<8x384xf32>, vector<400x384xf32> -> vector<400x384xf32>
    %mul3A_420 = arith.mulf %dot_general3A_419, %bitcast_convert_type3A_417 : vector<400x384xf32>
    %add3A_421 = arith.addf %add3A_412, %mul3A_420 : vector<400x384xf32>
    %mul3A_422 = arith.mulf %exp3A_356, %div3A_399 : vector<400x8xf32>
    %and3A_423 = arith.constant -65536 : i32
    %and3A_424 = vector.broadcast %and3A_423 : i32 to vector<400x384xi32>
    %and3A_425 = arith.andi %get3A_21, %and3A_424 : vector<400x384xi32>
    %bitcast_convert_type3A_426 = tpu.bitcast %and3A_425 : vector<400x384xi32> -> vector<400x384xf32>
    %dot_general3A_427 = arith.constant dense<0.000000e+00> : vector<400x384xf32>
    %dot_general3A_428 = tpu.matmul %mul3A_422, %get3A_402, %dot_general3A_427 {dimension_numbers = #tpu.dot_dimension_numbers<[1], [0], [0], [1], [0, 0, 1, 1], [], []>, transpose_lhs_hint = false} : vector<400x8xf32>, vector<8x384xf32>, vector<400x384xf32> -> vector<400x384xf32>
    %mul3A_429 = arith.mulf %dot_general3A_428, %bitcast_convert_type3A_426 : vector<400x384xf32>
    %add3A_430 = arith.addf %add3A_421, %mul3A_429 : vector<400x384xf32>
    %mul3A_431 = arith.mulf %exp3A_358, %div3A_399 : vector<400x8xf32>
    %and3A_432 = arith.constant -65536 : i32
    %and3A_433 = vector.broadcast %and3A_432 : i32 to vector<400x384xi32>
    %and3A_434 = arith.andi %get3A_26, %and3A_433 : vector<400x384xi32>
    %bitcast_convert_type3A_435 = tpu.bitcast %and3A_434 : vector<400x384xi32> -> vector<400x384xf32>
    %dot_general3A_436 = arith.constant dense<0.000000e+00> : vector<400x384xf32>
    %dot_general3A_437 = tpu.matmul %mul3A_431, %get3A_402, %dot_general3A_436 {dimension_numbers = #tpu.dot_dimension_numbers<[1], [0], [0], [1], [0, 0, 1, 1], [], []>, transpose_lhs_hint = false} : vector<400x8xf32>, vector<8x384xf32>, vector<400x384xf32> -> vector<400x384xf32>
    %mul3A_438 = arith.mulf %dot_general3A_437, %bitcast_convert_type3A_435 : vector<400x384xf32>
    %add3A_439 = arith.addf %add3A_430, %mul3A_438 : vector<400x384xf32>
    %mul3A_440 = arith.mulf %exp3A_360, %div3A_399 : vector<400x8xf32>
    %and3A_441 = arith.constant -65536 : i32
    %and3A_442 = vector.broadcast %and3A_441 : i32 to vector<400x384xi32>
    %and3A_443 = arith.andi %get3A_31, %and3A_442 : vector<400x384xi32>
    %bitcast_convert_type3A_444 = tpu.bitcast %and3A_443 : vector<400x384xi32> -> vector<400x384xf32>
    %dot_general3A_445 = arith.constant dense<0.000000e+00> : vector<400x384xf32>
    %dot_general3A_446 = tpu.matmul %mul3A_440, %get3A_402, %dot_general3A_445 {dimension_numbers = #tpu.dot_dimension_numbers<[1], [0], [0], [1], [0, 0, 1, 1], [], []>, transpose_lhs_hint = false} : vector<400x8xf32>, vector<8x384xf32>, vector<400x384xf32> -> vector<400x384xf32>
    %mul3A_447 = arith.mulf %dot_general3A_446, %bitcast_convert_type3A_444 : vector<400x384xf32>
    %add3A_448 = arith.addf %add3A_439, %mul3A_447 : vector<400x384xf32>
    %mul3A_449 = arith.mulf %exp3A_362, %div3A_399 : vector<400x8xf32>
    %and3A_450 = arith.constant -65536 : i32
    %and3A_451 = vector.broadcast %and3A_450 : i32 to vector<400x384xi32>
    %and3A_452 = arith.andi %get3A_36, %and3A_451 : vector<400x384xi32>
    %bitcast_convert_type3A_453 = tpu.bitcast %and3A_452 : vector<400x384xi32> -> vector<400x384xf32>
    %dot_general3A_454 = arith.constant dense<0.000000e+00> : vector<400x384xf32>
    %dot_general3A_455 = tpu.matmul %mul3A_449, %get3A_402, %dot_general3A_454 {dimension_numbers = #tpu.dot_dimension_numbers<[1], [0], [0], [1], [0, 0, 1, 1], [], []>, transpose_lhs_hint = false} : vector<400x8xf32>, vector<8x384xf32>, vector<400x384xf32> -> vector<400x384xf32>
    %mul3A_456 = arith.mulf %dot_general3A_455, %bitcast_convert_type3A_453 : vector<400x384xf32>
    %add3A_457 = arith.addf %add3A_448, %mul3A_456 : vector<400x384xf32>
    %mul3A_458 = arith.mulf %exp3A_364, %div3A_399 : vector<400x8xf32>
    %and3A_459 = arith.constant -65536 : i32
    %and3A_460 = vector.broadcast %and3A_459 : i32 to vector<400x384xi32>
    %and3A_461 = arith.andi %get3A_41, %and3A_460 : vector<400x384xi32>
    %bitcast_convert_type3A_462 = tpu.bitcast %and3A_461 : vector<400x384xi32> -> vector<400x384xf32>
    %dot_general3A_463 = arith.constant dense<0.000000e+00> : vector<400x384xf32>
    %dot_general3A_464 = tpu.matmul %mul3A_458, %get3A_402, %dot_general3A_463 {dimension_numbers = #tpu.dot_dimension_numbers<[1], [0], [0], [1], [0, 0, 1, 1], [], []>, transpose_lhs_hint = false} : vector<400x8xf32>, vector<8x384xf32>, vector<400x384xf32> -> vector<400x384xf32>
    %mul3A_465 = arith.mulf %dot_general3A_464, %bitcast_convert_type3A_462 : vector<400x384xf32>
    %add3A_466 = arith.addf %add3A_457, %mul3A_465 : vector<400x384xf32>
    %mul3A_467 = arith.mulf %exp3A_366, %div3A_399 : vector<400x8xf32>
    %and3A_468 = arith.constant -65536 : i32
    %and3A_469 = vector.broadcast %and3A_468 : i32 to vector<400x384xi32>
    %and3A_470 = arith.andi %get3A_46, %and3A_469 : vector<400x384xi32>
    %bitcast_convert_type3A_471 = tpu.bitcast %and3A_470 : vector<400x384xi32> -> vector<400x384xf32>
    %dot_general3A_472 = arith.constant dense<0.000000e+00> : vector<400x384xf32>
    %dot_general3A_473 = tpu.matmul %mul3A_467, %get3A_402, %dot_general3A_472 {dimension_numbers = #tpu.dot_dimension_numbers<[1], [0], [0], [1], [0, 0, 1, 1], [], []>, transpose_lhs_hint = false} : vector<400x8xf32>, vector<8x384xf32>, vector<400x384xf32> -> vector<400x384xf32>
    %mul3A_474 = arith.mulf %dot_general3A_473, %bitcast_convert_type3A_471 : vector<400x384xf32>
    %add3A_475 = arith.addf %add3A_466, %mul3A_474 : vector<400x384xf32>
    %mul3A_476 = arith.mulf %exp3A_368, %div3A_399 : vector<400x8xf32>
    %and3A_477 = arith.constant -65536 : i32
    %and3A_478 = vector.broadcast %and3A_477 : i32 to vector<400x384xi32>
    %and3A_479 = arith.andi %get3A_51, %and3A_478 : vector<400x384xi32>
    %bitcast_convert_type3A_480 = tpu.bitcast %and3A_479 : vector<400x384xi32> -> vector<400x384xf32>
    %dot_general3A_481 = arith.constant dense<0.000000e+00> : vector<400x384xf32>
    %dot_general3A_482 = tpu.matmul %mul3A_476, %get3A_402, %dot_general3A_481 {dimension_numbers = #tpu.dot_dimension_numbers<[1], [0], [0], [1], [0, 0, 1, 1], [], []>, transpose_lhs_hint = false} : vector<400x8xf32>, vector<8x384xf32>, vector<400x384xf32> -> vector<400x384xf32>
    %mul3A_483 = arith.mulf %dot_general3A_482, %bitcast_convert_type3A_480 : vector<400x384xf32>
    %add3A_484 = arith.addf %add3A_475, %mul3A_483 : vector<400x384xf32>
    %mul3A_485 = arith.mulf %exp3A_370, %div3A_399 : vector<400x8xf32>
    %and3A_486 = arith.constant -65536 : i32
    %and3A_487 = vector.broadcast %and3A_486 : i32 to vector<400x384xi32>
    %and3A_488 = arith.andi %get3A_56, %and3A_487 : vector<400x384xi32>
    %bitcast_convert_type3A_489 = tpu.bitcast %and3A_488 : vector<400x384xi32> -> vector<400x384xf32>
    %dot_general3A_490 = arith.constant dense<0.000000e+00> : vector<400x384xf32>
    %dot_general3A_491 = tpu.matmul %mul3A_485, %get3A_402, %dot_general3A_490 {dimension_numbers = #tpu.dot_dimension_numbers<[1], [0], [0], [1], [0, 0, 1, 1], [], []>, transpose_lhs_hint = false} : vector<400x8xf32>, vector<8x384xf32>, vector<400x384xf32> -> vector<400x384xf32>
    %mul3A_492 = arith.mulf %dot_general3A_491, %bitcast_convert_type3A_489 : vector<400x384xf32>
    %add3A_493 = arith.addf %add3A_484, %mul3A_492 : vector<400x384xf32>
    %mul3A_494 = arith.mulf %exp3A_372, %div3A_399 : vector<400x8xf32>
    %and3A_495 = arith.constant -65536 : i32
    %and3A_496 = vector.broadcast %and3A_495 : i32 to vector<400x384xi32>
    %and3A_497 = arith.andi %get3A_61, %and3A_496 : vector<400x384xi32>
    %bitcast_convert_type3A_498 = tpu.bitcast %and3A_497 : vector<400x384xi32> -> vector<400x384xf32>
    %dot_general3A_499 = arith.constant dense<0.000000e+00> : vector<400x384xf32>
    %dot_general3A_500 = tpu.matmul %mul3A_494, %get3A_402, %dot_general3A_499 {dimension_numbers = #tpu.dot_dimension_numbers<[1], [0], [0], [1], [0, 0, 1, 1], [], []>, transpose_lhs_hint = false} : vector<400x8xf32>, vector<8x384xf32>, vector<400x384xf32> -> vector<400x384xf32>
    %mul3A_501 = arith.mulf %dot_general3A_500, %bitcast_convert_type3A_498 : vector<400x384xf32>
    %add3A_502 = arith.addf %add3A_493, %mul3A_501 : vector<400x384xf32>
    %mul3A_503 = arith.mulf %exp3A_374, %div3A_399 : vector<400x8xf32>
    %and3A_504 = arith.constant -65536 : i32
    %and3A_505 = vector.broadcast %and3A_504 : i32 to vector<400x384xi32>
    %and3A_506 = arith.andi %get3A_66, %and3A_505 : vector<400x384xi32>
    %bitcast_convert_type3A_507 = tpu.bitcast %and3A_506 : vector<400x384xi32> -> vector<400x384xf32>
    %dot_general3A_508 = arith.constant dense<0.000000e+00> : vector<400x384xf32>
    %dot_general3A_509 = tpu.matmul %mul3A_503, %get3A_402, %dot_general3A_508 {dimension_numbers = #tpu.dot_dimension_numbers<[1], [0], [0], [1], [0, 0, 1, 1], [], []>, transpose_lhs_hint = false} : vector<400x8xf32>, vector<8x384xf32>, vector<400x384xf32> -> vector<400x384xf32>
    %mul3A_510 = arith.mulf %dot_general3A_509, %bitcast_convert_type3A_507 : vector<400x384xf32>
    %add3A_511 = arith.addf %add3A_502, %mul3A_510 : vector<400x384xf32>
    %mul3A_512 = arith.mulf %exp3A_376, %div3A_399 : vector<400x8xf32>
    %and3A_513 = arith.constant -65536 : i32
    %and3A_514 = vector.broadcast %and3A_513 : i32 to vector<400x384xi32>
    %and3A_515 = arith.andi %get3A_71, %and3A_514 : vector<400x384xi32>
    %bitcast_convert_type3A_516 = tpu.bitcast %and3A_515 : vector<400x384xi32> -> vector<400x384xf32>
    %dot_general3A_517 = arith.constant dense<0.000000e+00> : vector<400x384xf32>
    %dot_general3A_518 = tpu.matmul %mul3A_512, %get3A_402, %dot_general3A_517 {dimension_numbers = #tpu.dot_dimension_numbers<[1], [0], [0], [1], [0, 0, 1, 1], [], []>, transpose_lhs_hint = false} : vector<400x8xf32>, vector<8x384xf32>, vector<400x384xf32> -> vector<400x384xf32>
    %mul3A_519 = arith.mulf %dot_general3A_518, %bitcast_convert_type3A_516 : vector<400x384xf32>
    %add3A_520 = arith.addf %add3A_511, %mul3A_519 : vector<400x384xf32>
    %mul3A_521 = arith.mulf %exp3A_378, %div3A_399 : vector<400x8xf32>
    %and3A_522 = arith.constant -65536 : i32
    %and3A_523 = vector.broadcast %and3A_522 : i32 to vector<400x384xi32>
    %and3A_524 = arith.andi %get3A_76, %and3A_523 : vector<400x384xi32>
    %bitcast_convert_type3A_525 = tpu.bitcast %and3A_524 : vector<400x384xi32> -> vector<400x384xf32>
    %dot_general3A_526 = arith.constant dense<0.000000e+00> : vector<400x384xf32>
    %dot_general3A_527 = tpu.matmul %mul3A_521, %get3A_402, %dot_general3A_526 {dimension_numbers = #tpu.dot_dimension_numbers<[1], [0], [0], [1], [0, 0, 1, 1], [], []>, transpose_lhs_hint = false} : vector<400x8xf32>, vector<8x384xf32>, vector<400x384xf32> -> vector<400x384xf32>
    %mul3A_528 = arith.mulf %dot_general3A_527, %bitcast_convert_type3A_525 : vector<400x384xf32>
    %add3A_529 = arith.addf %add3A_520, %mul3A_528 : vector<400x384xf32>
    %mul3A_530 = arith.mulf %exp3A_380, %div3A_399 : vector<400x8xf32>
    %and3A_531 = arith.constant -65536 : i32
    %and3A_532 = vector.broadcast %and3A_531 : i32 to vector<400x384xi32>
    %and3A_533 = arith.andi %get3A_81, %and3A_532 : vector<400x384xi32>
    %bitcast_convert_type3A_534 = tpu.bitcast %and3A_533 : vector<400x384xi32> -> vector<400x384xf32>
    %dot_general3A_535 = arith.constant dense<0.000000e+00> : vector<400x384xf32>
    %dot_general3A_536 = tpu.matmul %mul3A_530, %get3A_402, %dot_general3A_535 {dimension_numbers = #tpu.dot_dimension_numbers<[1], [0], [0], [1], [0, 0, 1, 1], [], []>, transpose_lhs_hint = false} : vector<400x8xf32>, vector<8x384xf32>, vector<400x384xf32> -> vector<400x384xf32>
    %mul3A_537 = arith.mulf %dot_general3A_536, %bitcast_convert_type3A_534 : vector<400x384xf32>
    %add3A_538 = arith.addf %add3A_529, %mul3A_537 : vector<400x384xf32>
    %mul3A_539 = arith.mulf %exp3A_382, %div3A_399 : vector<400x8xf32>
    %and3A_540 = arith.constant -65536 : i32
    %and3A_541 = vector.broadcast %and3A_540 : i32 to vector<400x384xi32>
    %and3A_542 = arith.andi %get3A_86, %and3A_541 : vector<400x384xi32>
    %bitcast_convert_type3A_543 = tpu.bitcast %and3A_542 : vector<400x384xi32> -> vector<400x384xf32>
    %dot_general3A_544 = arith.constant dense<0.000000e+00> : vector<400x384xf32>
    %dot_general3A_545 = tpu.matmul %mul3A_539, %get3A_402, %dot_general3A_544 {dimension_numbers = #tpu.dot_dimension_numbers<[1], [0], [0], [1], [0, 0, 1, 1], [], []>, transpose_lhs_hint = false} : vector<400x8xf32>, vector<8x384xf32>, vector<400x384xf32> -> vector<400x384xf32>
    %mul3A_546 = arith.mulf %dot_general3A_545, %bitcast_convert_type3A_543 : vector<400x384xf32>
    %add3A_547 = arith.addf %add3A_538, %mul3A_546 : vector<400x384xf32>
    %get3A_548 = arith.constant 0 : index
    %get3A_549 = arith.constant 0 : index
    %get3A_550 = vector.load %arg1[%get3A_548, %get3A_549] : memref<400x320xf32, #tpu.memory_space<vmem>>, vector<400x320xf32>
    %get3A_551 = arith.constant 0 : index
    %get3A_552 = arith.constant 0 : index
    %get3A_553 = vector.load %arg5[%get3A_551, %get3A_552] : memref<320x320xf32, #tpu.memory_space<vmem>>, vector<320x320xf32>
    %dot_general3A_554 = arith.constant dense<0.000000e+00> : vector<400x320xf32>
    %dot_general3A_555 = tpu.matmul %get3A_550, %get3A_553, %dot_general3A_554 {dimension_numbers = #tpu.dot_dimension_numbers<[1], [0], [0], [1], [0, 0, 1, 1], [], []>, transpose_lhs_hint = false} : vector<400x320xf32>, vector<320x320xf32>, vector<400x320xf32> -> vector<400x320xf32>
    %get3A_556 = arith.constant 0 : index
    %get3A_557 = arith.constant 0 : index
    %get3A_558 = vector.load %arg8[%get3A_556, %get3A_557] : memref<384x320xf32, #tpu.memory_space<vmem>>, vector<384x320xf32>
    %dot_general3A_559 = arith.constant dense<0.000000e+00> : vector<400x320xf32>
    %dot_general3A_560 = tpu.matmul %add3A_547, %get3A_558, %dot_general3A_559 {dimension_numbers = #tpu.dot_dimension_numbers<[1], [0], [0], [1], [0, 0, 1, 1], [], []>, transpose_lhs_hint = false} : vector<400x384xf32>, vector<384x320xf32>, vector<400x320xf32> -> vector<400x320xf32>
    %add3A_561 = arith.addf %dot_general3A_555, %dot_general3A_560 : vector<400x320xf32>
    %get3A_562 = arith.constant 0 : index
    %get3A_563 = arith.constant 0 : index
    %get3A_564 = vector.load %arg9[%get3A_562, %get3A_563] : memref<320x5xf32, #tpu.memory_space<vmem>>, vector<320x5xf32>
    %get3A_565 = arith.constant 0 : index
    %get3A_566 = arith.constant 0 : index
    %get3A_567 = vector.load %arg10[%get3A_565, %get3A_566] : memref<5x320xf32, #tpu.memory_space<vmem>>, vector<5x320xf32>
    %dot_general3A_568 = arith.constant dense<0.000000e+00> : vector<400x5xf32>
    %dot_general3A_569 = tpu.matmul %add3A_561, %get3A_564, %dot_general3A_568 {dimension_numbers = #tpu.dot_dimension_numbers<[1], [0], [0], [1], [0, 0, 1, 1], [], []>, transpose_lhs_hint = false} : vector<400x320xf32>, vector<320x5xf32>, vector<400x5xf32> -> vector<400x5xf32>
    %dot_general3A_570 = arith.constant dense<0.000000e+00> : vector<400x320xf32>
    %dot_general3A_571 = tpu.matmul %dot_general3A_569, %get3A_567, %dot_general3A_570 {dimension_numbers = #tpu.dot_dimension_numbers<[1], [0], [0], [1], [0, 0, 1, 1], [], []>, transpose_lhs_hint = false} : vector<400x5xf32>, vector<5x320xf32>, vector<400x320xf32> -> vector<400x320xf32>
    %sub3A_572 = arith.subf %add3A_561, %dot_general3A_571 : vector<400x320xf32>
    %mul3A_573 = arith.mulf %sub3A_572, %sub3A_572 : vector<400x320xf32>
    %dot_general3A_574 = arith.constant dense<0.000000e+00> : vector<400x5xf32>
    %dot_general3A_575 = tpu.matmul %mul3A_573, %get3A_564, %dot_general3A_574 {dimension_numbers = #tpu.dot_dimension_numbers<[1], [0], [0], [1], [0, 0, 1, 1], [], []>, transpose_lhs_hint = false} : vector<400x320xf32>, vector<320x5xf32>, vector<400x5xf32> -> vector<400x5xf32>
    %dot_general3A_576 = arith.constant dense<0.000000e+00> : vector<400x320xf32>
    %dot_general3A_577 = tpu.matmul %dot_general3A_575, %get3A_567, %dot_general3A_576 {dimension_numbers = #tpu.dot_dimension_numbers<[1], [0], [0], [1], [0, 0, 1, 1], [], []>, transpose_lhs_hint = false} : vector<400x5xf32>, vector<5x320xf32>, vector<400x320xf32> -> vector<400x320xf32>
    %add3A_578 = arith.constant 9.99999974E-6 : f32
    %add3A_579 = vector.broadcast %add3A_578 : f32 to vector<400x320xf32>
    %add3A_580 = arith.addf %dot_general3A_577, %add3A_579 : vector<400x320xf32>
    %rsqrt3A = math.rsqrt %add3A_580 : vector<400x320xf32>
    %mul3A_581 = arith.mulf %sub3A_572, %rsqrt3A : vector<400x320xf32>
    %get3A_582 = arith.constant 0 : index
    %get3A_583 = arith.constant 0 : index
    %get3A_584 = vector.load %arg15[%get3A_582, %get3A_583] : memref<1x320xf32, #tpu.memory_space<vmem>>, vector<1x320xf32>
    %mul3A_585 = vector.broadcast %get3A_584 : vector<1x320xf32> to vector<400x320xf32>
    %mul3A_586 = arith.mulf %mul3A_581, %mul3A_585 : vector<400x320xf32>
    %get3A_587 = arith.constant 0 : index
    %get3A_588 = arith.constant 0 : index
    %get3A_589 = vector.load %arg16[%get3A_587, %get3A_588] : memref<1x320xf32, #tpu.memory_space<vmem>>, vector<1x320xf32>
    %add3A_590 = vector.broadcast %get3A_589 : vector<1x320xf32> to vector<400x320xf32>
    %add3A_591 = arith.addf %mul3A_586, %add3A_590 : vector<400x320xf32>
    %convert_element_type3A = arith.truncf %add3A_591 : vector<400x320xf32> to vector<400x320xbf16>
    %get3A_592 = arith.constant 0 : index
    %get3A_593 = arith.constant 0 : index
    %get3A_594 = vector.load %arg11[%get3A_592, %get3A_593] : memref<320x1280xbf16, #tpu.memory_space<vmem>>, vector<320x1280xbf16>
    %dot_general3A_595 = arith.constant dense<0.000000e+00> : vector<400x1280xf32>
    %dot_general3A_596 = tpu.matmul %convert_element_type3A, %get3A_594, %dot_general3A_595 {dimension_numbers = #tpu.dot_dimension_numbers<[1], [0], [0], [1], [0, 0, 1, 1], [], []>, transpose_lhs_hint = false} : vector<400x320xbf16>, vector<320x1280xbf16>, vector<400x1280xf32> -> vector<400x1280xf32>
    %get3A_597 = arith.constant 0 : index
    %get3A_598 = arith.constant 0 : index
    %get3A_599 = vector.load %arg12[%get3A_597, %get3A_598] : memref<1x1280xf32, #tpu.memory_space<vmem>>, vector<1x1280xf32>
    %add3A_600 = vector.broadcast %get3A_599 : vector<1x1280xf32> to vector<400x1280xf32>
    %add3A_601 = arith.addf %dot_general3A_596, %add3A_600 : vector<400x1280xf32>
    %max3A_602 = arith.constant 0.000000e+00 : f32
    %max3A_603 = vector.broadcast %max3A_602 : f32 to vector<400x1280xf32>
    %max3A_604 = arith.maximumf %add3A_601, %max3A_603 : vector<400x1280xf32>
    %convert_element_type3A_605 = arith.truncf %max3A_604 : vector<400x1280xf32> to vector<400x1280xbf16>
    %get3A_606 = arith.constant 0 : index
    %get3A_607 = arith.constant 0 : index
    %get3A_608 = vector.load %arg13[%get3A_606, %get3A_607] : memref<1280x320xbf16, #tpu.memory_space<vmem>>, vector<1280x320xbf16>
    %dot_general3A_609 = arith.constant dense<0.000000e+00> : vector<400x320xf32>
    %dot_general3A_610 = tpu.matmul %convert_element_type3A_605, %get3A_608, %dot_general3A_609 {dimension_numbers = #tpu.dot_dimension_numbers<[1], [0], [0], [1], [0, 0, 1, 1], [], []>, transpose_lhs_hint = false} : vector<400x1280xbf16>, vector<1280x320xbf16>, vector<400x320xf32> -> vector<400x320xf32>
    %get3A_611 = arith.constant 0 : index
    %get3A_612 = arith.constant 0 : index
    %get3A_613 = vector.load %arg14[%get3A_611, %get3A_612] : memref<1x320xf32, #tpu.memory_space<vmem>>, vector<1x320xf32>
    %add3A_614 = vector.broadcast %get3A_613 : vector<1x320xf32> to vector<400x320xf32>
    %add3A_615 = arith.addf %dot_general3A_610, %add3A_614 : vector<400x320xf32>
    %add3A_616 = arith.addf %add3A_591, %add3A_615 : vector<400x320xf32>
    %dot_general3A_617 = arith.constant dense<0.000000e+00> : vector<400x5xf32>
    %dot_general3A_618 = tpu.matmul %add3A_616, %get3A_564, %dot_general3A_617 {dimension_numbers = #tpu.dot_dimension_numbers<[1], [0], [0], [1], [0, 0, 1, 1], [], []>, transpose_lhs_hint = false} : vector<400x320xf32>, vector<320x5xf32>, vector<400x5xf32> -> vector<400x5xf32>
    %dot_general3A_619 = arith.constant dense<0.000000e+00> : vector<400x320xf32>
    %dot_general3A_620 = tpu.matmul %dot_general3A_618, %get3A_567, %dot_general3A_619 {dimension_numbers = #tpu.dot_dimension_numbers<[1], [0], [0], [1], [0, 0, 1, 1], [], []>, transpose_lhs_hint = false} : vector<400x5xf32>, vector<5x320xf32>, vector<400x320xf32> -> vector<400x320xf32>
    %sub3A_621 = arith.subf %add3A_616, %dot_general3A_620 : vector<400x320xf32>
    %mul3A_622 = arith.mulf %sub3A_621, %sub3A_621 : vector<400x320xf32>
    %dot_general3A_623 = arith.constant dense<0.000000e+00> : vector<400x5xf32>
    %dot_general3A_624 = tpu.matmul %mul3A_622, %get3A_564, %dot_general3A_623 {dimension_numbers = #tpu.dot_dimension_numbers<[1], [0], [0], [1], [0, 0, 1, 1], [], []>, transpose_lhs_hint = false} : vector<400x320xf32>, vector<320x5xf32>, vector<400x5xf32> -> vector<400x5xf32>
    %dot_general3A_625 = arith.constant dense<0.000000e+00> : vector<400x320xf32>
    %dot_general3A_626 = tpu.matmul %dot_general3A_624, %get3A_567, %dot_general3A_625 {dimension_numbers = #tpu.dot_dimension_numbers<[1], [0], [0], [1], [0, 0, 1, 1], [], []>, transpose_lhs_hint = false} : vector<400x5xf32>, vector<5x320xf32>, vector<400x320xf32> -> vector<400x320xf32>
    %add3A_627 = arith.constant 9.99999974E-6 : f32
    %add3A_628 = vector.broadcast %add3A_627 : f32 to vector<400x320xf32>
    %add3A_629 = arith.addf %dot_general3A_626, %add3A_628 : vector<400x320xf32>
    %rsqrt3A_630 = math.rsqrt %add3A_629 : vector<400x320xf32>
    %mul3A_631 = arith.mulf %sub3A_621, %rsqrt3A_630 : vector<400x320xf32>
    %get3A_632 = arith.constant 0 : index
    %get3A_633 = arith.constant 0 : index
    %get3A_634 = vector.load %arg17[%get3A_632, %get3A_633] : memref<320x320xf32, #tpu.memory_space<vmem>>, vector<320x320xf32>
    %dot_general3A_635 = arith.constant dense<0.000000e+00> : vector<400x320xf32>
    %dot_general3A_636 = tpu.matmul %mul3A_631, %get3A_634, %dot_general3A_635 {dimension_numbers = #tpu.dot_dimension_numbers<[1], [0], [0], [1], [0, 0, 1, 1], [], []>, transpose_lhs_hint = false} : vector<400x320xf32>, vector<320x320xf32>, vector<400x320xf32> -> vector<400x320xf32>
    %get3A_637 = arith.constant 0 : index
    %get3A_638 = arith.constant 0 : index
    %get3A_639 = vector.load %arg18[%get3A_637, %get3A_638] : memref<1x320xf32, #tpu.memory_space<vmem>>, vector<1x320xf32>
    %add3A_640 = vector.broadcast %get3A_639 : vector<1x320xf32> to vector<400x320xf32>
    %add3A_641 = arith.addf %dot_general3A_636, %add3A_640 : vector<400x320xf32>
    %swap3A = arith.constant 0 : index
    %swap3A_642 = arith.constant 0 : index
    %swap3A_643 = vector.load %arg19[%swap3A, %swap3A_642] : memref<400x320xf32, #tpu.memory_space<vmem>>, vector<400x320xf32>
    tpu.vector_store %arg19[%swap3A, %swap3A_642], %add3A_641 {strides = array<i32>} : memref<400x320xf32, #tpu.memory_space<vmem>>, vector<400x320xf32>,
    return
  }
  func.func @transform_0(%arg0: i32) -> (i32, i32) {
    %add3A = arith.constant 16 : i32
    %add3A_0 = arith.addi %add3A, %arg0 : i32
    %c0_i32 = arith.constant 0 : i32
    %c0_i32_1 = arith.constant 0 : i32
    return %add3A_0, %c0_i32 : i32, i32
  }
  func.func @transform_1(%arg0: i32) -> (i32, i32) {
    %add3A = arith.constant 16 : i32
    %add3A_0 = arith.addi %add3A, %arg0 : i32
    %c0_i32 = arith.constant 0 : i32
    %c0_i32_1 = arith.constant 0 : i32
    return %add3A_0, %c0_i32 : i32, i32
  }
  func.func @transform_2(%arg0: i32) -> (i32, i32, i32) {
    %c0_i32 = arith.constant 0 : i32
    %c0_i32_0 = arith.constant 0 : i32
    %c0_i32_1 = arith.constant 0 : i32
    return %c0_i32, %arg0, %c0_i32_0 : i32, i32, i32
  }
  func.func @transform_3(%arg0: i32) -> (i32, i32, i32) {
    %add3A = arith.constant 16 : i32
    %add3A_0 = arith.addi %add3A, %arg0 : i32
    %c0_i32 = arith.constant 0 : i32
    %c0_i32_1 = arith.constant 0 : i32
    %c0_i32_2 = arith.constant 0 : i32
    return %c0_i32, %add3A_0, %c0_i32_1 : i32, i32, i32
  }
  func.func @transform_4(%arg0: i32) -> (i32, i32) {
    %c0_i32 = arith.constant 0 : i32
    %c0_i32_0 = arith.constant 0 : i32
    %c0_i32_1 = arith.constant 0 : i32
    return %c0_i32, %c0_i32_0 : i32, i32
  }
  func.func @transform_5(%arg0: i32) -> (i32, i32) {
    %c0_i32 = arith.constant 0 : i32
    %c0_i32_0 = arith.constant 0 : i32
    %c0_i32_1 = arith.constant 0 : i32
    return %c0_i32, %c0_i32_0 : i32, i32
  }
  func.func @transform_6(%arg0: i32) -> (i32, i32) {
    %c0_i32 = arith.constant 0 : i32
    %c0_i32_0 = arith.constant 0 : i32
    %c0_i32_1 = arith.constant 0 : i32
    return %c0_i32, %c0_i32_0 : i32, i32
  }
  func.func @transform_7(%arg0: i32) -> (i32, i32) {
    %c0_i32 = arith.constant 0 : i32
    %c0_i32_0 = arith.constant 0 : i32
    %c0_i32_1 = arith.constant 0 : i32
    return %c0_i32, %c0_i32_0 : i32, i32
  }
  func.func @transform_8(%arg0: i32) -> (i32, i32) {
    %c0_i32 = arith.constant 0 : i32
    %c0_i32_0 = arith.constant 0 : i32
    %c0_i32_1 = arith.constant 0 : i32
    return %c0_i32, %c0_i32_0 : i32, i32
  }
  func.func @transform_9(%arg0: i32) -> (i32, i32) {
    %c0_i32 = arith.constant 0 : i32
    %c0_i32_0 = arith.constant 0 : i32
    %c0_i32_1 = arith.constant 0 : i32
    return %c0_i32, %c0_i32_0 : i32, i32
  }
  func.func @transform_10(%arg0: i32) -> (i32, i32) {
    %c0_i32 = arith.constant 0 : i32
    %c0_i32_0 = arith.constant 0 : i32
    %c0_i32_1 = arith.constant 0 : i32
    return %c0_i32, %c0_i32_0 : i32, i32
  }
  func.func @transform_11(%arg0: i32) -> (i32, i32) {
    %c0_i32 = arith.constant 0 : i32
    %c0_i32_0 = arith.constant 0 : i32
    %c0_i32_1 = arith.constant 0 : i32
    return %c0_i32, %c0_i32_0 : i32, i32
  }
  func.func @transform_12(%arg0: i32) -> (i32, i32) {
    %c0_i32 = arith.constant 0 : i32
    %c0_i32_0 = arith.constant 0 : i32
    %c0_i32_1 = arith.constant 0 : i32
    return %c0_i32, %c0_i32_0 : i32, i32
  }
  func.func @transform_13(%arg0: i32) -> (i32, i32) {
    %c0_i32 = arith.constant 0 : i32
    %c0_i32_0 = arith.constant 0 : i32
    %c0_i32_1 = arith.constant 0 : i32
    return %c0_i32, %c0_i32_0 : i32, i32
  }
  func.func @transform_14(%arg0: i32) -> (i32, i32) {
    %c0_i32 = arith.constant 0 : i32
    %c0_i32_0 = arith.constant 0 : i32
    %c0_i32_1 = arith.constant 0 : i32
    return %c0_i32, %c0_i32_0 : i32, i32
  }
  func.func @transform_15(%arg0: i32) -> (i32, i32) {
    %c0_i32 = arith.constant 0 : i32
    %c0_i32_0 = arith.constant 0 : i32
    %c0_i32_1 = arith.constant 0 : i32
    return %c0_i32, %c0_i32_0 : i32, i32
  }
  func.func @transform_16(%arg0: i32) -> (i32, i32) {
    %c0_i32 = arith.constant 0 : i32
    %c0_i32_0 = arith.constant 0 : i32
    %c0_i32_1 = arith.constant 0 : i32
    return %c0_i32, %c0_i32_0 : i32, i32
  }
  func.func @transform_17(%arg0: i32) -> (i32, i32) {
    %c0_i32 = arith.constant 0 : i32
    %c0_i32_0 = arith.constant 0 : i32
    %c0_i32_1 = arith.constant 0 : i32
    return %c0_i32, %c0_i32_0 : i32, i32
  }
  func.func @transform_18(%arg0: i32) -> (i32, i32) {
    %c0_i32 = arith.constant 0 : i32
    %c0_i32_0 = arith.constant 0 : i32
    return %arg0, %c0_i32 : i32, i32
  }
}

module attributes {stable_mosaic.version = 14 : i64} {
  func.func @_attn_body(%arg0: i32, %arg1: memref<400x320xf32, #tpu.memory_space<vmem>>, %arg2: memref<400x384xi32, #tpu.memory_space<vmem>>, %arg3: memref<16x400x384xi32, #tpu.memory_space<vmem>>, %arg4: memref<16x400x8xf32, #tpu.memory_space<vmem>>, %arg5: memref<320x320xf32, #tpu.memory_space<vmem>>, %arg6: memref<384x8xf32, #tpu.memory_space<vmem>>, %arg7: memref<8x384xf32, #tpu.memory_space<vmem>>, %arg8: memref<384x320xf32, #tpu.memory_space<vmem>>, %arg9: memref<320x5xf32, #tpu.memory_space<vmem>>, %arg10: memref<5x320xf32, #tpu.memory_space<vmem>>, %arg11: memref<320x1280xbf16, #tpu.memory_space<vmem>>, %arg12: memref<1x1280xf32, #tpu.memory_space<vmem>>, %arg13: memref<1280x320xbf16, #tpu.memory_space<vmem>>, %arg14: memref<1x320xf32, #tpu.memory_space<vmem>>, %arg15: memref<1x320xf32, #tpu.memory_space<vmem>>, %arg16: memref<1x320xf32, #tpu.memory_space<vmem>>, %arg17: memref<320x320xf32, #tpu.memory_space<vmem>>, %arg18: memref<1x320xf32, #tpu.memory_space<vmem>>, %arg19: memref<400x320xf32, #tpu.memory_space<vmem>>) attributes {dimension_semantics = [#tpu.dimension_semantics<arbitrary>], iteration_bounds = array<i64: 8>, scalar_prefetch = 0 : i64, scratch_operands = 0 : i64, tpu.core_type = #tpu.core_type<tc>, window_params = [{transform_indices = @transform_0, window_bounds = array<i64: 400, 320>}, {transform_indices = @transform_1, window_bounds = array<i64: 400, 384>}, {transform_indices = @transform_2, window_bounds = array<i64: 16, 400, 384>}, {transform_indices = @transform_3, window_bounds = array<i64: 16, 400, 8>}, {pipeline_mode = #tpu.pipeline_mode<synchronous>, transform_indices = @transform_4, window_bounds = array<i64: 320, 320>}, {pipeline_mode = #tpu.pipeline_mode<synchronous>, transform_indices = @transform_5, window_bounds = array<i64: 384, 8>}, {pipeline_mode = #tpu.pipeline_mode<synchronous>, transform_indices = @transform_6, window_bounds = array<i64: 8, 384>}, {pipeline_mode = #tpu.pipeline_mode<synchronous>, transform_indices = @transform_7, window_bounds = array<i64: 384, 320>}, {pipeline_mode = #tpu.pipeline_mode<synchronous>, transform_indices = @transform_8, window_bounds = array<i64: 320, 5>}, {pipeline_mode = #tpu.pipeline_mode<synchronous>, transform_indices = @transform_9, window_bounds = array<i64: 5, 320>}, {pipeline_mode = #tpu.pipeline_mode<synchronous>, transform_indices = @transform_10, window_bounds = array<i64: 320, 1280>}, {pipeline_mode = #tpu.pipeline_mode<synchronous>, transform_indices = @transform_11, window_bounds = array<i64: 1, 1280>}, {pipeline_mode = #tpu.pipeline_mode<synchronous>, transform_indices = @transform_12, window_bounds = array<i64: 1280, 320>}, {pipeline_mode = #tpu.pipeline_mode<synchronous>, transform_indices = @transform_13, window_bounds = array<i64: 1, 320>}, {pipeline_mode = #tpu.pipeline_mode<synchronous>, transform_indices = @transform_14, window_bounds = array<i64: 1, 320>}, {pipeline_mode = #tpu.pipeline_mode<synchronous>, transform_indices = @transform_15, window_bounds = array<i64: 1, 320>}, {pipeline_mode = #tpu.pipeline_mode<synchronous>, transform_indices = @transform_16, window_bounds = array<i64: 320, 320>}, {pipeline_mode = #tpu.pipeline_mode<synchronous>, transform_indices = @transform_17, window_bounds = array<i64: 1, 320>}, {transform_indices = @transform_18, window_bounds = array<i64: 400, 320>}]} {
    %get3A = arith.constant 0 : index
    %get3A_0 = arith.constant 0 : index
    %get3A_1 = vector.load %arg2[%get3A, %get3A_0] : memref<400x384xi32, #tpu.memory_space<vmem>>, vector<400x384xi32>
    %and3A = arith.constant -65536 : i32
    %and3A_2 = vector.broadcast %and3A : i32 to vector<400x384xi32>
    %and3A_3 = arith.andi %get3A_1, %and3A_2 : vector<400x384xi32>
    %bitcast_convert_type3A = tpu.bitcast %and3A_3 : vector<400x384xi32> -> vector<400x384xf32>
    %get3A_4 = arith.constant 0 : index
    %get3A_5 = arith.constant 0 : index
    %get3A_6 = vector.load %arg6[%get3A_4, %get3A_5] : memref<384x8xf32, #tpu.memory_space<vmem>>, vector<384x8xf32>
    %get3A_7 = arith.constant 0 : index
    %get3A_8 = arith.constant 0 : index
    %get3A_9 = arith.constant 0 : index
    %get3A_10 = vector.load %arg3[%get3A_7, %get3A_8, %get3A_9] : memref<16x400x384xi32, #tpu.memory_space<vmem>>, vector<1x400x384xi32>
    %get3A_11 = vector.shape_cast %get3A_10 : vector<1x400x384xi32> to vector<400x384xi32>
    %get3A_12 = arith.constant 1 : index
    %get3A_13 = arith.constant 0 : index
    %get3A_14 = arith.constant 0 : index
    %get3A_15 = vector.load %arg3[%get3A_12, %get3A_13, %get3A_14] : memref<16x400x384xi32, #tpu.memory_space<vmem>>, vector<1x400x384xi32>
    %get3A_16 = vector.shape_cast %get3A_15 : vector<1x400x384xi32> to vector<400x384xi32>
    %get3A_17 = arith.constant 2 : index
    %get3A_18 = arith.constant 0 : index
    %get3A_19 = arith.constant 0 : index
    %get3A_20 = vector.load %arg3[%get3A_17, %get3A_18, %get3A_19] : memref<16x400x384xi32, #tpu.memory_space<vmem>>, vector<1x400x384xi32>
    %get3A_21 = vector.shape_cast %get3A_20 : vector<1x400x384xi32> to vector<400x384xi32>
    %get3A_22 = arith.constant 3 : index
    %get3A_23 = arith.constant 0 : index
    %get3A_24 = arith.constant 0 : index
    %get3A_25 = vector.load %arg3[%get3A_22, %get3A_23, %get3A_24] : memref<16x400x384xi32, #tpu.memory_space<vmem>>, vector<1x400x384xi32>
    %get3A_26 = vector.shape_cast %get3A_25 : vector<1x400x384xi32> to vector<400x384xi32>
    %get3A_27 = arith.constant 4 : index
    %get3A_28 = arith.constant 0 : index
    %get3A_29 = arith.constant 0 : index
    %get3A_30 = vector.load %arg3[%get3A_27, %get3A_28, %get3A_29] : memref<16x400x384xi32, #tpu.memory_space<vmem>>, vector<1x400x384xi32>
    %get3A_31 = vector.shape_cast %get3A_30 : vector<1x400x384xi32> to vector<400x384xi32>
    %get3A_32 = arith.constant 5 : index
    %get3A_33 = arith.constant 0 : index
    %get3A_34 = arith.constant 0 : index
    %get3A_35 = vector.load %arg3[%get3A_32, %get3A_33, %get3A_34] : memref<16x400x384xi32, #tpu.memory_space<vmem>>, vector<1x400x384xi32>
    %get3A_36 = vector.shape_cast %get3A_35 : vector<1x400x384xi32> to vector<400x384xi32>
    %get3A_37 = arith.constant 6 : index
    %get3A_38 = arith.constant 0 : index
    %get3A_39 = arith.constant 0 : index
    %get3A_40 = vector.load %arg3[%get3A_37, %get3A_38, %get3A_39] : memref<16x400x384xi32, #tpu.memory_space<vmem>>, vector<1x400x384xi32>
    %get3A_41 = vector.shape_cast %get3A_40 : vector<1x400x384xi32> to vector<400x384xi32>
    %get3A_42 = arith.constant 7 : index
    %get3A_43 = arith.constant 0 : index
    %get3A_44 = arith.constant 0 : index
    %get3A_45 = vector.load %arg3[%get3A_42, %get3A_43, %get3A_44] : memref<16x400x384xi32, #tpu.memory_space<vmem>>, vector<1x400x384xi32>
    %get3A_46 = vector.shape_cast %get3A_45 : vector<1x400x384xi32> to vector<400x384xi32>
    %get3A_47 = arith.constant 8 : index
    %get3A_48 = arith.constant 0 : index
    %get3A_49 = arith.constant 0 : index
    %get3A_50 = vector.load %arg3[%get3A_47, %get3A_48, %get3A_49] : memref<16x400x384xi32, #tpu.memory_space<vmem>>, vector<1x400x384xi32>
    %get3A_51 = vector.shape_cast %get3A_50 : vector<1x400x384xi32> to vector<400x384xi32>
    %get3A_52 = arith.constant 9 : index
    %get3A_53 = arith.constant 0 : index
    %get3A_54 = arith.constant 0 : index
    %get3A_55 = vector.load %arg3[%get3A_52, %get3A_53, %get3A_54] : memref<16x400x384xi32, #tpu.memory_space<vmem>>, vector<1x400x384xi32>
    %get3A_56 = vector.shape_cast %get3A_55 : vector<1x400x384xi32> to vector<400x384xi32>
    %get3A_57 = arith.constant 10 : index
    %get3A_58 = arith.constant 0 : index
    %get3A_59 = arith.constant 0 : index
    %get3A_60 = vector.load %arg3[%get3A_57, %get3A_58, %get3A_59] : memref<16x400x384xi32, #tpu.memory_space<vmem>>, vector<1x400x384xi32>
    %get3A_61 = vector.shape_cast %get3A_60 : vector<1x400x384xi32> to vector<400x384xi32>
    %get3A_62 = arith.constant 11 : index
    %get3A_63 = arith.constant 0 : index
    %get3A_64 = arith.constant 0 : index
    %get3A_65 = vector.load %arg3[%get3A_62, %get3A_63, %get3A_64] : memref<16x400x384xi32, #tpu.memory_space<vmem>>, vector<1x400x384xi32>
    %get3A_66 = vector.shape_cast %get3A_65 : vector<1x400x384xi32> to vector<400x384xi32>
    %get3A_67 = arith.constant 12 : index
    %get3A_68 = arith.constant 0 : index
    %get3A_69 = arith.constant 0 : index
    %get3A_70 = vector.load %arg3[%get3A_67, %get3A_68, %get3A_69] : memref<16x400x384xi32, #tpu.memory_space<vmem>>, vector<1x400x384xi32>
    %get3A_71 = vector.shape_cast %get3A_70 : vector<1x400x384xi32> to vector<400x384xi32>
    %get3A_72 = arith.constant 13 : index
    %get3A_73 = arith.constant 0 : index
    %get3A_74 = arith.constant 0 : index
    %get3A_75 = vector.load %arg3[%get3A_72, %get3A_73, %get3A_74] : memref<16x400x384xi32, #tpu.memory_space<vmem>>, vector<1x400x384xi32>
    %get3A_76 = vector.shape_cast %get3A_75 : vector<1x400x384xi32> to vector<400x384xi32>
    %get3A_77 = arith.constant 14 : index
    %get3A_78 = arith.constant 0 : index
    %get3A_79 = arith.constant 0 : index
    %get3A_80 = vector.load %arg3[%get3A_77, %get3A_78, %get3A_79] : memref<16x400x384xi32, #tpu.memory_space<vmem>>, vector<1x400x384xi32>
    %get3A_81 = vector.shape_cast %get3A_80 : vector<1x400x384xi32> to vector<400x384xi32>
    %get3A_82 = arith.constant 15 : index
    %get3A_83 = arith.constant 0 : index
    %get3A_84 = arith.constant 0 : index
    %get3A_85 = vector.load %arg3[%get3A_82, %get3A_83, %get3A_84] : memref<16x400x384xi32, #tpu.memory_space<vmem>>, vector<1x400x384xi32>
    %get3A_86 = vector.shape_cast %get3A_85 : vector<1x400x384xi32> to vector<400x384xi32>
    %shift_left3A = arith.constant 16 : i32
    %shift_left3A_87 = vector.broadcast %shift_left3A : i32 to vector<400x384xi32>
    %shift_left3A_88 = arith.shli %get3A_11, %shift_left3A_87 : vector<400x384xi32>
    %bitcast_convert_type3A_89 = tpu.bitcast %shift_left3A_88 : vector<400x384xi32> -> vector<400x384xf32>
    %mul3A = arith.mulf %bitcast_convert_type3A, %bitcast_convert_type3A_89 : vector<400x384xf32>
    %dot_general3A = arith.constant dense<0.000000e+00> : vector<400x8xf32>
    %dot_general3A_90 = tpu.matmul %mul3A, %get3A_6, %dot_general3A {dimension_numbers = #tpu.dot_dimension_numbers<[1], [0], [0], [1], [0, 0, 1, 1], [], []>, transpose_lhs_hint = false} : vector<400x384xf32>, vector<384x8xf32>, vector<400x8xf32> -> vector<400x8xf32>
    %get3A_91 = arith.constant 0 : index
    %get3A_92 = arith.constant 0 : index
    %get3A_93 = arith.constant 0 : index
    %get3A_94 = vector.load %arg4[%get3A_91, %get3A_92, %get3A_93] : memref<16x400x8xf32, #tpu.memory_space<vmem>>, vector<1x400x8xf32>
    %get3A_95 = vector.shape_cast %get3A_94 : vector<1x400x8xf32> to vector<400x8xf32>
    %add3A = arith.addf %dot_general3A_90, %get3A_95 : vector<400x8xf32>
    %mul3A_96 = arith.constant 0.353553385 : f32
    %mul3A_97 = vector.broadcast %mul3A_96 : f32 to vector<400x8xf32>
    %mul3A_98 = arith.mulf %add3A, %mul3A_97 : vector<400x8xf32>
    %shift_left3A_99 = arith.constant 16 : i32
    %shift_left3A_100 = vector.broadcast %shift_left3A_99 : i32 to vector<400x384xi32>
    %shift_left3A_101 = arith.shli %get3A_16, %shift_left3A_100 : vector<400x384xi32>
    %bitcast_convert_type3A_102 = tpu.bitcast %shift_left3A_101 : vector<400x384xi32> -> vector<400x384xf32>
    %mul3A_103 = arith.mulf %bitcast_convert_type3A, %bitcast_convert_type3A_102 : vector<400x384xf32>
    %dot_general3A_104 = arith.constant dense<0.000000e+00> : vector<400x8xf32>
    %dot_general3A_105 = tpu.matmul %mul3A_103, %get3A_6, %dot_general3A_104 {dimension_numbers = #tpu.dot_dimension_numbers<[1], [0], [0], [1], [0, 0, 1, 1], [], []>, transpose_lhs_hint = false} : vector<400x384xf32>, vector<384x8xf32>, vector<400x8xf32> -> vector<400x8xf32>
    %get3A_106 = arith.constant 1 : index
    %get3A_107 = arith.constant 0 : index
    %get3A_108 = arith.constant 0 : index
    %get3A_109 = vector.load %arg4[%get3A_106, %get3A_107, %get3A_108] : memref<16x400x8xf32, #tpu.memory_space<vmem>>, vector<1x400x8xf32>
    %get3A_110 = vector.shape_cast %get3A_109 : vector<1x400x8xf32> to vector<400x8xf32>
    %add3A_111 = arith.addf %dot_general3A_105, %get3A_110 : vector<400x8xf32>
    %mul3A_112 = arith.constant 0.353553385 : f32
    %mul3A_113 = vector.broadcast %mul3A_112 : f32 to vector<400x8xf32>
    %mul3A_114 = arith.mulf %add3A_111, %mul3A_113 : vector<400x8xf32>
    %shift_left3A_115 = arith.constant 16 : i32
    %shift_left3A_116 = vector.broadcast %shift_left3A_115 : i32 to vector<400x384xi32>
    %shift_left3A_117 = arith.shli %get3A_21, %shift_left3A_116 : vector<400x384xi32>
    %bitcast_convert_type3A_118 = tpu.bitcast %shift_left3A_117 : vector<400x384xi32> -> vector<400x384xf32>
    %mul3A_119 = arith.mulf %bitcast_convert_type3A, %bitcast_convert_type3A_118 : vector<400x384xf32>
    %dot_general3A_120 = arith.constant dense<0.000000e+00> : vector<400x8xf32>
    %dot_general3A_121 = tpu.matmul %mul3A_119, %get3A_6, %dot_general3A_120 {dimension_numbers = #tpu.dot_dimension_numbers<[1], [0], [0], [1], [0, 0, 1, 1], [], []>, transpose_lhs_hint = false} : vector<400x384xf32>, vector<384x8xf32>, vector<400x8xf32> -> vector<400x8xf32>
    %get3A_122 = arith.constant 2 : index
    %get3A_123 = arith.constant 0 : index
    %get3A_124 = arith.constant 0 : index
    %get3A_125 = vector.load %arg4[%get3A_122, %get3A_123, %get3A_124] : memref<16x400x8xf32, #tpu.memory_space<vmem>>, vector<1x400x8xf32>
    %get3A_126 = vector.shape_cast %get3A_125 : vector<1x400x8xf32> to vector<400x8xf32>
    %add3A_127 = arith.addf %dot_general3A_121, %get3A_126 : vector<400x8xf32>
    %mul3A_128 = arith.constant 0.353553385 : f32
    %mul3A_129 = vector.broadcast %mul3A_128 : f32 to vector<400x8xf32>
    %mul3A_130 = arith.mulf %add3A_127, %mul3A_129 : vector<400x8xf32>
    %shift_left3A_131 = arith.constant 16 : i32
    %shift_left3A_132 = vector.broadcast %shift_left3A_131 : i32 to vector<400x384xi32>
    %shift_left3A_133 = arith.shli %get3A_26, %shift_left3A_132 : vector<400x384xi32>
    %bitcast_convert_type3A_134 = tpu.bitcast %shift_left3A_133 : vector<400x384xi32> -> vector<400x384xf32>
    %mul3A_135 = arith.mulf %bitcast_convert_type3A, %bitcast_convert_type3A_134 : vector<400x384xf32>
    %dot_general3A_136 = arith.constant dense<0.000000e+00> : vector<400x8xf32>
    %dot_general3A_137 = tpu.matmul %mul3A_135, %get3A_6, %dot_general3A_136 {dimension_numbers = #tpu.dot_dimension_numbers<[1], [0], [0], [1], [0, 0, 1, 1], [], []>, transpose_lhs_hint = false} : vector<400x384xf32>, vector<384x8xf32>, vector<400x8xf32> -> vector<400x8xf32>
    %get3A_138 = arith.constant 3 : index
    %get3A_139 = arith.constant 0 : index
    %get3A_140 = arith.constant 0 : index
    %get3A_141 = vector.load %arg4[%get3A_138, %get3A_139, %get3A_140] : memref<16x400x8xf32, #tpu.memory_space<vmem>>, vector<1x400x8xf32>
    %get3A_142 = vector.shape_cast %get3A_141 : vector<1x400x8xf32> to vector<400x8xf32>
    %add3A_143 = arith.addf %dot_general3A_137, %get3A_142 : vector<400x8xf32>
    %mul3A_144 = arith.constant 0.353553385 : f32
    %mul3A_145 = vector.broadcast %mul3A_144 : f32 to vector<400x8xf32>
    %mul3A_146 = arith.mulf %add3A_143, %mul3A_145 : vector<400x8xf32>
    %shift_left3A_147 = arith.constant 16 : i32
    %shift_left3A_148 = vector.broadcast %shift_left3A_147 : i32 to vector<400x384xi32>
    %shift_left3A_149 = arith.shli %get3A_31, %shift_left3A_148 : vector<400x384xi32>
    %bitcast_convert_type3A_150 = tpu.bitcast %shift_left3A_149 : vector<400x384xi32> -> vector<400x384xf32>
    %mul3A_151 = arith.mulf %bitcast_convert_type3A, %bitcast_convert_type3A_150 : vector<400x384xf32>
    %dot_general3A_152 = arith.constant dense<0.000000e+00> : vector<400x8xf32>
    %dot_general3A_153 = tpu.matmul %mul3A_151, %get3A_6, %dot_general3A_152 {dimension_numbers = #tpu.dot_dimension_numbers<[1], [0], [0], [1], [0, 0, 1, 1], [], []>, transpose_lhs_hint = false} : vector<400x384xf32>, vector<384x8xf32>, vector<400x8xf32> -> vector<400x8xf32>
    %get3A_154 = arith.constant 4 : index
    %get3A_155 = arith.constant 0 : index
    %get3A_156 = arith.constant 0 : index
    %get3A_157 = vector.load %arg4[%get3A_154, %get3A_155, %get3A_156] : memref<16x400x8xf32, #tpu.memory_space<vmem>>, vector<1x400x8xf32>
    %get3A_158 = vector.shape_cast %get3A_157 : vector<1x400x8xf32> to vector<400x8xf32>
    %add3A_159 = arith.addf %dot_general3A_153, %get3A_158 : vector<400x8xf32>
    %mul3A_160 = arith.constant 0.353553385 : f32
    %mul3A_161 = vector.broadcast %mul3A_160 : f32 to vector<400x8xf32>
    %mul3A_162 = arith.mulf %add3A_159, %mul3A_161 : vector<400x8xf32>
    %shift_left3A_163 = arith.constant 16 : i32
    %shift_left3A_164 = vector.broadcast %shift_left3A_163 : i32 to vector<400x384xi32>
    %shift_left3A_165 = arith.shli %get3A_36, %shift_left3A_164 : vector<400x384xi32>
    %bitcast_convert_type3A_166 = tpu.bitcast %shift_left3A_165 : vector<400x384xi32> -> vector<400x384xf32>
    %mul3A_167 = arith.mulf %bitcast_convert_type3A, %bitcast_convert_type3A_166 : vector<400x384xf32>
    %dot_general3A_168 = arith.constant dense<0.000000e+00> : vector<400x8xf32>
    %dot_general3A_169 = tpu.matmul %mul3A_167, %get3A_6, %dot_general3A_168 {dimension_numbers = #tpu.dot_dimension_numbers<[1], [0], [0], [1], [0, 0, 1, 1], [], []>, transpose_lhs_hint = false} : vector<400x384xf32>, vector<384x8xf32>, vector<400x8xf32> -> vector<400x8xf32>
    %get3A_170 = arith.constant 5 : index
    %get3A_171 = arith.constant 0 : index
    %get3A_172 = arith.constant 0 : index
    %get3A_173 = vector.load %arg4[%get3A_170, %get3A_171, %get3A_172] : memref<16x400x8xf32, #tpu.memory_space<vmem>>, vector<1x400x8xf32>
    %get3A_174 = vector.shape_cast %get3A_173 : vector<1x400x8xf32> to vector<400x8xf32>
    %add3A_175 = arith.addf %dot_general3A_169, %get3A_174 : vector<400x8xf32>
    %mul3A_176 = arith.constant 0.353553385 : f32
    %mul3A_177 = vector.broadcast %mul3A_176 : f32 to vector<400x8xf32>
    %mul3A_178 = arith.mulf %add3A_175, %mul3A_177 : vector<400x8xf32>
    %shift_left3A_179 = arith.constant 16 : i32
    %shift_left3A_180 = vector.broadcast %shift_left3A_179 : i32 to vector<400x384xi32>
    %shift_left3A_181 = arith.shli %get3A_41, %shift_left3A_180 : vector<400x384xi32>
    %bitcast_convert_type3A_182 = tpu.bitcast %shift_left3A_181 : vector<400x384xi32> -> vector<400x384xf32>
    %mul3A_183 = arith.mulf %bitcast_convert_type3A, %bitcast_convert_type3A_182 : vector<400x384xf32>
    %dot_general3A_184 = arith.constant dense<0.000000e+00> : vector<400x8xf32>
    %dot_general3A_185 = tpu.matmul %mul3A_183, %get3A_6, %dot_general3A_184 {dimension_numbers = #tpu.dot_dimension_numbers<[1], [0], [0], [1], [0, 0, 1, 1], [], []>, transpose_lhs_hint = false} : vector<400x384xf32>, vector<384x8xf32>, vector<400x8xf32> -> vector<400x8xf32>
    %get3A_186 = arith.constant 6 : index
    %get3A_187 = arith.constant 0 : index
    %get3A_188 = arith.constant 0 : index
    %get3A_189 = vector.load %arg4[%get3A_186, %get3A_187, %get3A_188] : memref<16x400x8xf32, #tpu.memory_space<vmem>>, vector<1x400x8xf32>
    %get3A_190 = vector.shape_cast %get3A_189 : vector<1x400x8xf32> to vector<400x8xf32>
    %add3A_191 = arith.addf %dot_general3A_185, %get3A_190 : vector<400x8xf32>
    %mul3A_192 = arith.constant 0.353553385 : f32
    %mul3A_193 = vector.broadcast %mul3A_192 : f32 to vector<400x8xf32>
    %mul3A_194 = arith.mulf %add3A_191, %mul3A_193 : vector<400x8xf32>
    %shift_left3A_195 = arith.constant 16 : i32
    %shift_left3A_196 = vector.broadcast %shift_left3A_195 : i32 to vector<400x384xi32>
    %shift_left3A_197 = arith.shli %get3A_46, %shift_left3A_196 : vector<400x384xi32>
    %bitcast_convert_type3A_198 = tpu.bitcast %shift_left3A_197 : vector<400x384xi32> -> vector<400x384xf32>
    %mul3A_199 = arith.mulf %bitcast_convert_type3A, %bitcast_convert_type3A_198 : vector<400x384xf32>
    %dot_general3A_200 = arith.constant dense<0.000000e+00> : vector<400x8xf32>
    %dot_general3A_201 = tpu.matmul %mul3A_199, %get3A_6, %dot_general3A_200 {dimension_numbers = #tpu.dot_dimension_numbers<[1], [0], [0], [1], [0, 0, 1, 1], [], []>, transpose_lhs_hint = false} : vector<400x384xf32>, vector<384x8xf32>, vector<400x8xf32> -> vector<400x8xf32>
    %get3A_202 = arith.constant 7 : index
    %get3A_203 = arith.constant 0 : index
    %get3A_204 = arith.constant 0 : index
    %get3A_205 = vector.load %arg4[%get3A_202, %get3A_203, %get3A_204] : memref<16x400x8xf32, #tpu.memory_space<vmem>>, vector<1x400x8xf32>
    %get3A_206 = vector.shape_cast %get3A_205 : vector<1x400x8xf32> to vector<400x8xf32>
    %add3A_207 = arith.addf %dot_general3A_201, %get3A_206 : vector<400x8xf32>
    %mul3A_208 = arith.constant 0.353553385 : f32
    %mul3A_209 = vector.broadcast %mul3A_208 : f32 to vector<400x8xf32>
    %mul3A_210 = arith.mulf %add3A_207, %mul3A_209 : vector<400x8xf32>
    %shift_left3A_211 = arith.constant 16 : i32
    %shift_left3A_212 = vector.broadcast %shift_left3A_211 : i32 to vector<400x384xi32>
    %shift_left3A_213 = arith.shli %get3A_51, %shift_left3A_212 : vector<400x384xi32>
    %bitcast_convert_type3A_214 = tpu.bitcast %shift_left3A_213 : vector<400x384xi32> -> vector<400x384xf32>
    %mul3A_215 = arith.mulf %bitcast_convert_type3A, %bitcast_convert_type3A_214 : vector<400x384xf32>
    %dot_general3A_216 = arith.constant dense<0.000000e+00> : vector<400x8xf32>
    %dot_general3A_217 = tpu.matmul %mul3A_215, %get3A_6, %dot_general3A_216 {dimension_numbers = #tpu.dot_dimension_numbers<[1], [0], [0], [1], [0, 0, 1, 1], [], []>, transpose_lhs_hint = false} : vector<400x384xf32>, vector<384x8xf32>, vector<400x8xf32> -> vector<400x8xf32>
    %get3A_218 = arith.constant 8 : index
    %get3A_219 = arith.constant 0 : index
    %get3A_220 = arith.constant 0 : index
    %get3A_221 = vector.load %arg4[%get3A_218, %get3A_219, %get3A_220] : memref<16x400x8xf32, #tpu.memory_space<vmem>>, vector<1x400x8xf32>
    %get3A_222 = vector.shape_cast %get3A_221 : vector<1x400x8xf32> to vector<400x8xf32>
    %add3A_223 = arith.addf %dot_general3A_217, %get3A_222 : vector<400x8xf32>
    %mul3A_224 = arith.constant 0.353553385 : f32
    %mul3A_225 = vector.broadcast %mul3A_224 : f32 to vector<400x8xf32>
    %mul3A_226 = arith.mulf %add3A_223, %mul3A_225 : vector<400x8xf32>
    %shift_left3A_227 = arith.constant 16 : i32
    %shift_left3A_228 = vector.broadcast %shift_left3A_227 : i32 to vector<400x384xi32>
    %shift_left3A_229 = arith.shli %get3A_56, %shift_left3A_228 : vector<400x384xi32>
    %bitcast_convert_type3A_230 = tpu.bitcast %shift_left3A_229 : vector<400x384xi32> -> vector<400x384xf32>
    %mul3A_231 = arith.mulf %bitcast_convert_type3A, %bitcast_convert_type3A_230 : vector<400x384xf32>
    %dot_general3A_232 = arith.constant dense<0.000000e+00> : vector<400x8xf32>
    %dot_general3A_233 = tpu.matmul %mul3A_231, %get3A_6, %dot_general3A_232 {dimension_numbers = #tpu.dot_dimension_numbers<[1], [0], [0], [1], [0, 0, 1, 1], [], []>, transpose_lhs_hint = false} : vector<400x384xf32>, vector<384x8xf32>, vector<400x8xf32> -> vector<400x8xf32>
    %get3A_234 = arith.constant 9 : index
    %get3A_235 = arith.constant 0 : index
    %get3A_236 = arith.constant 0 : index
    %get3A_237 = vector.load %arg4[%get3A_234, %get3A_235, %get3A_236] : memref<16x400x8xf32, #tpu.memory_space<vmem>>, vector<1x400x8xf32>
    %get3A_238 = vector.shape_cast %get3A_237 : vector<1x400x8xf32> to vector<400x8xf32>
    %add3A_239 = arith.addf %dot_general3A_233, %get3A_238 : vector<400x8xf32>
    %mul3A_240 = arith.constant 0.353553385 : f32
    %mul3A_241 = vector.broadcast %mul3A_240 : f32 to vector<400x8xf32>
    %mul3A_242 = arith.mulf %add3A_239, %mul3A_241 : vector<400x8xf32>
    %shift_left3A_243 = arith.constant 16 : i32
    %shift_left3A_244 = vector.broadcast %shift_left3A_243 : i32 to vector<400x384xi32>
    %shift_left3A_245 = arith.shli %get3A_61, %shift_left3A_244 : vector<400x384xi32>
    %bitcast_convert_type3A_246 = tpu.bitcast %shift_left3A_245 : vector<400x384xi32> -> vector<400x384xf32>
    %mul3A_247 = arith.mulf %bitcast_convert_type3A, %bitcast_convert_type3A_246 : vector<400x384xf32>
    %dot_general3A_248 = arith.constant dense<0.000000e+00> : vector<400x8xf32>
    %dot_general3A_249 = tpu.matmul %mul3A_247, %get3A_6, %dot_general3A_248 {dimension_numbers = #tpu.dot_dimension_numbers<[1], [0], [0], [1], [0, 0, 1, 1], [], []>, transpose_lhs_hint = false} : vector<400x384xf32>, vector<384x8xf32>, vector<400x8xf32> -> vector<400x8xf32>
    %get3A_250 = arith.constant 10 : index
    %get3A_251 = arith.constant 0 : index
    %get3A_252 = arith.constant 0 : index
    %get3A_253 = vector.load %arg4[%get3A_250, %get3A_251, %get3A_252] : memref<16x400x8xf32, #tpu.memory_space<vmem>>, vector<1x400x8xf32>
    %get3A_254 = vector.shape_cast %get3A_253 : vector<1x400x8xf32> to vector<400x8xf32>
    %add3A_255 = arith.addf %dot_general3A_249, %get3A_254 : vector<400x8xf32>
    %mul3A_256 = arith.constant 0.353553385 : f32
    %mul3A_257 = vector.broadcast %mul3A_256 : f32 to vector<400x8xf32>
    %mul3A_258 = arith.mulf %add3A_255, %mul3A_257 : vector<400x8xf32>
    %shift_left3A_259 = arith.constant 16 : i32
    %shift_left3A_260 = vector.broadcast %shift_left3A_259 : i32 to vector<400x384xi32>
    %shift_left3A_261 = arith.shli %get3A_66, %shift_left3A_260 : vector<400x384xi32>
    %bitcast_convert_type3A_262 = tpu.bitcast %shift_left3A_261 : vector<400x384xi32> -> vector<400x384xf32>
    %mul3A_263 = arith.mulf %bitcast_convert_type3A, %bitcast_convert_type3A_262 : vector<400x384xf32>
    %dot_general3A_264 = arith.constant dense<0.000000e+00> : vector<400x8xf32>
    %dot_general3A_265 = tpu.matmul %mul3A_263, %get3A_6, %dot_general3A_264 {dimension_numbers = #tpu.dot_dimension_numbers<[1], [0], [0], [1], [0, 0, 1, 1], [], []>, transpose_lhs_hint = false} : vector<400x384xf32>, vector<384x8xf32>, vector<400x8xf32> -> vector<400x8xf32>
    %get3A_266 = arith.constant 11 : index
    %get3A_267 = arith.constant 0 : index
    %get3A_268 = arith.constant 0 : index
    %get3A_269 = vector.load %arg4[%get3A_266, %get3A_267, %get3A_268] : memref<16x400x8xf32, #tpu.memory_space<vmem>>, vector<1x400x8xf32>
    %get3A_270 = vector.shape_cast %get3A_269 : vector<1x400x8xf32> to vector<400x8xf32>
    %add3A_271 = arith.addf %dot_general3A_265, %get3A_270 : vector<400x8xf32>
    %mul3A_272 = arith.constant 0.353553385 : f32
    %mul3A_273 = vector.broadcast %mul3A_272 : f32 to vector<400x8xf32>
    %mul3A_274 = arith.mulf %add3A_271, %mul3A_273 : vector<400x8xf32>
    %shift_left3A_275 = arith.constant 16 : i32
    %shift_left3A_276 = vector.broadcast %shift_left3A_275 : i32 to vector<400x384xi32>
    %shift_left3A_277 = arith.shli %get3A_71, %shift_left3A_276 : vector<400x384xi32>
    %bitcast_convert_type3A_278 = tpu.bitcast %shift_left3A_277 : vector<400x384xi32> -> vector<400x384xf32>
    %mul3A_279 = arith.mulf %bitcast_convert_type3A, %bitcast_convert_type3A_278 : vector<400x384xf32>
    %dot_general3A_280 = arith.constant dense<0.000000e+00> : vector<400x8xf32>
    %dot_general3A_281 = tpu.matmul %mul3A_279, %get3A_6, %dot_general3A_280 {dimension_numbers = #tpu.dot_dimension_numbers<[1], [0], [0], [1], [0, 0, 1, 1], [], []>, transpose_lhs_hint = false} : vector<400x384xf32>, vector<384x8xf32>, vector<400x8xf32> -> vector<400x8xf32>
    %get3A_282 = arith.constant 12 : index
    %get3A_283 = arith.constant 0 : index
    %get3A_284 = arith.constant 0 : index
    %get3A_285 = vector.load %arg4[%get3A_282, %get3A_283, %get3A_284] : memref<16x400x8xf32, #tpu.memory_space<vmem>>, vector<1x400x8xf32>
    %get3A_286 = vector.shape_cast %get3A_285 : vector<1x400x8xf32> to vector<400x8xf32>
    %add3A_287 = arith.addf %dot_general3A_281, %get3A_286 : vector<400x8xf32>
    %mul3A_288 = arith.constant 0.353553385 : f32
    %mul3A_289 = vector.broadcast %mul3A_288 : f32 to vector<400x8xf32>
    %mul3A_290 = arith.mulf %add3A_287, %mul3A_289 : vector<400x8xf32>
    %shift_left3A_291 = arith.constant 16 : i32
    %shift_left3A_292 = vector.broadcast %shift_left3A_291 : i32 to vector<400x384xi32>
    %shift_left3A_293 = arith.shli %get3A_76, %shift_left3A_292 : vector<400x384xi32>
    %bitcast_convert_type3A_294 = tpu.bitcast %shift_left3A_293 : vector<400x384xi32> -> vector<400x384xf32>
    %mul3A_295 = arith.mulf %bitcast_convert_type3A, %bitcast_convert_type3A_294 : vector<400x384xf32>
    %dot_general3A_296 = arith.constant dense<0.000000e+00> : vector<400x8xf32>
    %dot_general3A_297 = tpu.matmul %mul3A_295, %get3A_6, %dot_general3A_296 {dimension_numbers = #tpu.dot_dimension_numbers<[1], [0], [0], [1], [0, 0, 1, 1], [], []>, transpose_lhs_hint = false} : vector<400x384xf32>, vector<384x8xf32>, vector<400x8xf32> -> vector<400x8xf32>
    %get3A_298 = arith.constant 13 : index
    %get3A_299 = arith.constant 0 : index
    %get3A_300 = arith.constant 0 : index
    %get3A_301 = vector.load %arg4[%get3A_298, %get3A_299, %get3A_300] : memref<16x400x8xf32, #tpu.memory_space<vmem>>, vector<1x400x8xf32>
    %get3A_302 = vector.shape_cast %get3A_301 : vector<1x400x8xf32> to vector<400x8xf32>
    %add3A_303 = arith.addf %dot_general3A_297, %get3A_302 : vector<400x8xf32>
    %mul3A_304 = arith.constant 0.353553385 : f32
    %mul3A_305 = vector.broadcast %mul3A_304 : f32 to vector<400x8xf32>
    %mul3A_306 = arith.mulf %add3A_303, %mul3A_305 : vector<400x8xf32>
    %shift_left3A_307 = arith.constant 16 : i32
    %shift_left3A_308 = vector.broadcast %shift_left3A_307 : i32 to vector<400x384xi32>
    %shift_left3A_309 = arith.shli %get3A_81, %shift_left3A_308 : vector<400x384xi32>
    %bitcast_convert_type3A_310 = tpu.bitcast %shift_left3A_309 : vector<400x384xi32> -> vector<400x384xf32>
    %mul3A_311 = arith.mulf %bitcast_convert_type3A, %bitcast_convert_type3A_310 : vector<400x384xf32>
    %dot_general3A_312 = arith.constant dense<0.000000e+00> : vector<400x8xf32>
    %dot_general3A_313 = tpu.matmul %mul3A_311, %get3A_6, %dot_general3A_312 {dimension_numbers = #tpu.dot_dimension_numbers<[1], [0], [0], [1], [0, 0, 1, 1], [], []>, transpose_lhs_hint = false} : vector<400x384xf32>, vector<384x8xf32>, vector<400x8xf32> -> vector<400x8xf32>
    %get3A_314 = arith.constant 14 : index
    %get3A_315 = arith.constant 0 : index
    %get3A_316 = arith.constant 0 : index
    %get3A_317 = vector.load %arg4[%get3A_314, %get3A_315, %get3A_316] : memref<16x400x8xf32, #tpu.memory_space<vmem>>, vector<1x400x8xf32>
    %get3A_318 = vector.shape_cast %get3A_317 : vector<1x400x8xf32> to vector<400x8xf32>
    %add3A_319 = arith.addf %dot_general3A_313, %get3A_318 : vector<400x8xf32>
    %mul3A_320 = arith.constant 0.353553385 : f32
    %mul3A_321 = vector.broadcast %mul3A_320 : f32 to vector<400x8xf32>
    %mul3A_322 = arith.mulf %add3A_319, %mul3A_321 : vector<400x8xf32>
    %shift_left3A_323 = arith.constant 16 : i32
    %shift_left3A_324 = vector.broadcast %shift_left3A_323 : i32 to vector<400x384xi32>
    %shift_left3A_325 = arith.shli %get3A_86, %shift_left3A_324 : vector<400x384xi32>
    %bitcast_convert_type3A_326 = tpu.bitcast %shift_left3A_325 : vector<400x384xi32> -> vector<400x384xf32>
    %mul3A_327 = arith.mulf %bitcast_convert_type3A, %bitcast_convert_type3A_326 : vector<400x384xf32>
    %dot_general3A_328 = arith.constant dense<0.000000e+00> : vector<400x8xf32>
    %dot_general3A_329 = tpu.matmul %mul3A_327, %get3A_6, %dot_general3A_328 {dimension_numbers = #tpu.dot_dimension_numbers<[1], [0], [0], [1], [0, 0, 1, 1], [], []>, transpose_lhs_hint = false} : vector<400x384xf32>, vector<384x8xf32>, vector<400x8xf32> -> vector<400x8xf32>
    %get3A_330 = arith.constant 15 : index
    %get3A_331 = arith.constant 0 : index
    %get3A_332 = arith.constant 0 : index
    %get3A_333 = vector.load %arg4[%get3A_330, %get3A_331, %get3A_332] : memref<16x400x8xf32, #tpu.memory_space<vmem>>, vector<1x400x8xf32>
    %get3A_334 = vector.shape_cast %get3A_333 : vector<1x400x8xf32> to vector<400x8xf32>
    %add3A_335 = arith.addf %dot_general3A_329, %get3A_334 : vector<400x8xf32>
    %mul3A_336 = arith.constant 0.353553385 : f32
    %mul3A_337 = vector.broadcast %mul3A_336 : f32 to vector<400x8xf32>
    %mul3A_338 = arith.mulf %add3A_335, %mul3A_337 : vector<400x8xf32>
    %max3A = arith.maximumf %mul3A_98, %mul3A_114 : vector<400x8xf32>
    %max3A_339 = arith.maximumf %max3A, %mul3A_130 : vector<400x8xf32>
    %max3A_340 = arith.maximumf %max3A_339, %mul3A_146 : vector<400x8xf32>
    %max3A_341 = arith.maximumf %max3A_340, %mul3A_162 : vector<400x8xf32>
    %max3A_342 = arith.maximumf %max3A_341, %mul3A_178 : vector<400x8xf32>
    %max3A_343 = arith.maximumf %max3A_342, %mul3A_194 : vector<400x8xf32>
    %max3A_344 = arith.maximumf %max3A_343, %mul3A_210 : vector<400x8xf32>
    %max3A_345 = arith.maximumf %max3A_344, %mul3A_226 : vector<400x8xf32>
    %max3A_346 = arith.maximumf %max3A_345, %mul3A_242 : vector<400x8xf32>
    %max3A_347 = arith.maximumf %max3A_346, %mul3A_258 : vector<400x8xf32>
    %max3A_348 = arith.maximumf %max3A_347, %mul3A_274 : vector<400x8xf32>
    %max3A_349 = arith.maximumf %max3A_348, %mul3A_290 : vector<400x8xf32>
    %max3A_350 = arith.maximumf %max3A_349, %mul3A_306 : vector<400x8xf32>
    %max3A_351 = arith.maximumf %max3A_350, %mul3A_322 : vector<400x8xf32>
    %max3A_352 = arith.maximumf %max3A_351, %mul3A_338 : vector<400x8xf32>
    %sub3A = arith.subf %mul3A_98, %max3A_352 : vector<400x8xf32>
    %exp3A = math.exp %sub3A : vector<400x8xf32>
    %sub3A_353 = arith.subf %mul3A_114, %max3A_352 : vector<400x8xf32>
    %exp3A_354 = math.exp %sub3A_353 : vector<400x8xf32>
    %sub3A_355 = arith.subf %mul3A_130, %max3A_352 : vector<400x8xf32>
    %exp3A_356 = math.exp %sub3A_355 : vector<400x8xf32>
    %sub3A_357 = arith.subf %mul3A_146, %max3A_352 : vector<400x8xf32>
    %exp3A_358 = math.exp %sub3A_357 : vector<400x8xf32>
    %sub3A_359 = arith.subf %mul3A_162, %max3A_352 : vector<400x8xf32>
    %exp3A_360 = math.exp %sub3A_359 : vector<400x8xf32>
    %sub3A_361 = arith.subf %mul3A_178, %max3A_352 : vector<400x8xf32>
    %exp3A_362 = math.exp %sub3A_361 : vector<400x8xf32>
    %sub3A_363 = arith.subf %mul3A_194, %max3A_352 : vector<400x8xf32>
    %exp3A_364 = math.exp %sub3A_363 : vector<400x8xf32>
    %sub3A_365 = arith.subf %mul3A_210, %max3A_352 : vector<400x8xf32>
    %exp3A_366 = math.exp %sub3A_365 : vector<400x8xf32>
    %sub3A_367 = arith.subf %mul3A_226, %max3A_352 : vector<400x8xf32>
    %exp3A_368 = math.exp %sub3A_367 : vector<400x8xf32>
    %sub3A_369 = arith.subf %mul3A_242, %max3A_352 : vector<400x8xf32>
    %exp3A_370 = math.exp %sub3A_369 : vector<400x8xf32>
    %sub3A_371 = arith.subf %mul3A_258, %max3A_352 : vector<400x8xf32>
    %exp3A_372 = math.exp %sub3A_371 : vector<400x8xf32>
    %sub3A_373 = arith.subf %mul3A_274, %max3A_352 : vector<400x8xf32>
    %exp3A_374 = math.exp %sub3A_373 : vector<400x8xf32>
    %sub3A_375 = arith.subf %mul3A_290, %max3A_352 : vector<400x8xf32>
    %exp3A_376 = math.exp %sub3A_375 : vector<400x8xf32>
    %sub3A_377 = arith.subf %mul3A_306, %max3A_352 : vector<400x8xf32>
    %exp3A_378 = math.exp %sub3A_377 : vector<400x8xf32>
    %sub3A_379 = arith.subf %mul3A_322, %max3A_352 : vector<400x8xf32>
    %exp3A_380 = math.exp %sub3A_379 : vector<400x8xf32>
    %sub3A_381 = arith.subf %mul3A_338, %max3A_352 : vector<400x8xf32>
    %exp3A_382 = math.exp %sub3A_381 : vector<400x8xf32>
    %add3A_383 = arith.addf %exp3A, %exp3A_354 : vector<400x8xf32>
    %add3A_384 = arith.addf %add3A_383, %exp3A_356 : vector<400x8xf32>
    %add3A_385 = arith.addf %add3A_384, %exp3A_358 : vector<400x8xf32>
    %add3A_386 = arith.addf %add3A_385, %exp3A_360 : vector<400x8xf32>
    %add3A_387 = arith.addf %add3A_386, %exp3A_362 : vector<400x8xf32>
    %add3A_388 = arith.addf %add3A_387, %exp3A_364 : vector<400x8xf32>
    %add3A_389 = arith.addf %add3A_388, %exp3A_366 : vector<400x8xf32>
    %add3A_390 = arith.addf %add3A_389, %exp3A_368 : vector<400x8xf32>
    %add3A_391 = arith.addf %add3A_390, %exp3A_370 : vector<400x8xf32>
    %add3A_392 = arith.addf %add3A_391, %exp3A_372 : vector<400x8xf32>
    %add3A_393 = arith.addf %add3A_392, %exp3A_374 : vector<400x8xf32>
    %add3A_394 = arith.addf %add3A_393, %exp3A_376 : vector<400x8xf32>
    %add3A_395 = arith.addf %add3A_394, %exp3A_378 : vector<400x8xf32>
    %add3A_396 = arith.addf %add3A_395, %exp3A_380 : vector<400x8xf32>
    %add3A_397 = arith.addf %add3A_396, %exp3A_382 : vector<400x8xf32>
    %div3A = arith.constant 1.000000e+00 : f32
    %div3A_398 = vector.broadcast %div3A : f32 to vector<400x8xf32>
    %div3A_399 = arith.divf %div3A_398, %add3A_397 : vector<400x8xf32>
    %get3A_400 = arith.constant 0 : index
    %get3A_401 = arith.constant 0 : index
    %get3A_402 = vector.load %arg7[%get3A_400, %get3A_401] : memref<8x384xf32, #tpu.memory_space<vmem>>, vector<8x384xf32>
    %broadcast_in_dim3A = arith.constant 0.000000e+00 : f32
    %broadcast_in_dim3A_403 = vector.broadcast %broadcast_in_dim3A : f32 to vector<400x384xf32>
    %mul3A_404 = arith.mulf %exp3A, %div3A_399 : vector<400x8xf32>
    %and3A_405 = arith.constant -65536 : i32
    %and3A_406 = vector.broadcast %and3A_405 : i32 to vector<400x384xi32>
    %and3A_407 = arith.andi %get3A_11, %and3A_406 : vector<400x384xi32>
    %bitcast_convert_type3A_408 = tpu.bitcast %and3A_407 : vector<400x384xi32> -> vector<400x384xf32>
    %dot_general3A_409 = arith.constant dense<0.000000e+00> : vector<400x384xf32>
    %dot_general3A_410 = tpu.matmul %mul3A_404, %get3A_402, %dot_general3A_409 {dimension_numbers = #tpu.dot_dimension_numbers<[1], [0], [0], [1], [0, 0, 1, 1], [], []>, transpose_lhs_hint = false} : vector<400x8xf32>, vector<8x384xf32>, vector<400x384xf32> -> vector<400x384xf32>
    %mul3A_411 = arith.mulf %dot_general3A_410, %bitcast_convert_type3A_408 : vector<400x384xf32>
    %add3A_412 = arith.addf %broadcast_in_dim3A_403, %mul3A_411 : vector<400x384xf32>
    %mul3A_413 = arith.mulf %exp3A_354, %div3A_399 : vector<400x8xf32>
    %and3A_414 = arith.constant -65536 : i32
    %and3A_415 = vector.broadcast %and3A_414 : i32 to vector<400x384xi32>
    %and3A_416 = arith.andi %get3A_16, %and3A_415 : vector<400x384xi32>
    %bitcast_convert_type3A_417 = tpu.bitcast %and3A_416 : vector<400x384xi32> -> vector<400x384xf32>
    %dot_general3A_418 = arith.constant dense<0.000000e+00> : vector<400x384xf32>
    %dot_general3A_419 = tpu.matmul %mul3A_413, %get3A_402, %dot_general3A_418 {dimension_numbers = #tpu.dot_dimension_numbers<[1], [0], [0], [1], [0, 0, 1, 1], [], []>, transpose_lhs_hint = false} : vector<400x8xf32>, vector<8x384xf32>, vector<400x384xf32> -> vector<400x384xf32>
    %mul3A_420 = arith.mulf %dot_general3A_419, %bitcast_convert_type3A_417 : vector<400x384xf32>
    %add3A_421 = arith.addf %add3A_412, %mul3A_420 : vector<400x384xf32>
    %mul3A_422 = arith.mulf %exp3A_356, %div3A_399 : vector<400x8xf32>
    %and3A_423 = arith.constant -65536 : i32
    %and3A_424 = vector.broadcast %and3A_423 : i32 to vector<400x384xi32>
    %and3A_425 = arith.andi %get3A_21, %and3A_424 : vector<400x384xi32>
    %bitcast_convert_type3A_426 = tpu.bitcast %and3A_425 : vector<400x384xi32> -> vector<400x384xf32>
    %dot_general3A_427 = arith.constant dense<0.000000e+00> : vector<400x384xf32>
    %dot_general3A_428 = tpu.matmul %mul3A_422, %get3A_402, %dot_general3A_427 {dimension_numbers = #tpu.dot_dimension_numbers<[1], [0], [0], [1], [0, 0, 1, 1], [], []>, transpose_lhs_hint = false} : vector<400x8xf32>, vector<8x384xf32>, vector<400x384xf32> -> vector<400x384xf32>
    %mul3A_429 = arith.mulf %dot_general3A_428, %bitcast_convert_type3A_426 : vector<400x384xf32>
    %add3A_430 = arith.addf %add3A_421, %mul3A_429 : vector<400x384xf32>
    %mul3A_431 = arith.mulf %exp3A_358, %div3A_399 : vector<400x8xf32>
    %and3A_432 = arith.constant -65536 : i32
    %and3A_433 = vector.broadcast %and3A_432 : i32 to vector<400x384xi32>
    %and3A_434 = arith.andi %get3A_26, %and3A_433 : vector<400x384xi32>
    %bitcast_convert_type3A_435 = tpu.bitcast %and3A_434 : vector<400x384xi32> -> vector<400x384xf32>
    %dot_general3A_436 = arith.constant dense<0.000000e+00> : vector<400x384xf32>
    %dot_general3A_437 = tpu.matmul %mul3A_431, %get3A_402, %dot_general3A_436 {dimension_numbers = #tpu.dot_dimension_numbers<[1], [0], [0], [1], [0, 0, 1, 1], [], []>, transpose_lhs_hint = false} : vector<400x8xf32>, vector<8x384xf32>, vector<400x384xf32> -> vector<400x384xf32>
    %mul3A_438 = arith.mulf %dot_general3A_437, %bitcast_convert_type3A_435 : vector<400x384xf32>
    %add3A_439 = arith.addf %add3A_430, %mul3A_438 : vector<400x384xf32>
    %mul3A_440 = arith.mulf %exp3A_360, %div3A_399 : vector<400x8xf32>
    %and3A_441 = arith.constant -65536 : i32
    %and3A_442 = vector.broadcast %and3A_441 : i32 to vector<400x384xi32>
    %and3A_443 = arith.andi %get3A_31, %and3A_442 : vector<400x384xi32>
    %bitcast_convert_type3A_444 = tpu.bitcast %and3A_443 : vector<400x384xi32> -> vector<400x384xf32>
    %dot_general3A_445 = arith.constant dense<0.000000e+00> : vector<400x384xf32>
    %dot_general3A_446 = tpu.matmul %mul3A_440, %get3A_402, %dot_general3A_445 {dimension_numbers = #tpu.dot_dimension_numbers<[1], [0], [0], [1], [0, 0, 1, 1], [], []>, transpose_lhs_hint = false} : vector<400x8xf32>, vector<8x384xf32>, vector<400x384xf32> -> vector<400x384xf32>
    %mul3A_447 = arith.mulf %dot_general3A_446, %bitcast_convert_type3A_444 : vector<400x384xf32>
    %add3A_448 = arith.addf %add3A_439, %mul3A_447 : vector<400x384xf32>
    %mul3A_449 = arith.mulf %exp3A_362, %div3A_399 : vector<400x8xf32>
    %and3A_450 = arith.constant -65536 : i32
    %and3A_451 = vector.broadcast %and3A_450 : i32 to vector<400x384xi32>
    %and3A_452 = arith.andi %get3A_36, %and3A_451 : vector<400x384xi32>
    %bitcast_convert_type3A_453 = tpu.bitcast %and3A_452 : vector<400x384xi32> -> vector<400x384xf32>
    %dot_general3A_454 = arith.constant dense<0.000000e+00> : vector<400x384xf32>
    %dot_general3A_455 = tpu.matmul %mul3A_449, %get3A_402, %dot_general3A_454 {dimension_numbers = #tpu.dot_dimension_numbers<[1], [0], [0], [1], [0, 0, 1, 1], [], []>, transpose_lhs_hint = false} : vector<400x8xf32>, vector<8x384xf32>, vector<400x384xf32> -> vector<400x384xf32>
    %mul3A_456 = arith.mulf %dot_general3A_455, %bitcast_convert_type3A_453 : vector<400x384xf32>
    %add3A_457 = arith.addf %add3A_448, %mul3A_456 : vector<400x384xf32>
    %mul3A_458 = arith.mulf %exp3A_364, %div3A_399 : vector<400x8xf32>
    %and3A_459 = arith.constant -65536 : i32
    %and3A_460 = vector.broadcast %and3A_459 : i32 to vector<400x384xi32>
    %and3A_461 = arith.andi %get3A_41, %and3A_460 : vector<400x384xi32>
    %bitcast_convert_type3A_462 = tpu.bitcast %and3A_461 : vector<400x384xi32> -> vector<400x384xf32>
    %dot_general3A_463 = arith.constant dense<0.000000e+00> : vector<400x384xf32>
    %dot_general3A_464 = tpu.matmul %mul3A_458, %get3A_402, %dot_general3A_463 {dimension_numbers = #tpu.dot_dimension_numbers<[1], [0], [0], [1], [0, 0, 1, 1], [], []>, transpose_lhs_hint = false} : vector<400x8xf32>, vector<8x384xf32>, vector<400x384xf32> -> vector<400x384xf32>
    %mul3A_465 = arith.mulf %dot_general3A_464, %bitcast_convert_type3A_462 : vector<400x384xf32>
    %add3A_466 = arith.addf %add3A_457, %mul3A_465 : vector<400x384xf32>
    %mul3A_467 = arith.mulf %exp3A_366, %div3A_399 : vector<400x8xf32>
    %and3A_468 = arith.constant -65536 : i32
    %and3A_469 = vector.broadcast %and3A_468 : i32 to vector<400x384xi32>
    %and3A_470 = arith.andi %get3A_46, %and3A_469 : vector<400x384xi32>
    %bitcast_convert_type3A_471 = tpu.bitcast %and3A_470 : vector<400x384xi32> -> vector<400x384xf32>
    %dot_general3A_472 = arith.constant dense<0.000000e+00> : vector<400x384xf32>
    %dot_general3A_473 = tpu.matmul %mul3A_467, %get3A_402, %dot_general3A_472 {dimension_numbers = #tpu.dot_dimension_numbers<[1], [0], [0], [1], [0, 0, 1, 1], [], []>, transpose_lhs_hint = false} : vector<400x8xf32>, vector<8x384xf32>, vector<400x384xf32> -> vector<400x384xf32>
    %mul3A_474 = arith.mulf %dot_general3A_473, %bitcast_convert_type3A_471 : vector<400x384xf32>
    %add3A_475 = arith.addf %add3A_466, %mul3A_474 : vector<400x384xf32>
    %mul3A_476 = arith.mulf %exp3A_368, %div3A_399 : vector<400x8xf32>
    %and3A_477 = arith.constant -65536 : i32
    %and3A_478 = vector.broadcast %and3A_477 : i32 to vector<400x384xi32>
    %and3A_479 = arith.andi %get3A_51, %and3A_478 : vector<400x384xi32>
    %bitcast_convert_type3A_480 = tpu.bitcast %and3A_479 : vector<400x384xi32> -> vector<400x384xf32>
    %dot_general3A_481 = arith.constant dense<0.000000e+00> : vector<400x384xf32>
    %dot_general3A_482 = tpu.matmul %mul3A_476, %get3A_402, %dot_general3A_481 {dimension_numbers = #tpu.dot_dimension_numbers<[1], [0], [0], [1], [0, 0, 1, 1], [], []>, transpose_lhs_hint = false} : vector<400x8xf32>, vector<8x384xf32>, vector<400x384xf32> -> vector<400x384xf32>
    %mul3A_483 = arith.mulf %dot_general3A_482, %bitcast_convert_type3A_480 : vector<400x384xf32>
    %add3A_484 = arith.addf %add3A_475, %mul3A_483 : vector<400x384xf32>
    %mul3A_485 = arith.mulf %exp3A_370, %div3A_399 : vector<400x8xf32>
    %and3A_486 = arith.constant -65536 : i32
    %and3A_487 = vector.broadcast %and3A_486 : i32 to vector<400x384xi32>
    %and3A_488 = arith.andi %get3A_56, %and3A_487 : vector<400x384xi32>
    %bitcast_convert_type3A_489 = tpu.bitcast %and3A_488 : vector<400x384xi32> -> vector<400x384xf32>
    %dot_general3A_490 = arith.constant dense<0.000000e+00> : vector<400x384xf32>
    %dot_general3A_491 = tpu.matmul %mul3A_485, %get3A_402, %dot_general3A_490 {dimension_numbers = #tpu.dot_dimension_numbers<[1], [0], [0], [1], [0, 0, 1, 1], [], []>, transpose_lhs_hint = false} : vector<400x8xf32>, vector<8x384xf32>, vector<400x384xf32> -> vector<400x384xf32>
    %mul3A_492 = arith.mulf %dot_general3A_491, %bitcast_convert_type3A_489 : vector<400x384xf32>
    %add3A_493 = arith.addf %add3A_484, %mul3A_492 : vector<400x384xf32>
    %mul3A_494 = arith.mulf %exp3A_372, %div3A_399 : vector<400x8xf32>
    %and3A_495 = arith.constant -65536 : i32
    %and3A_496 = vector.broadcast %and3A_495 : i32 to vector<400x384xi32>
    %and3A_497 = arith.andi %get3A_61, %and3A_496 : vector<400x384xi32>
    %bitcast_convert_type3A_498 = tpu.bitcast %and3A_497 : vector<400x384xi32> -> vector<400x384xf32>
    %dot_general3A_499 = arith.constant dense<0.000000e+00> : vector<400x384xf32>
    %dot_general3A_500 = tpu.matmul %mul3A_494, %get3A_402, %dot_general3A_499 {dimension_numbers = #tpu.dot_dimension_numbers<[1], [0], [0], [1], [0, 0, 1, 1], [], []>, transpose_lhs_hint = false} : vector<400x8xf32>, vector<8x384xf32>, vector<400x384xf32> -> vector<400x384xf32>
    %mul3A_501 = arith.mulf %dot_general3A_500, %bitcast_convert_type3A_498 : vector<400x384xf32>
    %add3A_502 = arith.addf %add3A_493, %mul3A_501 : vector<400x384xf32>
    %mul3A_503 = arith.mulf %exp3A_374, %div3A_399 : vector<400x8xf32>
    %and3A_504 = arith.constant -65536 : i32
    %and3A_505 = vector.broadcast %and3A_504 : i32 to vector<400x384xi32>
    %and3A_506 = arith.andi %get3A_66, %and3A_505 : vector<400x384xi32>
    %bitcast_convert_type3A_507 = tpu.bitcast %and3A_506 : vector<400x384xi32> -> vector<400x384xf32>
    %dot_general3A_508 = arith.constant dense<0.000000e+00> : vector<400x384xf32>
    %dot_general3A_509 = tpu.matmul %mul3A_503, %get3A_402, %dot_general3A_508 {dimension_numbers = #tpu.dot_dimension_numbers<[1], [0], [0], [1], [0, 0, 1, 1], [], []>, transpose_lhs_hint = false} : vector<400x8xf32>, vector<8x384xf32>, vector<400x384xf32> -> vector<400x384xf32>
    %mul3A_510 = arith.mulf %dot_general3A_509, %bitcast_convert_type3A_507 : vector<400x384xf32>
    %add3A_511 = arith.addf %add3A_502, %mul3A_510 : vector<400x384xf32>
    %mul3A_512 = arith.mulf %exp3A_376, %div3A_399 : vector<400x8xf32>
    %and3A_513 = arith.constant -65536 : i32
    %and3A_514 = vector.broadcast %and3A_513 : i32 to vector<400x384xi32>
    %and3A_515 = arith.andi %get3A_71, %and3A_514 : vector<400x384xi32>
    %bitcast_convert_type3A_516 = tpu.bitcast %and3A_515 : vector<400x384xi32> -> vector<400x384xf32>
    %dot_general3A_517 = arith.constant dense<0.000000e+00> : vector<400x384xf32>
    %dot_general3A_518 = tpu.matmul %mul3A_512, %get3A_402, %dot_general3A_517 {dimension_numbers = #tpu.dot_dimension_numbers<[1], [0], [0], [1], [0, 0, 1, 1], [], []>, transpose_lhs_hint = false} : vector<400x8xf32>, vector<8x384xf32>, vector<400x384xf32> -> vector<400x384xf32>
    %mul3A_519 = arith.mulf %dot_general3A_518, %bitcast_convert_type3A_516 : vector<400x384xf32>
    %add3A_520 = arith.addf %add3A_511, %mul3A_519 : vector<400x384xf32>
    %mul3A_521 = arith.mulf %exp3A_378, %div3A_399 : vector<400x8xf32>
    %and3A_522 = arith.constant -65536 : i32
    %and3A_523 = vector.broadcast %and3A_522 : i32 to vector<400x384xi32>
    %and3A_524 = arith.andi %get3A_76, %and3A_523 : vector<400x384xi32>
    %bitcast_convert_type3A_525 = tpu.bitcast %and3A_524 : vector<400x384xi32> -> vector<400x384xf32>
    %dot_general3A_526 = arith.constant dense<0.000000e+00> : vector<400x384xf32>
    %dot_general3A_527 = tpu.matmul %mul3A_521, %get3A_402, %dot_general3A_526 {dimension_numbers = #tpu.dot_dimension_numbers<[1], [0], [0], [1], [0, 0, 1, 1], [], []>, transpose_lhs_hint = false} : vector<400x8xf32>, vector<8x384xf32>, vector<400x384xf32> -> vector<400x384xf32>
    %mul3A_528 = arith.mulf %dot_general3A_527, %bitcast_convert_type3A_525 : vector<400x384xf32>
    %add3A_529 = arith.addf %add3A_520, %mul3A_528 : vector<400x384xf32>
    %mul3A_530 = arith.mulf %exp3A_380, %div3A_399 : vector<400x8xf32>
    %and3A_531 = arith.constant -65536 : i32
    %and3A_532 = vector.broadcast %and3A_531 : i32 to vector<400x384xi32>
    %and3A_533 = arith.andi %get3A_81, %and3A_532 : vector<400x384xi32>
    %bitcast_convert_type3A_534 = tpu.bitcast %and3A_533 : vector<400x384xi32> -> vector<400x384xf32>
    %dot_general3A_535 = arith.constant dense<0.000000e+00> : vector<400x384xf32>
    %dot_general3A_536 = tpu.matmul %mul3A_530, %get3A_402, %dot_general3A_535 {dimension_numbers = #tpu.dot_dimension_numbers<[1], [0], [0], [1], [0, 0, 1, 1], [], []>, transpose_lhs_hint = false} : vector<400x8xf32>, vector<8x384xf32>, vector<400x384xf32> -> vector<400x384xf32>
    %mul3A_537 = arith.mulf %dot_general3A_536, %bitcast_convert_type3A_534 : vector<400x384xf32>
    %add3A_538 = arith.addf %add3A_529, %mul3A_537 : vector<400x384xf32>
    %mul3A_539 = arith.mulf %exp3A_382, %div3A_399 : vector<400x8xf32>
    %and3A_540 = arith.constant -65536 : i32
    %and3A_541 = vector.broadcast %and3A_540 : i32 to vector<400x384xi32>
    %and3A_542 = arith.andi %get3A_86, %and3A_541 : vector<400x384xi32>
    %bitcast_convert_type3A_543 = tpu.bitcast %and3A_542 : vector<400x384xi32> -> vector<400x384xf32>
    %dot_general3A_544 = arith.constant dense<0.000000e+00> : vector<400x384xf32>
    %dot_general3A_545 = tpu.matmul %mul3A_539, %get3A_402, %dot_general3A_544 {dimension_numbers = #tpu.dot_dimension_numbers<[1], [0], [0], [1], [0, 0, 1, 1], [], []>, transpose_lhs_hint = false} : vector<400x8xf32>, vector<8x384xf32>, vector<400x384xf32> -> vector<400x384xf32>
    %mul3A_546 = arith.mulf %dot_general3A_545, %bitcast_convert_type3A_543 : vector<400x384xf32>
    %add3A_547 = arith.addf %add3A_538, %mul3A_546 : vector<400x384xf32>
    %get3A_548 = arith.constant 0 : index
    %get3A_549 = arith.constant 0 : index
    %get3A_550 = vector.load %arg1[%get3A_548, %get3A_549] : memref<400x320xf32, #tpu.memory_space<vmem>>, vector<400x320xf32>
    %get3A_551 = arith.constant 0 : index
    %get3A_552 = arith.constant 0 : index
    %get3A_553 = vector.load %arg5[%get3A_551, %get3A_552] : memref<320x320xf32, #tpu.memory_space<vmem>>, vector<320x320xf32>
    %dot_general3A_554 = arith.constant dense<0.000000e+00> : vector<400x320xf32>
    %dot_general3A_555 = tpu.matmul %get3A_550, %get3A_553, %dot_general3A_554 {dimension_numbers = #tpu.dot_dimension_numbers<[1], [0], [0], [1], [0, 0, 1, 1], [], []>, transpose_lhs_hint = false} : vector<400x320xf32>, vector<320x320xf32>, vector<400x320xf32> -> vector<400x320xf32>
    %get3A_556 = arith.constant 0 : index
    %get3A_557 = arith.constant 0 : index
    %get3A_558 = vector.load %arg8[%get3A_556, %get3A_557] : memref<384x320xf32, #tpu.memory_space<vmem>>, vector<384x320xf32>
    %dot_general3A_559 = arith.constant dense<0.000000e+00> : vector<400x320xf32>
    %dot_general3A_560 = tpu.matmul %add3A_547, %get3A_558, %dot_general3A_559 {dimension_numbers = #tpu.dot_dimension_numbers<[1], [0], [0], [1], [0, 0, 1, 1], [], []>, transpose_lhs_hint = false} : vector<400x384xf32>, vector<384x320xf32>, vector<400x320xf32> -> vector<400x320xf32>
    %add3A_561 = arith.addf %dot_general3A_555, %dot_general3A_560 : vector<400x320xf32>
    %get3A_562 = arith.constant 0 : index
    %get3A_563 = arith.constant 0 : index
    %get3A_564 = vector.load %arg9[%get3A_562, %get3A_563] : memref<320x5xf32, #tpu.memory_space<vmem>>, vector<320x5xf32>
    %get3A_565 = arith.constant 0 : index
    %get3A_566 = arith.constant 0 : index
    %get3A_567 = vector.load %arg10[%get3A_565, %get3A_566] : memref<5x320xf32, #tpu.memory_space<vmem>>, vector<5x320xf32>
    %dot_general3A_568 = arith.constant dense<0.000000e+00> : vector<400x5xf32>
    %dot_general3A_569 = tpu.matmul %add3A_561, %get3A_564, %dot_general3A_568 {dimension_numbers = #tpu.dot_dimension_numbers<[1], [0], [0], [1], [0, 0, 1, 1], [], []>, transpose_lhs_hint = false} : vector<400x320xf32>, vector<320x5xf32>, vector<400x5xf32> -> vector<400x5xf32>
    %dot_general3A_570 = arith.constant dense<0.000000e+00> : vector<400x320xf32>
    %dot_general3A_571 = tpu.matmul %dot_general3A_569, %get3A_567, %dot_general3A_570 {dimension_numbers = #tpu.dot_dimension_numbers<[1], [0], [0], [1], [0, 0, 1, 1], [], []>, transpose_lhs_hint = false} : vector<400x5xf32>, vector<5x320xf32>, vector<400x320xf32> -> vector<400x320xf32>
    %sub3A_572 = arith.subf %add3A_561, %dot_general3A_571 : vector<400x320xf32>
    %mul3A_573 = arith.mulf %sub3A_572, %sub3A_572 : vector<400x320xf32>
    %dot_general3A_574 = arith.constant dense<0.000000e+00> : vector<400x5xf32>
    %dot_general3A_575 = tpu.matmul %mul3A_573, %get3A_564, %dot_general3A_574 {dimension_numbers = #tpu.dot_dimension_numbers<[1], [0], [0], [1], [0, 0, 1, 1], [], []>, transpose_lhs_hint = false} : vector<400x320xf32>, vector<320x5xf32>, vector<400x5xf32> -> vector<400x5xf32>
    %dot_general3A_576 = arith.constant dense<0.000000e+00> : vector<400x320xf32>
    %dot_general3A_577 = tpu.matmul %dot_general3A_575, %get3A_567, %dot_general3A_576 {dimension_numbers = #tpu.dot_dimension_numbers<[1], [0], [0], [1], [0, 0, 1, 1], [], []>, transpose_lhs_hint = false} : vector<400x5xf32>, vector<5x320xf32>, vector<400x320xf32> -> vector<400x320xf32>
    %add3A_578 = arith.constant 9.99999974E-6 : f32
    %add3A_579 = vector.broadcast %add3A_578 : f32 to vector<400x320xf32>
    %add3A_580 = arith.addf %dot_general3A_577, %add3A_579 : vector<400x320xf32>
    %rsqrt3A = math.rsqrt %add3A_580 : vector<400x320xf32>
    %mul3A_581 = arith.mulf %sub3A_572, %rsqrt3A : vector<400x320xf32>
    %get3A_582 = arith.constant 0 : index
    %get3A_583 = arith.constant 0 : index
    %get3A_584 = vector.load %arg15[%get3A_582, %get3A_583] : memref<1x320xf32, #tpu.memory_space<vmem>>, vector<1x320xf32>
    %mul3A_585 = vector.broadcast %get3A_584 : vector<1x320xf32> to vector<400x320xf32>
    %mul3A_586 = arith.mulf %mul3A_581, %mul3A_585 : vector<400x320xf32>
    %get3A_587 = arith.constant 0 : index
    %get3A_588 = arith.constant 0 : index
    %get3A_589 = vector.load %arg16[%get3A_587, %get3A_588] : memref<1x320xf32, #tpu.memory_space<vmem>>, vector<1x320xf32>
    %add3A_590 = vector.broadcast %get3A_589 : vector<1x320xf32> to vector<400x320xf32>
    %add3A_591 = arith.addf %mul3A_586, %add3A_590 : vector<400x320xf32>
    %convert_element_type3A = arith.truncf %add3A_591 : vector<400x320xf32> to vector<400x320xbf16>
    %get3A_592 = arith.constant 0 : index
    %get3A_593 = arith.constant 0 : index
    %get3A_594 = vector.load %arg11[%get3A_592, %get3A_593] : memref<320x1280xbf16, #tpu.memory_space<vmem>>, vector<320x1280xbf16>
    %dot_general3A_595 = arith.constant dense<0.000000e+00> : vector<400x1280xf32>
    %dot_general3A_596 = tpu.matmul %convert_element_type3A, %get3A_594, %dot_general3A_595 {dimension_numbers = #tpu.dot_dimension_numbers<[1], [0], [0], [1], [0, 0, 1, 1], [], []>, transpose_lhs_hint = false} : vector<400x320xbf16>, vector<320x1280xbf16>, vector<400x1280xf32> -> vector<400x1280xf32>
    %get3A_597 = arith.constant 0 : index
    %get3A_598 = arith.constant 0 : index
    %get3A_599 = vector.load %arg12[%get3A_597, %get3A_598] : memref<1x1280xf32, #tpu.memory_space<vmem>>, vector<1x1280xf32>
    %add3A_600 = vector.broadcast %get3A_599 : vector<1x1280xf32> to vector<400x1280xf32>
    %add3A_601 = arith.addf %dot_general3A_596, %add3A_600 : vector<400x1280xf32>
    %max3A_602 = arith.constant 0.000000e+00 : f32
    %max3A_603 = vector.broadcast %max3A_602 : f32 to vector<400x1280xf32>
    %max3A_604 = arith.maximumf %add3A_601, %max3A_603 : vector<400x1280xf32>
    %convert_element_type3A_605 = arith.truncf %max3A_604 : vector<400x1280xf32> to vector<400x1280xbf16>
    %get3A_606 = arith.constant 0 : index
    %get3A_607 = arith.constant 0 : index
    %get3A_608 = vector.load %arg13[%get3A_606, %get3A_607] : memref<1280x320xbf16, #tpu.memory_space<vmem>>, vector<1280x320xbf16>
    %dot_general3A_609 = arith.constant dense<0.000000e+00> : vector<400x320xf32>
    %dot_general3A_610 = tpu.matmul %convert_element_type3A_605, %get3A_608, %dot_general3A_609 {dimension_numbers = #tpu.dot_dimension_numbers<[1], [0], [0], [1], [0, 0, 1, 1], [], []>, transpose_lhs_hint = false} : vector<400x1280xbf16>, vector<1280x320xbf16>, vector<400x320xf32> -> vector<400x320xf32>
    %get3A_611 = arith.constant 0 : index
    %get3A_612 = arith.constant 0 : index
    %get3A_613 = vector.load %arg14[%get3A_611, %get3A_612] : memref<1x320xf32, #tpu.memory_space<vmem>>, vector<1x320xf32>
    %add3A_614 = vector.broadcast %get3A_613 : vector<1x320xf32> to vector<400x320xf32>
    %add3A_615 = arith.addf %dot_general3A_610, %add3A_614 : vector<400x320xf32>
    %add3A_616 = arith.addf %add3A_591, %add3A_615 : vector<400x320xf32>
    %dot_general3A_617 = arith.constant dense<0.000000e+00> : vector<400x5xf32>
    %dot_general3A_618 = tpu.matmul %add3A_616, %get3A_564, %dot_general3A_617 {dimension_numbers = #tpu.dot_dimension_numbers<[1], [0], [0], [1], [0, 0, 1, 1], [], []>, transpose_lhs_hint = false} : vector<400x320xf32>, vector<320x5xf32>, vector<400x5xf32> -> vector<400x5xf32>
    %dot_general3A_619 = arith.constant dense<0.000000e+00> : vector<400x320xf32>
    %dot_general3A_620 = tpu.matmul %dot_general3A_618, %get3A_567, %dot_general3A_619 {dimension_numbers = #tpu.dot_dimension_numbers<[1], [0], [0], [1], [0, 0, 1, 1], [], []>, transpose_lhs_hint = false} : vector<400x5xf32>, vector<5x320xf32>, vector<400x320xf32> -> vector<400x320xf32>
    %sub3A_621 = arith.subf %add3A_616, %dot_general3A_620 : vector<400x320xf32>
    %mul3A_622 = arith.mulf %sub3A_621, %sub3A_621 : vector<400x320xf32>
    %dot_general3A_623 = arith.constant dense<0.000000e+00> : vector<400x5xf32>
    %dot_general3A_624 = tpu.matmul %mul3A_622, %get3A_564, %dot_general3A_623 {dimension_numbers = #tpu.dot_dimension_numbers<[1], [0], [0], [1], [0, 0, 1, 1], [], []>, transpose_lhs_hint = false} : vector<400x320xf32>, vector<320x5xf32>, vector<400x5xf32> -> vector<400x5xf32>
    %dot_general3A_625 = arith.constant dense<0.000000e+00> : vector<400x320xf32>
    %dot_general3A_626 = tpu.matmul %dot_general3A_624, %get3A_567, %dot_general3A_625 {dimension_numbers = #tpu.dot_dimension_numbers<[1], [0], [0], [1], [0, 0, 1, 1], [], []>, transpose_lhs_hint = false} : vector<400x5xf32>, vector<5x320xf32>, vector<400x320xf32> -> vector<400x320xf32>
    %add3A_627 = arith.constant 9.99999974E-6 : f32
    %add3A_628 = vector.broadcast %add3A_627 : f32 to vector<400x320xf32>
    %add3A_629 = arith.addf %dot_general3A_626, %add3A_628 : vector<400x320xf32>
    %rsqrt3A_630 = math.rsqrt %add3A_629 : vector<400x320xf32>
    %mul3A_631 = arith.mulf %sub3A_621, %rsqrt3A_630 : vector<400x320xf32>
    %get3A_632 = arith.constant 0 : index
    %get3A_633 = arith.constant 0 : index
    %get3A_634 = vector.load %arg17[%get3A_632, %get3A_633] : memref<320x320xf32, #tpu.memory_space<vmem>>, vector<320x320xf32>
    %dot_general3A_635 = arith.constant dense<0.000000e+00> : vector<400x320xf32>
    %dot_general3A_636 = tpu.matmul %mul3A_631, %get3A_634, %dot_general3A_635 {dimension_numbers = #tpu.dot_dimension_numbers<[1], [0], [0], [1], [0, 0, 1, 1], [], []>, transpose_lhs_hint = false} : vector<400x320xf32>, vector<320x320xf32>, vector<400x320xf32> -> vector<400x320xf32>
    %get3A_637 = arith.constant 0 : index
    %get3A_638 = arith.constant 0 : index
    %get3A_639 = vector.load %arg18[%get3A_637, %get3A_638] : memref<1x320xf32, #tpu.memory_space<vmem>>, vector<1x320xf32>
    %add3A_640 = vector.broadcast %get3A_639 : vector<1x320xf32> to vector<400x320xf32>
    %add3A_641 = arith.addf %dot_general3A_636, %add3A_640 : vector<400x320xf32>
    %swap3A = arith.constant 0 : index
    %swap3A_642 = arith.constant 0 : index
    %swap3A_643 = vector.load %arg19[%swap3A, %swap3A_642] : memref<400x320xf32, #tpu.memory_space<vmem>>, vector<400x320xf32>
    tpu.vector_store %arg19[%swap3A, %swap3A_642], %add3A_641 {strides = array<i32>} : memref<400x320xf32, #tpu.memory_space<vmem>>, vector<400x320xf32>,
    return
  }
  func.func @transform_0(%arg0: i32) -> (i32, i32) {
    %add3A = arith.constant 8 : i32
    %add3A_0 = arith.addi %add3A, %arg0 : i32
    %c0_i32 = arith.constant 0 : i32
    %c0_i32_1 = arith.constant 0 : i32
    return %add3A_0, %c0_i32 : i32, i32
  }
  func.func @transform_1(%arg0: i32) -> (i32, i32) {
    %add3A = arith.constant 8 : i32
    %add3A_0 = arith.addi %add3A, %arg0 : i32
    %c0_i32 = arith.constant 0 : i32
    %c0_i32_1 = arith.constant 0 : i32
    return %add3A_0, %c0_i32 : i32, i32
  }
  func.func @transform_2(%arg0: i32) -> (i32, i32, i32) {
    %c0_i32 = arith.constant 0 : i32
    %c0_i32_0 = arith.constant 0 : i32
    %c0_i32_1 = arith.constant 0 : i32
    return %c0_i32, %arg0, %c0_i32_0 : i32, i32, i32
  }
  func.func @transform_3(%arg0: i32) -> (i32, i32, i32) {
    %add3A = arith.constant 8 : i32
    %add3A_0 = arith.addi %add3A, %arg0 : i32
    %c0_i32 = arith.constant 0 : i32
    %c0_i32_1 = arith.constant 0 : i32
    %c0_i32_2 = arith.constant 0 : i32
    return %c0_i32, %add3A_0, %c0_i32_1 : i32, i32, i32
  }
  func.func @transform_4(%arg0: i32) -> (i32, i32) {
    %c0_i32 = arith.constant 0 : i32
    %c0_i32_0 = arith.constant 0 : i32
    %c0_i32_1 = arith.constant 0 : i32
    return %c0_i32, %c0_i32_0 : i32, i32
  }
  func.func @transform_5(%arg0: i32) -> (i32, i32) {
    %c0_i32 = arith.constant 0 : i32
    %c0_i32_0 = arith.constant 0 : i32
    %c0_i32_1 = arith.constant 0 : i32
    return %c0_i32, %c0_i32_0 : i32, i32
  }
  func.func @transform_6(%arg0: i32) -> (i32, i32) {
    %c0_i32 = arith.constant 0 : i32
    %c0_i32_0 = arith.constant 0 : i32
    %c0_i32_1 = arith.constant 0 : i32
    return %c0_i32, %c0_i32_0 : i32, i32
  }
  func.func @transform_7(%arg0: i32) -> (i32, i32) {
    %c0_i32 = arith.constant 0 : i32
    %c0_i32_0 = arith.constant 0 : i32
    %c0_i32_1 = arith.constant 0 : i32
    return %c0_i32, %c0_i32_0 : i32, i32
  }
  func.func @transform_8(%arg0: i32) -> (i32, i32) {
    %c0_i32 = arith.constant 0 : i32
    %c0_i32_0 = arith.constant 0 : i32
    %c0_i32_1 = arith.constant 0 : i32
    return %c0_i32, %c0_i32_0 : i32, i32
  }
  func.func @transform_9(%arg0: i32) -> (i32, i32) {
    %c0_i32 = arith.constant 0 : i32
    %c0_i32_0 = arith.constant 0 : i32
    %c0_i32_1 = arith.constant 0 : i32
    return %c0_i32, %c0_i32_0 : i32, i32
  }
  func.func @transform_10(%arg0: i32) -> (i32, i32) {
    %c0_i32 = arith.constant 0 : i32
    %c0_i32_0 = arith.constant 0 : i32
    %c0_i32_1 = arith.constant 0 : i32
    return %c0_i32, %c0_i32_0 : i32, i32
  }
  func.func @transform_11(%arg0: i32) -> (i32, i32) {
    %c0_i32 = arith.constant 0 : i32
    %c0_i32_0 = arith.constant 0 : i32
    %c0_i32_1 = arith.constant 0 : i32
    return %c0_i32, %c0_i32_0 : i32, i32
  }
  func.func @transform_12(%arg0: i32) -> (i32, i32) {
    %c0_i32 = arith.constant 0 : i32
    %c0_i32_0 = arith.constant 0 : i32
    %c0_i32_1 = arith.constant 0 : i32
    return %c0_i32, %c0_i32_0 : i32, i32
  }
  func.func @transform_13(%arg0: i32) -> (i32, i32) {
    %c0_i32 = arith.constant 0 : i32
    %c0_i32_0 = arith.constant 0 : i32
    %c0_i32_1 = arith.constant 0 : i32
    return %c0_i32, %c0_i32_0 : i32, i32
  }
  func.func @transform_14(%arg0: i32) -> (i32, i32) {
    %c0_i32 = arith.constant 0 : i32
    %c0_i32_0 = arith.constant 0 : i32
    %c0_i32_1 = arith.constant 0 : i32
    return %c0_i32, %c0_i32_0 : i32, i32
  }
  func.func @transform_15(%arg0: i32) -> (i32, i32) {
    %c0_i32 = arith.constant 0 : i32
    %c0_i32_0 = arith.constant 0 : i32
    %c0_i32_1 = arith.constant 0 : i32
    return %c0_i32, %c0_i32_0 : i32, i32
  }
  func.func @transform_16(%arg0: i32) -> (i32, i32) {
    %c0_i32 = arith.constant 0 : i32
    %c0_i32_0 = arith.constant 0 : i32
    %c0_i32_1 = arith.constant 0 : i32
    return %c0_i32, %c0_i32_0 : i32, i32
  }
  func.func @transform_17(%arg0: i32) -> (i32, i32) {
    %c0_i32 = arith.constant 0 : i32
    %c0_i32_0 = arith.constant 0 : i32
    %c0_i32_1 = arith.constant 0 : i32
    return %c0_i32, %c0_i32_0 : i32, i32
  }
  func.func @transform_18(%arg0: i32) -> (i32, i32) {
    %c0_i32 = arith.constant 0 : i32
    %c0_i32_0 = arith.constant 0 : i32
    return %arg0, %c0_i32 : i32, i32
  }
}

module attributes {stable_mosaic.version = 14 : i64} {
  func.func @_attn_body(%arg0: i32, %arg1: memref<400x320xf32, #tpu.memory_space<vmem>>, %arg2: memref<400x384xi32, #tpu.memory_space<vmem>>, %arg3: memref<16x400x384xi32, #tpu.memory_space<vmem>>, %arg4: memref<16x400x8xf32, #tpu.memory_space<vmem>>, %arg5: memref<320x320xf32, #tpu.memory_space<vmem>>, %arg6: memref<384x8xf32, #tpu.memory_space<vmem>>, %arg7: memref<8x384xf32, #tpu.memory_space<vmem>>, %arg8: memref<384x320xf32, #tpu.memory_space<vmem>>, %arg9: memref<320x5xf32, #tpu.memory_space<vmem>>, %arg10: memref<5x320xf32, #tpu.memory_space<vmem>>, %arg11: memref<320x1280xbf16, #tpu.memory_space<vmem>>, %arg12: memref<1x1280xf32, #tpu.memory_space<vmem>>, %arg13: memref<1280x320xbf16, #tpu.memory_space<vmem>>, %arg14: memref<1x320xf32, #tpu.memory_space<vmem>>, %arg15: memref<1x320xf32, #tpu.memory_space<vmem>>, %arg16: memref<1x320xf32, #tpu.memory_space<vmem>>, %arg17: memref<320x320xf32, #tpu.memory_space<vmem>>, %arg18: memref<1x320xf32, #tpu.memory_space<vmem>>, %arg19: memref<400x320xf32, #tpu.memory_space<vmem>>) attributes {dimension_semantics = [#tpu.dimension_semantics<arbitrary>], iteration_bounds = array<i64: 8>, scalar_prefetch = 0 : i64, scratch_operands = 0 : i64, tpu.core_type = #tpu.core_type<tc>, window_params = [{transform_indices = @transform_0, window_bounds = array<i64: 400, 320>}, {transform_indices = @transform_1, window_bounds = array<i64: 400, 384>}, {transform_indices = @transform_2, window_bounds = array<i64: 16, 400, 384>}, {transform_indices = @transform_3, window_bounds = array<i64: 16, 400, 8>}, {pipeline_mode = #tpu.pipeline_mode<synchronous>, transform_indices = @transform_4, window_bounds = array<i64: 320, 320>}, {pipeline_mode = #tpu.pipeline_mode<synchronous>, transform_indices = @transform_5, window_bounds = array<i64: 384, 8>}, {pipeline_mode = #tpu.pipeline_mode<synchronous>, transform_indices = @transform_6, window_bounds = array<i64: 8, 384>}, {pipeline_mode = #tpu.pipeline_mode<synchronous>, transform_indices = @transform_7, window_bounds = array<i64: 384, 320>}, {pipeline_mode = #tpu.pipeline_mode<synchronous>, transform_indices = @transform_8, window_bounds = array<i64: 320, 5>}, {pipeline_mode = #tpu.pipeline_mode<synchronous>, transform_indices = @transform_9, window_bounds = array<i64: 5, 320>}, {pipeline_mode = #tpu.pipeline_mode<synchronous>, transform_indices = @transform_10, window_bounds = array<i64: 320, 1280>}, {pipeline_mode = #tpu.pipeline_mode<synchronous>, transform_indices = @transform_11, window_bounds = array<i64: 1, 1280>}, {pipeline_mode = #tpu.pipeline_mode<synchronous>, transform_indices = @transform_12, window_bounds = array<i64: 1280, 320>}, {pipeline_mode = #tpu.pipeline_mode<synchronous>, transform_indices = @transform_13, window_bounds = array<i64: 1, 320>}, {pipeline_mode = #tpu.pipeline_mode<synchronous>, transform_indices = @transform_14, window_bounds = array<i64: 1, 320>}, {pipeline_mode = #tpu.pipeline_mode<synchronous>, transform_indices = @transform_15, window_bounds = array<i64: 1, 320>}, {pipeline_mode = #tpu.pipeline_mode<synchronous>, transform_indices = @transform_16, window_bounds = array<i64: 320, 320>}, {pipeline_mode = #tpu.pipeline_mode<synchronous>, transform_indices = @transform_17, window_bounds = array<i64: 1, 320>}, {transform_indices = @transform_18, window_bounds = array<i64: 400, 320>}]} {
    %get3A = arith.constant 0 : index
    %get3A_0 = arith.constant 0 : index
    %get3A_1 = vector.load %arg2[%get3A, %get3A_0] : memref<400x384xi32, #tpu.memory_space<vmem>>, vector<400x384xi32>
    %and3A = arith.constant -65536 : i32
    %and3A_2 = vector.broadcast %and3A : i32 to vector<400x384xi32>
    %and3A_3 = arith.andi %get3A_1, %and3A_2 : vector<400x384xi32>
    %bitcast_convert_type3A = tpu.bitcast %and3A_3 : vector<400x384xi32> -> vector<400x384xf32>
    %get3A_4 = arith.constant 0 : index
    %get3A_5 = arith.constant 0 : index
    %get3A_6 = vector.load %arg6[%get3A_4, %get3A_5] : memref<384x8xf32, #tpu.memory_space<vmem>>, vector<384x8xf32>
    %get3A_7 = arith.constant 0 : index
    %get3A_8 = arith.constant 0 : index
    %get3A_9 = arith.constant 0 : index
    %get3A_10 = vector.load %arg3[%get3A_7, %get3A_8, %get3A_9] : memref<16x400x384xi32, #tpu.memory_space<vmem>>, vector<1x400x384xi32>
    %get3A_11 = vector.shape_cast %get3A_10 : vector<1x400x384xi32> to vector<400x384xi32>
    %get3A_12 = arith.constant 1 : index
    %get3A_13 = arith.constant 0 : index
    %get3A_14 = arith.constant 0 : index
    %get3A_15 = vector.load %arg3[%get3A_12, %get3A_13, %get3A_14] : memref<16x400x384xi32, #tpu.memory_space<vmem>>, vector<1x400x384xi32>
    %get3A_16 = vector.shape_cast %get3A_15 : vector<1x400x384xi32> to vector<400x384xi32>
    %get3A_17 = arith.constant 2 : index
    %get3A_18 = arith.constant 0 : index
    %get3A_19 = arith.constant 0 : index
    %get3A_20 = vector.load %arg3[%get3A_17, %get3A_18, %get3A_19] : memref<16x400x384xi32, #tpu.memory_space<vmem>>, vector<1x400x384xi32>
    %get3A_21 = vector.shape_cast %get3A_20 : vector<1x400x384xi32> to vector<400x384xi32>
    %get3A_22 = arith.constant 3 : index
    %get3A_23 = arith.constant 0 : index
    %get3A_24 = arith.constant 0 : index
    %get3A_25 = vector.load %arg3[%get3A_22, %get3A_23, %get3A_24] : memref<16x400x384xi32, #tpu.memory_space<vmem>>, vector<1x400x384xi32>
    %get3A_26 = vector.shape_cast %get3A_25 : vector<1x400x384xi32> to vector<400x384xi32>
    %get3A_27 = arith.constant 4 : index
    %get3A_28 = arith.constant 0 : index
    %get3A_29 = arith.constant 0 : index
    %get3A_30 = vector.load %arg3[%get3A_27, %get3A_28, %get3A_29] : memref<16x400x384xi32, #tpu.memory_space<vmem>>, vector<1x400x384xi32>
    %get3A_31 = vector.shape_cast %get3A_30 : vector<1x400x384xi32> to vector<400x384xi32>
    %get3A_32 = arith.constant 5 : index
    %get3A_33 = arith.constant 0 : index
    %get3A_34 = arith.constant 0 : index
    %get3A_35 = vector.load %arg3[%get3A_32, %get3A_33, %get3A_34] : memref<16x400x384xi32, #tpu.memory_space<vmem>>, vector<1x400x384xi32>
    %get3A_36 = vector.shape_cast %get3A_35 : vector<1x400x384xi32> to vector<400x384xi32>
    %get3A_37 = arith.constant 6 : index
    %get3A_38 = arith.constant 0 : index
    %get3A_39 = arith.constant 0 : index
    %get3A_40 = vector.load %arg3[%get3A_37, %get3A_38, %get3A_39] : memref<16x400x384xi32, #tpu.memory_space<vmem>>, vector<1x400x384xi32>
    %get3A_41 = vector.shape_cast %get3A_40 : vector<1x400x384xi32> to vector<400x384xi32>
    %get3A_42 = arith.constant 7 : index
    %get3A_43 = arith.constant 0 : index
    %get3A_44 = arith.constant 0 : index
    %get3A_45 = vector.load %arg3[%get3A_42, %get3A_43, %get3A_44] : memref<16x400x384xi32, #tpu.memory_space<vmem>>, vector<1x400x384xi32>
    %get3A_46 = vector.shape_cast %get3A_45 : vector<1x400x384xi32> to vector<400x384xi32>
    %get3A_47 = arith.constant 8 : index
    %get3A_48 = arith.constant 0 : index
    %get3A_49 = arith.constant 0 : index
    %get3A_50 = vector.load %arg3[%get3A_47, %get3A_48, %get3A_49] : memref<16x400x384xi32, #tpu.memory_space<vmem>>, vector<1x400x384xi32>
    %get3A_51 = vector.shape_cast %get3A_50 : vector<1x400x384xi32> to vector<400x384xi32>
    %get3A_52 = arith.constant 9 : index
    %get3A_53 = arith.constant 0 : index
    %get3A_54 = arith.constant 0 : index
    %get3A_55 = vector.load %arg3[%get3A_52, %get3A_53, %get3A_54] : memref<16x400x384xi32, #tpu.memory_space<vmem>>, vector<1x400x384xi32>
    %get3A_56 = vector.shape_cast %get3A_55 : vector<1x400x384xi32> to vector<400x384xi32>
    %get3A_57 = arith.constant 10 : index
    %get3A_58 = arith.constant 0 : index
    %get3A_59 = arith.constant 0 : index
    %get3A_60 = vector.load %arg3[%get3A_57, %get3A_58, %get3A_59] : memref<16x400x384xi32, #tpu.memory_space<vmem>>, vector<1x400x384xi32>
    %get3A_61 = vector.shape_cast %get3A_60 : vector<1x400x384xi32> to vector<400x384xi32>
    %get3A_62 = arith.constant 11 : index
    %get3A_63 = arith.constant 0 : index
    %get3A_64 = arith.constant 0 : index
    %get3A_65 = vector.load %arg3[%get3A_62, %get3A_63, %get3A_64] : memref<16x400x384xi32, #tpu.memory_space<vmem>>, vector<1x400x384xi32>
    %get3A_66 = vector.shape_cast %get3A_65 : vector<1x400x384xi32> to vector<400x384xi32>
    %get3A_67 = arith.constant 12 : index
    %get3A_68 = arith.constant 0 : index
    %get3A_69 = arith.constant 0 : index
    %get3A_70 = vector.load %arg3[%get3A_67, %get3A_68, %get3A_69] : memref<16x400x384xi32, #tpu.memory_space<vmem>>, vector<1x400x384xi32>
    %get3A_71 = vector.shape_cast %get3A_70 : vector<1x400x384xi32> to vector<400x384xi32>
    %get3A_72 = arith.constant 13 : index
    %get3A_73 = arith.constant 0 : index
    %get3A_74 = arith.constant 0 : index
    %get3A_75 = vector.load %arg3[%get3A_72, %get3A_73, %get3A_74] : memref<16x400x384xi32, #tpu.memory_space<vmem>>, vector<1x400x384xi32>
    %get3A_76 = vector.shape_cast %get3A_75 : vector<1x400x384xi32> to vector<400x384xi32>
    %get3A_77 = arith.constant 14 : index
    %get3A_78 = arith.constant 0 : index
    %get3A_79 = arith.constant 0 : index
    %get3A_80 = vector.load %arg3[%get3A_77, %get3A_78, %get3A_79] : memref<16x400x384xi32, #tpu.memory_space<vmem>>, vector<1x400x384xi32>
    %get3A_81 = vector.shape_cast %get3A_80 : vector<1x400x384xi32> to vector<400x384xi32>
    %get3A_82 = arith.constant 15 : index
    %get3A_83 = arith.constant 0 : index
    %get3A_84 = arith.constant 0 : index
    %get3A_85 = vector.load %arg3[%get3A_82, %get3A_83, %get3A_84] : memref<16x400x384xi32, #tpu.memory_space<vmem>>, vector<1x400x384xi32>
    %get3A_86 = vector.shape_cast %get3A_85 : vector<1x400x384xi32> to vector<400x384xi32>
    %shift_left3A = arith.constant 16 : i32
    %shift_left3A_87 = vector.broadcast %shift_left3A : i32 to vector<400x384xi32>
    %shift_left3A_88 = arith.shli %get3A_11, %shift_left3A_87 : vector<400x384xi32>
    %bitcast_convert_type3A_89 = tpu.bitcast %shift_left3A_88 : vector<400x384xi32> -> vector<400x384xf32>
    %mul3A = arith.mulf %bitcast_convert_type3A, %bitcast_convert_type3A_89 : vector<400x384xf32>
    %dot_general3A = arith.constant dense<0.000000e+00> : vector<400x8xf32>
    %dot_general3A_90 = tpu.matmul %mul3A, %get3A_6, %dot_general3A {dimension_numbers = #tpu.dot_dimension_numbers<[1], [0], [0], [1], [0, 0, 1, 1], [], []>, transpose_lhs_hint = false} : vector<400x384xf32>, vector<384x8xf32>, vector<400x8xf32> -> vector<400x8xf32>
    %get3A_91 = arith.constant 0 : index
    %get3A_92 = arith.constant 0 : index
    %get3A_93 = arith.constant 0 : index
    %get3A_94 = vector.load %arg4[%get3A_91, %get3A_92, %get3A_93] : memref<16x400x8xf32, #tpu.memory_space<vmem>>, vector<1x400x8xf32>
    %get3A_95 = vector.shape_cast %get3A_94 : vector<1x400x8xf32> to vector<400x8xf32>
    %add3A = arith.addf %dot_general3A_90, %get3A_95 : vector<400x8xf32>
    %mul3A_96 = arith.constant 0.353553385 : f32
    %mul3A_97 = vector.broadcast %mul3A_96 : f32 to vector<400x8xf32>
    %mul3A_98 = arith.mulf %add3A, %mul3A_97 : vector<400x8xf32>
    %shift_left3A_99 = arith.constant 16 : i32
    %shift_left3A_100 = vector.broadcast %shift_left3A_99 : i32 to vector<400x384xi32>
    %shift_left3A_101 = arith.shli %get3A_16, %shift_left3A_100 : vector<400x384xi32>
    %bitcast_convert_type3A_102 = tpu.bitcast %shift_left3A_101 : vector<400x384xi32> -> vector<400x384xf32>
    %mul3A_103 = arith.mulf %bitcast_convert_type3A, %bitcast_convert_type3A_102 : vector<400x384xf32>
    %dot_general3A_104 = arith.constant dense<0.000000e+00> : vector<400x8xf32>
    %dot_general3A_105 = tpu.matmul %mul3A_103, %get3A_6, %dot_general3A_104 {dimension_numbers = #tpu.dot_dimension_numbers<[1], [0], [0], [1], [0, 0, 1, 1], [], []>, transpose_lhs_hint = false} : vector<400x384xf32>, vector<384x8xf32>, vector<400x8xf32> -> vector<400x8xf32>
    %get3A_106 = arith.constant 1 : index
    %get3A_107 = arith.constant 0 : index
    %get3A_108 = arith.constant 0 : index
    %get3A_109 = vector.load %arg4[%get3A_106, %get3A_107, %get3A_108] : memref<16x400x8xf32, #tpu.memory_space<vmem>>, vector<1x400x8xf32>
    %get3A_110 = vector.shape_cast %get3A_109 : vector<1x400x8xf32> to vector<400x8xf32>
    %add3A_111 = arith.addf %dot_general3A_105, %get3A_110 : vector<400x8xf32>
    %mul3A_112 = arith.constant 0.353553385 : f32
    %mul3A_113 = vector.broadcast %mul3A_112 : f32 to vector<400x8xf32>
    %mul3A_114 = arith.mulf %add3A_111, %mul3A_113 : vector<400x8xf32>
    %shift_left3A_115 = arith.constant 16 : i32
    %shift_left3A_116 = vector.broadcast %shift_left3A_115 : i32 to vector<400x384xi32>
    %shift_left3A_117 = arith.shli %get3A_21, %shift_left3A_116 : vector<400x384xi32>
    %bitcast_convert_type3A_118 = tpu.bitcast %shift_left3A_117 : vector<400x384xi32> -> vector<400x384xf32>
    %mul3A_119 = arith.mulf %bitcast_convert_type3A, %bitcast_convert_type3A_118 : vector<400x384xf32>
    %dot_general3A_120 = arith.constant dense<0.000000e+00> : vector<400x8xf32>
    %dot_general3A_121 = tpu.matmul %mul3A_119, %get3A_6, %dot_general3A_120 {dimension_numbers = #tpu.dot_dimension_numbers<[1], [0], [0], [1], [0, 0, 1, 1], [], []>, transpose_lhs_hint = false} : vector<400x384xf32>, vector<384x8xf32>, vector<400x8xf32> -> vector<400x8xf32>
    %get3A_122 = arith.constant 2 : index
    %get3A_123 = arith.constant 0 : index
    %get3A_124 = arith.constant 0 : index
    %get3A_125 = vector.load %arg4[%get3A_122, %get3A_123, %get3A_124] : memref<16x400x8xf32, #tpu.memory_space<vmem>>, vector<1x400x8xf32>
    %get3A_126 = vector.shape_cast %get3A_125 : vector<1x400x8xf32> to vector<400x8xf32>
    %add3A_127 = arith.addf %dot_general3A_121, %get3A_126 : vector<400x8xf32>
    %mul3A_128 = arith.constant 0.353553385 : f32
    %mul3A_129 = vector.broadcast %mul3A_128 : f32 to vector<400x8xf32>
    %mul3A_130 = arith.mulf %add3A_127, %mul3A_129 : vector<400x8xf32>
    %shift_left3A_131 = arith.constant 16 : i32
    %shift_left3A_132 = vector.broadcast %shift_left3A_131 : i32 to vector<400x384xi32>
    %shift_left3A_133 = arith.shli %get3A_26, %shift_left3A_132 : vector<400x384xi32>
    %bitcast_convert_type3A_134 = tpu.bitcast %shift_left3A_133 : vector<400x384xi32> -> vector<400x384xf32>
    %mul3A_135 = arith.mulf %bitcast_convert_type3A, %bitcast_convert_type3A_134 : vector<400x384xf32>
    %dot_general3A_136 = arith.constant dense<0.000000e+00> : vector<400x8xf32>
    %dot_general3A_137 = tpu.matmul %mul3A_135, %get3A_6, %dot_general3A_136 {dimension_numbers = #tpu.dot_dimension_numbers<[1], [0], [0], [1], [0, 0, 1, 1], [], []>, transpose_lhs_hint = false} : vector<400x384xf32>, vector<384x8xf32>, vector<400x8xf32> -> vector<400x8xf32>
    %get3A_138 = arith.constant 3 : index
    %get3A_139 = arith.constant 0 : index
    %get3A_140 = arith.constant 0 : index
    %get3A_141 = vector.load %arg4[%get3A_138, %get3A_139, %get3A_140] : memref<16x400x8xf32, #tpu.memory_space<vmem>>, vector<1x400x8xf32>
    %get3A_142 = vector.shape_cast %get3A_141 : vector<1x400x8xf32> to vector<400x8xf32>
    %add3A_143 = arith.addf %dot_general3A_137, %get3A_142 : vector<400x8xf32>
    %mul3A_144 = arith.constant 0.353553385 : f32
    %mul3A_145 = vector.broadcast %mul3A_144 : f32 to vector<400x8xf32>
    %mul3A_146 = arith.mulf %add3A_143, %mul3A_145 : vector<400x8xf32>
    %shift_left3A_147 = arith.constant 16 : i32
    %shift_left3A_148 = vector.broadcast %shift_left3A_147 : i32 to vector<400x384xi32>
    %shift_left3A_149 = arith.shli %get3A_31, %shift_left3A_148 : vector<400x384xi32>
    %bitcast_convert_type3A_150 = tpu.bitcast %shift_left3A_149 : vector<400x384xi32> -> vector<400x384xf32>
    %mul3A_151 = arith.mulf %bitcast_convert_type3A, %bitcast_convert_type3A_150 : vector<400x384xf32>
    %dot_general3A_152 = arith.constant dense<0.000000e+00> : vector<400x8xf32>
    %dot_general3A_153 = tpu.matmul %mul3A_151, %get3A_6, %dot_general3A_152 {dimension_numbers = #tpu.dot_dimension_numbers<[1], [0], [0], [1], [0, 0, 1, 1], [], []>, transpose_lhs_hint = false} : vector<400x384xf32>, vector<384x8xf32>, vector<400x8xf32> -> vector<400x8xf32>
    %get3A_154 = arith.constant 4 : index
    %get3A_155 = arith.constant 0 : index
    %get3A_156 = arith.constant 0 : index
    %get3A_157 = vector.load %arg4[%get3A_154, %get3A_155, %get3A_156] : memref<16x400x8xf32, #tpu.memory_space<vmem>>, vector<1x400x8xf32>
    %get3A_158 = vector.shape_cast %get3A_157 : vector<1x400x8xf32> to vector<400x8xf32>
    %add3A_159 = arith.addf %dot_general3A_153, %get3A_158 : vector<400x8xf32>
    %mul3A_160 = arith.constant 0.353553385 : f32
    %mul3A_161 = vector.broadcast %mul3A_160 : f32 to vector<400x8xf32>
    %mul3A_162 = arith.mulf %add3A_159, %mul3A_161 : vector<400x8xf32>
    %shift_left3A_163 = arith.constant 16 : i32
    %shift_left3A_164 = vector.broadcast %shift_left3A_163 : i32 to vector<400x384xi32>
    %shift_left3A_165 = arith.shli %get3A_36, %shift_left3A_164 : vector<400x384xi32>
    %bitcast_convert_type3A_166 = tpu.bitcast %shift_left3A_165 : vector<400x384xi32> -> vector<400x384xf32>
    %mul3A_167 = arith.mulf %bitcast_convert_type3A, %bitcast_convert_type3A_166 : vector<400x384xf32>
    %dot_general3A_168 = arith.constant dense<0.000000e+00> : vector<400x8xf32>
    %dot_general3A_169 = tpu.matmul %mul3A_167, %get3A_6, %dot_general3A_168 {dimension_numbers = #tpu.dot_dimension_numbers<[1], [0], [0], [1], [0, 0, 1, 1], [], []>, transpose_lhs_hint = false} : vector<400x384xf32>, vector<384x8xf32>, vector<400x8xf32> -> vector<400x8xf32>
    %get3A_170 = arith.constant 5 : index
    %get3A_171 = arith.constant 0 : index
    %get3A_172 = arith.constant 0 : index
    %get3A_173 = vector.load %arg4[%get3A_170, %get3A_171, %get3A_172] : memref<16x400x8xf32, #tpu.memory_space<vmem>>, vector<1x400x8xf32>
    %get3A_174 = vector.shape_cast %get3A_173 : vector<1x400x8xf32> to vector<400x8xf32>
    %add3A_175 = arith.addf %dot_general3A_169, %get3A_174 : vector<400x8xf32>
    %mul3A_176 = arith.constant 0.353553385 : f32
    %mul3A_177 = vector.broadcast %mul3A_176 : f32 to vector<400x8xf32>
    %mul3A_178 = arith.mulf %add3A_175, %mul3A_177 : vector<400x8xf32>
    %shift_left3A_179 = arith.constant 16 : i32
    %shift_left3A_180 = vector.broadcast %shift_left3A_179 : i32 to vector<400x384xi32>
    %shift_left3A_181 = arith.shli %get3A_41, %shift_left3A_180 : vector<400x384xi32>
    %bitcast_convert_type3A_182 = tpu.bitcast %shift_left3A_181 : vector<400x384xi32> -> vector<400x384xf32>
    %mul3A_183 = arith.mulf %bitcast_convert_type3A, %bitcast_convert_type3A_182 : vector<400x384xf32>
    %dot_general3A_184 = arith.constant dense<0.000000e+00> : vector<400x8xf32>
    %dot_general3A_185 = tpu.matmul %mul3A_183, %get3A_6, %dot_general3A_184 {dimension_numbers = #tpu.dot_dimension_numbers<[1], [0], [0], [1], [0, 0, 1, 1], [], []>, transpose_lhs_hint = false} : vector<400x384xf32>, vector<384x8xf32>, vector<400x8xf32> -> vector<400x8xf32>
    %get3A_186 = arith.constant 6 : index
    %get3A_187 = arith.constant 0 : index
    %get3A_188 = arith.constant 0 : index
    %get3A_189 = vector.load %arg4[%get3A_186, %get3A_187, %get3A_188] : memref<16x400x8xf32, #tpu.memory_space<vmem>>, vector<1x400x8xf32>
    %get3A_190 = vector.shape_cast %get3A_189 : vector<1x400x8xf32> to vector<400x8xf32>
    %add3A_191 = arith.addf %dot_general3A_185, %get3A_190 : vector<400x8xf32>
    %mul3A_192 = arith.constant 0.353553385 : f32
    %mul3A_193 = vector.broadcast %mul3A_192 : f32 to vector<400x8xf32>
    %mul3A_194 = arith.mulf %add3A_191, %mul3A_193 : vector<400x8xf32>
    %shift_left3A_195 = arith.constant 16 : i32
    %shift_left3A_196 = vector.broadcast %shift_left3A_195 : i32 to vector<400x384xi32>
    %shift_left3A_197 = arith.shli %get3A_46, %shift_left3A_196 : vector<400x384xi32>
    %bitcast_convert_type3A_198 = tpu.bitcast %shift_left3A_197 : vector<400x384xi32> -> vector<400x384xf32>
    %mul3A_199 = arith.mulf %bitcast_convert_type3A, %bitcast_convert_type3A_198 : vector<400x384xf32>
    %dot_general3A_200 = arith.constant dense<0.000000e+00> : vector<400x8xf32>
    %dot_general3A_201 = tpu.matmul %mul3A_199, %get3A_6, %dot_general3A_200 {dimension_numbers = #tpu.dot_dimension_numbers<[1], [0], [0], [1], [0, 0, 1, 1], [], []>, transpose_lhs_hint = false} : vector<400x384xf32>, vector<384x8xf32>, vector<400x8xf32> -> vector<400x8xf32>
    %get3A_202 = arith.constant 7 : index
    %get3A_203 = arith.constant 0 : index
    %get3A_204 = arith.constant 0 : index
    %get3A_205 = vector.load %arg4[%get3A_202, %get3A_203, %get3A_204] : memref<16x400x8xf32, #tpu.memory_space<vmem>>, vector<1x400x8xf32>
    %get3A_206 = vector.shape_cast %get3A_205 : vector<1x400x8xf32> to vector<400x8xf32>
    %add3A_207 = arith.addf %dot_general3A_201, %get3A_206 : vector<400x8xf32>
    %mul3A_208 = arith.constant 0.353553385 : f32
    %mul3A_209 = vector.broadcast %mul3A_208 : f32 to vector<400x8xf32>
    %mul3A_210 = arith.mulf %add3A_207, %mul3A_209 : vector<400x8xf32>
    %shift_left3A_211 = arith.constant 16 : i32
    %shift_left3A_212 = vector.broadcast %shift_left3A_211 : i32 to vector<400x384xi32>
    %shift_left3A_213 = arith.shli %get3A_51, %shift_left3A_212 : vector<400x384xi32>
    %bitcast_convert_type3A_214 = tpu.bitcast %shift_left3A_213 : vector<400x384xi32> -> vector<400x384xf32>
    %mul3A_215 = arith.mulf %bitcast_convert_type3A, %bitcast_convert_type3A_214 : vector<400x384xf32>
    %dot_general3A_216 = arith.constant dense<0.000000e+00> : vector<400x8xf32>
    %dot_general3A_217 = tpu.matmul %mul3A_215, %get3A_6, %dot_general3A_216 {dimension_numbers = #tpu.dot_dimension_numbers<[1], [0], [0], [1], [0, 0, 1, 1], [], []>, transpose_lhs_hint = false} : vector<400x384xf32>, vector<384x8xf32>, vector<400x8xf32> -> vector<400x8xf32>
    %get3A_218 = arith.constant 8 : index
    %get3A_219 = arith.constant 0 : index
    %get3A_220 = arith.constant 0 : index
    %get3A_221 = vector.load %arg4[%get3A_218, %get3A_219, %get3A_220] : memref<16x400x8xf32, #tpu.memory_space<vmem>>, vector<1x400x8xf32>
    %get3A_222 = vector.shape_cast %get3A_221 : vector<1x400x8xf32> to vector<400x8xf32>
    %add3A_223 = arith.addf %dot_general3A_217, %get3A_222 : vector<400x8xf32>
    %mul3A_224 = arith.constant 0.353553385 : f32
    %mul3A_225 = vector.broadcast %mul3A_224 : f32 to vector<400x8xf32>
    %mul3A_226 = arith.mulf %add3A_223, %mul3A_225 : vector<400x8xf32>
    %shift_left3A_227 = arith.constant 16 : i32
    %shift_left3A_228 = vector.broadcast %shift_left3A_227 : i32 to vector<400x384xi32>
    %shift_left3A_229 = arith.shli %get3A_56, %shift_left3A_228 : vector<400x384xi32>
    %bitcast_convert_type3A_230 = tpu.bitcast %shift_left3A_229 : vector<400x384xi32> -> vector<400x384xf32>
    %mul3A_231 = arith.mulf %bitcast_convert_type3A, %bitcast_convert_type3A_230 : vector<400x384xf32>
    %dot_general3A_232 = arith.constant dense<0.000000e+00> : vector<400x8xf32>
    %dot_general3A_233 = tpu.matmul %mul3A_231, %get3A_6, %dot_general3A_232 {dimension_numbers = #tpu.dot_dimension_numbers<[1], [0], [0], [1], [0, 0, 1, 1], [], []>, transpose_lhs_hint = false} : vector<400x384xf32>, vector<384x8xf32>, vector<400x8xf32> -> vector<400x8xf32>
    %get3A_234 = arith.constant 9 : index
    %get3A_235 = arith.constant 0 : index
    %get3A_236 = arith.constant 0 : index
    %get3A_237 = vector.load %arg4[%get3A_234, %get3A_235, %get3A_236] : memref<16x400x8xf32, #tpu.memory_space<vmem>>, vector<1x400x8xf32>
    %get3A_238 = vector.shape_cast %get3A_237 : vector<1x400x8xf32> to vector<400x8xf32>
    %add3A_239 = arith.addf %dot_general3A_233, %get3A_238 : vector<400x8xf32>
    %mul3A_240 = arith.constant 0.353553385 : f32
    %mul3A_241 = vector.broadcast %mul3A_240 : f32 to vector<400x8xf32>
    %mul3A_242 = arith.mulf %add3A_239, %mul3A_241 : vector<400x8xf32>
    %shift_left3A_243 = arith.constant 16 : i32
    %shift_left3A_244 = vector.broadcast %shift_left3A_243 : i32 to vector<400x384xi32>
    %shift_left3A_245 = arith.shli %get3A_61, %shift_left3A_244 : vector<400x384xi32>
    %bitcast_convert_type3A_246 = tpu.bitcast %shift_left3A_245 : vector<400x384xi32> -> vector<400x384xf32>
    %mul3A_247 = arith.mulf %bitcast_convert_type3A, %bitcast_convert_type3A_246 : vector<400x384xf32>
    %dot_general3A_248 = arith.constant dense<0.000000e+00> : vector<400x8xf32>
    %dot_general3A_249 = tpu.matmul %mul3A_247, %get3A_6, %dot_general3A_248 {dimension_numbers = #tpu.dot_dimension_numbers<[1], [0], [0], [1], [0, 0, 1, 1], [], []>, transpose_lhs_hint = false} : vector<400x384xf32>, vector<384x8xf32>, vector<400x8xf32> -> vector<400x8xf32>
    %get3A_250 = arith.constant 10 : index
    %get3A_251 = arith.constant 0 : index
    %get3A_252 = arith.constant 0 : index
    %get3A_253 = vector.load %arg4[%get3A_250, %get3A_251, %get3A_252] : memref<16x400x8xf32, #tpu.memory_space<vmem>>, vector<1x400x8xf32>
    %get3A_254 = vector.shape_cast %get3A_253 : vector<1x400x8xf32> to vector<400x8xf32>
    %add3A_255 = arith.addf %dot_general3A_249, %get3A_254 : vector<400x8xf32>
    %mul3A_256 = arith.constant 0.353553385 : f32
    %mul3A_257 = vector.broadcast %mul3A_256 : f32 to vector<400x8xf32>
    %mul3A_258 = arith.mulf %add3A_255, %mul3A_257 : vector<400x8xf32>
    %shift_left3A_259 = arith.constant 16 : i32
    %shift_left3A_260 = vector.broadcast %shift_left3A_259 : i32 to vector<400x384xi32>
    %shift_left3A_261 = arith.shli %get3A_66, %shift_left3A_260 : vector<400x384xi32>
    %bitcast_convert_type3A_262 = tpu.bitcast %shift_left3A_261 : vector<400x384xi32> -> vector<400x384xf32>
    %mul3A_263 = arith.mulf %bitcast_convert_type3A, %bitcast_convert_type3A_262 : vector<400x384xf32>
    %dot_general3A_264 = arith.constant dense<0.000000e+00> : vector<400x8xf32>
    %dot_general3A_265 = tpu.matmul %mul3A_263, %get3A_6, %dot_general3A_264 {dimension_numbers = #tpu.dot_dimension_numbers<[1], [0], [0], [1], [0, 0, 1, 1], [], []>, transpose_lhs_hint = false} : vector<400x384xf32>, vector<384x8xf32>, vector<400x8xf32> -> vector<400x8xf32>
    %get3A_266 = arith.constant 11 : index
    %get3A_267 = arith.constant 0 : index
    %get3A_268 = arith.constant 0 : index
    %get3A_269 = vector.load %arg4[%get3A_266, %get3A_267, %get3A_268] : memref<16x400x8xf32, #tpu.memory_space<vmem>>, vector<1x400x8xf32>
    %get3A_270 = vector.shape_cast %get3A_269 : vector<1x400x8xf32> to vector<400x8xf32>
    %add3A_271 = arith.addf %dot_general3A_265, %get3A_270 : vector<400x8xf32>
    %mul3A_272 = arith.constant 0.353553385 : f32
    %mul3A_273 = vector.broadcast %mul3A_272 : f32 to vector<400x8xf32>
    %mul3A_274 = arith.mulf %add3A_271, %mul3A_273 : vector<400x8xf32>
    %shift_left3A_275 = arith.constant 16 : i32
    %shift_left3A_276 = vector.broadcast %shift_left3A_275 : i32 to vector<400x384xi32>
    %shift_left3A_277 = arith.shli %get3A_71, %shift_left3A_276 : vector<400x384xi32>
    %bitcast_convert_type3A_278 = tpu.bitcast %shift_left3A_277 : vector<400x384xi32> -> vector<400x384xf32>
    %mul3A_279 = arith.mulf %bitcast_convert_type3A, %bitcast_convert_type3A_278 : vector<400x384xf32>
    %dot_general3A_280 = arith.constant dense<0.000000e+00> : vector<400x8xf32>
    %dot_general3A_281 = tpu.matmul %mul3A_279, %get3A_6, %dot_general3A_280 {dimension_numbers = #tpu.dot_dimension_numbers<[1], [0], [0], [1], [0, 0, 1, 1], [], []>, transpose_lhs_hint = false} : vector<400x384xf32>, vector<384x8xf32>, vector<400x8xf32> -> vector<400x8xf32>
    %get3A_282 = arith.constant 12 : index
    %get3A_283 = arith.constant 0 : index
    %get3A_284 = arith.constant 0 : index
    %get3A_285 = vector.load %arg4[%get3A_282, %get3A_283, %get3A_284] : memref<16x400x8xf32, #tpu.memory_space<vmem>>, vector<1x400x8xf32>
    %get3A_286 = vector.shape_cast %get3A_285 : vector<1x400x8xf32> to vector<400x8xf32>
    %add3A_287 = arith.addf %dot_general3A_281, %get3A_286 : vector<400x8xf32>
    %mul3A_288 = arith.constant 0.353553385 : f32
    %mul3A_289 = vector.broadcast %mul3A_288 : f32 to vector<400x8xf32>
    %mul3A_290 = arith.mulf %add3A_287, %mul3A_289 : vector<400x8xf32>
    %shift_left3A_291 = arith.constant 16 : i32
    %shift_left3A_292 = vector.broadcast %shift_left3A_291 : i32 to vector<400x384xi32>
    %shift_left3A_293 = arith.shli %get3A_76, %shift_left3A_292 : vector<400x384xi32>
    %bitcast_convert_type3A_294 = tpu.bitcast %shift_left3A_293 : vector<400x384xi32> -> vector<400x384xf32>
    %mul3A_295 = arith.mulf %bitcast_convert_type3A, %bitcast_convert_type3A_294 : vector<400x384xf32>
    %dot_general3A_296 = arith.constant dense<0.000000e+00> : vector<400x8xf32>
    %dot_general3A_297 = tpu.matmul %mul3A_295, %get3A_6, %dot_general3A_296 {dimension_numbers = #tpu.dot_dimension_numbers<[1], [0], [0], [1], [0, 0, 1, 1], [], []>, transpose_lhs_hint = false} : vector<400x384xf32>, vector<384x8xf32>, vector<400x8xf32> -> vector<400x8xf32>
    %get3A_298 = arith.constant 13 : index
    %get3A_299 = arith.constant 0 : index
    %get3A_300 = arith.constant 0 : index
    %get3A_301 = vector.load %arg4[%get3A_298, %get3A_299, %get3A_300] : memref<16x400x8xf32, #tpu.memory_space<vmem>>, vector<1x400x8xf32>
    %get3A_302 = vector.shape_cast %get3A_301 : vector<1x400x8xf32> to vector<400x8xf32>
    %add3A_303 = arith.addf %dot_general3A_297, %get3A_302 : vector<400x8xf32>
    %mul3A_304 = arith.constant 0.353553385 : f32
    %mul3A_305 = vector.broadcast %mul3A_304 : f32 to vector<400x8xf32>
    %mul3A_306 = arith.mulf %add3A_303, %mul3A_305 : vector<400x8xf32>
    %shift_left3A_307 = arith.constant 16 : i32
    %shift_left3A_308 = vector.broadcast %shift_left3A_307 : i32 to vector<400x384xi32>
    %shift_left3A_309 = arith.shli %get3A_81, %shift_left3A_308 : vector<400x384xi32>
    %bitcast_convert_type3A_310 = tpu.bitcast %shift_left3A_309 : vector<400x384xi32> -> vector<400x384xf32>
    %mul3A_311 = arith.mulf %bitcast_convert_type3A, %bitcast_convert_type3A_310 : vector<400x384xf32>
    %dot_general3A_312 = arith.constant dense<0.000000e+00> : vector<400x8xf32>
    %dot_general3A_313 = tpu.matmul %mul3A_311, %get3A_6, %dot_general3A_312 {dimension_numbers = #tpu.dot_dimension_numbers<[1], [0], [0], [1], [0, 0, 1, 1], [], []>, transpose_lhs_hint = false} : vector<400x384xf32>, vector<384x8xf32>, vector<400x8xf32> -> vector<400x8xf32>
    %get3A_314 = arith.constant 14 : index
    %get3A_315 = arith.constant 0 : index
    %get3A_316 = arith.constant 0 : index
    %get3A_317 = vector.load %arg4[%get3A_314, %get3A_315, %get3A_316] : memref<16x400x8xf32, #tpu.memory_space<vmem>>, vector<1x400x8xf32>
    %get3A_318 = vector.shape_cast %get3A_317 : vector<1x400x8xf32> to vector<400x8xf32>
    %add3A_319 = arith.addf %dot_general3A_313, %get3A_318 : vector<400x8xf32>
    %mul3A_320 = arith.constant 0.353553385 : f32
    %mul3A_321 = vector.broadcast %mul3A_320 : f32 to vector<400x8xf32>
    %mul3A_322 = arith.mulf %add3A_319, %mul3A_321 : vector<400x8xf32>
    %shift_left3A_323 = arith.constant 16 : i32
    %shift_left3A_324 = vector.broadcast %shift_left3A_323 : i32 to vector<400x384xi32>
    %shift_left3A_325 = arith.shli %get3A_86, %shift_left3A_324 : vector<400x384xi32>
    %bitcast_convert_type3A_326 = tpu.bitcast %shift_left3A_325 : vector<400x384xi32> -> vector<400x384xf32>
    %mul3A_327 = arith.mulf %bitcast_convert_type3A, %bitcast_convert_type3A_326 : vector<400x384xf32>
    %dot_general3A_328 = arith.constant dense<0.000000e+00> : vector<400x8xf32>
    %dot_general3A_329 = tpu.matmul %mul3A_327, %get3A_6, %dot_general3A_328 {dimension_numbers = #tpu.dot_dimension_numbers<[1], [0], [0], [1], [0, 0, 1, 1], [], []>, transpose_lhs_hint = false} : vector<400x384xf32>, vector<384x8xf32>, vector<400x8xf32> -> vector<400x8xf32>
    %get3A_330 = arith.constant 15 : index
    %get3A_331 = arith.constant 0 : index
    %get3A_332 = arith.constant 0 : index
    %get3A_333 = vector.load %arg4[%get3A_330, %get3A_331, %get3A_332] : memref<16x400x8xf32, #tpu.memory_space<vmem>>, vector<1x400x8xf32>
    %get3A_334 = vector.shape_cast %get3A_333 : vector<1x400x8xf32> to vector<400x8xf32>
    %add3A_335 = arith.addf %dot_general3A_329, %get3A_334 : vector<400x8xf32>
    %mul3A_336 = arith.constant 0.353553385 : f32
    %mul3A_337 = vector.broadcast %mul3A_336 : f32 to vector<400x8xf32>
    %mul3A_338 = arith.mulf %add3A_335, %mul3A_337 : vector<400x8xf32>
    %max3A = arith.maximumf %mul3A_98, %mul3A_114 : vector<400x8xf32>
    %max3A_339 = arith.maximumf %max3A, %mul3A_130 : vector<400x8xf32>
    %max3A_340 = arith.maximumf %max3A_339, %mul3A_146 : vector<400x8xf32>
    %max3A_341 = arith.maximumf %max3A_340, %mul3A_162 : vector<400x8xf32>
    %max3A_342 = arith.maximumf %max3A_341, %mul3A_178 : vector<400x8xf32>
    %max3A_343 = arith.maximumf %max3A_342, %mul3A_194 : vector<400x8xf32>
    %max3A_344 = arith.maximumf %max3A_343, %mul3A_210 : vector<400x8xf32>
    %max3A_345 = arith.maximumf %max3A_344, %mul3A_226 : vector<400x8xf32>
    %max3A_346 = arith.maximumf %max3A_345, %mul3A_242 : vector<400x8xf32>
    %max3A_347 = arith.maximumf %max3A_346, %mul3A_258 : vector<400x8xf32>
    %max3A_348 = arith.maximumf %max3A_347, %mul3A_274 : vector<400x8xf32>
    %max3A_349 = arith.maximumf %max3A_348, %mul3A_290 : vector<400x8xf32>
    %max3A_350 = arith.maximumf %max3A_349, %mul3A_306 : vector<400x8xf32>
    %max3A_351 = arith.maximumf %max3A_350, %mul3A_322 : vector<400x8xf32>
    %max3A_352 = arith.maximumf %max3A_351, %mul3A_338 : vector<400x8xf32>
    %sub3A = arith.subf %mul3A_98, %max3A_352 : vector<400x8xf32>
    %exp3A = math.exp %sub3A : vector<400x8xf32>
    %sub3A_353 = arith.subf %mul3A_114, %max3A_352 : vector<400x8xf32>
    %exp3A_354 = math.exp %sub3A_353 : vector<400x8xf32>
    %sub3A_355 = arith.subf %mul3A_130, %max3A_352 : vector<400x8xf32>
    %exp3A_356 = math.exp %sub3A_355 : vector<400x8xf32>
    %sub3A_357 = arith.subf %mul3A_146, %max3A_352 : vector<400x8xf32>
    %exp3A_358 = math.exp %sub3A_357 : vector<400x8xf32>
    %sub3A_359 = arith.subf %mul3A_162, %max3A_352 : vector<400x8xf32>
    %exp3A_360 = math.exp %sub3A_359 : vector<400x8xf32>
    %sub3A_361 = arith.subf %mul3A_178, %max3A_352 : vector<400x8xf32>
    %exp3A_362 = math.exp %sub3A_361 : vector<400x8xf32>
    %sub3A_363 = arith.subf %mul3A_194, %max3A_352 : vector<400x8xf32>
    %exp3A_364 = math.exp %sub3A_363 : vector<400x8xf32>
    %sub3A_365 = arith.subf %mul3A_210, %max3A_352 : vector<400x8xf32>
    %exp3A_366 = math.exp %sub3A_365 : vector<400x8xf32>
    %sub3A_367 = arith.subf %mul3A_226, %max3A_352 : vector<400x8xf32>
    %exp3A_368 = math.exp %sub3A_367 : vector<400x8xf32>
    %sub3A_369 = arith.subf %mul3A_242, %max3A_352 : vector<400x8xf32>
    %exp3A_370 = math.exp %sub3A_369 : vector<400x8xf32>
    %sub3A_371 = arith.subf %mul3A_258, %max3A_352 : vector<400x8xf32>
    %exp3A_372 = math.exp %sub3A_371 : vector<400x8xf32>
    %sub3A_373 = arith.subf %mul3A_274, %max3A_352 : vector<400x8xf32>
    %exp3A_374 = math.exp %sub3A_373 : vector<400x8xf32>
    %sub3A_375 = arith.subf %mul3A_290, %max3A_352 : vector<400x8xf32>
    %exp3A_376 = math.exp %sub3A_375 : vector<400x8xf32>
    %sub3A_377 = arith.subf %mul3A_306, %max3A_352 : vector<400x8xf32>
    %exp3A_378 = math.exp %sub3A_377 : vector<400x8xf32>
    %sub3A_379 = arith.subf %mul3A_322, %max3A_352 : vector<400x8xf32>
    %exp3A_380 = math.exp %sub3A_379 : vector<400x8xf32>
    %sub3A_381 = arith.subf %mul3A_338, %max3A_352 : vector<400x8xf32>
    %exp3A_382 = math.exp %sub3A_381 : vector<400x8xf32>
    %add3A_383 = arith.addf %exp3A, %exp3A_354 : vector<400x8xf32>
    %add3A_384 = arith.addf %add3A_383, %exp3A_356 : vector<400x8xf32>
    %add3A_385 = arith.addf %add3A_384, %exp3A_358 : vector<400x8xf32>
    %add3A_386 = arith.addf %add3A_385, %exp3A_360 : vector<400x8xf32>
    %add3A_387 = arith.addf %add3A_386, %exp3A_362 : vector<400x8xf32>
    %add3A_388 = arith.addf %add3A_387, %exp3A_364 : vector<400x8xf32>
    %add3A_389 = arith.addf %add3A_388, %exp3A_366 : vector<400x8xf32>
    %add3A_390 = arith.addf %add3A_389, %exp3A_368 : vector<400x8xf32>
    %add3A_391 = arith.addf %add3A_390, %exp3A_370 : vector<400x8xf32>
    %add3A_392 = arith.addf %add3A_391, %exp3A_372 : vector<400x8xf32>
    %add3A_393 = arith.addf %add3A_392, %exp3A_374 : vector<400x8xf32>
    %add3A_394 = arith.addf %add3A_393, %exp3A_376 : vector<400x8xf32>
    %add3A_395 = arith.addf %add3A_394, %exp3A_378 : vector<400x8xf32>
    %add3A_396 = arith.addf %add3A_395, %exp3A_380 : vector<400x8xf32>
    %add3A_397 = arith.addf %add3A_396, %exp3A_382 : vector<400x8xf32>
    %div3A = arith.constant 1.000000e+00 : f32
    %div3A_398 = vector.broadcast %div3A : f32 to vector<400x8xf32>
    %div3A_399 = arith.divf %div3A_398, %add3A_397 : vector<400x8xf32>
    %get3A_400 = arith.constant 0 : index
    %get3A_401 = arith.constant 0 : index
    %get3A_402 = vector.load %arg7[%get3A_400, %get3A_401] : memref<8x384xf32, #tpu.memory_space<vmem>>, vector<8x384xf32>
    %broadcast_in_dim3A = arith.constant 0.000000e+00 : f32
    %broadcast_in_dim3A_403 = vector.broadcast %broadcast_in_dim3A : f32 to vector<400x384xf32>
    %mul3A_404 = arith.mulf %exp3A, %div3A_399 : vector<400x8xf32>
    %and3A_405 = arith.constant -65536 : i32
    %and3A_406 = vector.broadcast %and3A_405 : i32 to vector<400x384xi32>
    %and3A_407 = arith.andi %get3A_11, %and3A_406 : vector<400x384xi32>
    %bitcast_convert_type3A_408 = tpu.bitcast %and3A_407 : vector<400x384xi32> -> vector<400x384xf32>
    %dot_general3A_409 = arith.constant dense<0.000000e+00> : vector<400x384xf32>
    %dot_general3A_410 = tpu.matmul %mul3A_404, %get3A_402, %dot_general3A_409 {dimension_numbers = #tpu.dot_dimension_numbers<[1], [0], [0], [1], [0, 0, 1, 1], [], []>, transpose_lhs_hint = false} : vector<400x8xf32>, vector<8x384xf32>, vector<400x384xf32> -> vector<400x384xf32>
    %mul3A_411 = arith.mulf %dot_general3A_410, %bitcast_convert_type3A_408 : vector<400x384xf32>
    %add3A_412 = arith.addf %broadcast_in_dim3A_403, %mul3A_411 : vector<400x384xf32>
    %mul3A_413 = arith.mulf %exp3A_354, %div3A_399 : vector<400x8xf32>
    %and3A_414 = arith.constant -65536 : i32
    %and3A_415 = vector.broadcast %and3A_414 : i32 to vector<400x384xi32>
    %and3A_416 = arith.andi %get3A_16, %and3A_415 : vector<400x384xi32>
    %bitcast_convert_type3A_417 = tpu.bitcast %and3A_416 : vector<400x384xi32> -> vector<400x384xf32>
    %dot_general3A_418 = arith.constant dense<0.000000e+00> : vector<400x384xf32>
    %dot_general3A_419 = tpu.matmul %mul3A_413, %get3A_402, %dot_general3A_418 {dimension_numbers = #tpu.dot_dimension_numbers<[1], [0], [0], [1], [0, 0, 1, 1], [], []>, transpose_lhs_hint = false} : vector<400x8xf32>, vector<8x384xf32>, vector<400x384xf32> -> vector<400x384xf32>
    %mul3A_420 = arith.mulf %dot_general3A_419, %bitcast_convert_type3A_417 : vector<400x384xf32>
    %add3A_421 = arith.addf %add3A_412, %mul3A_420 : vector<400x384xf32>
    %mul3A_422 = arith.mulf %exp3A_356, %div3A_399 : vector<400x8xf32>
    %and3A_423 = arith.constant -65536 : i32
    %and3A_424 = vector.broadcast %and3A_423 : i32 to vector<400x384xi32>
    %and3A_425 = arith.andi %get3A_21, %and3A_424 : vector<400x384xi32>
    %bitcast_convert_type3A_426 = tpu.bitcast %and3A_425 : vector<400x384xi32> -> vector<400x384xf32>
    %dot_general3A_427 = arith.constant dense<0.000000e+00> : vector<400x384xf32>
    %dot_general3A_428 = tpu.matmul %mul3A_422, %get3A_402, %dot_general3A_427 {dimension_numbers = #tpu.dot_dimension_numbers<[1], [0], [0], [1], [0, 0, 1, 1], [], []>, transpose_lhs_hint = false} : vector<400x8xf32>, vector<8x384xf32>, vector<400x384xf32> -> vector<400x384xf32>
    %mul3A_429 = arith.mulf %dot_general3A_428, %bitcast_convert_type3A_426 : vector<400x384xf32>
    %add3A_430 = arith.addf %add3A_421, %mul3A_429 : vector<400x384xf32>
    %mul3A_431 = arith.mulf %exp3A_358, %div3A_399 : vector<400x8xf32>
    %and3A_432 = arith.constant -65536 : i32
    %and3A_433 = vector.broadcast %and3A_432 : i32 to vector<400x384xi32>
    %and3A_434 = arith.andi %get3A_26, %and3A_433 : vector<400x384xi32>
    %bitcast_convert_type3A_435 = tpu.bitcast %and3A_434 : vector<400x384xi32> -> vector<400x384xf32>
    %dot_general3A_436 = arith.constant dense<0.000000e+00> : vector<400x384xf32>
    %dot_general3A_437 = tpu.matmul %mul3A_431, %get3A_402, %dot_general3A_436 {dimension_numbers = #tpu.dot_dimension_numbers<[1], [0], [0], [1], [0, 0, 1, 1], [], []>, transpose_lhs_hint = false} : vector<400x8xf32>, vector<8x384xf32>, vector<400x384xf32> -> vector<400x384xf32>
    %mul3A_438 = arith.mulf %dot_general3A_437, %bitcast_convert_type3A_435 : vector<400x384xf32>
    %add3A_439 = arith.addf %add3A_430, %mul3A_438 : vector<400x384xf32>
    %mul3A_440 = arith.mulf %exp3A_360, %div3A_399 : vector<400x8xf32>
    %and3A_441 = arith.constant -65536 : i32
    %and3A_442 = vector.broadcast %and3A_441 : i32 to vector<400x384xi32>
    %and3A_443 = arith.andi %get3A_31, %and3A_442 : vector<400x384xi32>
    %bitcast_convert_type3A_444 = tpu.bitcast %and3A_443 : vector<400x384xi32> -> vector<400x384xf32>
    %dot_general3A_445 = arith.constant dense<0.000000e+00> : vector<400x384xf32>
    %dot_general3A_446 = tpu.matmul %mul3A_440, %get3A_402, %dot_general3A_445 {dimension_numbers = #tpu.dot_dimension_numbers<[1], [0], [0], [1], [0, 0, 1, 1], [], []>, transpose_lhs_hint = false} : vector<400x8xf32>, vector<8x384xf32>, vector<400x384xf32> -> vector<400x384xf32>
    %mul3A_447 = arith.mulf %dot_general3A_446, %bitcast_convert_type3A_444 : vector<400x384xf32>
    %add3A_448 = arith.addf %add3A_439, %mul3A_447 : vector<400x384xf32>
    %mul3A_449 = arith.mulf %exp3A_362, %div3A_399 : vector<400x8xf32>
    %and3A_450 = arith.constant -65536 : i32
    %and3A_451 = vector.broadcast %and3A_450 : i32 to vector<400x384xi32>
    %and3A_452 = arith.andi %get3A_36, %and3A_451 : vector<400x384xi32>
    %bitcast_convert_type3A_453 = tpu.bitcast %and3A_452 : vector<400x384xi32> -> vector<400x384xf32>
    %dot_general3A_454 = arith.constant dense<0.000000e+00> : vector<400x384xf32>
    %dot_general3A_455 = tpu.matmul %mul3A_449, %get3A_402, %dot_general3A_454 {dimension_numbers = #tpu.dot_dimension_numbers<[1], [0], [0], [1], [0, 0, 1, 1], [], []>, transpose_lhs_hint = false} : vector<400x8xf32>, vector<8x384xf32>, vector<400x384xf32> -> vector<400x384xf32>
    %mul3A_456 = arith.mulf %dot_general3A_455, %bitcast_convert_type3A_453 : vector<400x384xf32>
    %add3A_457 = arith.addf %add3A_448, %mul3A_456 : vector<400x384xf32>
    %mul3A_458 = arith.mulf %exp3A_364, %div3A_399 : vector<400x8xf32>
    %and3A_459 = arith.constant -65536 : i32
    %and3A_460 = vector.broadcast %and3A_459 : i32 to vector<400x384xi32>
    %and3A_461 = arith.andi %get3A_41, %and3A_460 : vector<400x384xi32>
    %bitcast_convert_type3A_462 = tpu.bitcast %and3A_461 : vector<400x384xi32> -> vector<400x384xf32>
    %dot_general3A_463 = arith.constant dense<0.000000e+00> : vector<400x384xf32>
    %dot_general3A_464 = tpu.matmul %mul3A_458, %get3A_402, %dot_general3A_463 {dimension_numbers = #tpu.dot_dimension_numbers<[1], [0], [0], [1], [0, 0, 1, 1], [], []>, transpose_lhs_hint = false} : vector<400x8xf32>, vector<8x384xf32>, vector<400x384xf32> -> vector<400x384xf32>
    %mul3A_465 = arith.mulf %dot_general3A_464, %bitcast_convert_type3A_462 : vector<400x384xf32>
    %add3A_466 = arith.addf %add3A_457, %mul3A_465 : vector<400x384xf32>
    %mul3A_467 = arith.mulf %exp3A_366, %div3A_399 : vector<400x8xf32>
    %and3A_468 = arith.constant -65536 : i32
    %and3A_469 = vector.broadcast %and3A_468 : i32 to vector<400x384xi32>
    %and3A_470 = arith.andi %get3A_46, %and3A_469 : vector<400x384xi32>
    %bitcast_convert_type3A_471 = tpu.bitcast %and3A_470 : vector<400x384xi32> -> vector<400x384xf32>
    %dot_general3A_472 = arith.constant dense<0.000000e+00> : vector<400x384xf32>
    %dot_general3A_473 = tpu.matmul %mul3A_467, %get3A_402, %dot_general3A_472 {dimension_numbers = #tpu.dot_dimension_numbers<[1], [0], [0], [1], [0, 0, 1, 1], [], []>, transpose_lhs_hint = false} : vector<400x8xf32>, vector<8x384xf32>, vector<400x384xf32> -> vector<400x384xf32>
    %mul3A_474 = arith.mulf %dot_general3A_473, %bitcast_convert_type3A_471 : vector<400x384xf32>
    %add3A_475 = arith.addf %add3A_466, %mul3A_474 : vector<400x384xf32>
    %mul3A_476 = arith.mulf %exp3A_368, %div3A_399 : vector<400x8xf32>
    %and3A_477 = arith.constant -65536 : i32
    %and3A_478 = vector.broadcast %and3A_477 : i32 to vector<400x384xi32>
    %and3A_479 = arith.andi %get3A_51, %and3A_478 : vector<400x384xi32>
    %bitcast_convert_type3A_480 = tpu.bitcast %and3A_479 : vector<400x384xi32> -> vector<400x384xf32>
    %dot_general3A_481 = arith.constant dense<0.000000e+00> : vector<400x384xf32>
    %dot_general3A_482 = tpu.matmul %mul3A_476, %get3A_402, %dot_general3A_481 {dimension_numbers = #tpu.dot_dimension_numbers<[1], [0], [0], [1], [0, 0, 1, 1], [], []>, transpose_lhs_hint = false} : vector<400x8xf32>, vector<8x384xf32>, vector<400x384xf32> -> vector<400x384xf32>
    %mul3A_483 = arith.mulf %dot_general3A_482, %bitcast_convert_type3A_480 : vector<400x384xf32>
    %add3A_484 = arith.addf %add3A_475, %mul3A_483 : vector<400x384xf32>
    %mul3A_485 = arith.mulf %exp3A_370, %div3A_399 : vector<400x8xf32>
    %and3A_486 = arith.constant -65536 : i32
    %and3A_487 = vector.broadcast %and3A_486 : i32 to vector<400x384xi32>
    %and3A_488 = arith.andi %get3A_56, %and3A_487 : vector<400x384xi32>
    %bitcast_convert_type3A_489 = tpu.bitcast %and3A_488 : vector<400x384xi32> -> vector<400x384xf32>
    %dot_general3A_490 = arith.constant dense<0.000000e+00> : vector<400x384xf32>
    %dot_general3A_491 = tpu.matmul %mul3A_485, %get3A_402, %dot_general3A_490 {dimension_numbers = #tpu.dot_dimension_numbers<[1], [0], [0], [1], [0, 0, 1, 1], [], []>, transpose_lhs_hint = false} : vector<400x8xf32>, vector<8x384xf32>, vector<400x384xf32> -> vector<400x384xf32>
    %mul3A_492 = arith.mulf %dot_general3A_491, %bitcast_convert_type3A_489 : vector<400x384xf32>
    %add3A_493 = arith.addf %add3A_484, %mul3A_492 : vector<400x384xf32>
    %mul3A_494 = arith.mulf %exp3A_372, %div3A_399 : vector<400x8xf32>
    %and3A_495 = arith.constant -65536 : i32
    %and3A_496 = vector.broadcast %and3A_495 : i32 to vector<400x384xi32>
    %and3A_497 = arith.andi %get3A_61, %and3A_496 : vector<400x384xi32>
    %bitcast_convert_type3A_498 = tpu.bitcast %and3A_497 : vector<400x384xi32> -> vector<400x384xf32>
    %dot_general3A_499 = arith.constant dense<0.000000e+00> : vector<400x384xf32>
    %dot_general3A_500 = tpu.matmul %mul3A_494, %get3A_402, %dot_general3A_499 {dimension_numbers = #tpu.dot_dimension_numbers<[1], [0], [0], [1], [0, 0, 1, 1], [], []>, transpose_lhs_hint = false} : vector<400x8xf32>, vector<8x384xf32>, vector<400x384xf32> -> vector<400x384xf32>
    %mul3A_501 = arith.mulf %dot_general3A_500, %bitcast_convert_type3A_498 : vector<400x384xf32>
    %add3A_502 = arith.addf %add3A_493, %mul3A_501 : vector<400x384xf32>
    %mul3A_503 = arith.mulf %exp3A_374, %div3A_399 : vector<400x8xf32>
    %and3A_504 = arith.constant -65536 : i32
    %and3A_505 = vector.broadcast %and3A_504 : i32 to vector<400x384xi32>
    %and3A_506 = arith.andi %get3A_66, %and3A_505 : vector<400x384xi32>
    %bitcast_convert_type3A_507 = tpu.bitcast %and3A_506 : vector<400x384xi32> -> vector<400x384xf32>
    %dot_general3A_508 = arith.constant dense<0.000000e+00> : vector<400x384xf32>
    %dot_general3A_509 = tpu.matmul %mul3A_503, %get3A_402, %dot_general3A_508 {dimension_numbers = #tpu.dot_dimension_numbers<[1], [0], [0], [1], [0, 0, 1, 1], [], []>, transpose_lhs_hint = false} : vector<400x8xf32>, vector<8x384xf32>, vector<400x384xf32> -> vector<400x384xf32>
    %mul3A_510 = arith.mulf %dot_general3A_509, %bitcast_convert_type3A_507 : vector<400x384xf32>
    %add3A_511 = arith.addf %add3A_502, %mul3A_510 : vector<400x384xf32>
    %mul3A_512 = arith.mulf %exp3A_376, %div3A_399 : vector<400x8xf32>
    %and3A_513 = arith.constant -65536 : i32
    %and3A_514 = vector.broadcast %and3A_513 : i32 to vector<400x384xi32>
    %and3A_515 = arith.andi %get3A_71, %and3A_514 : vector<400x384xi32>
    %bitcast_convert_type3A_516 = tpu.bitcast %and3A_515 : vector<400x384xi32> -> vector<400x384xf32>
    %dot_general3A_517 = arith.constant dense<0.000000e+00> : vector<400x384xf32>
    %dot_general3A_518 = tpu.matmul %mul3A_512, %get3A_402, %dot_general3A_517 {dimension_numbers = #tpu.dot_dimension_numbers<[1], [0], [0], [1], [0, 0, 1, 1], [], []>, transpose_lhs_hint = false} : vector<400x8xf32>, vector<8x384xf32>, vector<400x384xf32> -> vector<400x384xf32>
    %mul3A_519 = arith.mulf %dot_general3A_518, %bitcast_convert_type3A_516 : vector<400x384xf32>
    %add3A_520 = arith.addf %add3A_511, %mul3A_519 : vector<400x384xf32>
    %mul3A_521 = arith.mulf %exp3A_378, %div3A_399 : vector<400x8xf32>
    %and3A_522 = arith.constant -65536 : i32
    %and3A_523 = vector.broadcast %and3A_522 : i32 to vector<400x384xi32>
    %and3A_524 = arith.andi %get3A_76, %and3A_523 : vector<400x384xi32>
    %bitcast_convert_type3A_525 = tpu.bitcast %and3A_524 : vector<400x384xi32> -> vector<400x384xf32>
    %dot_general3A_526 = arith.constant dense<0.000000e+00> : vector<400x384xf32>
    %dot_general3A_527 = tpu.matmul %mul3A_521, %get3A_402, %dot_general3A_526 {dimension_numbers = #tpu.dot_dimension_numbers<[1], [0], [0], [1], [0, 0, 1, 1], [], []>, transpose_lhs_hint = false} : vector<400x8xf32>, vector<8x384xf32>, vector<400x384xf32> -> vector<400x384xf32>
    %mul3A_528 = arith.mulf %dot_general3A_527, %bitcast_convert_type3A_525 : vector<400x384xf32>
    %add3A_529 = arith.addf %add3A_520, %mul3A_528 : vector<400x384xf32>
    %mul3A_530 = arith.mulf %exp3A_380, %div3A_399 : vector<400x8xf32>
    %and3A_531 = arith.constant -65536 : i32
    %and3A_532 = vector.broadcast %and3A_531 : i32 to vector<400x384xi32>
    %and3A_533 = arith.andi %get3A_81, %and3A_532 : vector<400x384xi32>
    %bitcast_convert_type3A_534 = tpu.bitcast %and3A_533 : vector<400x384xi32> -> vector<400x384xf32>
    %dot_general3A_535 = arith.constant dense<0.000000e+00> : vector<400x384xf32>
    %dot_general3A_536 = tpu.matmul %mul3A_530, %get3A_402, %dot_general3A_535 {dimension_numbers = #tpu.dot_dimension_numbers<[1], [0], [0], [1], [0, 0, 1, 1], [], []>, transpose_lhs_hint = false} : vector<400x8xf32>, vector<8x384xf32>, vector<400x384xf32> -> vector<400x384xf32>
    %mul3A_537 = arith.mulf %dot_general3A_536, %bitcast_convert_type3A_534 : vector<400x384xf32>
    %add3A_538 = arith.addf %add3A_529, %mul3A_537 : vector<400x384xf32>
    %mul3A_539 = arith.mulf %exp3A_382, %div3A_399 : vector<400x8xf32>
    %and3A_540 = arith.constant -65536 : i32
    %and3A_541 = vector.broadcast %and3A_540 : i32 to vector<400x384xi32>
    %and3A_542 = arith.andi %get3A_86, %and3A_541 : vector<400x384xi32>
    %bitcast_convert_type3A_543 = tpu.bitcast %and3A_542 : vector<400x384xi32> -> vector<400x384xf32>
    %dot_general3A_544 = arith.constant dense<0.000000e+00> : vector<400x384xf32>
    %dot_general3A_545 = tpu.matmul %mul3A_539, %get3A_402, %dot_general3A_544 {dimension_numbers = #tpu.dot_dimension_numbers<[1], [0], [0], [1], [0, 0, 1, 1], [], []>, transpose_lhs_hint = false} : vector<400x8xf32>, vector<8x384xf32>, vector<400x384xf32> -> vector<400x384xf32>
    %mul3A_546 = arith.mulf %dot_general3A_545, %bitcast_convert_type3A_543 : vector<400x384xf32>
    %add3A_547 = arith.addf %add3A_538, %mul3A_546 : vector<400x384xf32>
    %get3A_548 = arith.constant 0 : index
    %get3A_549 = arith.constant 0 : index
    %get3A_550 = vector.load %arg1[%get3A_548, %get3A_549] : memref<400x320xf32, #tpu.memory_space<vmem>>, vector<400x320xf32>
    %get3A_551 = arith.constant 0 : index
    %get3A_552 = arith.constant 0 : index
    %get3A_553 = vector.load %arg5[%get3A_551, %get3A_552] : memref<320x320xf32, #tpu.memory_space<vmem>>, vector<320x320xf32>
    %dot_general3A_554 = arith.constant dense<0.000000e+00> : vector<400x320xf32>
    %dot_general3A_555 = tpu.matmul %get3A_550, %get3A_553, %dot_general3A_554 {dimension_numbers = #tpu.dot_dimension_numbers<[1], [0], [0], [1], [0, 0, 1, 1], [], []>, transpose_lhs_hint = false} : vector<400x320xf32>, vector<320x320xf32>, vector<400x320xf32> -> vector<400x320xf32>
    %get3A_556 = arith.constant 0 : index
    %get3A_557 = arith.constant 0 : index
    %get3A_558 = vector.load %arg8[%get3A_556, %get3A_557] : memref<384x320xf32, #tpu.memory_space<vmem>>, vector<384x320xf32>
    %dot_general3A_559 = arith.constant dense<0.000000e+00> : vector<400x320xf32>
    %dot_general3A_560 = tpu.matmul %add3A_547, %get3A_558, %dot_general3A_559 {dimension_numbers = #tpu.dot_dimension_numbers<[1], [0], [0], [1], [0, 0, 1, 1], [], []>, transpose_lhs_hint = false} : vector<400x384xf32>, vector<384x320xf32>, vector<400x320xf32> -> vector<400x320xf32>
    %add3A_561 = arith.addf %dot_general3A_555, %dot_general3A_560 : vector<400x320xf32>
    %get3A_562 = arith.constant 0 : index
    %get3A_563 = arith.constant 0 : index
    %get3A_564 = vector.load %arg9[%get3A_562, %get3A_563] : memref<320x5xf32, #tpu.memory_space<vmem>>, vector<320x5xf32>
    %get3A_565 = arith.constant 0 : index
    %get3A_566 = arith.constant 0 : index
    %get3A_567 = vector.load %arg10[%get3A_565, %get3A_566] : memref<5x320xf32, #tpu.memory_space<vmem>>, vector<5x320xf32>
    %dot_general3A_568 = arith.constant dense<0.000000e+00> : vector<400x5xf32>
    %dot_general3A_569 = tpu.matmul %add3A_561, %get3A_564, %dot_general3A_568 {dimension_numbers = #tpu.dot_dimension_numbers<[1], [0], [0], [1], [0, 0, 1, 1], [], []>, transpose_lhs_hint = false} : vector<400x320xf32>, vector<320x5xf32>, vector<400x5xf32> -> vector<400x5xf32>
    %dot_general3A_570 = arith.constant dense<0.000000e+00> : vector<400x320xf32>
    %dot_general3A_571 = tpu.matmul %dot_general3A_569, %get3A_567, %dot_general3A_570 {dimension_numbers = #tpu.dot_dimension_numbers<[1], [0], [0], [1], [0, 0, 1, 1], [], []>, transpose_lhs_hint = false} : vector<400x5xf32>, vector<5x320xf32>, vector<400x320xf32> -> vector<400x320xf32>
    %sub3A_572 = arith.subf %add3A_561, %dot_general3A_571 : vector<400x320xf32>
    %mul3A_573 = arith.mulf %sub3A_572, %sub3A_572 : vector<400x320xf32>
    %dot_general3A_574 = arith.constant dense<0.000000e+00> : vector<400x5xf32>
    %dot_general3A_575 = tpu.matmul %mul3A_573, %get3A_564, %dot_general3A_574 {dimension_numbers = #tpu.dot_dimension_numbers<[1], [0], [0], [1], [0, 0, 1, 1], [], []>, transpose_lhs_hint = false} : vector<400x320xf32>, vector<320x5xf32>, vector<400x5xf32> -> vector<400x5xf32>
    %dot_general3A_576 = arith.constant dense<0.000000e+00> : vector<400x320xf32>
    %dot_general3A_577 = tpu.matmul %dot_general3A_575, %get3A_567, %dot_general3A_576 {dimension_numbers = #tpu.dot_dimension_numbers<[1], [0], [0], [1], [0, 0, 1, 1], [], []>, transpose_lhs_hint = false} : vector<400x5xf32>, vector<5x320xf32>, vector<400x320xf32> -> vector<400x320xf32>
    %add3A_578 = arith.constant 9.99999974E-6 : f32
    %add3A_579 = vector.broadcast %add3A_578 : f32 to vector<400x320xf32>
    %add3A_580 = arith.addf %dot_general3A_577, %add3A_579 : vector<400x320xf32>
    %rsqrt3A = math.rsqrt %add3A_580 : vector<400x320xf32>
    %mul3A_581 = arith.mulf %sub3A_572, %rsqrt3A : vector<400x320xf32>
    %get3A_582 = arith.constant 0 : index
    %get3A_583 = arith.constant 0 : index
    %get3A_584 = vector.load %arg15[%get3A_582, %get3A_583] : memref<1x320xf32, #tpu.memory_space<vmem>>, vector<1x320xf32>
    %mul3A_585 = vector.broadcast %get3A_584 : vector<1x320xf32> to vector<400x320xf32>
    %mul3A_586 = arith.mulf %mul3A_581, %mul3A_585 : vector<400x320xf32>
    %get3A_587 = arith.constant 0 : index
    %get3A_588 = arith.constant 0 : index
    %get3A_589 = vector.load %arg16[%get3A_587, %get3A_588] : memref<1x320xf32, #tpu.memory_space<vmem>>, vector<1x320xf32>
    %add3A_590 = vector.broadcast %get3A_589 : vector<1x320xf32> to vector<400x320xf32>
    %add3A_591 = arith.addf %mul3A_586, %add3A_590 : vector<400x320xf32>
    %convert_element_type3A = arith.truncf %add3A_591 : vector<400x320xf32> to vector<400x320xbf16>
    %get3A_592 = arith.constant 0 : index
    %get3A_593 = arith.constant 0 : index
    %get3A_594 = vector.load %arg11[%get3A_592, %get3A_593] : memref<320x1280xbf16, #tpu.memory_space<vmem>>, vector<320x1280xbf16>
    %dot_general3A_595 = arith.constant dense<0.000000e+00> : vector<400x1280xf32>
    %dot_general3A_596 = tpu.matmul %convert_element_type3A, %get3A_594, %dot_general3A_595 {dimension_numbers = #tpu.dot_dimension_numbers<[1], [0], [0], [1], [0, 0, 1, 1], [], []>, transpose_lhs_hint = false} : vector<400x320xbf16>, vector<320x1280xbf16>, vector<400x1280xf32> -> vector<400x1280xf32>
    %get3A_597 = arith.constant 0 : index
    %get3A_598 = arith.constant 0 : index
    %get3A_599 = vector.load %arg12[%get3A_597, %get3A_598] : memref<1x1280xf32, #tpu.memory_space<vmem>>, vector<1x1280xf32>
    %add3A_600 = vector.broadcast %get3A_599 : vector<1x1280xf32> to vector<400x1280xf32>
    %add3A_601 = arith.addf %dot_general3A_596, %add3A_600 : vector<400x1280xf32>
    %max3A_602 = arith.constant 0.000000e+00 : f32
    %max3A_603 = vector.broadcast %max3A_602 : f32 to vector<400x1280xf32>
    %max3A_604 = arith.maximumf %add3A_601, %max3A_603 : vector<400x1280xf32>
    %convert_element_type3A_605 = arith.truncf %max3A_604 : vector<400x1280xf32> to vector<400x1280xbf16>
    %get3A_606 = arith.constant 0 : index
    %get3A_607 = arith.constant 0 : index
    %get3A_608 = vector.load %arg13[%get3A_606, %get3A_607] : memref<1280x320xbf16, #tpu.memory_space<vmem>>, vector<1280x320xbf16>
    %dot_general3A_609 = arith.constant dense<0.000000e+00> : vector<400x320xf32>
    %dot_general3A_610 = tpu.matmul %convert_element_type3A_605, %get3A_608, %dot_general3A_609 {dimension_numbers = #tpu.dot_dimension_numbers<[1], [0], [0], [1], [0, 0, 1, 1], [], []>, transpose_lhs_hint = false} : vector<400x1280xbf16>, vector<1280x320xbf16>, vector<400x320xf32> -> vector<400x320xf32>
    %get3A_611 = arith.constant 0 : index
    %get3A_612 = arith.constant 0 : index
    %get3A_613 = vector.load %arg14[%get3A_611, %get3A_612] : memref<1x320xf32, #tpu.memory_space<vmem>>, vector<1x320xf32>
    %add3A_614 = vector.broadcast %get3A_613 : vector<1x320xf32> to vector<400x320xf32>
    %add3A_615 = arith.addf %dot_general3A_610, %add3A_614 : vector<400x320xf32>
    %add3A_616 = arith.addf %add3A_591, %add3A_615 : vector<400x320xf32>
    %dot_general3A_617 = arith.constant dense<0.000000e+00> : vector<400x5xf32>
    %dot_general3A_618 = tpu.matmul %add3A_616, %get3A_564, %dot_general3A_617 {dimension_numbers = #tpu.dot_dimension_numbers<[1], [0], [0], [1], [0, 0, 1, 1], [], []>, transpose_lhs_hint = false} : vector<400x320xf32>, vector<320x5xf32>, vector<400x5xf32> -> vector<400x5xf32>
    %dot_general3A_619 = arith.constant dense<0.000000e+00> : vector<400x320xf32>
    %dot_general3A_620 = tpu.matmul %dot_general3A_618, %get3A_567, %dot_general3A_619 {dimension_numbers = #tpu.dot_dimension_numbers<[1], [0], [0], [1], [0, 0, 1, 1], [], []>, transpose_lhs_hint = false} : vector<400x5xf32>, vector<5x320xf32>, vector<400x320xf32> -> vector<400x320xf32>
    %sub3A_621 = arith.subf %add3A_616, %dot_general3A_620 : vector<400x320xf32>
    %mul3A_622 = arith.mulf %sub3A_621, %sub3A_621 : vector<400x320xf32>
    %dot_general3A_623 = arith.constant dense<0.000000e+00> : vector<400x5xf32>
    %dot_general3A_624 = tpu.matmul %mul3A_622, %get3A_564, %dot_general3A_623 {dimension_numbers = #tpu.dot_dimension_numbers<[1], [0], [0], [1], [0, 0, 1, 1], [], []>, transpose_lhs_hint = false} : vector<400x320xf32>, vector<320x5xf32>, vector<400x5xf32> -> vector<400x5xf32>
    %dot_general3A_625 = arith.constant dense<0.000000e+00> : vector<400x320xf32>
    %dot_general3A_626 = tpu.matmul %dot_general3A_624, %get3A_567, %dot_general3A_625 {dimension_numbers = #tpu.dot_dimension_numbers<[1], [0], [0], [1], [0, 0, 1, 1], [], []>, transpose_lhs_hint = false} : vector<400x5xf32>, vector<5x320xf32>, vector<400x320xf32> -> vector<400x320xf32>
    %add3A_627 = arith.constant 9.99999974E-6 : f32
    %add3A_628 = vector.broadcast %add3A_627 : f32 to vector<400x320xf32>
    %add3A_629 = arith.addf %dot_general3A_626, %add3A_628 : vector<400x320xf32>
    %rsqrt3A_630 = math.rsqrt %add3A_629 : vector<400x320xf32>
    %mul3A_631 = arith.mulf %sub3A_621, %rsqrt3A_630 : vector<400x320xf32>
    %get3A_632 = arith.constant 0 : index
    %get3A_633 = arith.constant 0 : index
    %get3A_634 = vector.load %arg17[%get3A_632, %get3A_633] : memref<320x320xf32, #tpu.memory_space<vmem>>, vector<320x320xf32>
    %dot_general3A_635 = arith.constant dense<0.000000e+00> : vector<400x320xf32>
    %dot_general3A_636 = tpu.matmul %mul3A_631, %get3A_634, %dot_general3A_635 {dimension_numbers = #tpu.dot_dimension_numbers<[1], [0], [0], [1], [0, 0, 1, 1], [], []>, transpose_lhs_hint = false} : vector<400x320xf32>, vector<320x320xf32>, vector<400x320xf32> -> vector<400x320xf32>
    %get3A_637 = arith.constant 0 : index
    %get3A_638 = arith.constant 0 : index
    %get3A_639 = vector.load %arg18[%get3A_637, %get3A_638] : memref<1x320xf32, #tpu.memory_space<vmem>>, vector<1x320xf32>
    %add3A_640 = vector.broadcast %get3A_639 : vector<1x320xf32> to vector<400x320xf32>
    %add3A_641 = arith.addf %dot_general3A_636, %add3A_640 : vector<400x320xf32>
    %swap3A = arith.constant 0 : index
    %swap3A_642 = arith.constant 0 : index
    %swap3A_643 = vector.load %arg19[%swap3A, %swap3A_642] : memref<400x320xf32, #tpu.memory_space<vmem>>, vector<400x320xf32>
    tpu.vector_store %arg19[%swap3A, %swap3A_642], %add3A_641 {strides = array<i32>} : memref<400x320xf32, #tpu.memory_space<vmem>>, vector<400x320xf32>,
    return
  }
  func.func @transform_0(%arg0: i32) -> (i32, i32) {
    %add3A = arith.constant 0 : i32
    %add3A_0 = arith.addi %add3A, %arg0 : i32
    %c0_i32 = arith.constant 0 : i32
    %c0_i32_1 = arith.constant 0 : i32
    return %add3A_0, %c0_i32 : i32, i32
  }
  func.func @transform_1(%arg0: i32) -> (i32, i32) {
    %add3A = arith.constant 0 : i32
    %add3A_0 = arith.addi %add3A, %arg0 : i32
    %c0_i32 = arith.constant 0 : i32
    %c0_i32_1 = arith.constant 0 : i32
    return %add3A_0, %c0_i32 : i32, i32
  }
  func.func @transform_2(%arg0: i32) -> (i32, i32, i32) {
    %c0_i32 = arith.constant 0 : i32
    %c0_i32_0 = arith.constant 0 : i32
    %c0_i32_1 = arith.constant 0 : i32
    return %c0_i32, %arg0, %c0_i32_0 : i32, i32, i32
  }
  func.func @transform_3(%arg0: i32) -> (i32, i32, i32) {
    %add3A = arith.constant 0 : i32
    %add3A_0 = arith.addi %add3A, %arg0 : i32
    %c0_i32 = arith.constant 0 : i32
    %c0_i32_1 = arith.constant 0 : i32
    %c0_i32_2 = arith.constant 0 : i32
    return %c0_i32, %add3A_0, %c0_i32_1 : i32, i32, i32
  }
  func.func @transform_4(%arg0: i32) -> (i32, i32) {
    %c0_i32 = arith.constant 0 : i32
    %c0_i32_0 = arith.constant 0 : i32
    %c0_i32_1 = arith.constant 0 : i32
    return %c0_i32, %c0_i32_0 : i32, i32
  }
  func.func @transform_5(%arg0: i32) -> (i32, i32) {
    %c0_i32 = arith.constant 0 : i32
    %c0_i32_0 = arith.constant 0 : i32
    %c0_i32_1 = arith.constant 0 : i32
    return %c0_i32, %c0_i32_0 : i32, i32
  }
  func.func @transform_6(%arg0: i32) -> (i32, i32) {
    %c0_i32 = arith.constant 0 : i32
    %c0_i32_0 = arith.constant 0 : i32
    %c0_i32_1 = arith.constant 0 : i32
    return %c0_i32, %c0_i32_0 : i32, i32
  }
  func.func @transform_7(%arg0: i32) -> (i32, i32) {
    %c0_i32 = arith.constant 0 : i32
    %c0_i32_0 = arith.constant 0 : i32
    %c0_i32_1 = arith.constant 0 : i32
    return %c0_i32, %c0_i32_0 : i32, i32
  }
  func.func @transform_8(%arg0: i32) -> (i32, i32) {
    %c0_i32 = arith.constant 0 : i32
    %c0_i32_0 = arith.constant 0 : i32
    %c0_i32_1 = arith.constant 0 : i32
    return %c0_i32, %c0_i32_0 : i32, i32
  }
  func.func @transform_9(%arg0: i32) -> (i32, i32) {
    %c0_i32 = arith.constant 0 : i32
    %c0_i32_0 = arith.constant 0 : i32
    %c0_i32_1 = arith.constant 0 : i32
    return %c0_i32, %c0_i32_0 : i32, i32
  }
  func.func @transform_10(%arg0: i32) -> (i32, i32) {
    %c0_i32 = arith.constant 0 : i32
    %c0_i32_0 = arith.constant 0 : i32
    %c0_i32_1 = arith.constant 0 : i32
    return %c0_i32, %c0_i32_0 : i32, i32
  }
  func.func @transform_11(%arg0: i32) -> (i32, i32) {
    %c0_i32 = arith.constant 0 : i32
    %c0_i32_0 = arith.constant 0 : i32
    %c0_i32_1 = arith.constant 0 : i32
    return %c0_i32, %c0_i32_0 : i32, i32
  }
  func.func @transform_12(%arg0: i32) -> (i32, i32) {
    %c0_i32 = arith.constant 0 : i32
    %c0_i32_0 = arith.constant 0 : i32
    %c0_i32_1 = arith.constant 0 : i32
    return %c0_i32, %c0_i32_0 : i32, i32
  }
  func.func @transform_13(%arg0: i32) -> (i32, i32) {
    %c0_i32 = arith.constant 0 : i32
    %c0_i32_0 = arith.constant 0 : i32
    %c0_i32_1 = arith.constant 0 : i32
    return %c0_i32, %c0_i32_0 : i32, i32
  }
  func.func @transform_14(%arg0: i32) -> (i32, i32) {
    %c0_i32 = arith.constant 0 : i32
    %c0_i32_0 = arith.constant 0 : i32
    %c0_i32_1 = arith.constant 0 : i32
    return %c0_i32, %c0_i32_0 : i32, i32
  }
  func.func @transform_15(%arg0: i32) -> (i32, i32) {
    %c0_i32 = arith.constant 0 : i32
    %c0_i32_0 = arith.constant 0 : i32
    %c0_i32_1 = arith.constant 0 : i32
    return %c0_i32, %c0_i32_0 : i32, i32
  }
  func.func @transform_16(%arg0: i32) -> (i32, i32) {
    %c0_i32 = arith.constant 0 : i32
    %c0_i32_0 = arith.constant 0 : i32
    %c0_i32_1 = arith.constant 0 : i32
    return %c0_i32, %c0_i32_0 : i32, i32
  }
  func.func @transform_17(%arg0: i32) -> (i32, i32) {
    %c0_i32 = arith.constant 0 : i32
    %c0_i32_0 = arith.constant 0 : i32
    %c0_i32_1 = arith.constant 0 : i32
    return %c0_i32, %c0_i32_0 : i32, i32
  }
  func.func @transform_18(%arg0: i32) -> (i32, i32) {
    %c0_i32 = arith.constant 0 : i32
    %c0_i32_0 = arith.constant 0 : i32
    return %arg0, %c0_i32 : i32, i32
  }
}

</mosaic_0001>

<sc_bundles>
// kernel: kernel.12.cloned.1.call-start
scs
__scs_entry_jumppad:
0x0: {  	(pc) =	sbr.rel $0x88, $3  }
0x1: {  	(tag) =	ssettag $0x0;
	lr =	simm.s32 $0x1  }
0x2: {  	[smem:$0x3F93] =	sst lr;
	_ =	strace $0xD0000000  }
0x3: {  	_ = 	snop  }
0x4: {  	_ = 	snop  }
0x5: {  	_ = 	snop  }
0x6: {  	_ = 	snop  }
0x7: {  	_ = 	snop  }
__scs_overlays_trampoline_lowered:
0x8: {  	[smem:$0x3FA2] =	sst s0  }
0x9: {  	[smem:$0x3FA3] =	sst s1  }
0xa: {  	[smem:$0x3FA4] =	sst s2  }
0xb: {  	[smem:$0x3FA5] =	sst s3  }
0xc: {  	[smem:$0x3FA6] =	sst s4  }
0xd: {  	[smem:$0x3FA7] =	sst s5  }
0xe: {  	[smem:$0x3FA8] =	sst s6  }
0xf: {  	[smem:$0x3FA9] =	sst s7  }
0x10: {  	[smem:$0x3FAA] =	sst s8  }
0x11: {  	[smem:$0x3FAB] =	sst s9;
	s0 =	simm.s32 @!p0 $0x0  }
0x12: {  	s1 =	sld [smem:$0x3F91];
	s0 =	simm.s32 @p0 $0x1  }
0x13: {  	[smem:$0x3FAC] =	sst s0;
	s0 =	simm.s32 @!p1 $0x0  }
0x14: {  	s2 =	sld [smem:$0x3F90];
	s0 =	simm.s32 @p1 $0x1  }
0x15: {  	[smem:$0x3FAD] =	sst s0;
	s0 =	simm.s32 @!p2 $0x0  }
0x16: {  	s3 =	sld [smem:$0x3FDB];
	s0 =	simm.s32 @p2 $0x1  }
0x17: {  	s4 =	simm.s32 $0x1BF5;
	[smem:$0x3FAF] =	sst s0  }
0x18: {  	s0 =	sld [smem:$0x3F92];
	_ =	swait.ge [sflag:s4], $0x0  }
0x19: {  	s7 =	sld [smem:$0x3F93]  }
0x1a: {  	s8 =	sadd.s32 $0xFFFFE003, lr  }
0x1b: {  	s9 =	sadd.s32 $0xFFFFFEF7, lr;
	s5 =	simm.s32 $0xFFFFFFFF;
	p2 =	slt.u32 s8, $0xFFFFF086  }
0x1c: {  	p1 =	slt.u32 s9, $0xF7A;
	s5 =	simm.s32 @!p2 $0x0  }
0x1d: {  	s5 =	simm.s32 @p1 $0x1;
	p0 =	seq.s32 s7, s2  }
0x1e: {  	s7 =	smul.u32 @!p0 $0xF7A, s2;
	p2 =	seq.s32 @!p0 s5, $0x0  }
0x1f: {  	s9 =	smul.u32 $0xF7A, s1;
	s8 =	simm.s32 @!p0 $0x1BF5;
	p2 =	por !p2, p0  }
0x20: {  	[sflag:s8] =	ssyncset.s32 @!p0 $0xFFFFF086;
	s6 =	sadd.s32 @!p0 s3, s7;
	s7 =	simm.s32 @!p0 $0x108  }
0x21: {  	s3 =	sadd.s32 s3, s9;
	s6 =	sadd.s32 @!p0 $0x88, s6;
	s7 =	simm.s32 @p2 $0x1082  }
0x22: {  	[simem:s7], [sflag:s8] =	dma.local @!p0 [hbm:s6], $0xF7A  }
0x23: {  	s9 =	sor.u32 $0xD0000000, s2;
	s6 =	simm.s32 $0x108;
	_ =	swait.ge @!p0 [sflag:s8], $0x0  }
0x24: {  	s3 =	sadd.s32 $0x88, s3;
	s6 =	simm.s32 @!p1 $0x1082;
	[sflag:s4] =	ssyncset.s32 $0xFFFFF086  }
0x25: {  	[simem:s6], [sflag:s4] =	dma.local [hbm:s3], $0xF7A  }
0x26: {  	[smem:$0x3F93] =	sst s1;
	(tag) =	ssettag s2;
	_ =	strace s9  }
0x27: {  	s1 =	sld [smem:$0x3FA3]  }
0x28: {  	s2 =	sld [smem:$0x3FA4]  }
0x29: {  	s4 =	sld [smem:$0x3FA6]  }
0x2a: {  	p0 =	seq.s32 s5, $0x0;
	s5 =	sld [smem:$0x3FA7]  }
0x2b: {  	s6 =	sld [smem:$0x3FA8]  }
0x2c: {  	s7 =	sld [smem:$0x3FA9]  }
0x2d: {  	s3 =	simm.s32 $0x108;
	s8 =	sld [smem:$0x3FAA]  }
0x2e: {  	s3 =	simm.s32 @!p0 $0x1082;
	s9 =	sld [smem:$0x3FAB]  }
0x2f: {  	lr =	sadd.s32 s0, s3;
	s0 =	sld [smem:$0x3FA2]  }
0x30: {  	s3 =	sld [smem:$0x3FA5]  }
0x31: {  	[smem:$0x3FAE] =	sst s10  }
0x32: {  	s10 =	sld [smem:$0x3FAC];
	_ =	sdelay $0x3  }
0x33: {  	p0 =	seq.s32 s10, $0x1;
	s10 =	sld [smem:$0x3FAE];
	_ =	sdelay $0x3  }
0x34: {  	[smem:$0x3FAE] =	sst s10  }
0x35: {  	s10 =	sld [smem:$0x3FAD];
	_ =	sdelay $0x3  }
0x36: {  	p1 =	seq.s32 s10, $0x1;
	s10 =	sld [smem:$0x3FAE];
	_ =	sdelay $0x3  }
0x37: {  	[smem:$0x3FAE] =	sst s10  }
0x38: {  	s10 =	sld [smem:$0x3FAF]  }
0x39: {  	_ = 	snop;
	(pc) =	sbr.ind lr, $3  }
0x3a: {  	_ = 	snop  }
0x3b: {  	_ = 	snop  }
0x3c: {  	p2 =	seq.s32 s10, $0x1;
	s10 =	sld [smem:$0x3FAE]  }
0x3d: {  	_ =	shalt  }
0x3e: {  	_ =	shalt  }
0x3f: {  	_ =	shalt  }
0x40: {  	_ =	shalt  }
0x41: {  	_ =	shalt  }
0x42: {  	_ =	shalt  }
0x43: {  	_ =	shalt  }
0x44: {  	_ =	shalt  }
0x45: {  	_ =	shalt  }
0x46: {  	_ =	shalt  }
0x47: {  	_ =	shalt  }
0x48: {  	_ =	shalt  }
0x49: {  	_ =	shalt  }
0x4a: {  	_ =	shalt  }
0x4b: {  	_ =	shalt  }
0x4c: {  	_ =	shalt  }
0x4d: {  	_ =	shalt  }
0x4e: {  	_ =	shalt  }
0x4f: {  	_ =	shalt  }
0x50: {  	_ =	shalt  }
0x51: {  	_ =	shalt  }
0x52: {  	_ =	shalt  }
0x53: {  	_ =	shalt  }
0x54: {  	_ =	shalt  }
0x55: {  	_ =	shalt  }
0x56: {  	_ =	shalt  }
0x57: {  	_ =	shalt  }
0x58: {  	_ =	shalt  }
0x59: {  	_ =	shalt  }
0x5a: {  	_ =	shalt  }
0x5b: {  	_ =	shalt  }
0x5c: {  	_ =	shalt  }
0x5d: {  	_ =	shalt  }
0x5e: {  	_ =	shalt  }
0x5f: {  	_ =	shalt  }
0x60: {  	_ =	shalt  }
0x61: {  	_ =	shalt  }
0x62: {  	_ =	shalt  }
0x63: {  	_ =	shalt  }
0x64: {  	_ =	shalt  }
0x65: {  	_ =	shalt  }
0x66: {  	_ =	shalt  }
0x67: {  	_ =	shalt  }
0x68: {  	_ =	shalt  }
0x69: {  	_ =	shalt  }
0x6a: {  	_ =	shalt  }
0x6b: {  	_ =	shalt  }
0x6c: {  	_ =	shalt  }
0x6d: {  	_ =	shalt  }
0x6e: {  	_ =	shalt  }
0x6f: {  	_ =	shalt  }
0x70: {  	_ =	shalt  }
0x71: {  	_ =	shalt  }
0x72: {  	_ =	shalt  }
0x73: {  	_ =	shalt  }
0x74: {  	_ =	shalt  }
0x75: {  	_ =	shalt  }
0x76: {  	_ =	shalt  }
0x77: {  	_ =	shalt  }
0x78: {  	_ =	shalt  }
0x79: {  	_ =	shalt  }
0x7a: {  	_ =	shalt  }
0x7b: {  	_ =	shalt  }
0x7c: {  	_ =	shalt  }
0x7d: {  	_ =	shalt  }
0x7e: {  	_ =	shalt  }
0x7f: {  	_ =	shalt  }
0x80: {  	_ =	shalt  }
0x81: {  	_ =	shalt  }
0x82: {  	_ =	shalt  }
0x83: {  	_ =	shalt  }
0x84: {  	_ =	shalt  }
0x85: {  	_ =	shalt  }
0x86: {  	_ =	shalt  }
0x87: {  	_ =	shalt  }
.Lfunc_end0:
.L_simem_size_0:
called_computation.1_lowered:
.L_overlay_start_0:
0x88: {  	s2 =	sld [smem:$0x3FD9]  }
0x89: {  	s3 =	sld [smem:$0x3FFE];
	_ =	sdelay $0x1  }
0x8a: {  	s1 =	srdreg.scid  }
0x8b: {  	s0 =	sand.u32 $0x1, s1  }
0x8c: {  	s17 =	sshll.u32 s0, $0xA;
	s2 =	sadd.s32 s3, s2  }
0x8d: {  	s2 =	sadd.s32 s2, s17  }
0x8e: {  	[smem:$0x3FBA] =	sst s2  }
0x8f: {  	_ = 	snop  }
0x90: {  	(tm) =	ssettm $0x1  }
0x91: {  	s18 =	sld [smem:$0x3FFB];
	_ =	sdelay $0x3  }
0x92: {  	_ =	strace s18  }
0x93: {  	s2 =	sld [smem:$0x3FFC];
	_ =	sdelay $0x3  }
0x94: {  	_ =	strace s2  }
0x95: {  	s2 =	sld [smem:$0x3FFD];
	_ =	sdelay $0x3  }
0x96: {  	_ =	strace s2  }
0x97: {  	_ =	strace $0x8FFFFFFF  }
0x98: {  	s19 =	sld [smem:$0x3FDB];
	_ =	sdelay $0x1  }
0x99: {  	s20 =	simm.s32 $_scs_section_size  }
0x9a: {  	s4 =	simm.s32 $_size__tile_overlayer_lowered;
	s5 =	simm.s32 $_tile_overlayer_lowered  }
0x9b: {  	s6 =	simm.s32 $0x1BFF;
	s21 =	sshll.u32 s5, $0x1;
	s3 =	sadd.s32 s20, s19  }
0x9c: {  	s22 =	simm.s32 $0x0;
	s4 =	sshll.u32 s4, $0x1;
	s5 =	sadd.s32 s21, s3  }
0x9d: {  	[timem:s22], [sflag:s6] =	dma.local [hbm:s5], s4  }
0x9e: {  	_ =	swait.ge [sflag:s6], s4  }
0x9f: {  	s4 =	ssub.s32 $0x0, s4;
	[sflag:s6] =	ssyncset.done $0x0  }
0xa0: {  	[sflag:s6] =	ssyncadd.s32 s4;
	_ =	sdelay $0x1  }
0xa1: {  	s23 =	simm.s32 $0x1B8B  }
0xa2: {  	_ =	swait.ge [sflag:s23], $0x1  }
0xa3: {  	[sflag:s23] =	ssyncset.done $0x0  }
0xa4: {  	[sflag:s23] =	ssyncadd.s32 $0xFFFFFFFF  }
0xa5: {  	s4 =	sld [smem:$0x0]  }
0xa6: {  	s5 =	sand.u32 $0xFFFFFFFE, s1  }
0xa7: {  	p0 =	sne.s32 s1, s5  }
0xa8: {  	s5 =	sshll.u32 @p0 s5, $0xE  }
0xa9: {  	s5 =	sadd.s32 @p0 $0x11B8D, s5;
	s6 =	sshll.u32 @p0 s4, $0x11  }
0xaa: {  	s5 =	sor.u32 @p0 s6, s5  }
0xab: {  	[sflag:s5] =	ssyncadd.remote.s32 @p0 $0x1;
	_ =	sdelay $0x1  }
0xac: {  	s5 =	simm.s32 @p0 $0x1B8D  }
0xad: {  	_ =	swait.eq @p0 [sflag:s5], $0x1  }
0xae: {  	[sflag:s5] =	ssyncadd.s32 @p0 $0xFFFFFFFF  }
0xaf: {  	s6 =	sshll.u32 @!p0 s1, $0xE  }
0xb0: {  	s6 =	sor.u32 @!p0 $0x4000, s6;
	s5 =	simm.s32 @!p0 $0x1B8D  }
0xb1: {  	s4 =	sshll.u32 @!p0 s4, $0x11;
	s6 =	sadd.s32 @!p0 $0x11B8D, s6;
	_ =	swait.eq @!p0 [sflag:s5], $0x1  }
0xb2: {  	s4 =	sor.u32 @!p0 s4, s6;
	[sflag:s5] =	ssyncadd.s32 @!p0 $0xFFFFFFFF  }
0xb3: {  	s25 =	simm.s32 $0x1B8E;
	s24 =	sld [smem:$0x3FFE];
	[sflag:s4] =	ssyncadd.remote.s32 @!p0 $0x1  }
0xb4: {  	s26 =	simm.s32 $execute0_lowered;
	[smem:$0x3FD2] =	sst s25  }
0xb5: {  	s5 =	sshll.u32 s26, $0x1;
	_ =	strace $0x80000049;
	[dreg:$0x1] =	wrdreg $0xFFFFFFFF  }
0xb6: {  	s28 =	simm.s32 $_size_execute0_lowered;
	s3 =	sadd.s32 s3, s5;
	[dreg:$0x0] =	wrdreg $0x0  }
0xb7: {  	s5 =	sshll.u32 s28, $0x1;
	[dreg:$0x2] =	wrdreg s3  }
0xb8: {  	[dreg:$0x3] =	wrdreg s5  }
0xb9: {  	[dreg:$0x4] =	wrdreg $0xC0  }
0xba: {  	_ =	task [dreg:s22], $0x5FFFF  }
0xbb: {  	[dreg:$0x1] =	wrdreg $0xFFFFFFFF  }
0xbc: {  	[dreg:$0x0] =	wrdreg $0x60  }
0xbd: {  	[dreg:$0x2] =	wrdreg s24  }
0xbe: {  	[dreg:$0x3] =	wrdreg $0xA  }
0xbf: {  	_ =	task.clear_ibuf [dreg:s22], $0x4FFFF;
	_ =	strace $0x90000049  }
0xc0: {  	s29 =	simm.s32 $0xA;
	_ =	strace $0x8000004B  }
0xc1: {  	_ =	swait.ge [sflag:s29], $0x1  }
0xc2: {  	[sflag:s29] =	ssyncadd.s32 $0xFFFFFFFF  }
0xc3: {  	_ =	strace $0x9000004B  }
0xc4: {  	_ =	sfence  }
0xc5: {  	s30 =	sld [smem:$0x0];
	_ =	sdelay $0x2  }
0xc6: {  	s31 =	sshll.u32 s1, $0xD;
	s1 =	sshrl.u32 s1, $0x2  }
0xc7: {  	s4 =	sand.u32 $0x4000, s31;
	s1 =	sadd.s32 s1, s30  }
0xc8: {  	s0 =	sor.u32 s4, s0;
	s1 =	sshll.u32 s1, $0x11  }
0xc9: {  	s0 =	sor.u32 s1, s0  }
0xca: {  	s0 =	sadd.s32 $0x8F2B, s0  }
0xcb: {  	[sflag:s0] =	ssyncadd.remote.s32 $0x1  }
0xcc: {  	_ =	sfence.sel $0xFFFF  }
0xcd: {  	[dreg:$0x0] =	wrdreg $0xFFFFFFFF;
	(pc) =	sbr.abs _section_cstart, $3  }
0xce: {  	[dreg:$0x1] =	wrdreg $0xFFFFFFFF  }
0xcf: {  	_ =	task.clear_ibuf [dreg:s22], $0x2FFFF;
	_ =	strace $0x9FFFFFFF  }
0xd0: {  	(tm) =	ssettm $0x7FFFFFFF  }
0xd1: {  	_ =	shalt  }
tec
execute0_lowered:
.L_overlay_start_1:
0x0: {  	(tag) =	ssettag $0x1  }
0x1: {  	s0 =	srdreg.scid;
	s2 =	stileid.u32  }
0x2: {  	s5 =	rddreg [dreg:$0x0];
	s8 =	simm.s32 $0x5;
	s9 =	simm.s32 $0x680  }
0x3: {  	s16 =	simm.s32 $0x3280;
	s17 =	simm.s32 $0x3680;
	s18 =	simm.s32 $0x3E80  }
0x4: {  	s19 =	simm.s32 $0x3;
	s20 =	simm.s32 $0x2;
	s21 =	simm.s32 $0x4280  }
0x5: {  	s22 =	simm.s32 $0x4;
	s23 =	simm.s32 $0x4A80;
	s24 =	simm.s32 $0x4E80  }
0x6: {  	s25 =	simm.s32 $0x5680;
	s28 =	simm.s32 $0x6280;
	s29 =	simm.s32 $0x6680  }
0x7: {  	s30 =	simm.s32 $0x6E80;
	s31 =	simm.s32 $0x7280;
	s10 =	simm.s32 $0x0  }
0x8: {  	s0 =	sand.u32 $0x1, s0;
	s1 =	smul.u32 $0xC80, s2;
	s4 =	sshll.u32 s2, $0x1  }
0x9: {  	s2 =	simm.s32 $0x0;
	s3 =	smul.u32 $0x640, s0;
	s26 =	sor.u32 s0, s4  }
0xa: {  	[smem:$0x7FF] =	sst s2;
	s0 =	ssub.s32 $0x2, s0;
	s4 =	smul.u32 $0x640, s26  }
0xb: {  	_ =	strace $0x8000004A;
	s6 =	sshrl.u32 s0, $0x1;
	s1 =	sadd.s32 s3, s1  }
.Ltmp0:
0xc: {  	s26 =	simm.s32 $0x5A80;
	s1 =	sshrl.u32 s1, $0x3;
	(pc) =	sbr.rel .LBB2_1-.Ltmp0, $4  }
0xd: {  	s0 =	ssub.s32 s0, s6;
	s4 =	sshrl.u32 s4, $0x3;
	s1 =	smul.u32 $0x180, s1  }
0xe: {  	v2 =	vlaneseq.u32;
	s3 =	sadd.s32 $0x7DE00, s5;
	s6 =	smax.u32 s0, $0x1;
	s4 =	sadd.s32 s5, s4  }
0xf: {  	vm0 =	vmmov $0xffff;
	vm1 =	vmmov $0xff;
	v1 =	vshrl.u32 v2, $0x3;
	s0 =	simm.s32 $0x1;
	s4 =	sadd.s32 $0x7A700, s4;
	s1 =	sadd.s32 s1, s5  }
0x10: {  	v0 =	vand.u32 $0x7, v2;
	v2 =	vor.u32 $0x8, v2;
	v1 =	vmul.u32 $0x8, v1;
	s5 =	sadd.s32 $0x7DF00, s5;
	s12 =	sadd.s32 $0x396200, s1;
	s1 =	simm.s32 $0x7A80  }
.LBB2_6:
0x11: {  	s10 =	sadd.s32 $0x1, s10  }
0x12: {  	p0 =	sne.s32 s10, s6  }
.Ltmp1:
0x13: {  	_ = 	snop;
	(pc) =	sbr.rel @!p0 .LBB2_7-.Ltmp1, $4  }
0x14: {  	_ = 	snop  }
0x15: {  	_ =	swait.ge [sflag:s22], $0x3C00  }
0x16: {  	[sflag:s22] =	ssyncset.done $0x0  }
0x17: {  	[sflag:s22] =	ssyncadd.s32 $0xFFFFC400  }
.LBB2_1:
0x18: {  	[tilespmem:s2], [sflag:$0x5] =	stream.linear.gather [hbm4b:s4+s2], $0x640, $0x38;
	[tilespmem:$0x7E80] =	vst v63  }
0x19: {  	_ =	swait.ge [sflag:s8], $0x640  }
0x1a: {  	[sflag:s8] =	ssyncset.done $0x0  }
0x1b: {  	[sflag:s8] =	ssyncadd.s32 $0xFFFFF9C0  }
0x1c: {  	v3 =	vld [tilespmem:$0x0];
	_ =	sdelay $0x4  }
0x1d: {  	v4 =	vshrl.u32 v3, $0x3  }
0x1e: {  	v4 =	vmul.u32 $0x18, v4  }
0x1f: {  	v3 =	vand.u32 $0x7, v3  }
0x20: {  	v3 =	vor.u32 v3, v4  }
0x21: {  	v4 =	vperm.xlane v3, v0;
	_ =	sdelay $0x1  }
0x22: {  	v4 =	vadd.s32 v1, v4;
	_ =	sdelay $0x1  }
0x23: {  	v3 =	vperm.xlane v3, v2;
	_ =	sdelay $0x1  }
0x24: {  	v3 =	vadd.s32 v1, v3  }
0x25: {  	[tilespmem:s9], [sflag:$0x1] =	stream.indirect_vreg.gather [hbm4b:s3+s2], $0x80, v4, vm0, $0xb8;
	[tilespmem:$0x7E80] =	vst v63  }
0x26: {  	s7 =	simm.s32 $0xE80  }
0x27: {  	[tilespmem:s7], [sflag:$0x1] =	stream.indirect_vreg.gather [hbm4b:s5+s2], $0x80, v4, vm1, $0xb8;
	[tilespmem:$0x7E80] =	vst v63  }
0x28: {  	s15 =	simm.s32 $0x1280  }
0x29: {  	[tilespmem:s15], [sflag:$0x1] =	stream.indirect_vreg.gather [hbm4b:s3+s2], $0x80, v3, vm0, $0xb8;
	[tilespmem:$0x7E80] =	vst v63  }
0x2a: {  	s11 =	simm.s32 $0x1A80  }
0x2b: {  	[tilespmem:s11], [sflag:$0x1] =	stream.indirect_vreg.gather [hbm4b:s5+s2], $0x80, v3, vm1, $0xb8;
	[tilespmem:$0x7E80] =	vst v63  }
0x2c: {  	v3 =	vld [tilespmem:$0x10];
	_ =	sdelay $0x4  }
0x2d: {  	v62 =	vshrl.u32 v3, $0x3  }
0x2e: {  	v4 =	vmul.u32 $0x18, v62  }
0x2f: {  	v3 =	vand.u32 $0x7, v3  }
0x30: {  	v3 =	vor.u32 v3, v4  }
0x31: {  	v4 =	vperm.xlane v3, v0;
	_ =	sdelay $0x1  }
0x32: {  	v4 =	vadd.s32 v1, v4;
	_ =	sdelay $0x1  }
0x33: {  	v3 =	vperm.xlane v3, v2;
	_ =	sdelay $0x1  }
0x34: {  	s13 =	simm.s32 $0x1E80;
	v3 =	vadd.s32 v1, v3  }
0x35: {  	[tilespmem:s13], [sflag:$0x1] =	stream.indirect_vreg.gather [hbm4b:s3+s2], $0x80, v4, vm0, $0xb8;
	[tilespmem:$0x7E80] =	vst v63  }
0x36: {  	s14 =	simm.s32 $0x2680  }
0x37: {  	[tilespmem:s14], [sflag:$0x1] =	stream.indirect_vreg.gather [hbm4b:s5+s2], $0x80, v4, vm1, $0xb8;
	[tilespmem:$0x7E80] =	vst v63  }
0x38: {  	s15 =	simm.s32 $0x2A80  }
0x39: {  	[tilespmem:s15], [sflag:$0x1] =	stream.indirect_vreg.gather [hbm4b:s3+s2], $0x80, v3, vm0, $0xb8;
	[tilespmem:$0x7E80] =	vst v63  }
0x3a: {  	_ = 	snop  }
0x3b: {  	[tilespmem:s16], [sflag:$0x1] =	stream.indirect_vreg.gather [hbm4b:s5+s2], $0x80, v3, vm1, $0xb8;
	[tilespmem:$0x7E80] =	vst v63  }
0x3c: {  	v3 =	vld.msk [tilespmem:$0x20], $0xff;
	_ =	sdelay $0x4  }
0x3d: {  	v63 =	vshrl.u32 v3, $0x3  }
0x3e: {  	v4 =	vmul.u32 $0x18, v63  }
0x3f: {  	v3 =	vand.u32 $0x7, v3  }
0x40: {  	v3 =	vor.u32 v3, v4  }
0x41: {  	v3 =	vperm.xlane v3, v0;
	_ =	sdelay $0x1  }
0x42: {  	v3 =	vadd.s32 v1, v3;
	_ =	sdelay $0x2  }
.Ltmp2:
0x43: {  	_ = 	snop;
	(pc) =	sbr.rel .LBB2_2-.Ltmp2, $4  }
0x44: {  	_ = 	snop  }
0x45: {  	[tilespmem:s17], [sflag:$0x1] =	stream.indirect_vreg.gather [hbm4b:s3+s2], $0x80, v3, vm0, $0xb8;
	[tilespmem:$0x7E80] =	vst v63  }
0x46: {  	s7 =	smov.u32 s12;
	s11 =	simm.s32 $0x48;
	s13 =	simm.s32 $0x0  }
0x47: {  	[tilespmem:s18], [sflag:$0x1] =	stream.indirect_vreg.gather [hbm4b:s5+s2], $0x80, v3, vm1, $0xb8;
	[tilespmem:$0x7E80] =	vst v63  }
.LBB2_4:
0x48: {  	_ =	swait.ge [sflag:s19], $0x3C00  }
0x49: {  	[sflag:s19] =	ssyncset.done $0x0  }
0x4a: {  	p0 =	seq.s32 s13, $0x27;
	[sflag:s19] =	ssyncadd.s32 $0xFFFFC400  }
0x4b: {  	v3 =	vld @!p0 [tilespmem:s11+$0xFFFFFFE0];
	_ =	sdelay $0x4  }
0x4c: {  	v4 =	vshrl.u32 @!p0 v3, $0x3  }
0x4d: {  	v4 =	vmul.u32 @!p0 $0x18, v4  }
0x4e: {  	v5 =	vlaneseq.u32 @!p0;
	v3 =	vand.u32 @!p0 $0x7, v3  }
0x4f: {  	v6 =	vshrl.u32 @!p0 v5, $0x3;
	v3 =	vor.u32 @!p0 v3, v4;
	v4 =	vand.u32 @!p0 $0x7, v5  }
0x50: {  	v6 =	vmul.u32 @!p0 $0x8, v6;
	v7 =	vperm.xlane @!p0 v3, v4;
	_ =	sdelay $0x1  }
0x51: {  	v7 =	vadd.s32 @!p0 v6, v7  }
0x52: {  	v5 =	vor.u32 @!p0 $0x8, v5  }
0x53: {  	v3 =	vperm.xlane @!p0 v3, v5;
	_ =	sdelay $0x1  }
0x54: {  	vm2 =	vmmov @!p0 $0xffff;
	s14 =	simm.s32 @!p0 $0x0;
	s15 =	simm.s32 @!p0 $0x680;
	v3 =	vadd.s32 @!p0 v6, v3  }
0x55: {  	[tilespmem:s15], [sflag:$0x1] =	stream.indirect_vreg.gather @!p0 [hbm4b:s3+s14], $0x80, v7, vm2, $0xb8;
	[tilespmem:$0x7E80] =	vst v63  }
0x56: {  	vm3 =	vmmov @!p0 $0xff;
	s15 =	simm.s32 @!p0 $0xE80  }
0x57: {  	[tilespmem:s15], [sflag:$0x1] =	stream.indirect_vreg.gather @!p0 [hbm4b:s5+s14], $0x80, v7, vm3, $0xb8;
	[tilespmem:$0x7E80] =	vst v63  }
0x58: {  	s15 =	simm.s32 @!p0 $0x1280  }
0x59: {  	[tilespmem:s15], [sflag:$0x1] =	stream.indirect_vreg.gather @!p0 [hbm4b:s3+s14], $0x80, v3, vm2, $0xb8;
	[tilespmem:$0x7E80] =	vst v63  }
0x5a: {  	s15 =	simm.s32 @!p0 $0x1A80  }
0x5b: {  	[tilespmem:s15], [sflag:$0x1] =	stream.indirect_vreg.gather @!p0 [hbm4b:s5+s14], $0x80, v3, vm3, $0xb8;
	[tilespmem:$0x7E80] =	vst v63  }
0x5c: {  	v3 =	vld @!p0 [tilespmem:s11+$0xFFFFFFF0];
	_ =	sdelay $0x4  }
0x5d: {  	v7 =	vshrl.u32 @!p0 v3, $0x3  }
0x5e: {  	v7 =	vmul.u32 @!p0 $0x18, v7  }
0x5f: {  	v3 =	vand.u32 @!p0 $0x7, v3  }
0x60: {  	v3 =	vor.u32 @!p0 v3, v7  }
0x61: {  	v7 =	vperm.xlane @!p0 v3, v4;
	_ =	sdelay $0x1  }
0x62: {  	v7 =	vadd.s32 @!p0 v6, v7;
	_ =	sdelay $0x1  }
0x63: {  	v3 =	vperm.xlane @!p0 v3, v5;
	_ =	sdelay $0x1  }
0x64: {  	s15 =	simm.s32 @!p0 $0x1E80;
	v3 =	vadd.s32 @!p0 v6, v3  }
0x65: {  	[tilespmem:s15], [sflag:$0x1] =	stream.indirect_vreg.gather @!p0 [hbm4b:s3+s14], $0x80, v7, vm2, $0xb8;
	[tilespmem:$0x7E80] =	vst v63  }
0x66: {  	s15 =	simm.s32 @!p0 $0x2680  }
0x67: {  	[tilespmem:s15], [sflag:$0x1] =	stream.indirect_vreg.gather @!p0 [hbm4b:s5+s14], $0x80, v7, vm3, $0xb8;
	[tilespmem:$0x7E80] =	vst v63  }
0x68: {  	s15 =	simm.s32 @!p0 $0x2A80  }
0x69: {  	[tilespmem:s15], [sflag:$0x1] =	stream.indirect_vreg.gather @!p0 [hbm4b:s3+s14], $0x80, v3, vm2, $0xb8;
	[tilespmem:$0x7E80] =	vst v63  }
0x6a: {  	s15 =	simm.s32 @!p0 $0x3280  }
0x6b: {  	[tilespmem:s15], [sflag:$0x1] =	stream.indirect_vreg.gather @!p0 [hbm4b:s5+s14], $0x80, v3, vm3, $0xb8;
	[tilespmem:$0x7E80] =	vst v63  }
0x6c: {  	v3 =	vld.msk @!p0 [tilespmem:s11+$0x0], $0xff;
	_ =	sdelay $0x4  }
0x6d: {  	v5 =	vshrl.u32 @!p0 v3, $0x3  }
0x6e: {  	v5 =	vmul.u32 @!p0 $0x18, v5  }
0x6f: {  	v3 =	vand.u32 @!p0 $0x7, v3  }
0x70: {  	v3 =	vor.u32 @!p0 v3, v5  }
0x71: {  	v3 =	vperm.xlane @!p0 v3, v4;
	_ =	sdelay $0x1  }
0x72: {  	v3 =	vadd.s32 @!p0 v6, v3;
	_ =	sdelay $0x3  }
0x73: {  	s15 =	simm.s32 @!p0 $0x3680  }
0x74: {  	[tilespmem:s15], [sflag:$0x1] =	stream.indirect_vreg.gather @!p0 [hbm4b:s3+s14], $0x80, v3, vm2, $0xb8;
	[tilespmem:$0x7E80] =	vst v63  }
0x75: {  	s15 =	simm.s32 @!p0 $0x3E80  }
0x76: {  	[tilespmem:s15], [sflag:$0x1] =	stream.indirect_vreg.gather @!p0 [hbm4b:s5+s14], $0x80, v3, vm3, $0xb8;
	[tilespmem:$0x7E80] =	vst v63  }
0x77: {  	_ =	swait.ge [sflag:s20], $0x3C00  }
0x78: {  	[sflag:s20] =	ssyncset.done $0x0  }
0x79: {  	[sflag:s20] =	ssyncadd.s32 $0xFFFFC400  }
0x7a: {  	[hbm4b:s7+s2] =	stream.linear.scatter [tilespmem:s21], [sflag:$0x4], $0x3C00, $0x38;
	[tilespmem:$0x7E80] =	vst v63  }
.LBB2_5:
0x7b: {  	s13 =	sadd.s32 $0x1, s13  }
0x7c: {  	p0 =	sne.s32 s13, $0x28  }
.Ltmp3:
0x7d: {  	_ = 	snop;
	(pc) =	sbr.rel @!p0 .LBB2_6-.Ltmp3, $2  }
0x7e: {  	_ =	sdelay $0x2  }
0x7f: {  	s11 =	sadd.s32 $0x28, s11;
	s7 =	sadd.s32 $0x780, s7  }
.LBB2_2:
0x80: {  	s14 =	sand.u32 $0x1, s13  }
0x81: {  	p0 =	seq.s32 s14, $0x1  }
.Ltmp4:
0x82: {  	_ = 	snop;
	(pc) =	sbr.rel @p0 .LBB2_4-.Ltmp4, $1  }
0x83: {  	_ =	sdelay $0x3  }
0x84: {  	p0 =	seq.s32 s13, $0x0  }
0x85: {  	s14 =	simm.s32 @!p0 $0x4  }
0x86: {  	_ =	swait.ge @!p0 [sflag:s14], $0x3C00  }
0x87: {  	[sflag:s14] =	ssyncset.done @!p0 $0x0  }
0x88: {  	[sflag:s14] =	ssyncadd.s32 @!p0 $0xFFFFC400  }
0x89: {  	v3 =	vld [tilespmem:s11+$0xFFFFFFE0];
	_ =	sdelay $0x4  }
0x8a: {  	v4 =	vshrl.u32 v3, $0x3  }
0x8b: {  	v4 =	vmul.u32 $0x18, v4  }
0x8c: {  	v3 =	vand.u32 $0x7, v3  }
0x8d: {  	v3 =	vor.u32 v3, v4  }
0x8e: {  	v4 =	vperm.xlane v3, v0;
	_ =	sdelay $0x1  }
0x8f: {  	v4 =	vadd.s32 v1, v4;
	_ =	sdelay $0x1  }
0x90: {  	v3 =	vperm.xlane v3, v2;
	_ =	sdelay $0x1  }
0x91: {  	v3 =	vadd.s32 v1, v3  }
0x92: {  	[tilespmem:s21], [sflag:$0x2] =	stream.indirect_vreg.gather [hbm4b:s3+s2], $0x80, v4, vm0, $0xb8;
	[tilespmem:$0x7E80] =	vst v63  }
0x93: {  	_ = 	snop  }
0x94: {  	[tilespmem:s23], [sflag:$0x2] =	stream.indirect_vreg.gather [hbm4b:s5+s2], $0x80, v4, vm1, $0xb8;
	[tilespmem:$0x7E80] =	vst v63  }
0x95: {  	_ = 	snop  }
0x96: {  	[tilespmem:s24], [sflag:$0x2] =	stream.indirect_vreg.gather [hbm4b:s3+s2], $0x80, v3, vm0, $0xb8;
	[tilespmem:$0x7E80] =	vst v63  }
0x97: {  	_ = 	snop  }
0x98: {  	[tilespmem:s25], [sflag:$0x2] =	stream.indirect_vreg.gather [hbm4b:s5+s2], $0x80, v3, vm1, $0xb8;
	[tilespmem:$0x7E80] =	vst v63  }
0x99: {  	v3 =	vld [tilespmem:s11+$0xFFFFFFF0];
	_ =	sdelay $0x4  }
0x9a: {  	v62 =	vshrl.u32 v3, $0x3  }
0x9b: {  	v4 =	vmul.u32 $0x18, v62  }
0x9c: {  	v3 =	vand.u32 $0x7, v3  }
0x9d: {  	v3 =	vor.u32 v3, v4  }
0x9e: {  	v4 =	vperm.xlane v3, v0;
	_ =	sdelay $0x1  }
0x9f: {  	v4 =	vadd.s32 v1, v4;
	_ =	sdelay $0x1  }
0xa0: {  	v3 =	vperm.xlane v3, v2;
	_ =	sdelay $0x1  }
0xa1: {  	v3 =	vadd.s32 v1, v3  }
0xa2: {  	[tilespmem:s26], [sflag:$0x2] =	stream.indirect_vreg.gather [hbm4b:s3+s2], $0x80, v4, vm0, $0xb8;
	[tilespmem:$0x7E80] =	vst v63  }
0xa3: {  	_ = 	snop  }
0xa4: {  	[tilespmem:s28], [sflag:$0x2] =	stream.indirect_vreg.gather [hbm4b:s5+s2], $0x80, v4, vm1, $0xb8;
	[tilespmem:$0x7E80] =	vst v63  }
0xa5: {  	_ = 	snop  }
0xa6: {  	[tilespmem:s29], [sflag:$0x2] =	stream.indirect_vreg.gather [hbm4b:s3+s2], $0x80, v3, vm0, $0xb8;
	[tilespmem:$0x7E80] =	vst v63  }
0xa7: {  	_ = 	snop  }
0xa8: {  	[tilespmem:s30], [sflag:$0x2] =	stream.indirect_vreg.gather [hbm4b:s5+s2], $0x80, v3, vm1, $0xb8;
	[tilespmem:$0x7E80] =	vst v63  }
0xa9: {  	v3 =	vld.msk [tilespmem:s11+$0x0], $0xff;
	_ =	sdelay $0x4  }
0xaa: {  	v63 =	vshrl.u32 v3, $0x3  }
0xab: {  	v4 =	vmul.u32 $0x18, v63  }
0xac: {  	v3 =	vand.u32 $0x7, v3  }
0xad: {  	v3 =	vor.u32 v3, v4  }
0xae: {  	v3 =	vperm.xlane v3, v0;
	_ =	sdelay $0x1  }
0xaf: {  	v3 =	vadd.s32 v1, v3;
	_ =	sdelay $0x4  }
0xb0: {  	[tilespmem:s31], [sflag:$0x2] =	stream.indirect_vreg.gather [hbm4b:s3+s2], $0x80, v3, vm0, $0xb8;
	[tilespmem:$0x7E80] =	vst v63  }
0xb1: {  	_ = 	snop  }
0xb2: {  	[tilespmem:s1], [sflag:$0x2] =	stream.indirect_vreg.gather [hbm4b:s5+s2], $0x80, v3, vm1, $0xb8;
	[tilespmem:$0x7E80] =	vst v63  }
.Ltmp5:
0xb3: {  	_ = 	snop;
	(pc) =	sbr.rel .LBB2_5-.Ltmp5, $4  }
0xb4: {  	_ =	swait.ge [sflag:s0], $0x3C00  }
0xb5: {  	[sflag:s0] =	ssyncset.done $0x0  }
0xb6: {  	[sflag:s0] =	ssyncadd.s32 $0xFFFFC400  }
0xb7: {  	[hbm4b:s7+s2] =	stream.linear.scatter [tilespmem:s9], [sflag:$0x3], $0x3C00, $0x38;
	[tilespmem:$0x7E80] =	vst v63  }
.LBB2_7:
0xb8: {  	_ =	sfence.sel $0x180000  }
0xb9: {  	[bflag:$0x0] =	sbarrier.arrive $0xFFFF  }
0xba: {  	_ =	strace $0x9000004A  }
0xbb: {  	s0 =	stileid.u32;
	[bflag:$0x2] =	sbarrier.arrive $0xFFFF  }
0xbc: {  	p0 =	sne.s32 s0, $0x0;
	s0 =	rddreg [dreg:$0x1]  }
0xbd: {  	s0 =	sadd.s32 @!p0 $0x100000, s0  }
0xbe: {  	[sflag:s0] =	ssyncadd.tile.s32 @!p0 $0x1;
	_ =	shalt  }
.Lfunc_end2:
_tile_overlayer_lowered:
.L_overlay_start_2:
0xbf: {  	(tag) =	ssettag $0x2  }
0xc0: {  	s0 =	rddreg [dreg:$0x0];
	s2 =	stileid.u32  }
0xc1: {  	s1 =	rddreg [dreg:$0x1];
	p0 =	sne.s32 s2, $0x0  }
0xc2: {  	s3 =	rddreg [dreg:$0x2];
	[bflag:$0x3] =	sbarrier.arrive $0xFFFF;
	s2 =	simm.s32 @!p0 $0x1C05  }
0xc3: {  	[timem:s3], [sflag:s2] =	dma.local @!p0 [hbm:s0], s1  }
0xc4: {  	s0 =	simm.s32 @!p0 $0x5  }
0xc5: {  	_ =	swait.ge @!p0 [sflag:s0], s1  }
0xc6: {  	s1 =	ssub.s32 @!p0 $0x0, s1;
	[sflag:s0] =	ssyncset.done @!p0 $0x0  }
0xc7: {  	[sflag:s0] =	ssyncadd.s32 @!p0 s1  }
0xc8: {  	[bflag:$0x3] =	sbarrier.arrive $0xFFFF  }
0xc9: {  	_ =	shalt  }

// kernel: kernel.15.cloned.1.call-start
scs
__scs_entry_jumppad:
0x0: {  	(pc) =	sbr.rel $0x88, $3  }
0x1: {  	(tag) =	ssettag $0x0;
	lr =	simm.s32 $0x1  }
0x2: {  	[smem:$0x3F93] =	sst lr;
	_ =	strace $0xD0000000  }
0x3: {  	_ = 	snop  }
0x4: {  	_ = 	snop  }
0x5: {  	_ = 	snop  }
0x6: {  	_ = 	snop  }
0x7: {  	_ = 	snop  }
__scs_overlays_trampoline_lowered:
0x8: {  	[smem:$0x3FA2] =	sst s0  }
0x9: {  	[smem:$0x3FA3] =	sst s1  }
0xa: {  	[smem:$0x3FA4] =	sst s2  }
0xb: {  	[smem:$0x3FA5] =	sst s3  }
0xc: {  	[smem:$0x3FA6] =	sst s4  }
0xd: {  	[smem:$0x3FA7] =	sst s5  }
0xe: {  	[smem:$0x3FA8] =	sst s6  }
0xf: {  	[smem:$0x3FA9] =	sst s7  }
0x10: {  	[smem:$0x3FAA] =	sst s8  }
0x11: {  	[smem:$0x3FAB] =	sst s9;
	s0 =	simm.s32 @!p0 $0x0  }
0x12: {  	s1 =	sld [smem:$0x3F91];
	s0 =	simm.s32 @p0 $0x1  }
0x13: {  	[smem:$0x3FAC] =	sst s0;
	s0 =	simm.s32 @!p1 $0x0  }
0x14: {  	s2 =	sld [smem:$0x3F90];
	s0 =	simm.s32 @p1 $0x1  }
0x15: {  	[smem:$0x3FAD] =	sst s0;
	s0 =	simm.s32 @!p2 $0x0  }
0x16: {  	s3 =	sld [smem:$0x3FDB];
	s0 =	simm.s32 @p2 $0x1  }
0x17: {  	s4 =	simm.s32 $0x1BF5;
	[smem:$0x3FAF] =	sst s0  }
0x18: {  	s0 =	sld [smem:$0x3F92];
	_ =	swait.ge [sflag:s4], $0x0  }
0x19: {  	s7 =	sld [smem:$0x3F93]  }
0x1a: {  	s8 =	sadd.s32 $0xFFFFE003, lr  }
0x1b: {  	s9 =	sadd.s32 $0xFFFFFEF7, lr;
	s5 =	simm.s32 $0xFFFFFFFF;
	p2 =	slt.u32 s8, $0xFFFFF086  }
0x1c: {  	p1 =	slt.u32 s9, $0xF7A;
	s5 =	simm.s32 @!p2 $0x0  }
0x1d: {  	s5 =	simm.s32 @p1 $0x1;
	p0 =	seq.s32 s7, s2  }
0x1e: {  	s7 =	smul.u32 @!p0 $0xF7A, s2;
	p2 =	seq.s32 @!p0 s5, $0x0  }
0x1f: {  	s9 =	smul.u32 $0xF7A, s1;
	s8 =	simm.s32 @!p0 $0x1BF5;
	p2 =	por !p2, p0  }
0x20: {  	[sflag:s8] =	ssyncset.s32 @!p0 $0xFFFFF086;
	s6 =	sadd.s32 @!p0 s3, s7;
	s7 =	simm.s32 @!p0 $0x108  }
0x21: {  	s3 =	sadd.s32 s3, s9;
	s6 =	sadd.s32 @!p0 $0x88, s6;
	s7 =	simm.s32 @p2 $0x1082  }
0x22: {  	[simem:s7], [sflag:s8] =	dma.local @!p0 [hbm:s6], $0xF7A  }
0x23: {  	s9 =	sor.u32 $0xD0000000, s2;
	s6 =	simm.s32 $0x108;
	_ =	swait.ge @!p0 [sflag:s8], $0x0  }
0x24: {  	s3 =	sadd.s32 $0x88, s3;
	s6 =	simm.s32 @!p1 $0x1082;
	[sflag:s4] =	ssyncset.s32 $0xFFFFF086  }
0x25: {  	[simem:s6], [sflag:s4] =	dma.local [hbm:s3], $0xF7A  }
0x26: {  	[smem:$0x3F93] =	sst s1;
	(tag) =	ssettag s2;
	_ =	strace s9  }
0x27: {  	s1 =	sld [smem:$0x3FA3]  }
0x28: {  	s2 =	sld [smem:$0x3FA4]  }
0x29: {  	s4 =	sld [smem:$0x3FA6]  }
0x2a: {  	p0 =	seq.s32 s5, $0x0;
	s5 =	sld [smem:$0x3FA7]  }
0x2b: {  	s6 =	sld [smem:$0x3FA8]  }
0x2c: {  	s7 =	sld [smem:$0x3FA9]  }
0x2d: {  	s3 =	simm.s32 $0x108;
	s8 =	sld [smem:$0x3FAA]  }
0x2e: {  	s3 =	simm.s32 @!p0 $0x1082;
	s9 =	sld [smem:$0x3FAB]  }
0x2f: {  	lr =	sadd.s32 s0, s3;
	s0 =	sld [smem:$0x3FA2]  }
0x30: {  	s3 =	sld [smem:$0x3FA5]  }
0x31: {  	[smem:$0x3FAE] =	sst s10  }
0x32: {  	s10 =	sld [smem:$0x3FAC];
	_ =	sdelay $0x3  }
0x33: {  	p0 =	seq.s32 s10, $0x1;
	s10 =	sld [smem:$0x3FAE];
	_ =	sdelay $0x3  }
0x34: {  	[smem:$0x3FAE] =	sst s10  }
0x35: {  	s10 =	sld [smem:$0x3FAD];
	_ =	sdelay $0x3  }
0x36: {  	p1 =	seq.s32 s10, $0x1;
	s10 =	sld [smem:$0x3FAE];
	_ =	sdelay $0x3  }
0x37: {  	[smem:$0x3FAE] =	sst s10  }
0x38: {  	s10 =	sld [smem:$0x3FAF]  }
0x39: {  	_ = 	snop;
	(pc) =	sbr.ind lr, $3  }
0x3a: {  	_ = 	snop  }
0x3b: {  	_ = 	snop  }
0x3c: {  	p2 =	seq.s32 s10, $0x1;
	s10 =	sld [smem:$0x3FAE]  }
0x3d: {  	_ =	shalt  }
0x3e: {  	_ =	shalt  }
0x3f: {  	_ =	shalt  }
0x40: {  	_ =	shalt  }
0x41: {  	_ =	shalt  }
0x42: {  	_ =	shalt  }
0x43: {  	_ =	shalt  }
0x44: {  	_ =	shalt  }
0x45: {  	_ =	shalt  }
0x46: {  	_ =	shalt  }
0x47: {  	_ =	shalt  }
0x48: {  	_ =	shalt  }
0x49: {  	_ =	shalt  }
0x4a: {  	_ =	shalt  }
0x4b: {  	_ =	shalt  }
0x4c: {  	_ =	shalt  }
0x4d: {  	_ =	shalt  }
0x4e: {  	_ =	shalt  }
0x4f: {  	_ =	shalt  }
0x50: {  	_ =	shalt  }
0x51: {  	_ =	shalt  }
0x52: {  	_ =	shalt  }
0x53: {  	_ =	shalt  }
0x54: {  	_ =	shalt  }
0x55: {  	_ =	shalt  }
0x56: {  	_ =	shalt  }
0x57: {  	_ =	shalt  }
0x58: {  	_ =	shalt  }
0x59: {  	_ =	shalt  }
0x5a: {  	_ =	shalt  }
0x5b: {  	_ =	shalt  }
0x5c: {  	_ =	shalt  }
0x5d: {  	_ =	shalt  }
0x5e: {  	_ =	shalt  }
0x5f: {  	_ =	shalt  }
0x60: {  	_ =	shalt  }
0x61: {  	_ =	shalt  }
0x62: {  	_ =	shalt  }
0x63: {  	_ =	shalt  }
0x64: {  	_ =	shalt  }
0x65: {  	_ =	shalt  }
0x66: {  	_ =	shalt  }
0x67: {  	_ =	shalt  }
0x68: {  	_ =	shalt  }
0x69: {  	_ =	shalt  }
0x6a: {  	_ =	shalt  }
0x6b: {  	_ =	shalt  }
0x6c: {  	_ =	shalt  }
0x6d: {  	_ =	shalt  }
0x6e: {  	_ =	shalt  }
0x6f: {  	_ =	shalt  }
0x70: {  	_ =	shalt  }
0x71: {  	_ =	shalt  }
0x72: {  	_ =	shalt  }
0x73: {  	_ =	shalt  }
0x74: {  	_ =	shalt  }
0x75: {  	_ =	shalt  }
0x76: {  	_ =	shalt  }
0x77: {  	_ =	shalt  }
0x78: {  	_ =	shalt  }
0x79: {  	_ =	shalt  }
0x7a: {  	_ =	shalt  }
0x7b: {  	_ =	shalt  }
0x7c: {  	_ =	shalt  }
0x7d: {  	_ =	shalt  }
0x7e: {  	_ =	shalt  }
0x7f: {  	_ =	shalt  }
0x80: {  	_ =	shalt  }
0x81: {  	_ =	shalt  }
0x82: {  	_ =	shalt  }
0x83: {  	_ =	shalt  }
0x84: {  	_ =	shalt  }
0x85: {  	_ =	shalt  }
0x86: {  	_ =	shalt  }
0x87: {  	_ =	shalt  }
.Lfunc_end0:
.L_simem_size_0:
called_computation.2_lowered:
.L_overlay_start_0:
0x88: {  	s2 =	sld [smem:$0x3FD9]  }
0x89: {  	s3 =	sld [smem:$0x3FFE];
	_ =	sdelay $0x1  }
0x8a: {  	s1 =	srdreg.scid  }
0x8b: {  	s0 =	sand.u32 $0x1, s1  }
0x8c: {  	s16 =	sshll.u32 s0, $0xA;
	s2 =	sadd.s32 s3, s2  }
0x8d: {  	s2 =	sadd.s32 s2, s16  }
0x8e: {  	[smem:$0x3FBA] =	sst s2  }
0x8f: {  	_ = 	snop  }
0x90: {  	(tm) =	ssettm $0x1  }
0x91: {  	s17 =	sld [smem:$0x3FFB];
	_ =	sdelay $0x3  }
0x92: {  	_ =	strace s17  }
0x93: {  	s2 =	sld [smem:$0x3FFC];
	_ =	sdelay $0x3  }
0x94: {  	_ =	strace s2  }
0x95: {  	s2 =	sld [smem:$0x3FFD];
	_ =	sdelay $0x3  }
0x96: {  	_ =	strace s2  }
0x97: {  	_ =	strace $0x8FFFFFFF  }
0x98: {  	s18 =	sld [smem:$0x3FDB];
	_ =	sdelay $0x1  }
0x99: {  	s19 =	simm.s32 $_scs_section_size  }
0x9a: {  	s4 =	simm.s32 $_size__tile_overlayer_lowered;
	s5 =	simm.s32 $_tile_overlayer_lowered  }
0x9b: {  	s22 =	simm.s32 $0x1BFF;
	s21 =	sshll.u32 s5, $0x1;
	s2 =	sadd.s32 s19, s18  }
0x9c: {  	s6 =	simm.s32 $0x0;
	s20 =	sshll.u32 s4, $0x1;
	s4 =	sadd.s32 s21, s2  }
0x9d: {  	[timem:s6], [sflag:s22] =	dma.local [hbm:s4], s20  }
0x9e: {  	_ =	swait.ge [sflag:s22], s20  }
0x9f: {  	s3 =	ssub.s32 $0x0, s20;
	[sflag:s22] =	ssyncset.done $0x0  }
0xa0: {  	[sflag:s22] =	ssyncadd.s32 s3;
	_ =	sdelay $0x1  }
0xa1: {  	s23 =	simm.s32 $0x1B8B  }
0xa2: {  	_ =	swait.ge [sflag:s23], $0x1  }
0xa3: {  	[sflag:s23] =	ssyncset.done $0x0  }
0xa4: {  	s25 =	simm.s32 $0x1B8E;
	s24 =	sld [smem:$0x3FFE];
	[sflag:s23] =	ssyncadd.s32 $0xFFFFFFFF  }
0xa5: {  	s26 =	simm.s32 $execute0_lowered;
	[smem:$0x3FD2] =	sst s25  }
0xa6: {  	s4 =	sshll.u32 s26, $0x1;
	_ =	strace $0x80000046;
	[dreg:$0x1] =	wrdreg $0xFFFFFFFF  }
0xa7: {  	s28 =	simm.s32 $_size_execute0_lowered;
	s2 =	sadd.s32 s2, s4;
	[dreg:$0x0] =	wrdreg $0x0  }
0xa8: {  	s4 =	sshll.u32 s28, $0x1;
	[dreg:$0x2] =	wrdreg s2  }
0xa9: {  	[dreg:$0x3] =	wrdreg s4  }
0xaa: {  	[dreg:$0x4] =	wrdreg $0xC0  }
0xab: {  	_ =	task [dreg:s6], $0x5FFFF  }
0xac: {  	[dreg:$0x1] =	wrdreg $0xFFFFFFFF  }
0xad: {  	[dreg:$0x0] =	wrdreg $0x60  }
0xae: {  	[dreg:$0x2] =	wrdreg s24  }
0xaf: {  	[dreg:$0x3] =	wrdreg $0xB  }
0xb0: {  	_ =	task.clear_ibuf [dreg:s6], $0x4FFFF;
	_ =	strace $0x90000046  }
0xb1: {  	s29 =	simm.s32 $0xB;
	_ =	strace $0x80000048  }
0xb2: {  	_ =	swait.ge [sflag:s29], $0x1  }
0xb3: {  	[sflag:s29] =	ssyncadd.s32 $0xFFFFFFFF  }
0xb4: {  	_ =	strace $0x90000048  }
0xb5: {  	_ =	sfence  }
0xb6: {  	s30 =	sld [smem:$0x0];
	_ =	sdelay $0x2  }
0xb7: {  	s31 =	sshll.u32 s1, $0xD;
	s1 =	sshrl.u32 s1, $0x2  }
0xb8: {  	s3 =	sand.u32 $0x4000, s31;
	s1 =	sadd.s32 s1, s30  }
0xb9: {  	s0 =	sor.u32 s3, s0;
	s1 =	sshll.u32 s1, $0x11  }
0xba: {  	s0 =	sor.u32 s1, s0  }
0xbb: {  	s0 =	sadd.s32 $0x8F2B, s0  }
0xbc: {  	[sflag:s0] =	ssyncadd.remote.s32 $0x1  }
0xbd: {  	_ =	sfence.sel $0xFFFF  }
0xbe: {  	[dreg:$0x0] =	wrdreg $0xFFFFFFFF;
	(pc) =	sbr.abs _section_cstart, $3  }
0xbf: {  	[dreg:$0x1] =	wrdreg $0xFFFFFFFF  }
0xc0: {  	_ =	task.clear_ibuf [dreg:s6], $0x2FFFF;
	_ =	strace $0x9FFFFFFF  }
0xc1: {  	(tm) =	ssettm $0x7FFFFFFF  }
tec
execute0_lowered:
.L_overlay_start_1:
0x0: {  	(tag) =	ssettag $0x1  }
0x1: {  	s0 =	srdreg.scid  }
0x2: {  	s2 =	stileid.u32;
	s4 =	rddreg [dreg:$0x0]  }
0x3: {  	s9 =	simm.s32 $0x780;
	s10 =	simm.s32 $0xF80;
	s11 =	simm.s32 $0x1380  }
0x4: {  	s12 =	simm.s32 $0x1B80;
	s13 =	simm.s32 $0x1F80;
	s14 =	simm.s32 $0x2780  }
0x5: {  	s15 =	simm.s32 $0x2B80;
	s16 =	simm.s32 $0x3380;
	s17 =	simm.s32 $0x3780  }
0x6: {  	s18 =	simm.s32 $0x3F80;
	s19 =	simm.s32 $0x3;
	s20 =	simm.s32 $0x2  }
0x7: {  	s21 =	simm.s32 $0x4380;
	s22 =	simm.s32 $0x1;
	s23 =	simm.s32 $0x4B80  }
0x8: {  	s24 =	simm.s32 $0x4F80;
	s28 =	simm.s32 $0x6380;
	s29 =	simm.s32 $0x6780  }
0x9: {  	s30 =	simm.s32 $0x6F80;
	s0 =	sand.u32 $0x1, s0;
	s1 =	smul.u32 $0xE10, s2  }
0xa: {  	s5 =	sshll.u32 s2, $0x1;
	s2 =	simm.s32 $0x0;
	s3 =	smul.u32 $0x708, s0  }
0xb: {  	s31 =	simm.s32 $0x7380;
	s25 =	sor.u32 s0, s5;
	[smem:$0x7FF] =	sst s2  }
0xc: {  	s0 =	ssub.s32 $0x2, s0;
	s5 =	smul.u32 $0x708, s25;
	s1 =	sadd.s32 s3, s1  }
0xd: {  	_ =	strace $0x80000047;
	s6 =	sshrl.u32 s0, $0x1;
	s1 =	sshrl.u32 s1, $0x3  }
0xe: {  	s25 =	simm.s32 $0x5780;
	s0 =	ssub.s32 s0, s6;
	s1 =	smul.u32 $0x180, s1  }
.Ltmp0:
0xf: {  	s5 =	sshrl.u32 s5, $0x3;
	s0 =	smax.u32 s0, $0x1;
	(pc) =	sbr.rel .LBB2_1-.Ltmp0, $4  }
0x10: {  	s3 =	sadd.s32 $0x7DE00, s4;
	s5 =	sadd.s32 s4, s5;
	[dreg:$0x3] =	wrdreg s0  }
0x11: {  	v2 =	vlaneseq.u32;
	s0 =	simm.s32 $0x0;
	s5 =	sadd.s32 $0x7C000, s5;
	s1 =	sadd.s32 s1, s4  }
0x12: {  	vm0 =	vmmov $0xffff;
	vm1 =	vmmov $0xff;
	v1 =	vshrl.u32 v2, $0x3;
	[dreg:$0x2] =	wrdreg s5;
	s5 =	sadd.s32 $0x7DF00, s4;
	s26 =	sadd.s32 $0xF3200, s1  }
0x13: {  	v0 =	vand.u32 $0x7, v2;
	v2 =	vor.u32 $0x8, v2;
	v1 =	vmul.u32 $0x8, v1;
	s1 =	simm.s32 $0x7B80;
	[dreg:$0x4] =	wrdreg s26;
	s26 =	simm.s32 $0x5B80  }
.LBB2_6:
0x14: {  	_ =	swait.ge [sflag:s19], $0x3C00  }
0x15: {  	s0 =	sadd.s32 $0x1, s0;
	s4 =	rddreg [dreg:$0x3]  }
0x16: {  	p0 =	sne.s32 s0, s4  }
.Ltmp1:
0x17: {  	_ = 	snop;
	(pc) =	sbr.rel @!p0 .LBB2_7-.Ltmp1, $3  }
0x18: {  	_ =	sdelay $0x1  }
0x19: {  	[sflag:s19] =	ssyncset.done $0x0  }
0x1a: {  	[sflag:s19] =	ssyncadd.s32 $0xFFFFC400  }
.LBB2_1:
0x1b: {  	s4 =	rddreg [dreg:$0x2];
	s8 =	simm.s32 $0x5  }
0x1c: {  	[tilespmem:s2], [sflag:$0x5] =	stream.linear.gather [hbm4b:s4+s2], $0x708, $0x38;
	[tilespmem:$0x7F80] =	vst v63  }
0x1d: {  	_ =	swait.ge [sflag:s8], $0x708  }
0x1e: {  	[sflag:s8] =	ssyncset.done $0x0  }
0x1f: {  	[sflag:s8] =	ssyncadd.s32 $0xFFFFF8F8  }
0x20: {  	v3 =	vld [tilespmem:$0x0];
	_ =	sdelay $0x4  }
0x21: {  	v4 =	vshrl.u32 v3, $0x3  }
0x22: {  	v4 =	vmul.u32 $0x18, v4  }
0x23: {  	v3 =	vand.u32 $0x7, v3  }
0x24: {  	v3 =	vor.u32 v3, v4  }
0x25: {  	v4 =	vperm.xlane v3, v0;
	_ =	sdelay $0x1  }
0x26: {  	v4 =	vadd.s32 v1, v4;
	_ =	sdelay $0x1  }
0x27: {  	v3 =	vperm.xlane v3, v2;
	_ =	sdelay $0x1  }
0x28: {  	v3 =	vadd.s32 v1, v3  }
0x29: {  	[tilespmem:s9], [sflag:$0x1] =	stream.indirect_vreg.gather [hbm4b:s3+s2], $0x80, v4, vm0, $0xb8;
	[tilespmem:$0x7F80] =	vst v63  }
0x2a: {  	_ = 	snop  }
0x2b: {  	[tilespmem:s10], [sflag:$0x1] =	stream.indirect_vreg.gather [hbm4b:s5+s2], $0x80, v4, vm1, $0xb8;
	[tilespmem:$0x7F80] =	vst v63  }
0x2c: {  	_ = 	snop  }
0x2d: {  	[tilespmem:s11], [sflag:$0x1] =	stream.indirect_vreg.gather [hbm4b:s3+s2], $0x80, v3, vm0, $0xb8;
	[tilespmem:$0x7F80] =	vst v63  }
0x2e: {  	_ = 	snop  }
0x2f: {  	[tilespmem:s12], [sflag:$0x1] =	stream.indirect_vreg.gather [hbm4b:s5+s2], $0x80, v3, vm1, $0xb8;
	[tilespmem:$0x7F80] =	vst v63  }
0x30: {  	v3 =	vld [tilespmem:$0x10];
	_ =	sdelay $0x4  }
0x31: {  	v62 =	vshrl.u32 v3, $0x3  }
0x32: {  	v4 =	vmul.u32 $0x18, v62  }
0x33: {  	v3 =	vand.u32 $0x7, v3  }
0x34: {  	v3 =	vor.u32 v3, v4  }
0x35: {  	v4 =	vperm.xlane v3, v0;
	_ =	sdelay $0x1  }
0x36: {  	v4 =	vadd.s32 v1, v4;
	_ =	sdelay $0x1  }
0x37: {  	v3 =	vperm.xlane v3, v2;
	_ =	sdelay $0x1  }
0x38: {  	v3 =	vadd.s32 v1, v3  }
0x39: {  	[tilespmem:s13], [sflag:$0x1] =	stream.indirect_vreg.gather [hbm4b:s3+s2], $0x80, v4, vm0, $0xb8;
	[tilespmem:$0x7F80] =	vst v63  }
0x3a: {  	_ = 	snop  }
0x3b: {  	[tilespmem:s14], [sflag:$0x1] =	stream.indirect_vreg.gather [hbm4b:s5+s2], $0x80, v4, vm1, $0xb8;
	[tilespmem:$0x7F80] =	vst v63  }
0x3c: {  	_ = 	snop  }
0x3d: {  	[tilespmem:s15], [sflag:$0x1] =	stream.indirect_vreg.gather [hbm4b:s3+s2], $0x80, v3, vm0, $0xb8;
	[tilespmem:$0x7F80] =	vst v63  }
0x3e: {  	_ = 	snop  }
0x3f: {  	[tilespmem:s16], [sflag:$0x1] =	stream.indirect_vreg.gather [hbm4b:s5+s2], $0x80, v3, vm1, $0xb8;
	[tilespmem:$0x7F80] =	vst v63  }
0x40: {  	v3 =	vld.msk [tilespmem:$0x20], $0xff;
	_ =	sdelay $0x4  }
0x41: {  	v63 =	vshrl.u32 v3, $0x3  }
0x42: {  	v4 =	vmul.u32 $0x18, v63  }
0x43: {  	v3 =	vand.u32 $0x7, v3  }
0x44: {  	v3 =	vor.u32 v3, v4  }
0x45: {  	v3 =	vperm.xlane v3, v0;
	_ =	sdelay $0x1  }
0x46: {  	v3 =	vadd.s32 v1, v3;
	_ =	sdelay $0x2  }
.Ltmp2:
0x47: {  	_ = 	snop;
	(pc) =	sbr.rel .LBB2_2-.Ltmp2, $4  }
0x48: {  	_ = 	snop  }
0x49: {  	[tilespmem:s17], [sflag:$0x1] =	stream.indirect_vreg.gather [hbm4b:s3+s2], $0x80, v3, vm0, $0xb8;
	[tilespmem:$0x7F80] =	vst v63  }
0x4a: {  	s6 =	simm.s32 $0x0;
	s4 =	simm.s32 $0x48;
	s7 =	rddreg [dreg:$0x4]  }
0x4b: {  	[tilespmem:s18], [sflag:$0x1] =	stream.indirect_vreg.gather [hbm4b:s5+s2], $0x80, v3, vm1, $0xb8;
	[tilespmem:$0x7F80] =	vst v63  }
.LBB2_4:
0x4c: {  	_ =	swait.ge [sflag:s19], $0x3C00  }
0x4d: {  	[sflag:s19] =	ssyncset.done $0x0  }
0x4e: {  	[sflag:s19] =	ssyncadd.s32 $0xFFFFC400  }
0x4f: {  	v3 =	vld [tilespmem:s4+$0xFFFFFFE0];
	_ =	sdelay $0x4  }
0x50: {  	v4 =	vshrl.u32 v3, $0x3  }
0x51: {  	v4 =	vmul.u32 $0x18, v4  }
0x52: {  	v3 =	vand.u32 $0x7, v3  }
0x53: {  	v3 =	vor.u32 v3, v4  }
0x54: {  	v4 =	vperm.xlane v3, v0;
	_ =	sdelay $0x1  }
0x55: {  	v4 =	vadd.s32 v1, v4;
	_ =	sdelay $0x1  }
0x56: {  	v3 =	vperm.xlane v3, v2;
	_ =	sdelay $0x1  }
0x57: {  	v3 =	vadd.s32 v1, v3  }
0x58: {  	[tilespmem:s9], [sflag:$0x1] =	stream.indirect_vreg.gather [hbm4b:s3+s2], $0x80, v4, vm0, $0xb8;
	[tilespmem:$0x7F80] =	vst v63  }
0x59: {  	_ = 	snop  }
0x5a: {  	[tilespmem:s10], [sflag:$0x1] =	stream.indirect_vreg.gather [hbm4b:s5+s2], $0x80, v4, vm1, $0xb8;
	[tilespmem:$0x7F80] =	vst v63  }
0x5b: {  	_ = 	snop  }
0x5c: {  	[tilespmem:s11], [sflag:$0x1] =	stream.indirect_vreg.gather [hbm4b:s3+s2], $0x80, v3, vm0, $0xb8;
	[tilespmem:$0x7F80] =	vst v63  }
0x5d: {  	_ = 	snop  }
0x5e: {  	[tilespmem:s12], [sflag:$0x1] =	stream.indirect_vreg.gather [hbm4b:s5+s2], $0x80, v3, vm1, $0xb8;
	[tilespmem:$0x7F80] =	vst v63  }
0x5f: {  	v3 =	vld [tilespmem:s4+$0xFFFFFFF0];
	_ =	sdelay $0x4  }
0x60: {  	v62 =	vshrl.u32 v3, $0x3  }
0x61: {  	v4 =	vmul.u32 $0x18, v62  }
0x62: {  	v3 =	vand.u32 $0x7, v3  }
0x63: {  	v3 =	vor.u32 v3, v4  }
0x64: {  	v4 =	vperm.xlane v3, v0;
	_ =	sdelay $0x1  }
0x65: {  	v4 =	vadd.s32 v1, v4;
	_ =	sdelay $0x1  }
0x66: {  	v3 =	vperm.xlane v3, v2;
	_ =	sdelay $0x1  }
0x67: {  	v3 =	vadd.s32 v1, v3  }
0x68: {  	[tilespmem:s13], [sflag:$0x1] =	stream.indirect_vreg.gather [hbm4b:s3+s2], $0x80, v4, vm0, $0xb8;
	[tilespmem:$0x7F80] =	vst v63  }
0x69: {  	_ = 	snop  }
0x6a: {  	[tilespmem:s14], [sflag:$0x1] =	stream.indirect_vreg.gather [hbm4b:s5+s2], $0x80, v4, vm1, $0xb8;
	[tilespmem:$0x7F80] =	vst v63  }
0x6b: {  	_ = 	snop  }
0x6c: {  	[tilespmem:s15], [sflag:$0x1] =	stream.indirect_vreg.gather [hbm4b:s3+s2], $0x80, v3, vm0, $0xb8;
	[tilespmem:$0x7F80] =	vst v63  }
0x6d: {  	_ = 	snop  }
0x6e: {  	[tilespmem:s16], [sflag:$0x1] =	stream.indirect_vreg.gather [hbm4b:s5+s2], $0x80, v3, vm1, $0xb8;
	[tilespmem:$0x7F80] =	vst v63  }
0x6f: {  	v3 =	vld.msk [tilespmem:s4+$0x0], $0xff;
	_ =	sdelay $0x4  }
0x70: {  	v63 =	vshrl.u32 v3, $0x3  }
0x71: {  	v4 =	vmul.u32 $0x18, v63  }
0x72: {  	v3 =	vand.u32 $0x7, v3  }
0x73: {  	v3 =	vor.u32 v3, v4  }
0x74: {  	v3 =	vperm.xlane v3, v0;
	_ =	sdelay $0x1  }
0x75: {  	v3 =	vadd.s32 v1, v3;
	_ =	sdelay $0x4  }
0x76: {  	[tilespmem:s17], [sflag:$0x1] =	stream.indirect_vreg.gather [hbm4b:s3+s2], $0x80, v3, vm0, $0xb8;
	[tilespmem:$0x7F80] =	vst v63  }
0x77: {  	_ = 	snop  }
0x78: {  	[tilespmem:s18], [sflag:$0x1] =	stream.indirect_vreg.gather [hbm4b:s5+s2], $0x80, v3, vm1, $0xb8;
	[tilespmem:$0x7F80] =	vst v63  }
0x79: {  	_ =	swait.ge [sflag:s20], $0x3C00  }
0x7a: {  	[sflag:s20] =	ssyncset.done $0x0  }
0x7b: {  	[sflag:s20] =	ssyncadd.s32 $0xFFFFC400  }
0x7c: {  	[hbm4b:s7+s2] =	stream.linear.scatter [tilespmem:s21], [sflag:$0x4], $0x3C00, $0x38;
	[tilespmem:$0x7F80] =	vst v63  }
.LBB2_5:
0x7d: {  	s6 =	sadd.s32 $0x1, s6  }
0x7e: {  	p0 =	sne.s32 s6, $0x2D  }
.Ltmp3:
0x7f: {  	_ = 	snop;
	(pc) =	sbr.rel @!p0 .LBB2_6-.Ltmp3, $2  }
0x80: {  	_ =	sdelay $0x2  }
0x81: {  	s7 =	sadd.s32 $0x780, s7;
	s4 =	sadd.s32 $0x28, s4  }
.LBB2_2:
0x82: {  	s8 =	sand.u32 $0x1, s6  }
0x83: {  	p0 =	seq.s32 s8, $0x1  }
.Ltmp4:
0x84: {  	_ = 	snop;
	(pc) =	sbr.rel @p0 .LBB2_4-.Ltmp4, $1  }
0x85: {  	_ =	sdelay $0x3  }
0x86: {  	p0 =	seq.s32 s6, $0x0  }
0x87: {  	s8 =	simm.s32 @!p0 $0x4  }
0x88: {  	_ =	swait.ge @!p0 [sflag:s8], $0x3C00  }
0x89: {  	p1 =	seq.s32 @!p0 s6, $0x2C;
	[sflag:s8] =	ssyncset.done @!p0 $0x0  }
0x8a: {  	p1 =	por p0, !p1;
	[sflag:s8] =	ssyncadd.s32 @!p0 $0xFFFFC400  }
0x8b: {  	v3 =	vld @p1 [tilespmem:s4+$0xFFFFFFE0];
	_ =	sdelay $0x4  }
0x8c: {  	v4 =	vshrl.u32 @p1 v3, $0x3  }
0x8d: {  	v4 =	vmul.u32 @p1 $0x18, v4  }
0x8e: {  	v3 =	vand.u32 @p1 $0x7, v3  }
0x8f: {  	v3 =	vor.u32 @p1 v3, v4  }
0x90: {  	v4 =	vperm.xlane @p1 v3, v0;
	_ =	sdelay $0x1  }
0x91: {  	v4 =	vadd.s32 @p1 v1, v4;
	_ =	sdelay $0x1  }
0x92: {  	v3 =	vperm.xlane @p1 v3, v2;
	_ =	sdelay $0x1  }
0x93: {  	v3 =	vadd.s32 @p1 v1, v3  }
0x94: {  	[tilespmem:s21], [sflag:$0x2] =	stream.indirect_vreg.gather @p1 [hbm4b:s3+s2], $0x80, v4, vm0, $0xb8;
	[tilespmem:$0x7F80] =	vst v63  }
0x95: {  	_ = 	snop  }
0x96: {  	[tilespmem:s23], [sflag:$0x2] =	stream.indirect_vreg.gather @p1 [hbm4b:s5+s2], $0x80, v4, vm1, $0xb8;
	[tilespmem:$0x7F80] =	vst v63  }
0x97: {  	_ = 	snop  }
0x98: {  	[tilespmem:s24], [sflag:$0x2] =	stream.indirect_vreg.gather @p1 [hbm4b:s3+s2], $0x80, v3, vm0, $0xb8;
	[tilespmem:$0x7F80] =	vst v63  }
0x99: {  	_ = 	snop  }
0x9a: {  	[tilespmem:s25], [sflag:$0x2] =	stream.indirect_vreg.gather @p1 [hbm4b:s5+s2], $0x80, v3, vm1, $0xb8;
	[tilespmem:$0x7F80] =	vst v63  }
0x9b: {  	v3 =	vld @p1 [tilespmem:s4+$0xFFFFFFF0];
	_ =	sdelay $0x4  }
0x9c: {  	v4 =	vshrl.u32 @p1 v3, $0x3  }
0x9d: {  	v4 =	vmul.u32 @p1 $0x18, v4  }
0x9e: {  	v3 =	vand.u32 @p1 $0x7, v3  }
0x9f: {  	v3 =	vor.u32 @p1 v3, v4  }
0xa0: {  	v4 =	vperm.xlane @p1 v3, v0;
	_ =	sdelay $0x1  }
0xa1: {  	v4 =	vadd.s32 @p1 v1, v4;
	_ =	sdelay $0x1  }
0xa2: {  	v3 =	vperm.xlane @p1 v3, v2;
	_ =	sdelay $0x1  }
0xa3: {  	v3 =	vadd.s32 @p1 v1, v3  }
0xa4: {  	[tilespmem:s26], [sflag:$0x2] =	stream.indirect_vreg.gather @p1 [hbm4b:s3+s2], $0x80, v4, vm0, $0xb8;
	[tilespmem:$0x7F80] =	vst v63  }
0xa5: {  	_ = 	snop  }
0xa6: {  	[tilespmem:s28], [sflag:$0x2] =	stream.indirect_vreg.gather @p1 [hbm4b:s5+s2], $0x80, v4, vm1, $0xb8;
	[tilespmem:$0x7F80] =	vst v63  }
0xa7: {  	_ = 	snop  }
0xa8: {  	[tilespmem:s29], [sflag:$0x2] =	stream.indirect_vreg.gather @p1 [hbm4b:s3+s2], $0x80, v3, vm0, $0xb8;
	[tilespmem:$0x7F80] =	vst v63  }
0xa9: {  	_ = 	snop  }
0xaa: {  	[tilespmem:s30], [sflag:$0x2] =	stream.indirect_vreg.gather @p1 [hbm4b:s5+s2], $0x80, v3, vm1, $0xb8;
	[tilespmem:$0x7F80] =	vst v63  }
0xab: {  	v3 =	vld.msk @p1 [tilespmem:s4+$0x0], $0xff;
	_ =	sdelay $0x4  }
0xac: {  	v4 =	vshrl.u32 @p1 v3, $0x3  }
0xad: {  	v4 =	vmul.u32 @p1 $0x18, v4  }
0xae: {  	v3 =	vand.u32 @p1 $0x7, v3  }
0xaf: {  	v3 =	vor.u32 @p1 v3, v4  }
0xb0: {  	v3 =	vperm.xlane @p1 v3, v0;
	_ =	sdelay $0x1  }
0xb1: {  	v3 =	vadd.s32 @p1 v1, v3;
	_ =	sdelay $0x4  }
0xb2: {  	[tilespmem:s31], [sflag:$0x2] =	stream.indirect_vreg.gather @p1 [hbm4b:s3+s2], $0x80, v3, vm0, $0xb8;
	[tilespmem:$0x7F80] =	vst v63  }
0xb3: {  	_ = 	snop  }
0xb4: {  	[tilespmem:s1], [sflag:$0x2] =	stream.indirect_vreg.gather @p1 [hbm4b:s5+s2], $0x80, v3, vm1, $0xb8;
	[tilespmem:$0x7F80] =	vst v63  }
.Ltmp5:
0xb5: {  	_ = 	snop;
	(pc) =	sbr.rel .LBB2_5-.Ltmp5, $4  }
0xb6: {  	_ =	swait.ge [sflag:s22], $0x3C00  }
0xb7: {  	[sflag:s22] =	ssyncset.done $0x0  }
0xb8: {  	[sflag:s22] =	ssyncadd.s32 $0xFFFFC400  }
0xb9: {  	[hbm4b:s7+s2] =	stream.linear.scatter [tilespmem:s9], [sflag:$0x3], $0x3C00, $0x38;
	[tilespmem:$0x7F80] =	vst v63  }
.LBB2_7:
0xba: {  	_ =	sfence.sel $0x180000  }
0xbb: {  	[bflag:$0x0] =	sbarrier.arrive $0xFFFF  }
0xbc: {  	_ =	strace $0x90000047  }
0xbd: {  	s0 =	stileid.u32;
	[bflag:$0x2] =	sbarrier.arrive $0xFFFF  }
0xbe: {  	p0 =	sne.s32 s0, $0x0;
	s0 =	rddreg [dreg:$0x1]  }
0xbf: {  	s0 =	sadd.s32 @!p0 $0x100000, s0  }
0xc0: {  	[sflag:s0] =	ssyncadd.tile.s32 @!p0 $0x1;
	_ =	shalt  }
.Lfunc_end2:
_tile_overlayer_lowered:
.L_overlay_start_2:
0xc1: {  	(tag) =	ssettag $0x2  }
0xc2: {  	s0 =	rddreg [dreg:$0x0];
	s2 =	stileid.u32  }
0xc3: {  	s1 =	rddreg [dreg:$0x1];
	p0 =	sne.s32 s2, $0x0  }
0xc4: {  	s3 =	rddreg [dreg:$0x2];
	[bflag:$0x3] =	sbarrier.arrive $0xFFFF;
	s2 =	simm.s32 @!p0 $0x1C05  }
0xc5: {  	[timem:s3], [sflag:s2] =	dma.local @!p0 [hbm:s0], s1  }
0xc6: {  	s0 =	simm.s32 @!p0 $0x5  }
0xc7: {  	_ =	swait.ge @!p0 [sflag:s0], s1  }
0xc8: {  	s1 =	ssub.s32 @!p0 $0x0, s1;
	[sflag:s0] =	ssyncset.done @!p0 $0x0  }
0xc9: {  	[sflag:s0] =	ssyncadd.s32 @!p0 s1  }
0xca: {  	[bflag:$0x3] =	sbarrier.arrive $0xFFFF  }
0xcb: {  	_ =	shalt  }

// kernel: kernel.9.cloned.1.call-start
scs
__scs_entry_jumppad:
0x0: {  	(pc) =	sbr.rel $0x88, $3  }
0x1: {  	(tag) =	ssettag $0x0;
	lr =	simm.s32 $0x1  }
0x2: {  	[smem:$0x3F93] =	sst lr;
	_ =	strace $0xD0000000  }
0x3: {  	_ = 	snop  }
0x4: {  	_ = 	snop  }
0x5: {  	_ = 	snop  }
0x6: {  	_ = 	snop  }
0x7: {  	_ = 	snop  }
__scs_overlays_trampoline_lowered:
0x8: {  	[smem:$0x3FA2] =	sst s0  }
0x9: {  	[smem:$0x3FA3] =	sst s1  }
0xa: {  	[smem:$0x3FA4] =	sst s2  }
0xb: {  	[smem:$0x3FA5] =	sst s3  }
0xc: {  	[smem:$0x3FA6] =	sst s4  }
0xd: {  	[smem:$0x3FA7] =	sst s5  }
0xe: {  	[smem:$0x3FA8] =	sst s6  }
0xf: {  	[smem:$0x3FA9] =	sst s7  }
0x10: {  	[smem:$0x3FAA] =	sst s8  }
0x11: {  	[smem:$0x3FAB] =	sst s9;
	s0 =	simm.s32 @!p0 $0x0  }
0x12: {  	s1 =	sld [smem:$0x3F91];
	s0 =	simm.s32 @p0 $0x1  }
0x13: {  	[smem:$0x3FAC] =	sst s0;
	s0 =	simm.s32 @!p1 $0x0  }
0x14: {  	s2 =	sld [smem:$0x3F90];
	s0 =	simm.s32 @p1 $0x1  }
0x15: {  	[smem:$0x3FAD] =	sst s0;
	s0 =	simm.s32 @!p2 $0x0  }
0x16: {  	s3 =	sld [smem:$0x3FDB];
	s0 =	simm.s32 @p2 $0x1  }
0x17: {  	s4 =	simm.s32 $0x1BF5;
	[smem:$0x3FAF] =	sst s0  }
0x18: {  	s0 =	sld [smem:$0x3F92];
	_ =	swait.ge [sflag:s4], $0x0  }
0x19: {  	s7 =	sld [smem:$0x3F93]  }
0x1a: {  	s8 =	sadd.s32 $0xFFFFE003, lr  }
0x1b: {  	s9 =	sadd.s32 $0xFFFFFEF7, lr;
	s5 =	simm.s32 $0xFFFFFFFF;
	p2 =	slt.u32 s8, $0xFFFFF086  }
0x1c: {  	p1 =	slt.u32 s9, $0xF7A;
	s5 =	simm.s32 @!p2 $0x0  }
0x1d: {  	s5 =	simm.s32 @p1 $0x1;
	p0 =	seq.s32 s7, s2  }
0x1e: {  	s7 =	smul.u32 @!p0 $0xF7A, s2;
	p2 =	seq.s32 @!p0 s5, $0x0  }
0x1f: {  	s9 =	smul.u32 $0xF7A, s1;
	s8 =	simm.s32 @!p0 $0x1BF5;
	p2 =	por !p2, p0  }
0x20: {  	[sflag:s8] =	ssyncset.s32 @!p0 $0xFFFFF086;
	s6 =	sadd.s32 @!p0 s3, s7;
	s7 =	simm.s32 @!p0 $0x108  }
0x21: {  	s3 =	sadd.s32 s3, s9;
	s6 =	sadd.s32 @!p0 $0x88, s6;
	s7 =	simm.s32 @p2 $0x1082  }
0x22: {  	[simem:s7], [sflag:s8] =	dma.local @!p0 [hbm:s6], $0xF7A  }
0x23: {  	s9 =	sor.u32 $0xD0000000, s2;
	s6 =	simm.s32 $0x108;
	_ =	swait.ge @!p0 [sflag:s8], $0x0  }
0x24: {  	s3 =	sadd.s32 $0x88, s3;
	s6 =	simm.s32 @!p1 $0x1082;
	[sflag:s4] =	ssyncset.s32 $0xFFFFF086  }
0x25: {  	[simem:s6], [sflag:s4] =	dma.local [hbm:s3], $0xF7A  }
0x26: {  	[smem:$0x3F93] =	sst s1;
	(tag) =	ssettag s2;
	_ =	strace s9  }
0x27: {  	s1 =	sld [smem:$0x3FA3]  }
0x28: {  	s2 =	sld [smem:$0x3FA4]  }
0x29: {  	s4 =	sld [smem:$0x3FA6]  }
0x2a: {  	p0 =	seq.s32 s5, $0x0;
	s5 =	sld [smem:$0x3FA7]  }
0x2b: {  	s6 =	sld [smem:$0x3FA8]  }
0x2c: {  	s7 =	sld [smem:$0x3FA9]  }
0x2d: {  	s3 =	simm.s32 $0x108;
	s8 =	sld [smem:$0x3FAA]  }
0x2e: {  	s3 =	simm.s32 @!p0 $0x1082;
	s9 =	sld [smem:$0x3FAB]  }
0x2f: {  	lr =	sadd.s32 s0, s3;
	s0 =	sld [smem:$0x3FA2]  }
0x30: {  	s3 =	sld [smem:$0x3FA5]  }
0x31: {  	[smem:$0x3FAE] =	sst s10  }
0x32: {  	s10 =	sld [smem:$0x3FAC];
	_ =	sdelay $0x3  }
0x33: {  	p0 =	seq.s32 s10, $0x1;
	s10 =	sld [smem:$0x3FAE];
	_ =	sdelay $0x3  }
0x34: {  	[smem:$0x3FAE] =	sst s10  }
0x35: {  	s10 =	sld [smem:$0x3FAD];
	_ =	sdelay $0x3  }
0x36: {  	p1 =	seq.s32 s10, $0x1;
	s10 =	sld [smem:$0x3FAE];
	_ =	sdelay $0x3  }
0x37: {  	[smem:$0x3FAE] =	sst s10  }
0x38: {  	s10 =	sld [smem:$0x3FAF]  }
0x39: {  	_ = 	snop;
	(pc) =	sbr.ind lr, $3  }
0x3a: {  	_ = 	snop  }
0x3b: {  	_ = 	snop  }
0x3c: {  	p2 =	seq.s32 s10, $0x1;
	s10 =	sld [smem:$0x3FAE]  }
0x3d: {  	_ =	shalt  }
0x3e: {  	_ =	shalt  }
0x3f: {  	_ =	shalt  }
0x40: {  	_ =	shalt  }
0x41: {  	_ =	shalt  }
0x42: {  	_ =	shalt  }
0x43: {  	_ =	shalt  }
0x44: {  	_ =	shalt  }
0x45: {  	_ =	shalt  }
0x46: {  	_ =	shalt  }
0x47: {  	_ =	shalt  }
0x48: {  	_ =	shalt  }
0x49: {  	_ =	shalt  }
0x4a: {  	_ =	shalt  }
0x4b: {  	_ =	shalt  }
0x4c: {  	_ =	shalt  }
0x4d: {  	_ =	shalt  }
0x4e: {  	_ =	shalt  }
0x4f: {  	_ =	shalt  }
0x50: {  	_ =	shalt  }
0x51: {  	_ =	shalt  }
0x52: {  	_ =	shalt  }
0x53: {  	_ =	shalt  }
0x54: {  	_ =	shalt  }
0x55: {  	_ =	shalt  }
0x56: {  	_ =	shalt  }
0x57: {  	_ =	shalt  }
0x58: {  	_ =	shalt  }
0x59: {  	_ =	shalt  }
0x5a: {  	_ =	shalt  }
0x5b: {  	_ =	shalt  }
0x5c: {  	_ =	shalt  }
0x5d: {  	_ =	shalt  }
0x5e: {  	_ =	shalt  }
0x5f: {  	_ =	shalt  }
0x60: {  	_ =	shalt  }
0x61: {  	_ =	shalt  }
0x62: {  	_ =	shalt  }
0x63: {  	_ =	shalt  }
0x64: {  	_ =	shalt  }
0x65: {  	_ =	shalt  }
0x66: {  	_ =	shalt  }
0x67: {  	_ =	shalt  }
0x68: {  	_ =	shalt  }
0x69: {  	_ =	shalt  }
0x6a: {  	_ =	shalt  }
0x6b: {  	_ =	shalt  }
0x6c: {  	_ =	shalt  }
0x6d: {  	_ =	shalt  }
0x6e: {  	_ =	shalt  }
0x6f: {  	_ =	shalt  }
0x70: {  	_ =	shalt  }
0x71: {  	_ =	shalt  }
0x72: {  	_ =	shalt  }
0x73: {  	_ =	shalt  }
0x74: {  	_ =	shalt  }
0x75: {  	_ =	shalt  }
0x76: {  	_ =	shalt  }
0x77: {  	_ =	shalt  }
0x78: {  	_ =	shalt  }
0x79: {  	_ =	shalt  }
0x7a: {  	_ =	shalt  }
0x7b: {  	_ =	shalt  }
0x7c: {  	_ =	shalt  }
0x7d: {  	_ =	shalt  }
0x7e: {  	_ =	shalt  }
0x7f: {  	_ =	shalt  }
0x80: {  	_ =	shalt  }
0x81: {  	_ =	shalt  }
0x82: {  	_ =	shalt  }
0x83: {  	_ =	shalt  }
0x84: {  	_ =	shalt  }
0x85: {  	_ =	shalt  }
0x86: {  	_ =	shalt  }
0x87: {  	_ =	shalt  }
.Lfunc_end0:
.L_simem_size_0:
called_computation_lowered:
.L_overlay_start_0:
0x88: {  	s2 =	sld [smem:$0x3FD9]  }
0x89: {  	s3 =	sld [smem:$0x3FFE];
	_ =	sdelay $0x1  }
0x8a: {  	s1 =	srdreg.scid  }
0x8b: {  	s0 =	sand.u32 $0x1, s1  }
0x8c: {  	s17 =	sshll.u32 s0, $0xA;
	s2 =	sadd.s32 s3, s2  }
0x8d: {  	s2 =	sadd.s32 s2, s17  }
0x8e: {  	[smem:$0x3FBA] =	sst s2  }
0x8f: {  	_ = 	snop  }
0x90: {  	(tm) =	ssettm $0x1  }
0x91: {  	s18 =	sld [smem:$0x3FFB];
	_ =	sdelay $0x3  }
0x92: {  	_ =	strace s18  }
0x93: {  	s2 =	sld [smem:$0x3FFC];
	_ =	sdelay $0x3  }
0x94: {  	_ =	strace s2  }
0x95: {  	s2 =	sld [smem:$0x3FFD];
	_ =	sdelay $0x3  }
0x96: {  	_ =	strace s2  }
0x97: {  	_ =	strace $0x8FFFFFFF  }
0x98: {  	s19 =	sld [smem:$0x3FDB];
	_ =	sdelay $0x1  }
0x99: {  	s20 =	simm.s32 $_scs_section_size  }
0x9a: {  	s4 =	simm.s32 $_size__tile_overlayer_lowered;
	s5 =	simm.s32 $_tile_overlayer_lowered  }
0x9b: {  	s6 =	simm.s32 $0x1BFF;
	s21 =	sshll.u32 s5, $0x1;
	s3 =	sadd.s32 s20, s19  }
0x9c: {  	s22 =	simm.s32 $0x0;
	s4 =	sshll.u32 s4, $0x1;
	s5 =	sadd.s32 s21, s3  }
0x9d: {  	[timem:s22], [sflag:s6] =	dma.local [hbm:s5], s4  }
0x9e: {  	_ =	swait.ge [sflag:s6], s4  }
0x9f: {  	s4 =	ssub.s32 $0x0, s4;
	[sflag:s6] =	ssyncset.done $0x0  }
0xa0: {  	[sflag:s6] =	ssyncadd.s32 s4;
	_ =	sdelay $0x1  }
0xa1: {  	s23 =	simm.s32 $0x1B8B  }
0xa2: {  	_ =	swait.ge [sflag:s23], $0x1  }
0xa3: {  	[sflag:s23] =	ssyncset.done $0x0  }
0xa4: {  	[sflag:s23] =	ssyncadd.s32 $0xFFFFFFFF  }
0xa5: {  	s4 =	sld [smem:$0x0]  }
0xa6: {  	s5 =	sand.u32 $0xFFFFFFFE, s1  }
0xa7: {  	p0 =	sne.s32 s1, s5  }
0xa8: {  	s5 =	sshll.u32 @p0 s5, $0xE  }
0xa9: {  	s5 =	sadd.s32 @p0 $0x11B8D, s5;
	s6 =	sshll.u32 @p0 s4, $0x11  }
0xaa: {  	s5 =	sor.u32 @p0 s6, s5  }
0xab: {  	[sflag:s5] =	ssyncadd.remote.s32 @p0 $0x1;
	_ =	sdelay $0x1  }
0xac: {  	s5 =	simm.s32 @p0 $0x1B8D  }
0xad: {  	_ =	swait.eq @p0 [sflag:s5], $0x1  }
0xae: {  	[sflag:s5] =	ssyncadd.s32 @p0 $0xFFFFFFFF  }
0xaf: {  	s6 =	sshll.u32 @!p0 s1, $0xE  }
0xb0: {  	s6 =	sor.u32 @!p0 $0x4000, s6;
	s5 =	simm.s32 @!p0 $0x1B8D  }
0xb1: {  	s4 =	sshll.u32 @!p0 s4, $0x11;
	s6 =	sadd.s32 @!p0 $0x11B8D, s6;
	_ =	swait.eq @!p0 [sflag:s5], $0x1  }
0xb2: {  	s4 =	sor.u32 @!p0 s4, s6;
	[sflag:s5] =	ssyncadd.s32 @!p0 $0xFFFFFFFF  }
0xb3: {  	s25 =	simm.s32 $0x1B8E;
	s24 =	sld [smem:$0x3FFE];
	[sflag:s4] =	ssyncadd.remote.s32 @!p0 $0x1  }
0xb4: {  	s26 =	simm.s32 $execute0_lowered;
	[smem:$0x3FD2] =	sst s25  }
0xb5: {  	s5 =	sshll.u32 s26, $0x1;
	_ =	strace $0x8000004C;
	[dreg:$0x1] =	wrdreg $0xFFFFFFFF  }
0xb6: {  	s28 =	simm.s32 $_size_execute0_lowered;
	s3 =	sadd.s32 s3, s5;
	[dreg:$0x0] =	wrdreg $0x0  }
0xb7: {  	s5 =	sshll.u32 s28, $0x1;
	[dreg:$0x2] =	wrdreg s3  }
0xb8: {  	[dreg:$0x3] =	wrdreg s5  }
0xb9: {  	[dreg:$0x4] =	wrdreg $0xC0  }
0xba: {  	_ =	task [dreg:s22], $0x5FFFF  }
0xbb: {  	[dreg:$0x1] =	wrdreg $0xFFFFFFFF  }
0xbc: {  	[dreg:$0x0] =	wrdreg $0x60  }
0xbd: {  	[dreg:$0x2] =	wrdreg s24  }
0xbe: {  	[dreg:$0x3] =	wrdreg $0x9  }
0xbf: {  	_ =	task.clear_ibuf [dreg:s22], $0x4FFFF;
	_ =	strace $0x9000004C  }
0xc0: {  	s29 =	simm.s32 $0x9;
	_ =	strace $0x8000004E  }
0xc1: {  	_ =	swait.ge [sflag:s29], $0x1  }
0xc2: {  	[sflag:s29] =	ssyncadd.s32 $0xFFFFFFFF  }
0xc3: {  	_ =	strace $0x9000004E  }
0xc4: {  	_ =	sfence  }
0xc5: {  	s30 =	sld [smem:$0x0];
	_ =	sdelay $0x2  }
0xc6: {  	s31 =	sshll.u32 s1, $0xD;
	s1 =	sshrl.u32 s1, $0x2  }
0xc7: {  	s4 =	sand.u32 $0x4000, s31;
	s1 =	sadd.s32 s1, s30  }
0xc8: {  	s0 =	sor.u32 s4, s0;
	s1 =	sshll.u32 s1, $0x11  }
0xc9: {  	s0 =	sor.u32 s1, s0  }
0xca: {  	s0 =	sadd.s32 $0x8F2B, s0  }
0xcb: {  	[sflag:s0] =	ssyncadd.remote.s32 $0x1  }
0xcc: {  	_ =	sfence.sel $0xFFFF  }
0xcd: {  	[dreg:$0x0] =	wrdreg $0xFFFFFFFF;
	(pc) =	sbr.abs _section_cstart, $3  }
0xce: {  	[dreg:$0x1] =	wrdreg $0xFFFFFFFF  }
0xcf: {  	_ =	task.clear_ibuf [dreg:s22], $0x2FFFF;
	_ =	strace $0x9FFFFFFF  }
0xd0: {  	(tm) =	ssettm $0x7FFFFFFF  }
0xd1: {  	_ =	shalt  }
tec
execute0_lowered:
.L_overlay_start_1:
0x0: {  	(tag) =	ssettag $0x1  }
0x1: {  	s0 =	srdreg.scid;
	s2 =	stileid.u32  }
0x2: {  	s5 =	rddreg [dreg:$0x0];
	s8 =	simm.s32 $0x5;
	s9 =	simm.s32 $0x680  }
0x3: {  	s16 =	simm.s32 $0x3280;
	s17 =	simm.s32 $0x3680;
	s18 =	simm.s32 $0x3E80  }
0x4: {  	s19 =	simm.s32 $0x3;
	s20 =	simm.s32 $0x2;
	s21 =	simm.s32 $0x4280  }
0x5: {  	s22 =	simm.s32 $0x4;
	s23 =	simm.s32 $0x4A80;
	s24 =	simm.s32 $0x4E80  }
0x6: {  	s25 =	simm.s32 $0x5680;
	s26 =	simm.s32 $0x5A80;
	s28 =	simm.s32 $0x6280  }
0x7: {  	s29 =	simm.s32 $0x6680;
	s30 =	simm.s32 $0x6E80;
	s31 =	simm.s32 $0x7280  }
0x8: {  	s10 =	simm.s32 $0x0;
	s0 =	sand.u32 $0x1, s0;
	s1 =	smul.u32 $0xC80, s2  }
0x9: {  	s4 =	sshll.u32 s2, $0x1;
	s2 =	simm.s32 $0x0;
	s3 =	smul.u32 $0x640, s0  }
0xa: {  	s4 =	sor.u32 s0, s4;
	[smem:$0x7FF] =	sst s2;
	s0 =	ssub.s32 $0x2, s0  }
0xb: {  	s4 =	smul.u32 $0x640, s4;
	_ =	strace $0x8000004D;
	s1 =	sadd.s32 s3, s1  }
.Ltmp0:
0xc: {  	s6 =	sshrl.u32 s0, $0x1;
	s1 =	sshrl.u32 s1, $0x3;
	(pc) =	sbr.rel .LBB2_1-.Ltmp0, $4  }
0xd: {  	s0 =	ssub.s32 s0, s6;
	s4 =	sshrl.u32 s4, $0x3;
	s1 =	smul.u32 $0x180, s1  }
0xe: {  	v2 =	vlaneseq.u32;
	s3 =	sadd.s32 $0x7DE00, s5;
	s6 =	smax.u32 s0, $0x1;
	s4 =	sadd.s32 s4, s5  }
0xf: {  	vm0 =	vmmov $0xffff;
	vm1 =	vmmov $0xff;
	v1 =	vshrl.u32 v2, $0x3;
	s0 =	simm.s32 $0x1;
	s4 =	sadd.s32 $0x78E00, s4;
	s1 =	sadd.s32 s1, s5  }
0x10: {  	v0 =	vand.u32 $0x7, v2;
	v2 =	vor.u32 $0x8, v2;
	v1 =	vmul.u32 $0x8, v1;
	s5 =	sadd.s32 $0x7DF00, s5;
	s12 =	sadd.s32 $0x5EE200, s1;
	s1 =	simm.s32 $0x7A80  }
.LBB2_6:
0x11: {  	s10 =	sadd.s32 $0x1, s10  }
0x12: {  	p0 =	sne.s32 s10, s6  }
.Ltmp1:
0x13: {  	_ = 	snop;
	(pc) =	sbr.rel @!p0 .LBB2_7-.Ltmp1, $4  }
0x14: {  	_ = 	snop  }
0x15: {  	_ =	swait.ge [sflag:s22], $0x3C00  }
0x16: {  	[sflag:s22] =	ssyncset.done $0x0  }
0x17: {  	[sflag:s22] =	ssyncadd.s32 $0xFFFFC400  }
.LBB2_1:
0x18: {  	[tilespmem:s2], [sflag:$0x5] =	stream.linear.gather [hbm4b:s4+s2], $0x640, $0x38;
	[tilespmem:$0x7E80] =	vst v63  }
0x19: {  	_ =	swait.ge [sflag:s8], $0x640  }
0x1a: {  	[sflag:s8] =	ssyncset.done $0x0  }
0x1b: {  	[sflag:s8] =	ssyncadd.s32 $0xFFFFF9C0  }
0x1c: {  	v3 =	vld [tilespmem:$0x0];
	_ =	sdelay $0x4  }
0x1d: {  	v4 =	vshrl.u32 v3, $0x3  }
0x1e: {  	v4 =	vmul.u32 $0x18, v4  }
0x1f: {  	v3 =	vand.u32 $0x7, v3  }
0x20: {  	v3 =	vor.u32 v3, v4  }
0x21: {  	v4 =	vperm.xlane v3, v0;
	_ =	sdelay $0x1  }
0x22: {  	v4 =	vadd.s32 v1, v4;
	_ =	sdelay $0x1  }
0x23: {  	v3 =	vperm.xlane v3, v2;
	_ =	sdelay $0x1  }
0x24: {  	v3 =	vadd.s32 v1, v3  }
0x25: {  	[tilespmem:s9], [sflag:$0x1] =	stream.indirect_vreg.gather [hbm4b:s3+s2], $0x80, v4, vm0, $0xb8;
	[tilespmem:$0x7E80] =	vst v63  }
0x26: {  	s7 =	simm.s32 $0xE80  }
0x27: {  	[tilespmem:s7], [sflag:$0x1] =	stream.indirect_vreg.gather [hbm4b:s5+s2], $0x80, v4, vm1, $0xb8;
	[tilespmem:$0x7E80] =	vst v63  }
0x28: {  	s15 =	simm.s32 $0x1280  }
0x29: {  	[tilespmem:s15], [sflag:$0x1] =	stream.indirect_vreg.gather [hbm4b:s3+s2], $0x80, v3, vm0, $0xb8;
	[tilespmem:$0x7E80] =	vst v63  }
0x2a: {  	s11 =	simm.s32 $0x1A80  }
0x2b: {  	[tilespmem:s11], [sflag:$0x1] =	stream.indirect_vreg.gather [hbm4b:s5+s2], $0x80, v3, vm1, $0xb8;
	[tilespmem:$0x7E80] =	vst v63  }
0x2c: {  	v3 =	vld [tilespmem:$0x10];
	_ =	sdelay $0x4  }
0x2d: {  	v62 =	vshrl.u32 v3, $0x3  }
0x2e: {  	v4 =	vmul.u32 $0x18, v62  }
0x2f: {  	v3 =	vand.u32 $0x7, v3  }
0x30: {  	v3 =	vor.u32 v3, v4  }
0x31: {  	v4 =	vperm.xlane v3, v0;
	_ =	sdelay $0x1  }
0x32: {  	v4 =	vadd.s32 v1, v4;
	_ =	sdelay $0x1  }
0x33: {  	v3 =	vperm.xlane v3, v2;
	_ =	sdelay $0x1  }
0x34: {  	s13 =	simm.s32 $0x1E80;
	v3 =	vadd.s32 v1, v3  }
0x35: {  	[tilespmem:s13], [sflag:$0x1] =	stream.indirect_vreg.gather [hbm4b:s3+s2], $0x80, v4, vm0, $0xb8;
	[tilespmem:$0x7E80] =	vst v63  }
0x36: {  	s14 =	simm.s32 $0x2680  }
0x37: {  	[tilespmem:s14], [sflag:$0x1] =	stream.indirect_vreg.gather [hbm4b:s5+s2], $0x80, v4, vm1, $0xb8;
	[tilespmem:$0x7E80] =	vst v63  }
0x38: {  	s15 =	simm.s32 $0x2A80  }
0x39: {  	[tilespmem:s15], [sflag:$0x1] =	stream.indirect_vreg.gather [hbm4b:s3+s2], $0x80, v3, vm0, $0xb8;
	[tilespmem:$0x7E80] =	vst v63  }
0x3a: {  	_ = 	snop  }
0x3b: {  	[tilespmem:s16], [sflag:$0x1] =	stream.indirect_vreg.gather [hbm4b:s5+s2], $0x80, v3, vm1, $0xb8;
	[tilespmem:$0x7E80] =	vst v63  }
0x3c: {  	v3 =	vld.msk [tilespmem:$0x20], $0xff;
	_ =	sdelay $0x4  }
0x3d: {  	v63 =	vshrl.u32 v3, $0x3  }
0x3e: {  	v4 =	vmul.u32 $0x18, v63  }
0x3f: {  	v3 =	vand.u32 $0x7, v3  }
0x40: {  	v3 =	vor.u32 v3, v4  }
0x41: {  	v3 =	vperm.xlane v3, v0;
	_ =	sdelay $0x1  }
0x42: {  	v3 =	vadd.s32 v1, v3;
	_ =	sdelay $0x2  }
.Ltmp2:
0x43: {  	_ = 	snop;
	(pc) =	sbr.rel .LBB2_2-.Ltmp2, $4  }
0x44: {  	_ = 	snop  }
0x45: {  	[tilespmem:s17], [sflag:$0x1] =	stream.indirect_vreg.gather [hbm4b:s3+s2], $0x80, v3, vm0, $0xb8;
	[tilespmem:$0x7E80] =	vst v63  }
0x46: {  	s7 =	smov.u32 s12;
	s11 =	simm.s32 $0x48;
	s13 =	simm.s32 $0x0  }
0x47: {  	[tilespmem:s18], [sflag:$0x1] =	stream.indirect_vreg.gather [hbm4b:s5+s2], $0x80, v3, vm1, $0xb8;
	[tilespmem:$0x7E80] =	vst v63  }
.LBB2_4:
0x48: {  	_ =	swait.ge [sflag:s19], $0x3C00  }
0x49: {  	[sflag:s19] =	ssyncset.done $0x0  }
0x4a: {  	p0 =	seq.s32 s13, $0x27;
	[sflag:s19] =	ssyncadd.s32 $0xFFFFC400  }
0x4b: {  	v3 =	vld @!p0 [tilespmem:s11+$0xFFFFFFE0];
	_ =	sdelay $0x4  }
0x4c: {  	v4 =	vshrl.u32 @!p0 v3, $0x3  }
0x4d: {  	v4 =	vmul.u32 @!p0 $0x18, v4  }
0x4e: {  	v5 =	vlaneseq.u32 @!p0;
	v3 =	vand.u32 @!p0 $0x7, v3  }
0x4f: {  	v6 =	vshrl.u32 @!p0 v5, $0x3;
	v3 =	vor.u32 @!p0 v3, v4;
	v4 =	vand.u32 @!p0 $0x7, v5  }
0x50: {  	v6 =	vmul.u32 @!p0 $0x8, v6;
	v7 =	vperm.xlane @!p0 v3, v4;
	_ =	sdelay $0x1  }
0x51: {  	v7 =	vadd.s32 @!p0 v6, v7  }
0x52: {  	v5 =	vor.u32 @!p0 $0x8, v5  }
0x53: {  	v3 =	vperm.xlane @!p0 v3, v5;
	_ =	sdelay $0x1  }
0x54: {  	vm2 =	vmmov @!p0 $0xffff;
	s14 =	simm.s32 @!p0 $0x0;
	s15 =	simm.s32 @!p0 $0x680;
	v3 =	vadd.s32 @!p0 v6, v3  }
0x55: {  	[tilespmem:s15], [sflag:$0x1] =	stream.indirect_vreg.gather @!p0 [hbm4b:s3+s14], $0x80, v7, vm2, $0xb8;
	[tilespmem:$0x7E80] =	vst v63  }
0x56: {  	vm3 =	vmmov @!p0 $0xff;
	s15 =	simm.s32 @!p0 $0xE80  }
0x57: {  	[tilespmem:s15], [sflag:$0x1] =	stream.indirect_vreg.gather @!p0 [hbm4b:s5+s14], $0x80, v7, vm3, $0xb8;
	[tilespmem:$0x7E80] =	vst v63  }
0x58: {  	s15 =	simm.s32 @!p0 $0x1280  }
0x59: {  	[tilespmem:s15], [sflag:$0x1] =	stream.indirect_vreg.gather @!p0 [hbm4b:s3+s14], $0x80, v3, vm2, $0xb8;
	[tilespmem:$0x7E80] =	vst v63  }
0x5a: {  	s15 =	simm.s32 @!p0 $0x1A80  }
0x5b: {  	[tilespmem:s15], [sflag:$0x1] =	stream.indirect_vreg.gather @!p0 [hbm4b:s5+s14], $0x80, v3, vm3, $0xb8;
	[tilespmem:$0x7E80] =	vst v63  }
0x5c: {  	v3 =	vld @!p0 [tilespmem:s11+$0xFFFFFFF0];
	_ =	sdelay $0x4  }
0x5d: {  	v7 =	vshrl.u32 @!p0 v3, $0x3  }
0x5e: {  	v7 =	vmul.u32 @!p0 $0x18, v7  }
0x5f: {  	v3 =	vand.u32 @!p0 $0x7, v3  }
0x60: {  	v3 =	vor.u32 @!p0 v3, v7  }
0x61: {  	v7 =	vperm.xlane @!p0 v3, v4;
	_ =	sdelay $0x1  }
0x62: {  	v7 =	vadd.s32 @!p0 v6, v7;
	_ =	sdelay $0x1  }
0x63: {  	v3 =	vperm.xlane @!p0 v3, v5;
	_ =	sdelay $0x1  }
0x64: {  	s15 =	simm.s32 @!p0 $0x1E80;
	v3 =	vadd.s32 @!p0 v6, v3  }
0x65: {  	[tilespmem:s15], [sflag:$0x1] =	stream.indirect_vreg.gather @!p0 [hbm4b:s3+s14], $0x80, v7, vm2, $0xb8;
	[tilespmem:$0x7E80] =	vst v63  }
0x66: {  	s15 =	simm.s32 @!p0 $0x2680  }
0x67: {  	[tilespmem:s15], [sflag:$0x1] =	stream.indirect_vreg.gather @!p0 [hbm4b:s5+s14], $0x80, v7, vm3, $0xb8;
	[tilespmem:$0x7E80] =	vst v63  }
0x68: {  	s15 =	simm.s32 @!p0 $0x2A80  }
0x69: {  	[tilespmem:s15], [sflag:$0x1] =	stream.indirect_vreg.gather @!p0 [hbm4b:s3+s14], $0x80, v3, vm2, $0xb8;
	[tilespmem:$0x7E80] =	vst v63  }
0x6a: {  	s15 =	simm.s32 @!p0 $0x3280  }
0x6b: {  	[tilespmem:s15], [sflag:$0x1] =	stream.indirect_vreg.gather @!p0 [hbm4b:s5+s14], $0x80, v3, vm3, $0xb8;
	[tilespmem:$0x7E80] =	vst v63  }
0x6c: {  	v3 =	vld.msk @!p0 [tilespmem:s11+$0x0], $0xff;
	_ =	sdelay $0x4  }
0x6d: {  	v5 =	vshrl.u32 @!p0 v3, $0x3  }
0x6e: {  	v5 =	vmul.u32 @!p0 $0x18, v5  }
0x6f: {  	v3 =	vand.u32 @!p0 $0x7, v3  }
0x70: {  	v3 =	vor.u32 @!p0 v3, v5  }
0x71: {  	v3 =	vperm.xlane @!p0 v3, v4;
	_ =	sdelay $0x1  }
0x72: {  	v3 =	vadd.s32 @!p0 v6, v3;
	_ =	sdelay $0x3  }
0x73: {  	s15 =	simm.s32 @!p0 $0x3680  }
0x74: {  	[tilespmem:s15], [sflag:$0x1] =	stream.indirect_vreg.gather @!p0 [hbm4b:s3+s14], $0x80, v3, vm2, $0xb8;
	[tilespmem:$0x7E80] =	vst v63  }
0x75: {  	s15 =	simm.s32 @!p0 $0x3E80  }
0x76: {  	[tilespmem:s15], [sflag:$0x1] =	stream.indirect_vreg.gather @!p0 [hbm4b:s5+s14], $0x80, v3, vm3, $0xb8;
	[tilespmem:$0x7E80] =	vst v63  }
0x77: {  	_ =	swait.ge [sflag:s20], $0x3C00  }
0x78: {  	[sflag:s20] =	ssyncset.done $0x0  }
0x79: {  	[sflag:s20] =	ssyncadd.s32 $0xFFFFC400  }
0x7a: {  	[hbm4b:s7+s2] =	stream.linear.scatter [tilespmem:s21], [sflag:$0x4], $0x3C00, $0x38;
	[tilespmem:$0x7E80] =	vst v63  }
.LBB2_5:
0x7b: {  	s13 =	sadd.s32 $0x1, s13  }
0x7c: {  	p0 =	sne.s32 s13, $0x28  }
.Ltmp3:
0x7d: {  	_ = 	snop;
	(pc) =	sbr.rel @!p0 .LBB2_6-.Ltmp3, $2  }
0x7e: {  	_ =	sdelay $0x2  }
0x7f: {  	s11 =	sadd.s32 $0x28, s11;
	s7 =	sadd.s32 $0x780, s7  }
.LBB2_2:
0x80: {  	s14 =	sand.u32 $0x1, s13  }
0x81: {  	p0 =	seq.s32 s14, $0x1  }
.Ltmp4:
0x82: {  	_ = 	snop;
	(pc) =	sbr.rel @p0 .LBB2_4-.Ltmp4, $1  }
0x83: {  	_ =	sdelay $0x3  }
0x84: {  	p0 =	seq.s32 s13, $0x0  }
0x85: {  	s14 =	simm.s32 @!p0 $0x4  }
0x86: {  	_ =	swait.ge @!p0 [sflag:s14], $0x3C00  }
0x87: {  	[sflag:s14] =	ssyncset.done @!p0 $0x0  }
0x88: {  	[sflag:s14] =	ssyncadd.s32 @!p0 $0xFFFFC400  }
0x89: {  	v3 =	vld [tilespmem:s11+$0xFFFFFFE0];
	_ =	sdelay $0x4  }
0x8a: {  	v4 =	vshrl.u32 v3, $0x3  }
0x8b: {  	v4 =	vmul.u32 $0x18, v4  }
0x8c: {  	v3 =	vand.u32 $0x7, v3  }
0x8d: {  	v3 =	vor.u32 v3, v4  }
0x8e: {  	v4 =	vperm.xlane v3, v0;
	_ =	sdelay $0x1  }
0x8f: {  	v4 =	vadd.s32 v1, v4;
	_ =	sdelay $0x1  }
0x90: {  	v3 =	vperm.xlane v3, v2;
	_ =	sdelay $0x1  }
0x91: {  	v3 =	vadd.s32 v1, v3  }
0x92: {  	[tilespmem:s21], [sflag:$0x2] =	stream.indirect_vreg.gather [hbm4b:s3+s2], $0x80, v4, vm0, $0xb8;
	[tilespmem:$0x7E80] =	vst v63  }
0x93: {  	_ = 	snop  }
0x94: {  	[tilespmem:s23], [sflag:$0x2] =	stream.indirect_vreg.gather [hbm4b:s5+s2], $0x80, v4, vm1, $0xb8;
	[tilespmem:$0x7E80] =	vst v63  }
0x95: {  	_ = 	snop  }
0x96: {  	[tilespmem:s24], [sflag:$0x2] =	stream.indirect_vreg.gather [hbm4b:s3+s2], $0x80, v3, vm0, $0xb8;
	[tilespmem:$0x7E80] =	vst v63  }
0x97: {  	_ = 	snop  }
0x98: {  	[tilespmem:s25], [sflag:$0x2] =	stream.indirect_vreg.gather [hbm4b:s5+s2], $0x80, v3, vm1, $0xb8;
	[tilespmem:$0x7E80] =	vst v63  }
0x99: {  	v3 =	vld [tilespmem:s11+$0xFFFFFFF0];
	_ =	sdelay $0x4  }
0x9a: {  	v62 =	vshrl.u32 v3, $0x3  }
0x9b: {  	v4 =	vmul.u32 $0x18, v62  }
0x9c: {  	v3 =	vand.u32 $0x7, v3  }
0x9d: {  	v3 =	vor.u32 v3, v4  }
0x9e: {  	v4 =	vperm.xlane v3, v0;
	_ =	sdelay $0x1  }
0x9f: {  	v4 =	vadd.s32 v1, v4;
	_ =	sdelay $0x1  }
0xa0: {  	v3 =	vperm.xlane v3, v2;
	_ =	sdelay $0x1  }
0xa1: {  	v3 =	vadd.s32 v1, v3  }
0xa2: {  	[tilespmem:s26], [sflag:$0x2] =	stream.indirect_vreg.gather [hbm4b:s3+s2], $0x80, v4, vm0, $0xb8;
	[tilespmem:$0x7E80] =	vst v63  }
0xa3: {  	_ = 	snop  }
0xa4: {  	[tilespmem:s28], [sflag:$0x2] =	stream.indirect_vreg.gather [hbm4b:s5+s2], $0x80, v4, vm1, $0xb8;
	[tilespmem:$0x7E80] =	vst v63  }
0xa5: {  	_ = 	snop  }
0xa6: {  	[tilespmem:s29], [sflag:$0x2] =	stream.indirect_vreg.gather [hbm4b:s3+s2], $0x80, v3, vm0, $0xb8;
	[tilespmem:$0x7E80] =	vst v63  }
0xa7: {  	_ = 	snop  }
0xa8: {  	[tilespmem:s30], [sflag:$0x2] =	stream.indirect_vreg.gather [hbm4b:s5+s2], $0x80, v3, vm1, $0xb8;
	[tilespmem:$0x7E80] =	vst v63  }
0xa9: {  	v3 =	vld.msk [tilespmem:s11+$0x0], $0xff;
	_ =	sdelay $0x4  }
0xaa: {  	v63 =	vshrl.u32 v3, $0x3  }
0xab: {  	v4 =	vmul.u32 $0x18, v63  }
0xac: {  	v3 =	vand.u32 $0x7, v3  }
0xad: {  	v3 =	vor.u32 v3, v4  }
0xae: {  	v3 =	vperm.xlane v3, v0;
	_ =	sdelay $0x1  }
0xaf: {  	v3 =	vadd.s32 v1, v3;
	_ =	sdelay $0x4  }
0xb0: {  	[tilespmem:s31], [sflag:$0x2] =	stream.indirect_vreg.gather [hbm4b:s3+s2], $0x80, v3, vm0, $0xb8;
	[tilespmem:$0x7E80] =	vst v63  }
0xb1: {  	_ = 	snop  }
0xb2: {  	[tilespmem:s1], [sflag:$0x2] =	stream.indirect_vreg.gather [hbm4b:s5+s2], $0x80, v3, vm1, $0xb8;
	[tilespmem:$0x7E80] =	vst v63  }
.Ltmp5:
0xb3: {  	_ = 	snop;
	(pc) =	sbr.rel .LBB2_5-.Ltmp5, $4  }
0xb4: {  	_ =	swait.ge [sflag:s0], $0x3C00  }
0xb5: {  	[sflag:s0] =	ssyncset.done $0x0  }
0xb6: {  	[sflag:s0] =	ssyncadd.s32 $0xFFFFC400  }
0xb7: {  	[hbm4b:s7+s2] =	stream.linear.scatter [tilespmem:s9], [sflag:$0x3], $0x3C00, $0x38;
	[tilespmem:$0x7E80] =	vst v63  }
.LBB2_7:
0xb8: {  	_ =	sfence.sel $0x180000  }
0xb9: {  	[bflag:$0x0] =	sbarrier.arrive $0xFFFF  }
0xba: {  	_ =	strace $0x9000004D  }
0xbb: {  	s0 =	stileid.u32;
	[bflag:$0x2] =	sbarrier.arrive $0xFFFF  }
0xbc: {  	p0 =	sne.s32 s0, $0x0;
	s0 =	rddreg [dreg:$0x1]  }
0xbd: {  	s0 =	sadd.s32 @!p0 $0x100000, s0  }
0xbe: {  	[sflag:s0] =	ssyncadd.tile.s32 @!p0 $0x1;
	_ =	shalt  }
.Lfunc_end2:
_tile_overlayer_lowered:
.L_overlay_start_2:
0xbf: {  	(tag) =	ssettag $0x2  }
0xc0: {  	s0 =	rddreg [dreg:$0x0];
	s2 =	stileid.u32  }
0xc1: {  	s1 =	rddreg [dreg:$0x1];
	p0 =	sne.s32 s2, $0x0  }
0xc2: {  	s3 =	rddreg [dreg:$0x2];
	[bflag:$0x3] =	sbarrier.arrive $0xFFFF;
	s2 =	simm.s32 @!p0 $0x1C05  }
0xc3: {  	[timem:s3], [sflag:s2] =	dma.local @!p0 [hbm:s0], s1  }
0xc4: {  	s0 =	simm.s32 @!p0 $0x5  }
0xc5: {  	_ =	swait.ge @!p0 [sflag:s0], s1  }
0xc6: {  	s1 =	ssub.s32 @!p0 $0x0, s1;
	[sflag:s0] =	ssyncset.done @!p0 $0x0  }
0xc7: {  	[sflag:s0] =	ssyncadd.s32 @!p0 s1  }
0xc8: {  	[bflag:$0x3] =	sbarrier.arrive $0xFFFF  }
0xc9: {  	_ =	shalt  }

</sc_bundles>
